<compile_context>
chip_gen: v7x
topology: tpu7x:2x2x1
jax: 0.10.2.dev20260603
libtpu: 0.0.44.dev20260713+nightly
codegen_flags: <defaults>
</compile_context>

<pallas_src>
import functools

import jax
import jax.numpy as jnp
from jax import lax
from jax.experimental import pallas as pl
from jax.experimental.pallas import tpu as pltpu
from jax.experimental.pallas import tpu_sc as plsc

HIDDEN = 768
EPS = 1e-12
LANES = 16
NC, NS = 2, 16
NW = NC * NS
TOK = 4 * 4096
TPW = TOK // NW
CH = 64
NCH = TPW // CH
NH = HIDDEN // LANES


def _allreduce_sum(v):
    lane = lax.iota(jnp.int32, LANES)
    for sh in (8, 4, 2, 1):
        perm = lax.bitwise_xor(lane, jnp.int32(sh))
        v = v + v.at[perm].get(mode="promise_in_bounds", unique_indices=True)
    return v


def _rsqrt_vec(v):
    i = lax.bitcast_convert_type(v, jnp.int32)
    i = jnp.int32(0x5F3759DF) - lax.shift_right_arithmetic(i, 1)
    g = lax.bitcast_convert_type(i, jnp.float32)
    for _ in range(3):
        g = g * (1.5 - 0.5 * v * g * g)
    return g


def _layer_norm_chunk(buf, w_v, b_v):
    def token(t, carry):
        accs = [jnp.zeros((LANES,), jnp.float32) for _ in range(4)]
        sqs = [jnp.zeros((LANES,), jnp.float32) for _ in range(4)]
        for j in range(NH):
            x = buf[t, pl.ds(j * LANES, LANES)]
            accs[j & 3] = accs[j & 3] + x
            sqs[j & 3] = sqs[j & 3] + x * x
        s = (accs[0] + accs[1]) + (accs[2] + accs[3])
        ss = (sqs[0] + sqs[1]) + (sqs[2] + sqs[3])
        mean_v = _allreduce_sum(s) * (1.0 / HIDDEN)
        msq = _allreduce_sum(ss) * (1.0 / HIDDEN)
        var = jnp.maximum(msq - mean_v * mean_v, 0.0) + EPS
        inv = _rsqrt_vec(var)
        shift = mean_v * inv
        for j in range(NH):
            sl = pl.ds(j * LANES, LANES)
            x = buf[t, sl]
            buf[t, sl] = (x * inv - shift) * w_v[sl] + b_v[sl]
        return carry

    lax.fori_loop(0, CH, token, 0)


def _emb_body(ids_hbm, table_hbm, w_hbm, b_hbm, out_hbm,
              idx_v, rows0, rows1, w_v, b_v, g0, g1, s0, s1):
    wid = lax.axis_index("s") * NC + lax.axis_index("c")
    pltpu.sync_copy(ids_hbm.at[wid], idx_v)
    pltpu.sync_copy(w_hbm, w_v)
    pltpu.sync_copy(b_hbm, b_v)
    bufs = (rows0, rows1)
    gsems = (g0, g1)
    ssems = (s0, s1)

    pltpu.async_copy(table_hbm.at[idx_v.at[0]], rows0, g0)

    def super_body(i, carry):
        for b in range(2):
            c = i * 2 + b
            buf = bufs[b]
            pltpu.make_async_copy(table_hbm.at[idx_v.at[0]], buf,
                                  gsems[b]).wait()
            if b == 1:
                pltpu.make_async_copy(bufs[0], out_hbm.at[wid, 0],
                                      ssems[0]).wait()
            else:
                @pl.when(i >= 1)
                def _():
                    pltpu.make_async_copy(bufs[1], out_hbm.at[wid, 0],
                                          ssems[1]).wait()
            if b == 0:
                pltpu.async_copy(table_hbm.at[idx_v.at[c + 1]], bufs[1],
                                 gsems[1])
            else:
                @pl.when(i < NCH // 2 - 1)
                def _():
                    pltpu.async_copy(table_hbm.at[idx_v.at[c + 1]], bufs[0],
                                     gsems[0])
            _layer_norm_chunk(buf, w_v, b_v)
            pltpu.async_copy(buf, out_hbm.at[wid, c], ssems[b])
        return carry

    lax.fori_loop(0, NCH // 2, super_body, 0)
    pltpu.make_async_copy(bufs[1], out_hbm.at[wid, 0], ssems[1]).wait()


_emb = functools.partial(
    pl.kernel,
    mesh=plsc.VectorSubcoreMesh(core_axis_name="c", subcore_axis_name="s"),
    out_type=jax.ShapeDtypeStruct((NW, NCH, CH, HIDDEN), jnp.float32),
    scratch_types=[
        pltpu.VMEM((NCH, CH), jnp.int32),
        pltpu.VMEM((CH, HIDDEN), jnp.float32),
        pltpu.VMEM((CH, HIDDEN), jnp.float32),
        pltpu.VMEM((HIDDEN,), jnp.float32),
        pltpu.VMEM((HIDDEN,), jnp.float32),
        pltpu.SemaphoreType.DMA,
        pltpu.SemaphoreType.DMA,
        pltpu.SemaphoreType.DMA,
        pltpu.SemaphoreType.DMA,
    ],
)(_emb_body)


@jax.jit
def kernel(input_ids, word_embeddings, token_type_embeddings, ln_weight, ln_bias):
    b, s = input_ids.shape
    ids = input_ids.reshape(NW, NCH, CH).astype(jnp.int32)
    table = word_embeddings + token_type_embeddings[0][None, :]
    out = _emb(ids, table, ln_weight, ln_bias)
    return out.reshape(b, s, HIDDEN)

# --- scband reference (transcript-rebuilt; emitter-appended) ---
"""Pipeline reference for scband-dna-bert-sembeddings-38362647888561 (READ-ONLY COPY).

The authoritative reference and input builder live on the scoring server;
editing this copy changes nothing except your own understanding.
"""

import jax, jax.numpy as jnp
import numpy as np

VOCAB = 4096
TYPE_VOCAB = 2
HIDDEN = 768
B, S = 4, 4096
EPS = 1e-12


def setup_inputs(seed: int = 0) -> dict:
    key = jax.random.key(seed)
    k1, k2, k3 = jax.random.split(key, 3)
    input_ids = jax.random.randint(k1, (B, S), 0, VOCAB)
    word_embeddings = jax.random.normal(k2, (VOCAB, HIDDEN), dtype=jnp.float32) * 0.02
    # zero the padding row (padding_idx=0)
    word_embeddings = word_embeddings.at[0].set(0.0)
    token_type_embeddings = jax.random.normal(k3, (TYPE_VOCAB, HIDDEN), dtype=jnp.float32) * 0.02
    ln_weight = jnp.ones((HIDDEN,), dtype=jnp.float32)
    ln_bias = jnp.zeros((HIDDEN,), dtype=jnp.float32)
    return {
        "input_ids": input_ids,
        "word_embeddings": word_embeddings,
        "token_type_embeddings": token_type_embeddings,
        "ln_weight": ln_weight,
        "ln_bias": ln_bias,
    }


def _layer_norm(x, weight, bias, eps):
    mean = jnp.mean(x, axis=-1, keepdims=True)
    var = jnp.mean(jnp.square(x - mean), axis=-1, keepdims=True)
    x_hat = (x - mean) / jnp.sqrt(var + eps)
    return x_hat * weight + bias


def reference(input_ids, word_embeddings, token_type_embeddings, ln_weight, ln_bias):
    # word embedding gather
    inputs_embeds = jnp.take(word_embeddings, input_ids, axis=0)
    # token_type_ids are all zeros (as in the torch forward)
    token_type_ids = jnp.zeros_like(input_ids)
    tt_embeds = jnp.take(token_type_embeddings, token_type_ids, axis=0)
    embeddings = inputs_embeds + tt_embeds
    embeddings = _layer_norm(embeddings, ln_weight, ln_bias, EPS)
    # dropout in eval mode -> identity
    return embeddings

if __name__ == "__main__":
    import jax
    _d = setup_inputs()
    print(jax.jit(kernel)(*tuple(_d.values())))

</pallas_src>

<mosaic_0001>
#map = affine_map<(d0, d1) -> (0, 0, 0)>
#map1 = affine_map<(d0, d1) -> (0, 0)>
#map2 = affine_map<(d0, d1) -> (0)>
#map3 = affine_map<(d0, d1) -> (0, 0, 0, 0)>
module attributes {stable_mosaic.version = 14 : i64} {
  func.func @_emb_body(%arg0: i32, %arg1: i32, %arg2: memref<32x8x64xi32, #tpu.memory_space<hbm>>, %arg3: memref<4096x768xf32, #tpu.memory_space<hbm>>, %arg4: memref<768xf32, #tpu.memory_space<hbm>>, %arg5: memref<768xf32, #tpu.memory_space<hbm>>, %arg6: memref<32x8x64x768xf32, #tpu.memory_space<hbm>>, %arg7: memref<8x64xi32, #tpu.memory_space<vmem>>, %arg8: memref<64x768xf32, #tpu.memory_space<vmem>>, %arg9: memref<64x768xf32, #tpu.memory_space<vmem>>, %arg10: memref<768xf32, #tpu.memory_space<vmem>>, %arg11: memref<768xf32, #tpu.memory_space<vmem>>, %arg12: memref<!tpu.dma_semaphore, #tpu.memory_space<semaphore_mem>>, %arg13: memref<!tpu.dma_semaphore, #tpu.memory_space<semaphore_mem>>, %arg14: memref<!tpu.dma_semaphore, #tpu.memory_space<semaphore_mem>>, %arg15: memref<!tpu.dma_semaphore, #tpu.memory_space<semaphore_mem>>) attributes {dimension_semantics = [#tpu.dimension_semantics<core_parallel>, #tpu.dimension_semantics<subcore_parallel>], iteration_bounds = array<i64: 2, 16>, scalar_prefetch = 0 : i64, scratch_operands = 9 : i64, tpu.core_type = #tpu.core_type<sc_vector_subcore>, window_params = [{transform_indices = #map}, {transform_indices = #map1}, {transform_indices = #map2}, {transform_indices = #map2}, {transform_indices = #map3}]} {
    %mul3A = arith.constant 2 : i32
    %mul3A_0 = arith.muli %arg1, %mul3A : i32
    %add3A = arith.addi %mul3A_0, %arg0 : i32
    "tpu.region"() ({
      %run_scoped3A = tpu.sem_alloc : memref<!tpu.dma_semaphore, #tpu.memory_space<semaphore_mem>>
      %dma_start3A_20 = arith.constant 0 : i32
      %dma_start3A_21 = arith.constant 0 : i32
      %dma_start3A_22 = tpu.memref_slice %arg2[%add3A, %dma_start3A_20, %dma_start3A_21] : memref<32x8x64xi32, #tpu.memory_space<hbm>> -> memref<1x8x64xi32, #tpu.memory_space<hbm>>
      %dma_start3A_23 = tpu.memref_squeeze %dma_start3A_22 : memref<1x8x64xi32, #tpu.memory_space<hbm>> -> memref<8x64xi32, #tpu.memory_space<hbm>>
      %dma_start3A_24 = arith.constant 0 : i32
      %dma_start3A_25 = arith.constant 0 : i32
      %dma_start3A_26 = tpu.memref_slice %arg2[%add3A, %dma_start3A_24, %dma_start3A_25] : memref<32x8x64xi32, #tpu.memory_space<hbm>> -> memref<1x8x64xi32, #tpu.memory_space<hbm>>
      %dma_start3A_27 = tpu.memref_squeeze %dma_start3A_26 : memref<1x8x64xi32, #tpu.memory_space<hbm>> -> memref<8x64xi32, #tpu.memory_space<hbm>>
      tpu.enqueue_dma source(%dma_start3A_27 : memref<8x64xi32, #tpu.memory_space<hbm>>) target(%arg7 : memref<8x64xi32, #tpu.memory_space<vmem>>) target_semaphore(%run_scoped3A : memref<!tpu.dma_semaphore, #tpu.memory_space<semaphore_mem>>)
      %dma_wait3A_28 = arith.constant 0 : i32
      %dma_wait3A_29 = arith.constant 0 : i32
      %dma_wait3A_30 = tpu.memref_slice %arg2[%add3A, %dma_wait3A_28, %dma_wait3A_29] : memref<32x8x64xi32, #tpu.memory_space<hbm>> -> memref<1x8x64xi32, #tpu.memory_space<hbm>>
      %dma_wait3A_31 = tpu.memref_squeeze %dma_wait3A_30 : memref<1x8x64xi32, #tpu.memory_space<hbm>> -> memref<8x64xi32, #tpu.memory_space<hbm>>
      %dma_wait3A_32 = arith.constant 0 : i32
      %dma_wait3A_33 = arith.constant 0 : i32
      %dma_wait3A_34 = tpu.memref_slice %arg2[%add3A, %dma_wait3A_32, %dma_wait3A_33] : memref<32x8x64xi32, #tpu.memory_space<hbm>> -> memref<1x8x64xi32, #tpu.memory_space<hbm>>
      %dma_wait3A_35 = tpu.memref_squeeze %dma_wait3A_34 : memref<1x8x64xi32, #tpu.memory_space<hbm>> -> memref<8x64xi32, #tpu.memory_space<hbm>>
      tpu.wait_dma2 semaphore(%run_scoped3A : memref<!tpu.dma_semaphore, #tpu.memory_space<semaphore_mem>>) src(%dma_wait3A_35 : memref<8x64xi32, #tpu.memory_space<hbm>>) dst(%arg7 : memref<8x64xi32, #tpu.memory_space<vmem>>)
      tpu.yield
    }) : () -> ()
    "tpu.region"() ({
      %run_scoped3A = tpu.sem_alloc : memref<!tpu.dma_semaphore, #tpu.memory_space<semaphore_mem>>
      tpu.enqueue_dma source(%arg4 : memref<768xf32, #tpu.memory_space<hbm>>) target(%arg10 : memref<768xf32, #tpu.memory_space<vmem>>) target_semaphore(%run_scoped3A : memref<!tpu.dma_semaphore, #tpu.memory_space<semaphore_mem>>)
      tpu.wait_dma2 semaphore(%run_scoped3A : memref<!tpu.dma_semaphore, #tpu.memory_space<semaphore_mem>>) src(%arg4 : memref<768xf32, #tpu.memory_space<hbm>>) dst(%arg10 : memref<768xf32, #tpu.memory_space<vmem>>)
      tpu.yield
    }) : () -> ()
    "tpu.region"() ({
      %run_scoped3A = tpu.sem_alloc : memref<!tpu.dma_semaphore, #tpu.memory_space<semaphore_mem>>
      tpu.enqueue_dma source(%arg5 : memref<768xf32, #tpu.memory_space<hbm>>) target(%arg11 : memref<768xf32, #tpu.memory_space<vmem>>) target_semaphore(%run_scoped3A : memref<!tpu.dma_semaphore, #tpu.memory_space<semaphore_mem>>)
      tpu.wait_dma2 semaphore(%run_scoped3A : memref<!tpu.dma_semaphore, #tpu.memory_space<semaphore_mem>>) src(%arg5 : memref<768xf32, #tpu.memory_space<hbm>>) dst(%arg11 : memref<768xf32, #tpu.memory_space<vmem>>)
      tpu.yield
    }) : () -> ()
    %dma_start3A = arith.constant 0 : i32
    %dma_start3A_1 = arith.constant 0 : i32
    %dma_start3A_2 = tpu.memref_slice %arg7[%dma_start3A, %dma_start3A_1] : memref<8x64xi32, #tpu.memory_space<vmem>> -> memref<1x64xi32, #tpu.memory_space<vmem>>
    %dma_start3A_3 = tpu.memref_squeeze %dma_start3A_2 : memref<1x64xi32, #tpu.memory_space<vmem>> -> memref<64xi32, #tpu.memory_space<vmem>>
    %dma_start3A_4 = arith.constant 0 : i32
    %dma_start3A_5 = arith.constant 0 : i32
    %dma_start3A_6 = tpu.memref_slice %arg3[%dma_start3A_4, %dma_start3A_5] : memref<4096x768xf32, #tpu.memory_space<hbm>> -> memref<4096x768xf32, #tpu.memory_space<hbm>>
    tpu.enqueue_indirect_dma source(%dma_start3A_6 : memref<4096x768xf32, #tpu.memory_space<hbm>>) target(%arg8 : memref<64x768xf32, #tpu.memory_space<vmem>>) offsets(%dma_start3A_3 : memref<64xi32, #tpu.memory_space<vmem>>) semaphore(%arg12 : memref<!tpu.dma_semaphore, #tpu.memory_space<semaphore_mem>>)
    %scan3A = arith.constant 0 : i32
    %scan3A_7 = arith.constant 0 : i32
    %scan3A_8 = arith.constant 4 : i32
    %scan3A_9 = arith.addi %scan3A_7, %scan3A_8 : i32
    %scan3A_10 = arith.constant 1 : i32
    scf.for %scan3A_20 = %scan3A_7 to %scan3A_9 step %scan3A_10  : i32 {
      %mul3A_21 = arith.constant 2 : i32
      %mul3A_22 = arith.muli %scan3A_20, %mul3A_21 : i32
      %add3A_23 = arith.constant 0 : i32
      %add3A_24 = arith.addi %mul3A_22, %add3A_23 : i32
      %dma_wait3A_25 = arith.constant 0 : i32
      %dma_wait3A_26 = arith.constant 0 : i32
      %dma_wait3A_27 = tpu.memref_slice %arg7[%dma_wait3A_25, %dma_wait3A_26] : memref<8x64xi32, #tpu.memory_space<vmem>> -> memref<1x64xi32, #tpu.memory_space<vmem>>
      %dma_wait3A_28 = tpu.memref_squeeze %dma_wait3A_27 : memref<1x64xi32, #tpu.memory_space<vmem>> -> memref<64xi32, #tpu.memory_space<vmem>>
      %dma_wait3A_29 = arith.constant 0 : i32
      %dma_wait3A_30 = arith.constant 0 : i32
      %dma_wait3A_31 = tpu.memref_slice %arg3[%dma_wait3A_29, %dma_wait3A_30] : memref<4096x768xf32, #tpu.memory_space<hbm>> -> memref<4096x768xf32, #tpu.memory_space<hbm>>
      tpu.wait_indirect_dma semaphore(%arg12 : memref<!tpu.dma_semaphore, #tpu.memory_space<semaphore_mem>>) src(%dma_wait3A_31 : memref<4096x768xf32, #tpu.memory_space<hbm>>) dst(%arg8 : memref<64x768xf32, #tpu.memory_space<vmem>>)
      %ge3A = arith.constant 1 : i32
      %ge3A_32 = arith.cmpi sge, %scan3A_20, %ge3A : i32
      %convert_element_type3A = arith.extui %ge3A_32 : i1 to i32
      %cond3A = arith.constant 0 : i32
      %cond3A_33 = arith.cmpi ne, %convert_element_type3A, %cond3A : i32
      scf.if %cond3A_33 {
        %dma_wait3A_94 = arith.constant 0 : i32
        %dma_wait3A_95 = arith.constant 0 : i32
        %dma_wait3A_96 = arith.constant 0 : i32
        %dma_wait3A_97 = tpu.memref_slice %arg6[%add3A, %dma_wait3A_94, %dma_wait3A_95, %dma_wait3A_96] : memref<32x8x64x768xf32, #tpu.memory_space<hbm>> -> memref<1x1x64x768xf32, #tpu.memory_space<hbm>>
        %dma_wait3A_98 = tpu.memref_squeeze %dma_wait3A_97 : memref<1x1x64x768xf32, #tpu.memory_space<hbm>> -> memref<64x768xf32, #tpu.memory_space<hbm>>
        %dma_wait3A_99 = arith.constant 0 : i32
        %dma_wait3A_100 = arith.constant 0 : i32
        %dma_wait3A_101 = tpu.memref_slice %arg6[%add3A, %dma_wait3A_94, %dma_wait3A_99, %dma_wait3A_100] : memref<32x8x64x768xf32, #tpu.memory_space<hbm>> -> memref<1x1x64x768xf32, #tpu.memory_space<hbm>>
        %dma_wait3A_102 = tpu.memref_squeeze %dma_wait3A_101 : memref<1x1x64x768xf32, #tpu.memory_space<hbm>> -> memref<64x768xf32, #tpu.memory_space<hbm>>
        tpu.wait_dma2 semaphore(%arg15 : memref<!tpu.dma_semaphore, #tpu.memory_space<semaphore_mem>>) src(%arg9 : memref<64x768xf32, #tpu.memory_space<vmem>>) dst(%dma_wait3A_102 : memref<64x768xf32, #tpu.memory_space<hbm>>)
      } else {
      }
      %add3A_34 = arith.constant 1 : i32
      %add3A_35 = arith.addi %add3A_24, %add3A_34 : i32
      %dma_start3A_36 = arith.constant 0 : i32
      %dma_start3A_37 = tpu.memref_slice %arg7[%add3A_35, %dma_start3A_36] : memref<8x64xi32, #tpu.memory_space<vmem>> -> memref<1x64xi32, #tpu.memory_space<vmem>>
      %dma_start3A_38 = tpu.memref_squeeze %dma_start3A_37 : memref<1x64xi32, #tpu.memory_space<vmem>> -> memref<64xi32, #tpu.memory_space<vmem>>
      %dma_start3A_39 = arith.constant 0 : i32
      %dma_start3A_40 = arith.constant 0 : i32
      %dma_start3A_41 = tpu.memref_slice %arg3[%dma_start3A_39, %dma_start3A_40] : memref<4096x768xf32, #tpu.memory_space<hbm>> -> memref<4096x768xf32, #tpu.memory_space<hbm>>
      tpu.enqueue_indirect_dma source(%dma_start3A_41 : memref<4096x768xf32, #tpu.memory_space<hbm>>) target(%arg9 : memref<64x768xf32, #tpu.memory_space<vmem>>) offsets(%dma_start3A_38 : memref<64xi32, #tpu.memory_space<vmem>>) semaphore(%arg13 : memref<!tpu.dma_semaphore, #tpu.memory_space<semaphore_mem>>)
      %scan3A_42 = arith.constant 0 : i32
      %scan3A_43 = arith.constant 0 : i32
      %scan3A_44 = arith.constant 64 : i32
      %scan3A_45 = arith.addi %scan3A_43, %scan3A_44 : i32
      %scan3A_46 = arith.constant 1 : i32
      scf.for %scan3A_94 = %scan3A_43 to %scan3A_45 step %scan3A_46  : i32 {
        %broadcast_in_dim3A = arith.constant 0.000000e+00 : f32
        %broadcast_in_dim3A_95 = vector.broadcast %broadcast_in_dim3A : f32 to vector<16xf32>
        %broadcast_in_dim3A_96 = arith.constant 0.000000e+00 : f32
        %broadcast_in_dim3A_97 = vector.broadcast %broadcast_in_dim3A_96 : f32 to vector<16xf32>
        %broadcast_in_dim3A_98 = arith.constant 0.000000e+00 : f32
        %broadcast_in_dim3A_99 = vector.broadcast %broadcast_in_dim3A_98 : f32 to vector<16xf32>
        %broadcast_in_dim3A_100 = arith.constant 0.000000e+00 : f32
        %broadcast_in_dim3A_101 = vector.broadcast %broadcast_in_dim3A_100 : f32 to vector<16xf32>
        %broadcast_in_dim3A_102 = arith.constant 0.000000e+00 : f32
        %broadcast_in_dim3A_103 = vector.broadcast %broadcast_in_dim3A_102 : f32 to vector<16xf32>
        %broadcast_in_dim3A_104 = arith.constant 0.000000e+00 : f32
        %broadcast_in_dim3A_105 = vector.broadcast %broadcast_in_dim3A_104 : f32 to vector<16xf32>
        %broadcast_in_dim3A_106 = arith.constant 0.000000e+00 : f32
        %broadcast_in_dim3A_107 = vector.broadcast %broadcast_in_dim3A_106 : f32 to vector<16xf32>
        %broadcast_in_dim3A_108 = arith.constant 0.000000e+00 : f32
        %broadcast_in_dim3A_109 = vector.broadcast %broadcast_in_dim3A_108 : f32 to vector<16xf32>
        %get3A = arith.index_cast %scan3A_94 : i32 to index
        %get3A_110 = arith.constant 0 : index
        %get3A_111 = tpu.vector_load %arg8[%get3A, %get3A_110] {strides = array<i32>} : memref<64x768xf32, #tpu.memory_space<vmem>>, vector<1x16xf32>,
        %get3A_112 = vector.shape_cast %get3A_111 : vector<1x16xf32> to vector<16xf32>
        %add3A_113 = arith.addf %broadcast_in_dim3A_95, %get3A_112 : vector<16xf32>
        %mul3A_114 = arith.mulf %get3A_112, %get3A_112 : vector<16xf32>
        %add3A_115 = arith.addf %broadcast_in_dim3A_103, %mul3A_114 : vector<16xf32>
        %get3A_116 = arith.index_cast %scan3A_94 : i32 to index
        %get3A_117 = arith.constant 16 : index
        %get3A_118 = tpu.vector_load %arg8[%get3A_116, %get3A_117] {strides = array<i32>} : memref<64x768xf32, #tpu.memory_space<vmem>>, vector<1x16xf32>,
        %get3A_119 = vector.shape_cast %get3A_118 : vector<1x16xf32> to vector<16xf32>
        %add3A_120 = arith.addf %broadcast_in_dim3A_97, %get3A_119 : vector<16xf32>
        %mul3A_121 = arith.mulf %get3A_119, %get3A_119 : vector<16xf32>
        %add3A_122 = arith.addf %broadcast_in_dim3A_105, %mul3A_121 : vector<16xf32>
        %get3A_123 = arith.index_cast %scan3A_94 : i32 to index
        %get3A_124 = arith.constant 32 : index
        %get3A_125 = tpu.vector_load %arg8[%get3A_123, %get3A_124] {strides = array<i32>} : memref<64x768xf32, #tpu.memory_space<vmem>>, vector<1x16xf32>,
        %get3A_126 = vector.shape_cast %get3A_125 : vector<1x16xf32> to vector<16xf32>
        %add3A_127 = arith.addf %broadcast_in_dim3A_99, %get3A_126 : vector<16xf32>
        %mul3A_128 = arith.mulf %get3A_126, %get3A_126 : vector<16xf32>
        %add3A_129 = arith.addf %broadcast_in_dim3A_107, %mul3A_128 : vector<16xf32>
        %get3A_130 = arith.index_cast %scan3A_94 : i32 to index
        %get3A_131 = arith.constant 48 : index
        %get3A_132 = tpu.vector_load %arg8[%get3A_130, %get3A_131] {strides = array<i32>} : memref<64x768xf32, #tpu.memory_space<vmem>>, vector<1x16xf32>,
        %get3A_133 = vector.shape_cast %get3A_132 : vector<1x16xf32> to vector<16xf32>
        %add3A_134 = arith.addf %broadcast_in_dim3A_101, %get3A_133 : vector<16xf32>
        %mul3A_135 = arith.mulf %get3A_133, %get3A_133 : vector<16xf32>
        %add3A_136 = arith.addf %broadcast_in_dim3A_109, %mul3A_135 : vector<16xf32>
        %get3A_137 = arith.index_cast %scan3A_94 : i32 to index
        %get3A_138 = arith.constant 64 : index
        %get3A_139 = tpu.vector_load %arg8[%get3A_137, %get3A_138] {strides = array<i32>} : memref<64x768xf32, #tpu.memory_space<vmem>>, vector<1x16xf32>,
        %get3A_140 = vector.shape_cast %get3A_139 : vector<1x16xf32> to vector<16xf32>
        %add3A_141 = arith.addf %add3A_113, %get3A_140 : vector<16xf32>
        %mul3A_142 = arith.mulf %get3A_140, %get3A_140 : vector<16xf32>
        %add3A_143 = arith.addf %add3A_115, %mul3A_142 : vector<16xf32>
        %get3A_144 = arith.index_cast %scan3A_94 : i32 to index
        %get3A_145 = arith.constant 80 : index
        %get3A_146 = tpu.vector_load %arg8[%get3A_144, %get3A_145] {strides = array<i32>} : memref<64x768xf32, #tpu.memory_space<vmem>>, vector<1x16xf32>,
        %get3A_147 = vector.shape_cast %get3A_146 : vector<1x16xf32> to vector<16xf32>
        %add3A_148 = arith.addf %add3A_120, %get3A_147 : vector<16xf32>
        %mul3A_149 = arith.mulf %get3A_147, %get3A_147 : vector<16xf32>
        %add3A_150 = arith.addf %add3A_122, %mul3A_149 : vector<16xf32>
        %get3A_151 = arith.index_cast %scan3A_94 : i32 to index
        %get3A_152 = arith.constant 96 : index
        %get3A_153 = tpu.vector_load %arg8[%get3A_151, %get3A_152] {strides = array<i32>} : memref<64x768xf32, #tpu.memory_space<vmem>>, vector<1x16xf32>,
        %get3A_154 = vector.shape_cast %get3A_153 : vector<1x16xf32> to vector<16xf32>
        %add3A_155 = arith.addf %add3A_127, %get3A_154 : vector<16xf32>
        %mul3A_156 = arith.mulf %get3A_154, %get3A_154 : vector<16xf32>
        %add3A_157 = arith.addf %add3A_129, %mul3A_156 : vector<16xf32>
        %get3A_158 = arith.index_cast %scan3A_94 : i32 to index
        %get3A_159 = arith.constant 112 : index
        %get3A_160 = tpu.vector_load %arg8[%get3A_158, %get3A_159] {strides = array<i32>} : memref<64x768xf32, #tpu.memory_space<vmem>>, vector<1x16xf32>,
        %get3A_161 = vector.shape_cast %get3A_160 : vector<1x16xf32> to vector<16xf32>
        %add3A_162 = arith.addf %add3A_134, %get3A_161 : vector<16xf32>
        %mul3A_163 = arith.mulf %get3A_161, %get3A_161 : vector<16xf32>
        %add3A_164 = arith.addf %add3A_136, %mul3A_163 : vector<16xf32>
        %get3A_165 = arith.index_cast %scan3A_94 : i32 to index
        %get3A_166 = arith.constant 128 : index
        %get3A_167 = tpu.vector_load %arg8[%get3A_165, %get3A_166] {strides = array<i32>} : memref<64x768xf32, #tpu.memory_space<vmem>>, vector<1x16xf32>,
        %get3A_168 = vector.shape_cast %get3A_167 : vector<1x16xf32> to vector<16xf32>
        %add3A_169 = arith.addf %add3A_141, %get3A_168 : vector<16xf32>
        %mul3A_170 = arith.mulf %get3A_168, %get3A_168 : vector<16xf32>
        %add3A_171 = arith.addf %add3A_143, %mul3A_170 : vector<16xf32>
        %get3A_172 = arith.index_cast %scan3A_94 : i32 to index
        %get3A_173 = arith.constant 144 : index
        %get3A_174 = tpu.vector_load %arg8[%get3A_172, %get3A_173] {strides = array<i32>} : memref<64x768xf32, #tpu.memory_space<vmem>>, vector<1x16xf32>,
        %get3A_175 = vector.shape_cast %get3A_174 : vector<1x16xf32> to vector<16xf32>
        %add3A_176 = arith.addf %add3A_148, %get3A_175 : vector<16xf32>
        %mul3A_177 = arith.mulf %get3A_175, %get3A_175 : vector<16xf32>
        %add3A_178 = arith.addf %add3A_150, %mul3A_177 : vector<16xf32>
        %get3A_179 = arith.index_cast %scan3A_94 : i32 to index
        %get3A_180 = arith.constant 160 : index
        %get3A_181 = tpu.vector_load %arg8[%get3A_179, %get3A_180] {strides = array<i32>} : memref<64x768xf32, #tpu.memory_space<vmem>>, vector<1x16xf32>,
        %get3A_182 = vector.shape_cast %get3A_181 : vector<1x16xf32> to vector<16xf32>
        %add3A_183 = arith.addf %add3A_155, %get3A_182 : vector<16xf32>
        %mul3A_184 = arith.mulf %get3A_182, %get3A_182 : vector<16xf32>
        %add3A_185 = arith.addf %add3A_157, %mul3A_184 : vector<16xf32>
        %get3A_186 = arith.index_cast %scan3A_94 : i32 to index
        %get3A_187 = arith.constant 176 : index
        %get3A_188 = tpu.vector_load %arg8[%get3A_186, %get3A_187] {strides = array<i32>} : memref<64x768xf32, #tpu.memory_space<vmem>>, vector<1x16xf32>,
        %get3A_189 = vector.shape_cast %get3A_188 : vector<1x16xf32> to vector<16xf32>
        %add3A_190 = arith.addf %add3A_162, %get3A_189 : vector<16xf32>
        %mul3A_191 = arith.mulf %get3A_189, %get3A_189 : vector<16xf32>
        %add3A_192 = arith.addf %add3A_164, %mul3A_191 : vector<16xf32>
        %get3A_193 = arith.index_cast %scan3A_94 : i32 to index
        %get3A_194 = arith.constant 192 : index
        %get3A_195 = tpu.vector_load %arg8[%get3A_193, %get3A_194] {strides = array<i32>} : memref<64x768xf32, #tpu.memory_space<vmem>>, vector<1x16xf32>,
        %get3A_196 = vector.shape_cast %get3A_195 : vector<1x16xf32> to vector<16xf32>
        %add3A_197 = arith.addf %add3A_169, %get3A_196 : vector<16xf32>
        %mul3A_198 = arith.mulf %get3A_196, %get3A_196 : vector<16xf32>
        %add3A_199 = arith.addf %add3A_171, %mul3A_198 : vector<16xf32>
        %get3A_200 = arith.index_cast %scan3A_94 : i32 to index
        %get3A_201 = arith.constant 208 : index
        %get3A_202 = tpu.vector_load %arg8[%get3A_200, %get3A_201] {strides = array<i32>} : memref<64x768xf32, #tpu.memory_space<vmem>>, vector<1x16xf32>,
        %get3A_203 = vector.shape_cast %get3A_202 : vector<1x16xf32> to vector<16xf32>
        %add3A_204 = arith.addf %add3A_176, %get3A_203 : vector<16xf32>
        %mul3A_205 = arith.mulf %get3A_203, %get3A_203 : vector<16xf32>
        %add3A_206 = arith.addf %add3A_178, %mul3A_205 : vector<16xf32>
        %get3A_207 = arith.index_cast %scan3A_94 : i32 to index
        %get3A_208 = arith.constant 224 : index
        %get3A_209 = tpu.vector_load %arg8[%get3A_207, %get3A_208] {strides = array<i32>} : memref<64x768xf32, #tpu.memory_space<vmem>>, vector<1x16xf32>,
        %get3A_210 = vector.shape_cast %get3A_209 : vector<1x16xf32> to vector<16xf32>
        %add3A_211 = arith.addf %add3A_183, %get3A_210 : vector<16xf32>
        %mul3A_212 = arith.mulf %get3A_210, %get3A_210 : vector<16xf32>
        %add3A_213 = arith.addf %add3A_185, %mul3A_212 : vector<16xf32>
        %get3A_214 = arith.index_cast %scan3A_94 : i32 to index
        %get3A_215 = arith.constant 240 : index
        %get3A_216 = tpu.vector_load %arg8[%get3A_214, %get3A_215] {strides = array<i32>} : memref<64x768xf32, #tpu.memory_space<vmem>>, vector<1x16xf32>,
        %get3A_217 = vector.shape_cast %get3A_216 : vector<1x16xf32> to vector<16xf32>
        %add3A_218 = arith.addf %add3A_190, %get3A_217 : vector<16xf32>
        %mul3A_219 = arith.mulf %get3A_217, %get3A_217 : vector<16xf32>
        %add3A_220 = arith.addf %add3A_192, %mul3A_219 : vector<16xf32>
        %get3A_221 = arith.index_cast %scan3A_94 : i32 to index
        %get3A_222 = arith.constant 256 : index
        %get3A_223 = tpu.vector_load %arg8[%get3A_221, %get3A_222] {strides = array<i32>} : memref<64x768xf32, #tpu.memory_space<vmem>>, vector<1x16xf32>,
        %get3A_224 = vector.shape_cast %get3A_223 : vector<1x16xf32> to vector<16xf32>
        %add3A_225 = arith.addf %add3A_197, %get3A_224 : vector<16xf32>
        %mul3A_226 = arith.mulf %get3A_224, %get3A_224 : vector<16xf32>
        %add3A_227 = arith.addf %add3A_199, %mul3A_226 : vector<16xf32>
        %get3A_228 = arith.index_cast %scan3A_94 : i32 to index
        %get3A_229 = arith.constant 272 : index
        %get3A_230 = tpu.vector_load %arg8[%get3A_228, %get3A_229] {strides = array<i32>} : memref<64x768xf32, #tpu.memory_space<vmem>>, vector<1x16xf32>,
        %get3A_231 = vector.shape_cast %get3A_230 : vector<1x16xf32> to vector<16xf32>
        %add3A_232 = arith.addf %add3A_204, %get3A_231 : vector<16xf32>
        %mul3A_233 = arith.mulf %get3A_231, %get3A_231 : vector<16xf32>
        %add3A_234 = arith.addf %add3A_206, %mul3A_233 : vector<16xf32>
        %get3A_235 = arith.index_cast %scan3A_94 : i32 to index
        %get3A_236 = arith.constant 288 : index
        %get3A_237 = tpu.vector_load %arg8[%get3A_235, %get3A_236] {strides = array<i32>} : memref<64x768xf32, #tpu.memory_space<vmem>>, vector<1x16xf32>,
        %get3A_238 = vector.shape_cast %get3A_237 : vector<1x16xf32> to vector<16xf32>
        %add3A_239 = arith.addf %add3A_211, %get3A_238 : vector<16xf32>
        %mul3A_240 = arith.mulf %get3A_238, %get3A_238 : vector<16xf32>
        %add3A_241 = arith.addf %add3A_213, %mul3A_240 : vector<16xf32>
        %get3A_242 = arith.index_cast %scan3A_94 : i32 to index
        %get3A_243 = arith.constant 304 : index
        %get3A_244 = tpu.vector_load %arg8[%get3A_242, %get3A_243] {strides = array<i32>} : memref<64x768xf32, #tpu.memory_space<vmem>>, vector<1x16xf32>,
        %get3A_245 = vector.shape_cast %get3A_244 : vector<1x16xf32> to vector<16xf32>
        %add3A_246 = arith.addf %add3A_218, %get3A_245 : vector<16xf32>
        %mul3A_247 = arith.mulf %get3A_245, %get3A_245 : vector<16xf32>
        %add3A_248 = arith.addf %add3A_220, %mul3A_247 : vector<16xf32>
        %get3A_249 = arith.index_cast %scan3A_94 : i32 to index
        %get3A_250 = arith.constant 320 : index
        %get3A_251 = tpu.vector_load %arg8[%get3A_249, %get3A_250] {strides = array<i32>} : memref<64x768xf32, #tpu.memory_space<vmem>>, vector<1x16xf32>,
        %get3A_252 = vector.shape_cast %get3A_251 : vector<1x16xf32> to vector<16xf32>
        %add3A_253 = arith.addf %add3A_225, %get3A_252 : vector<16xf32>
        %mul3A_254 = arith.mulf %get3A_252, %get3A_252 : vector<16xf32>
        %add3A_255 = arith.addf %add3A_227, %mul3A_254 : vector<16xf32>
        %get3A_256 = arith.index_cast %scan3A_94 : i32 to index
        %get3A_257 = arith.constant 336 : index
        %get3A_258 = tpu.vector_load %arg8[%get3A_256, %get3A_257] {strides = array<i32>} : memref<64x768xf32, #tpu.memory_space<vmem>>, vector<1x16xf32>,
        %get3A_259 = vector.shape_cast %get3A_258 : vector<1x16xf32> to vector<16xf32>
        %add3A_260 = arith.addf %add3A_232, %get3A_259 : vector<16xf32>
        %mul3A_261 = arith.mulf %get3A_259, %get3A_259 : vector<16xf32>
        %add3A_262 = arith.addf %add3A_234, %mul3A_261 : vector<16xf32>
        %get3A_263 = arith.index_cast %scan3A_94 : i32 to index
        %get3A_264 = arith.constant 352 : index
        %get3A_265 = tpu.vector_load %arg8[%get3A_263, %get3A_264] {strides = array<i32>} : memref<64x768xf32, #tpu.memory_space<vmem>>, vector<1x16xf32>,
        %get3A_266 = vector.shape_cast %get3A_265 : vector<1x16xf32> to vector<16xf32>
        %add3A_267 = arith.addf %add3A_239, %get3A_266 : vector<16xf32>
        %mul3A_268 = arith.mulf %get3A_266, %get3A_266 : vector<16xf32>
        %add3A_269 = arith.addf %add3A_241, %mul3A_268 : vector<16xf32>
        %get3A_270 = arith.index_cast %scan3A_94 : i32 to index
        %get3A_271 = arith.constant 368 : index
        %get3A_272 = tpu.vector_load %arg8[%get3A_270, %get3A_271] {strides = array<i32>} : memref<64x768xf32, #tpu.memory_space<vmem>>, vector<1x16xf32>,
        %get3A_273 = vector.shape_cast %get3A_272 : vector<1x16xf32> to vector<16xf32>
        %add3A_274 = arith.addf %add3A_246, %get3A_273 : vector<16xf32>
        %mul3A_275 = arith.mulf %get3A_273, %get3A_273 : vector<16xf32>
        %add3A_276 = arith.addf %add3A_248, %mul3A_275 : vector<16xf32>
        %get3A_277 = arith.index_cast %scan3A_94 : i32 to index
        %get3A_278 = arith.constant 384 : index
        %get3A_279 = tpu.vector_load %arg8[%get3A_277, %get3A_278] {strides = array<i32>} : memref<64x768xf32, #tpu.memory_space<vmem>>, vector<1x16xf32>,
        %get3A_280 = vector.shape_cast %get3A_279 : vector<1x16xf32> to vector<16xf32>
        %add3A_281 = arith.addf %add3A_253, %get3A_280 : vector<16xf32>
        %mul3A_282 = arith.mulf %get3A_280, %get3A_280 : vector<16xf32>
        %add3A_283 = arith.addf %add3A_255, %mul3A_282 : vector<16xf32>
        %get3A_284 = arith.index_cast %scan3A_94 : i32 to index
        %get3A_285 = arith.constant 400 : index
        %get3A_286 = tpu.vector_load %arg8[%get3A_284, %get3A_285] {strides = array<i32>} : memref<64x768xf32, #tpu.memory_space<vmem>>, vector<1x16xf32>,
        %get3A_287 = vector.shape_cast %get3A_286 : vector<1x16xf32> to vector<16xf32>
        %add3A_288 = arith.addf %add3A_260, %get3A_287 : vector<16xf32>
        %mul3A_289 = arith.mulf %get3A_287, %get3A_287 : vector<16xf32>
        %add3A_290 = arith.addf %add3A_262, %mul3A_289 : vector<16xf32>
        %get3A_291 = arith.index_cast %scan3A_94 : i32 to index
        %get3A_292 = arith.constant 416 : index
        %get3A_293 = tpu.vector_load %arg8[%get3A_291, %get3A_292] {strides = array<i32>} : memref<64x768xf32, #tpu.memory_space<vmem>>, vector<1x16xf32>,
        %get3A_294 = vector.shape_cast %get3A_293 : vector<1x16xf32> to vector<16xf32>
        %add3A_295 = arith.addf %add3A_267, %get3A_294 : vector<16xf32>
        %mul3A_296 = arith.mulf %get3A_294, %get3A_294 : vector<16xf32>
        %add3A_297 = arith.addf %add3A_269, %mul3A_296 : vector<16xf32>
        %get3A_298 = arith.index_cast %scan3A_94 : i32 to index
        %get3A_299 = arith.constant 432 : index
        %get3A_300 = tpu.vector_load %arg8[%get3A_298, %get3A_299] {strides = array<i32>} : memref<64x768xf32, #tpu.memory_space<vmem>>, vector<1x16xf32>,
        %get3A_301 = vector.shape_cast %get3A_300 : vector<1x16xf32> to vector<16xf32>
        %add3A_302 = arith.addf %add3A_274, %get3A_301 : vector<16xf32>
        %mul3A_303 = arith.mulf %get3A_301, %get3A_301 : vector<16xf32>
        %add3A_304 = arith.addf %add3A_276, %mul3A_303 : vector<16xf32>
        %get3A_305 = arith.index_cast %scan3A_94 : i32 to index
        %get3A_306 = arith.constant 448 : index
        %get3A_307 = tpu.vector_load %arg8[%get3A_305, %get3A_306] {strides = array<i32>} : memref<64x768xf32, #tpu.memory_space<vmem>>, vector<1x16xf32>,
        %get3A_308 = vector.shape_cast %get3A_307 : vector<1x16xf32> to vector<16xf32>
        %add3A_309 = arith.addf %add3A_281, %get3A_308 : vector<16xf32>
        %mul3A_310 = arith.mulf %get3A_308, %get3A_308 : vector<16xf32>
        %add3A_311 = arith.addf %add3A_283, %mul3A_310 : vector<16xf32>
        %get3A_312 = arith.index_cast %scan3A_94 : i32 to index
        %get3A_313 = arith.constant 464 : index
        %get3A_314 = tpu.vector_load %arg8[%get3A_312, %get3A_313] {strides = array<i32>} : memref<64x768xf32, #tpu.memory_space<vmem>>, vector<1x16xf32>,
        %get3A_315 = vector.shape_cast %get3A_314 : vector<1x16xf32> to vector<16xf32>
        %add3A_316 = arith.addf %add3A_288, %get3A_315 : vector<16xf32>
        %mul3A_317 = arith.mulf %get3A_315, %get3A_315 : vector<16xf32>
        %add3A_318 = arith.addf %add3A_290, %mul3A_317 : vector<16xf32>
        %get3A_319 = arith.index_cast %scan3A_94 : i32 to index
        %get3A_320 = arith.constant 480 : index
        %get3A_321 = tpu.vector_load %arg8[%get3A_319, %get3A_320] {strides = array<i32>} : memref<64x768xf32, #tpu.memory_space<vmem>>, vector<1x16xf32>,
        %get3A_322 = vector.shape_cast %get3A_321 : vector<1x16xf32> to vector<16xf32>
        %add3A_323 = arith.addf %add3A_295, %get3A_322 : vector<16xf32>
        %mul3A_324 = arith.mulf %get3A_322, %get3A_322 : vector<16xf32>
        %add3A_325 = arith.addf %add3A_297, %mul3A_324 : vector<16xf32>
        %get3A_326 = arith.index_cast %scan3A_94 : i32 to index
        %get3A_327 = arith.constant 496 : index
        %get3A_328 = tpu.vector_load %arg8[%get3A_326, %get3A_327] {strides = array<i32>} : memref<64x768xf32, #tpu.memory_space<vmem>>, vector<1x16xf32>,
        %get3A_329 = vector.shape_cast %get3A_328 : vector<1x16xf32> to vector<16xf32>
        %add3A_330 = arith.addf %add3A_302, %get3A_329 : vector<16xf32>
        %mul3A_331 = arith.mulf %get3A_329, %get3A_329 : vector<16xf32>
        %add3A_332 = arith.addf %add3A_304, %mul3A_331 : vector<16xf32>
        %get3A_333 = arith.index_cast %scan3A_94 : i32 to index
        %get3A_334 = arith.constant 512 : index
        %get3A_335 = tpu.vector_load %arg8[%get3A_333, %get3A_334] {strides = array<i32>} : memref<64x768xf32, #tpu.memory_space<vmem>>, vector<1x16xf32>,
        %get3A_336 = vector.shape_cast %get3A_335 : vector<1x16xf32> to vector<16xf32>
        %add3A_337 = arith.addf %add3A_309, %get3A_336 : vector<16xf32>
        %mul3A_338 = arith.mulf %get3A_336, %get3A_336 : vector<16xf32>
        %add3A_339 = arith.addf %add3A_311, %mul3A_338 : vector<16xf32>
        %get3A_340 = arith.index_cast %scan3A_94 : i32 to index
        %get3A_341 = arith.constant 528 : index
        %get3A_342 = tpu.vector_load %arg8[%get3A_340, %get3A_341] {strides = array<i32>} : memref<64x768xf32, #tpu.memory_space<vmem>>, vector<1x16xf32>,
        %get3A_343 = vector.shape_cast %get3A_342 : vector<1x16xf32> to vector<16xf32>
        %add3A_344 = arith.addf %add3A_316, %get3A_343 : vector<16xf32>
        %mul3A_345 = arith.mulf %get3A_343, %get3A_343 : vector<16xf32>
        %add3A_346 = arith.addf %add3A_318, %mul3A_345 : vector<16xf32>
        %get3A_347 = arith.index_cast %scan3A_94 : i32 to index
        %get3A_348 = arith.constant 544 : index
        %get3A_349 = tpu.vector_load %arg8[%get3A_347, %get3A_348] {strides = array<i32>} : memref<64x768xf32, #tpu.memory_space<vmem>>, vector<1x16xf32>,
        %get3A_350 = vector.shape_cast %get3A_349 : vector<1x16xf32> to vector<16xf32>
        %add3A_351 = arith.addf %add3A_323, %get3A_350 : vector<16xf32>
        %mul3A_352 = arith.mulf %get3A_350, %get3A_350 : vector<16xf32>
        %add3A_353 = arith.addf %add3A_325, %mul3A_352 : vector<16xf32>
        %get3A_354 = arith.index_cast %scan3A_94 : i32 to index
        %get3A_355 = arith.constant 560 : index
        %get3A_356 = tpu.vector_load %arg8[%get3A_354, %get3A_355] {strides = array<i32>} : memref<64x768xf32, #tpu.memory_space<vmem>>, vector<1x16xf32>,
        %get3A_357 = vector.shape_cast %get3A_356 : vector<1x16xf32> to vector<16xf32>
        %add3A_358 = arith.addf %add3A_330, %get3A_357 : vector<16xf32>
        %mul3A_359 = arith.mulf %get3A_357, %get3A_357 : vector<16xf32>
        %add3A_360 = arith.addf %add3A_332, %mul3A_359 : vector<16xf32>
        %get3A_361 = arith.index_cast %scan3A_94 : i32 to index
        %get3A_362 = arith.constant 576 : index
        %get3A_363 = tpu.vector_load %arg8[%get3A_361, %get3A_362] {strides = array<i32>} : memref<64x768xf32, #tpu.memory_space<vmem>>, vector<1x16xf32>,
        %get3A_364 = vector.shape_cast %get3A_363 : vector<1x16xf32> to vector<16xf32>
        %add3A_365 = arith.addf %add3A_337, %get3A_364 : vector<16xf32>
        %mul3A_366 = arith.mulf %get3A_364, %get3A_364 : vector<16xf32>
        %add3A_367 = arith.addf %add3A_339, %mul3A_366 : vector<16xf32>
        %get3A_368 = arith.index_cast %scan3A_94 : i32 to index
        %get3A_369 = arith.constant 592 : index
        %get3A_370 = tpu.vector_load %arg8[%get3A_368, %get3A_369] {strides = array<i32>} : memref<64x768xf32, #tpu.memory_space<vmem>>, vector<1x16xf32>,
        %get3A_371 = vector.shape_cast %get3A_370 : vector<1x16xf32> to vector<16xf32>
        %add3A_372 = arith.addf %add3A_344, %get3A_371 : vector<16xf32>
        %mul3A_373 = arith.mulf %get3A_371, %get3A_371 : vector<16xf32>
        %add3A_374 = arith.addf %add3A_346, %mul3A_373 : vector<16xf32>
        %get3A_375 = arith.index_cast %scan3A_94 : i32 to index
        %get3A_376 = arith.constant 608 : index
        %get3A_377 = tpu.vector_load %arg8[%get3A_375, %get3A_376] {strides = array<i32>} : memref<64x768xf32, #tpu.memory_space<vmem>>, vector<1x16xf32>,
        %get3A_378 = vector.shape_cast %get3A_377 : vector<1x16xf32> to vector<16xf32>
        %add3A_379 = arith.addf %add3A_351, %get3A_378 : vector<16xf32>
        %mul3A_380 = arith.mulf %get3A_378, %get3A_378 : vector<16xf32>
        %add3A_381 = arith.addf %add3A_353, %mul3A_380 : vector<16xf32>
        %get3A_382 = arith.index_cast %scan3A_94 : i32 to index
        %get3A_383 = arith.constant 624 : index
        %get3A_384 = tpu.vector_load %arg8[%get3A_382, %get3A_383] {strides = array<i32>} : memref<64x768xf32, #tpu.memory_space<vmem>>, vector<1x16xf32>,
        %get3A_385 = vector.shape_cast %get3A_384 : vector<1x16xf32> to vector<16xf32>
        %add3A_386 = arith.addf %add3A_358, %get3A_385 : vector<16xf32>
        %mul3A_387 = arith.mulf %get3A_385, %get3A_385 : vector<16xf32>
        %add3A_388 = arith.addf %add3A_360, %mul3A_387 : vector<16xf32>
        %get3A_389 = arith.index_cast %scan3A_94 : i32 to index
        %get3A_390 = arith.constant 640 : index
        %get3A_391 = tpu.vector_load %arg8[%get3A_389, %get3A_390] {strides = array<i32>} : memref<64x768xf32, #tpu.memory_space<vmem>>, vector<1x16xf32>,
        %get3A_392 = vector.shape_cast %get3A_391 : vector<1x16xf32> to vector<16xf32>
        %add3A_393 = arith.addf %add3A_365, %get3A_392 : vector<16xf32>
        %mul3A_394 = arith.mulf %get3A_392, %get3A_392 : vector<16xf32>
        %add3A_395 = arith.addf %add3A_367, %mul3A_394 : vector<16xf32>
        %get3A_396 = arith.index_cast %scan3A_94 : i32 to index
        %get3A_397 = arith.constant 656 : index
        %get3A_398 = tpu.vector_load %arg8[%get3A_396, %get3A_397] {strides = array<i32>} : memref<64x768xf32, #tpu.memory_space<vmem>>, vector<1x16xf32>,
        %get3A_399 = vector.shape_cast %get3A_398 : vector<1x16xf32> to vector<16xf32>
        %add3A_400 = arith.addf %add3A_372, %get3A_399 : vector<16xf32>
        %mul3A_401 = arith.mulf %get3A_399, %get3A_399 : vector<16xf32>
        %add3A_402 = arith.addf %add3A_374, %mul3A_401 : vector<16xf32>
        %get3A_403 = arith.index_cast %scan3A_94 : i32 to index
        %get3A_404 = arith.constant 672 : index
        %get3A_405 = tpu.vector_load %arg8[%get3A_403, %get3A_404] {strides = array<i32>} : memref<64x768xf32, #tpu.memory_space<vmem>>, vector<1x16xf32>,
        %get3A_406 = vector.shape_cast %get3A_405 : vector<1x16xf32> to vector<16xf32>
        %add3A_407 = arith.addf %add3A_379, %get3A_406 : vector<16xf32>
        %mul3A_408 = arith.mulf %get3A_406, %get3A_406 : vector<16xf32>
        %add3A_409 = arith.addf %add3A_381, %mul3A_408 : vector<16xf32>
        %get3A_410 = arith.index_cast %scan3A_94 : i32 to index
        %get3A_411 = arith.constant 688 : index
        %get3A_412 = tpu.vector_load %arg8[%get3A_410, %get3A_411] {strides = array<i32>} : memref<64x768xf32, #tpu.memory_space<vmem>>, vector<1x16xf32>,
        %get3A_413 = vector.shape_cast %get3A_412 : vector<1x16xf32> to vector<16xf32>
        %add3A_414 = arith.addf %add3A_386, %get3A_413 : vector<16xf32>
        %mul3A_415 = arith.mulf %get3A_413, %get3A_413 : vector<16xf32>
        %add3A_416 = arith.addf %add3A_388, %mul3A_415 : vector<16xf32>
        %get3A_417 = arith.index_cast %scan3A_94 : i32 to index
        %get3A_418 = arith.constant 704 : index
        %get3A_419 = tpu.vector_load %arg8[%get3A_417, %get3A_418] {strides = array<i32>} : memref<64x768xf32, #tpu.memory_space<vmem>>, vector<1x16xf32>,
        %get3A_420 = vector.shape_cast %get3A_419 : vector<1x16xf32> to vector<16xf32>
        %add3A_421 = arith.addf %add3A_393, %get3A_420 : vector<16xf32>
        %mul3A_422 = arith.mulf %get3A_420, %get3A_420 : vector<16xf32>
        %add3A_423 = arith.addf %add3A_395, %mul3A_422 : vector<16xf32>
        %get3A_424 = arith.index_cast %scan3A_94 : i32 to index
        %get3A_425 = arith.constant 720 : index
        %get3A_426 = tpu.vector_load %arg8[%get3A_424, %get3A_425] {strides = array<i32>} : memref<64x768xf32, #tpu.memory_space<vmem>>, vector<1x16xf32>,
        %get3A_427 = vector.shape_cast %get3A_426 : vector<1x16xf32> to vector<16xf32>
        %add3A_428 = arith.addf %add3A_400, %get3A_427 : vector<16xf32>
        %mul3A_429 = arith.mulf %get3A_427, %get3A_427 : vector<16xf32>
        %add3A_430 = arith.addf %add3A_402, %mul3A_429 : vector<16xf32>
        %get3A_431 = arith.index_cast %scan3A_94 : i32 to index
        %get3A_432 = arith.constant 736 : index
        %get3A_433 = tpu.vector_load %arg8[%get3A_431, %get3A_432] {strides = array<i32>} : memref<64x768xf32, #tpu.memory_space<vmem>>, vector<1x16xf32>,
        %get3A_434 = vector.shape_cast %get3A_433 : vector<1x16xf32> to vector<16xf32>
        %add3A_435 = arith.addf %add3A_407, %get3A_434 : vector<16xf32>
        %mul3A_436 = arith.mulf %get3A_434, %get3A_434 : vector<16xf32>
        %add3A_437 = arith.addf %add3A_409, %mul3A_436 : vector<16xf32>
        %get3A_438 = arith.index_cast %scan3A_94 : i32 to index
        %get3A_439 = arith.constant 752 : index
        %get3A_440 = tpu.vector_load %arg8[%get3A_438, %get3A_439] {strides = array<i32>} : memref<64x768xf32, #tpu.memory_space<vmem>>, vector<1x16xf32>,
        %get3A_441 = vector.shape_cast %get3A_440 : vector<1x16xf32> to vector<16xf32>
        %add3A_442 = arith.addf %add3A_414, %get3A_441 : vector<16xf32>
        %mul3A_443 = arith.mulf %get3A_441, %get3A_441 : vector<16xf32>
        %add3A_444 = arith.addf %add3A_416, %mul3A_443 : vector<16xf32>
        %add3A_445 = arith.addf %add3A_421, %add3A_428 : vector<16xf32>
        %add3A_446 = arith.addf %add3A_435, %add3A_442 : vector<16xf32>
        %add3A_447 = arith.addf %add3A_445, %add3A_446 : vector<16xf32>
        %add3A_448 = arith.addf %add3A_423, %add3A_430 : vector<16xf32>
        %add3A_449 = arith.addf %add3A_437, %add3A_444 : vector<16xf32>
        %add3A_450 = arith.addf %add3A_448, %add3A_449 : vector<16xf32>
        %iota3A = tpu.iota {dimensions = array<i32: 0>} : vector<16xi32>
        %xor3A = arith.constant 8 : i32
        %xor3A_451 = vector.broadcast %xor3A : i32 to vector<16xi32>
        %xor3A_452 = arith.xori %iota3A, %xor3A_451 : vector<16xi32>
        %lt3A_453 = arith.constant 0 : i32
        %lt3A_454 = vector.broadcast %lt3A_453 : i32 to vector<16xi32>
        %lt3A_455 = arith.cmpi slt, %xor3A_452, %lt3A_454 : vector<16xi32>
        %add3A_456 = arith.constant 16 : i32
        %add3A_457 = vector.broadcast %add3A_456 : i32 to vector<16xi32>
        %add3A_458 = arith.addi %xor3A_452, %add3A_457 : vector<16xi32>
        %select_n3A = arith.select %lt3A_455, %add3A_458, %xor3A_452 : vector<16xi1>, vector<16xi32>
        %broadcast_in_dim3A_459 = vector.shape_cast %select_n3A : vector<16xi32> to vector<16x1xi32>
        %gather3A = vector.shape_cast %broadcast_in_dim3A_459 : vector<16x1xi32> to vector<16xi32>
        %gather3A_460 = tpu.dynamic_gather %add3A_447[%gather3A] in [0] : vector<16xf32>, vector<16xi32> -> vector<16xf32>
        %add3A_461 = arith.addf %add3A_447, %gather3A_460 : vector<16xf32>
        %xor3A_462 = arith.constant 4 : i32
        %xor3A_463 = vector.broadcast %xor3A_462 : i32 to vector<16xi32>
        %xor3A_464 = arith.xori %iota3A, %xor3A_463 : vector<16xi32>
        %lt3A_465 = arith.constant 0 : i32
        %lt3A_466 = vector.broadcast %lt3A_465 : i32 to vector<16xi32>
        %lt3A_467 = arith.cmpi slt, %xor3A_464, %lt3A_466 : vector<16xi32>
        %add3A_468 = arith.constant 16 : i32
        %add3A_469 = vector.broadcast %add3A_468 : i32 to vector<16xi32>
        %add3A_470 = arith.addi %xor3A_464, %add3A_469 : vector<16xi32>
        %select_n3A_471 = arith.select %lt3A_467, %add3A_470, %xor3A_464 : vector<16xi1>, vector<16xi32>
        %broadcast_in_dim3A_472 = vector.shape_cast %select_n3A_471 : vector<16xi32> to vector<16x1xi32>
        %gather3A_473 = vector.shape_cast %broadcast_in_dim3A_472 : vector<16x1xi32> to vector<16xi32>
        %gather3A_474 = tpu.dynamic_gather %add3A_461[%gather3A_473] in [0] : vector<16xf32>, vector<16xi32> -> vector<16xf32>
        %add3A_475 = arith.addf %add3A_461, %gather3A_474 : vector<16xf32>
        %xor3A_476 = arith.constant 2 : i32
        %xor3A_477 = vector.broadcast %xor3A_476 : i32 to vector<16xi32>
        %xor3A_478 = arith.xori %iota3A, %xor3A_477 : vector<16xi32>
        %lt3A_479 = arith.constant 0 : i32
        %lt3A_480 = vector.broadcast %lt3A_479 : i32 to vector<16xi32>
        %lt3A_481 = arith.cmpi slt, %xor3A_478, %lt3A_480 : vector<16xi32>
        %add3A_482 = arith.constant 16 : i32
        %add3A_483 = vector.broadcast %add3A_482 : i32 to vector<16xi32>
        %add3A_484 = arith.addi %xor3A_478, %add3A_483 : vector<16xi32>
        %select_n3A_485 = arith.select %lt3A_481, %add3A_484, %xor3A_478 : vector<16xi1>, vector<16xi32>
        %broadcast_in_dim3A_486 = vector.shape_cast %select_n3A_485 : vector<16xi32> to vector<16x1xi32>
        %gather3A_487 = vector.shape_cast %broadcast_in_dim3A_486 : vector<16x1xi32> to vector<16xi32>
        %gather3A_488 = tpu.dynamic_gather %add3A_475[%gather3A_487] in [0] : vector<16xf32>, vector<16xi32> -> vector<16xf32>
        %add3A_489 = arith.addf %add3A_475, %gather3A_488 : vector<16xf32>
        %xor3A_490 = arith.constant 1 : i32
        %xor3A_491 = vector.broadcast %xor3A_490 : i32 to vector<16xi32>
        %xor3A_492 = arith.xori %iota3A, %xor3A_491 : vector<16xi32>
        %lt3A_493 = arith.constant 0 : i32
        %lt3A_494 = vector.broadcast %lt3A_493 : i32 to vector<16xi32>
        %lt3A_495 = arith.cmpi slt, %xor3A_492, %lt3A_494 : vector<16xi32>
        %add3A_496 = arith.constant 16 : i32
        %add3A_497 = vector.broadcast %add3A_496 : i32 to vector<16xi32>
        %add3A_498 = arith.addi %xor3A_492, %add3A_497 : vector<16xi32>
        %select_n3A_499 = arith.select %lt3A_495, %add3A_498, %xor3A_492 : vector<16xi1>, vector<16xi32>
        %broadcast_in_dim3A_500 = vector.shape_cast %select_n3A_499 : vector<16xi32> to vector<16x1xi32>
        %gather3A_501 = vector.shape_cast %broadcast_in_dim3A_500 : vector<16x1xi32> to vector<16xi32>
        %gather3A_502 = tpu.dynamic_gather %add3A_489[%gather3A_501] in [0] : vector<16xf32>, vector<16xi32> -> vector<16xf32>
        %add3A_503 = arith.addf %add3A_489, %gather3A_502 : vector<16xf32>
        %mul3A_504 = arith.constant 0.00130208337 : f32
        %mul3A_505 = vector.broadcast %mul3A_504 : f32 to vector<16xf32>
        %mul3A_506 = arith.mulf %add3A_503, %mul3A_505 : vector<16xf32>
        %iota3A_507 = tpu.iota {dimensions = array<i32: 0>} : vector<16xi32>
        %xor3A_508 = arith.constant 8 : i32
        %xor3A_509 = vector.broadcast %xor3A_508 : i32 to vector<16xi32>
        %xor3A_510 = arith.xori %iota3A_507, %xor3A_509 : vector<16xi32>
        %lt3A_511 = arith.constant 0 : i32
        %lt3A_512 = vector.broadcast %lt3A_511 : i32 to vector<16xi32>
        %lt3A_513 = arith.cmpi slt, %xor3A_510, %lt3A_512 : vector<16xi32>
        %add3A_514 = arith.constant 16 : i32
        %add3A_515 = vector.broadcast %add3A_514 : i32 to vector<16xi32>
        %add3A_516 = arith.addi %xor3A_510, %add3A_515 : vector<16xi32>
        %select_n3A_517 = arith.select %lt3A_513, %add3A_516, %xor3A_510 : vector<16xi1>, vector<16xi32>
        %broadcast_in_dim3A_518 = vector.shape_cast %select_n3A_517 : vector<16xi32> to vector<16x1xi32>
        %gather3A_519 = vector.shape_cast %broadcast_in_dim3A_518 : vector<16x1xi32> to vector<16xi32>
        %gather3A_520 = tpu.dynamic_gather %add3A_450[%gather3A_519] in [0] : vector<16xf32>, vector<16xi32> -> vector<16xf32>
        %add3A_521 = arith.addf %add3A_450, %gather3A_520 : vector<16xf32>
        %xor3A_522 = arith.constant 4 : i32
        %xor3A_523 = vector.broadcast %xor3A_522 : i32 to vector<16xi32>
        %xor3A_524 = arith.xori %iota3A_507, %xor3A_523 : vector<16xi32>
        %lt3A_525 = arith.constant 0 : i32
        %lt3A_526 = vector.broadcast %lt3A_525 : i32 to vector<16xi32>
        %lt3A_527 = arith.cmpi slt, %xor3A_524, %lt3A_526 : vector<16xi32>
        %add3A_528 = arith.constant 16 : i32
        %add3A_529 = vector.broadcast %add3A_528 : i32 to vector<16xi32>
        %add3A_530 = arith.addi %xor3A_524, %add3A_529 : vector<16xi32>
        %select_n3A_531 = arith.select %lt3A_527, %add3A_530, %xor3A_524 : vector<16xi1>, vector<16xi32>
        %broadcast_in_dim3A_532 = vector.shape_cast %select_n3A_531 : vector<16xi32> to vector<16x1xi32>
        %gather3A_533 = vector.shape_cast %broadcast_in_dim3A_532 : vector<16x1xi32> to vector<16xi32>
        %gather3A_534 = tpu.dynamic_gather %add3A_521[%gather3A_533] in [0] : vector<16xf32>, vector<16xi32> -> vector<16xf32>
        %add3A_535 = arith.addf %add3A_521, %gather3A_534 : vector<16xf32>
        %xor3A_536 = arith.constant 2 : i32
        %xor3A_537 = vector.broadcast %xor3A_536 : i32 to vector<16xi32>
        %xor3A_538 = arith.xori %iota3A_507, %xor3A_537 : vector<16xi32>
        %lt3A_539 = arith.constant 0 : i32
        %lt3A_540 = vector.broadcast %lt3A_539 : i32 to vector<16xi32>
        %lt3A_541 = arith.cmpi slt, %xor3A_538, %lt3A_540 : vector<16xi32>
        %add3A_542 = arith.constant 16 : i32
        %add3A_543 = vector.broadcast %add3A_542 : i32 to vector<16xi32>
        %add3A_544 = arith.addi %xor3A_538, %add3A_543 : vector<16xi32>
        %select_n3A_545 = arith.select %lt3A_541, %add3A_544, %xor3A_538 : vector<16xi1>, vector<16xi32>
        %broadcast_in_dim3A_546 = vector.shape_cast %select_n3A_545 : vector<16xi32> to vector<16x1xi32>
        %gather3A_547 = vector.shape_cast %broadcast_in_dim3A_546 : vector<16x1xi32> to vector<16xi32>
        %gather3A_548 = tpu.dynamic_gather %add3A_535[%gather3A_547] in [0] : vector<16xf32>, vector<16xi32> -> vector<16xf32>
        %add3A_549 = arith.addf %add3A_535, %gather3A_548 : vector<16xf32>
        %xor3A_550 = arith.constant 1 : i32
        %xor3A_551 = vector.broadcast %xor3A_550 : i32 to vector<16xi32>
        %xor3A_552 = arith.xori %iota3A_507, %xor3A_551 : vector<16xi32>
        %lt3A_553 = arith.constant 0 : i32
        %lt3A_554 = vector.broadcast %lt3A_553 : i32 to vector<16xi32>
        %lt3A_555 = arith.cmpi slt, %xor3A_552, %lt3A_554 : vector<16xi32>
        %add3A_556 = arith.constant 16 : i32
        %add3A_557 = vector.broadcast %add3A_556 : i32 to vector<16xi32>
        %add3A_558 = arith.addi %xor3A_552, %add3A_557 : vector<16xi32>
        %select_n3A_559 = arith.select %lt3A_555, %add3A_558, %xor3A_552 : vector<16xi1>, vector<16xi32>
        %broadcast_in_dim3A_560 = vector.shape_cast %select_n3A_559 : vector<16xi32> to vector<16x1xi32>
        %gather3A_561 = vector.shape_cast %broadcast_in_dim3A_560 : vector<16x1xi32> to vector<16xi32>
        %gather3A_562 = tpu.dynamic_gather %add3A_549[%gather3A_561] in [0] : vector<16xf32>, vector<16xi32> -> vector<16xf32>
        %add3A_563 = arith.addf %add3A_549, %gather3A_562 : vector<16xf32>
        %mul3A_564 = arith.constant 0.00130208337 : f32
        %mul3A_565 = vector.broadcast %mul3A_564 : f32 to vector<16xf32>
        %mul3A_566 = arith.mulf %add3A_563, %mul3A_565 : vector<16xf32>
        %mul3A_567 = arith.mulf %mul3A_506, %mul3A_506 : vector<16xf32>
        %sub3A = arith.subf %mul3A_566, %mul3A_567 : vector<16xf32>
        %max3A = arith.constant 0.000000e+00 : f32
        %max3A_568 = vector.broadcast %max3A : f32 to vector<16xf32>
        %max3A_569 = arith.maximumf %sub3A, %max3A_568 : vector<16xf32>
        %add3A_570 = arith.constant 9.99999996E-13 : f32
        %add3A_571 = vector.broadcast %add3A_570 : f32 to vector<16xf32>
        %add3A_572 = arith.addf %max3A_569, %add3A_571 : vector<16xf32>
        %bitcast_convert_type3A = tpu.bitcast %add3A_572 : vector<16xf32> -> vector<16xi32>
        %shift_right_arithmetic3A = arith.constant 1 : i32
        %shift_right_arithmetic3A_573 = vector.broadcast %shift_right_arithmetic3A : i32 to vector<16xi32>
        %shift_right_arithmetic3A_574 = arith.shrsi %bitcast_convert_type3A, %shift_right_arithmetic3A_573 : vector<16xi32>
        %sub3A_575 = arith.constant 1597463007 : i32
        %sub3A_576 = vector.broadcast %sub3A_575 : i32 to vector<16xi32>
        %sub3A_577 = arith.subi %sub3A_576, %shift_right_arithmetic3A_574 : vector<16xi32>
        %bitcast_convert_type3A_578 = tpu.bitcast %sub3A_577 : vector<16xi32> -> vector<16xf32>
        %mul3A_579 = arith.constant 5.000000e-01 : f32
        %mul3A_580 = vector.broadcast %mul3A_579 : f32 to vector<16xf32>
        %mul3A_581 = arith.mulf %mul3A_580, %add3A_572 : vector<16xf32>
        %mul3A_582 = arith.mulf %mul3A_581, %bitcast_convert_type3A_578 : vector<16xf32>
        %mul3A_583 = arith.mulf %mul3A_582, %bitcast_convert_type3A_578 : vector<16xf32>
        %sub3A_584 = arith.constant 1.500000e+00 : f32
        %sub3A_585 = vector.broadcast %sub3A_584 : f32 to vector<16xf32>
        %sub3A_586 = arith.subf %sub3A_585, %mul3A_583 : vector<16xf32>
        %mul3A_587 = arith.mulf %bitcast_convert_type3A_578, %sub3A_586 : vector<16xf32>
        %mul3A_588 = arith.constant 5.000000e-01 : f32
        %mul3A_589 = vector.broadcast %mul3A_588 : f32 to vector<16xf32>
        %mul3A_590 = arith.mulf %mul3A_589, %add3A_572 : vector<16xf32>
        %mul3A_591 = arith.mulf %mul3A_590, %mul3A_587 : vector<16xf32>
        %mul3A_592 = arith.mulf %mul3A_591, %mul3A_587 : vector<16xf32>
        %sub3A_593 = arith.constant 1.500000e+00 : f32
        %sub3A_594 = vector.broadcast %sub3A_593 : f32 to vector<16xf32>
        %sub3A_595 = arith.subf %sub3A_594, %mul3A_592 : vector<16xf32>
        %mul3A_596 = arith.mulf %mul3A_587, %sub3A_595 : vector<16xf32>
        %mul3A_597 = arith.constant 5.000000e-01 : f32
        %mul3A_598 = vector.broadcast %mul3A_597 : f32 to vector<16xf32>
        %mul3A_599 = arith.mulf %mul3A_598, %add3A_572 : vector<16xf32>
        %mul3A_600 = arith.mulf %mul3A_599, %mul3A_596 : vector<16xf32>
        %mul3A_601 = arith.mulf %mul3A_600, %mul3A_596 : vector<16xf32>
        %sub3A_602 = arith.constant 1.500000e+00 : f32
        %sub3A_603 = vector.broadcast %sub3A_602 : f32 to vector<16xf32>
        %sub3A_604 = arith.subf %sub3A_603, %mul3A_601 : vector<16xf32>
        %mul3A_605 = arith.mulf %mul3A_596, %sub3A_604 : vector<16xf32>
        %mul3A_606 = arith.mulf %mul3A_506, %mul3A_605 : vector<16xf32>
        %get3A_607 = arith.index_cast %scan3A_94 : i32 to index
        %get3A_608 = arith.constant 0 : index
        %get3A_609 = tpu.vector_load %arg8[%get3A_607, %get3A_608] {strides = array<i32>} : memref<64x768xf32, #tpu.memory_space<vmem>>, vector<1x16xf32>,
        %get3A_610 = vector.shape_cast %get3A_609 : vector<1x16xf32> to vector<16xf32>
        %mul3A_611 = arith.mulf %get3A_610, %mul3A_605 : vector<16xf32>
        %sub3A_612 = arith.subf %mul3A_611, %mul3A_606 : vector<16xf32>
        %get3A_613 = arith.constant 0 : index
        %get3A_614 = tpu.vector_load %arg10[%get3A_613] {strides = array<i32>} : memref<768xf32, #tpu.memory_space<vmem>>, vector<16xf32>,
        %get3A_615 = vector.shape_cast %get3A_614 : vector<16xf32> to vector<16xf32>
        %mul3A_616 = arith.mulf %sub3A_612, %get3A_615 : vector<16xf32>
        %get3A_617 = arith.constant 0 : index
        %get3A_618 = tpu.vector_load %arg11[%get3A_617] {strides = array<i32>} : memref<768xf32, #tpu.memory_space<vmem>>, vector<16xf32>,
        %get3A_619 = vector.shape_cast %get3A_618 : vector<16xf32> to vector<16xf32>
        %add3A_620 = arith.addf %mul3A_616, %get3A_619 : vector<16xf32>
        %swap3A = arith.index_cast %scan3A_94 : i32 to index
        %swap3A_621 = arith.constant 0 : index
        %swap3A_622 = tpu.vector_load %arg8[%swap3A, %swap3A_621] {strides = array<i32>} : memref<64x768xf32, #tpu.memory_space<vmem>>, vector<1x16xf32>,
        %swap3A_623 = vector.shape_cast %swap3A_622 : vector<1x16xf32> to vector<16xf32>
        %swap3A_624 = vector.shape_cast %add3A_620 : vector<16xf32> to vector<1x16xf32>
        tpu.vector_store %arg8[%swap3A, %swap3A_621], %swap3A_624 {strides = array<i32>} : memref<64x768xf32, #tpu.memory_space<vmem>>, vector<1x16xf32>,
        %get3A_625 = arith.index_cast %scan3A_94 : i32 to index
        %get3A_626 = arith.constant 16 : index
        %get3A_627 = tpu.vector_load %arg8[%get3A_625, %get3A_626] {strides = array<i32>} : memref<64x768xf32, #tpu.memory_space<vmem>>, vector<1x16xf32>,
        %get3A_628 = vector.shape_cast %get3A_627 : vector<1x16xf32> to vector<16xf32>
        %mul3A_629 = arith.mulf %get3A_628, %mul3A_605 : vector<16xf32>
        %sub3A_630 = arith.subf %mul3A_629, %mul3A_606 : vector<16xf32>
        %get3A_631 = arith.constant 16 : index
        %get3A_632 = tpu.vector_load %arg10[%get3A_631] {strides = array<i32>} : memref<768xf32, #tpu.memory_space<vmem>>, vector<16xf32>,
        %get3A_633 = vector.shape_cast %get3A_632 : vector<16xf32> to vector<16xf32>
        %mul3A_634 = arith.mulf %sub3A_630, %get3A_633 : vector<16xf32>
        %get3A_635 = arith.constant 16 : index
        %get3A_636 = tpu.vector_load %arg11[%get3A_635] {strides = array<i32>} : memref<768xf32, #tpu.memory_space<vmem>>, vector<16xf32>,
        %get3A_637 = vector.shape_cast %get3A_636 : vector<16xf32> to vector<16xf32>
        %add3A_638 = arith.addf %mul3A_634, %get3A_637 : vector<16xf32>
        %swap3A_639 = arith.index_cast %scan3A_94 : i32 to index
        %swap3A_640 = arith.constant 16 : index
        %swap3A_641 = tpu.vector_load %arg8[%swap3A_639, %swap3A_640] {strides = array<i32>} : memref<64x768xf32, #tpu.memory_space<vmem>>, vector<1x16xf32>,
        %swap3A_642 = vector.shape_cast %swap3A_641 : vector<1x16xf32> to vector<16xf32>
        %swap3A_643 = vector.shape_cast %add3A_638 : vector<16xf32> to vector<1x16xf32>
        tpu.vector_store %arg8[%swap3A_639, %swap3A_640], %swap3A_643 {strides = array<i32>} : memref<64x768xf32, #tpu.memory_space<vmem>>, vector<1x16xf32>,
        %get3A_644 = arith.index_cast %scan3A_94 : i32 to index
        %get3A_645 = arith.constant 32 : index
        %get3A_646 = tpu.vector_load %arg8[%get3A_644, %get3A_645] {strides = array<i32>} : memref<64x768xf32, #tpu.memory_space<vmem>>, vector<1x16xf32>,
        %get3A_647 = vector.shape_cast %get3A_646 : vector<1x16xf32> to vector<16xf32>
        %mul3A_648 = arith.mulf %get3A_647, %mul3A_605 : vector<16xf32>
        %sub3A_649 = arith.subf %mul3A_648, %mul3A_606 : vector<16xf32>
        %get3A_650 = arith.constant 32 : index
        %get3A_651 = tpu.vector_load %arg10[%get3A_650] {strides = array<i32>} : memref<768xf32, #tpu.memory_space<vmem>>, vector<16xf32>,
        %get3A_652 = vector.shape_cast %get3A_651 : vector<16xf32> to vector<16xf32>
        %mul3A_653 = arith.mulf %sub3A_649, %get3A_652 : vector<16xf32>
        %get3A_654 = arith.constant 32 : index
        %get3A_655 = tpu.vector_load %arg11[%get3A_654] {strides = array<i32>} : memref<768xf32, #tpu.memory_space<vmem>>, vector<16xf32>,
        %get3A_656 = vector.shape_cast %get3A_655 : vector<16xf32> to vector<16xf32>
        %add3A_657 = arith.addf %mul3A_653, %get3A_656 : vector<16xf32>
        %swap3A_658 = arith.index_cast %scan3A_94 : i32 to index
        %swap3A_659 = arith.constant 32 : index
        %swap3A_660 = tpu.vector_load %arg8[%swap3A_658, %swap3A_659] {strides = array<i32>} : memref<64x768xf32, #tpu.memory_space<vmem>>, vector<1x16xf32>,
        %swap3A_661 = vector.shape_cast %swap3A_660 : vector<1x16xf32> to vector<16xf32>
        %swap3A_662 = vector.shape_cast %add3A_657 : vector<16xf32> to vector<1x16xf32>
        tpu.vector_store %arg8[%swap3A_658, %swap3A_659], %swap3A_662 {strides = array<i32>} : memref<64x768xf32, #tpu.memory_space<vmem>>, vector<1x16xf32>,
        %get3A_663 = arith.index_cast %scan3A_94 : i32 to index
        %get3A_664 = arith.constant 48 : index
        %get3A_665 = tpu.vector_load %arg8[%get3A_663, %get3A_664] {strides = array<i32>} : memref<64x768xf32, #tpu.memory_space<vmem>>, vector<1x16xf32>,
        %get3A_666 = vector.shape_cast %get3A_665 : vector<1x16xf32> to vector<16xf32>
        %mul3A_667 = arith.mulf %get3A_666, %mul3A_605 : vector<16xf32>
        %sub3A_668 = arith.subf %mul3A_667, %mul3A_606 : vector<16xf32>
        %get3A_669 = arith.constant 48 : index
        %get3A_670 = tpu.vector_load %arg10[%get3A_669] {strides = array<i32>} : memref<768xf32, #tpu.memory_space<vmem>>, vector<16xf32>,
        %get3A_671 = vector.shape_cast %get3A_670 : vector<16xf32> to vector<16xf32>
        %mul3A_672 = arith.mulf %sub3A_668, %get3A_671 : vector<16xf32>
        %get3A_673 = arith.constant 48 : index
        %get3A_674 = tpu.vector_load %arg11[%get3A_673] {strides = array<i32>} : memref<768xf32, #tpu.memory_space<vmem>>, vector<16xf32>,
        %get3A_675 = vector.shape_cast %get3A_674 : vector<16xf32> to vector<16xf32>
        %add3A_676 = arith.addf %mul3A_672, %get3A_675 : vector<16xf32>
        %swap3A_677 = arith.index_cast %scan3A_94 : i32 to index
        %swap3A_678 = arith.constant 48 : index
        %swap3A_679 = tpu.vector_load %arg8[%swap3A_677, %swap3A_678] {strides = array<i32>} : memref<64x768xf32, #tpu.memory_space<vmem>>, vector<1x16xf32>,
        %swap3A_680 = vector.shape_cast %swap3A_679 : vector<1x16xf32> to vector<16xf32>
        %swap3A_681 = vector.shape_cast %add3A_676 : vector<16xf32> to vector<1x16xf32>
        tpu.vector_store %arg8[%swap3A_677, %swap3A_678], %swap3A_681 {strides = array<i32>} : memref<64x768xf32, #tpu.memory_space<vmem>>, vector<1x16xf32>,
        %get3A_682 = arith.index_cast %scan3A_94 : i32 to index
        %get3A_683 = arith.constant 64 : index
        %get3A_684 = tpu.vector_load %arg8[%get3A_682, %get3A_683] {strides = array<i32>} : memref<64x768xf32, #tpu.memory_space<vmem>>, vector<1x16xf32>,
        %get3A_685 = vector.shape_cast %get3A_684 : vector<1x16xf32> to vector<16xf32>
        %mul3A_686 = arith.mulf %get3A_685, %mul3A_605 : vector<16xf32>
        %sub3A_687 = arith.subf %mul3A_686, %mul3A_606 : vector<16xf32>
        %get3A_688 = arith.constant 64 : index
        %get3A_689 = tpu.vector_load %arg10[%get3A_688] {strides = array<i32>} : memref<768xf32, #tpu.memory_space<vmem>>, vector<16xf32>,
        %get3A_690 = vector.shape_cast %get3A_689 : vector<16xf32> to vector<16xf32>
        %mul3A_691 = arith.mulf %sub3A_687, %get3A_690 : vector<16xf32>
        %get3A_692 = arith.constant 64 : index
        %get3A_693 = tpu.vector_load %arg11[%get3A_692] {strides = array<i32>} : memref<768xf32, #tpu.memory_space<vmem>>, vector<16xf32>,
        %get3A_694 = vector.shape_cast %get3A_693 : vector<16xf32> to vector<16xf32>
        %add3A_695 = arith.addf %mul3A_691, %get3A_694 : vector<16xf32>
        %swap3A_696 = arith.index_cast %scan3A_94 : i32 to index
        %swap3A_697 = arith.constant 64 : index
        %swap3A_698 = tpu.vector_load %arg8[%swap3A_696, %swap3A_697] {strides = array<i32>} : memref<64x768xf32, #tpu.memory_space<vmem>>, vector<1x16xf32>,
        %swap3A_699 = vector.shape_cast %swap3A_698 : vector<1x16xf32> to vector<16xf32>
        %swap3A_700 = vector.shape_cast %add3A_695 : vector<16xf32> to vector<1x16xf32>
        tpu.vector_store %arg8[%swap3A_696, %swap3A_697], %swap3A_700 {strides = array<i32>} : memref<64x768xf32, #tpu.memory_space<vmem>>, vector<1x16xf32>,
        %get3A_701 = arith.index_cast %scan3A_94 : i32 to index
        %get3A_702 = arith.constant 80 : index
        %get3A_703 = tpu.vector_load %arg8[%get3A_701, %get3A_702] {strides = array<i32>} : memref<64x768xf32, #tpu.memory_space<vmem>>, vector<1x16xf32>,
        %get3A_704 = vector.shape_cast %get3A_703 : vector<1x16xf32> to vector<16xf32>
        %mul3A_705 = arith.mulf %get3A_704, %mul3A_605 : vector<16xf32>
        %sub3A_706 = arith.subf %mul3A_705, %mul3A_606 : vector<16xf32>
        %get3A_707 = arith.constant 80 : index
        %get3A_708 = tpu.vector_load %arg10[%get3A_707] {strides = array<i32>} : memref<768xf32, #tpu.memory_space<vmem>>, vector<16xf32>,
        %get3A_709 = vector.shape_cast %get3A_708 : vector<16xf32> to vector<16xf32>
        %mul3A_710 = arith.mulf %sub3A_706, %get3A_709 : vector<16xf32>
        %get3A_711 = arith.constant 80 : index
        %get3A_712 = tpu.vector_load %arg11[%get3A_711] {strides = array<i32>} : memref<768xf32, #tpu.memory_space<vmem>>, vector<16xf32>,
        %get3A_713 = vector.shape_cast %get3A_712 : vector<16xf32> to vector<16xf32>
        %add3A_714 = arith.addf %mul3A_710, %get3A_713 : vector<16xf32>
        %swap3A_715 = arith.index_cast %scan3A_94 : i32 to index
        %swap3A_716 = arith.constant 80 : index
        %swap3A_717 = tpu.vector_load %arg8[%swap3A_715, %swap3A_716] {strides = array<i32>} : memref<64x768xf32, #tpu.memory_space<vmem>>, vector<1x16xf32>,
        %swap3A_718 = vector.shape_cast %swap3A_717 : vector<1x16xf32> to vector<16xf32>
        %swap3A_719 = vector.shape_cast %add3A_714 : vector<16xf32> to vector<1x16xf32>
        tpu.vector_store %arg8[%swap3A_715, %swap3A_716], %swap3A_719 {strides = array<i32>} : memref<64x768xf32, #tpu.memory_space<vmem>>, vector<1x16xf32>,
        %get3A_720 = arith.index_cast %scan3A_94 : i32 to index
        %get3A_721 = arith.constant 96 : index
        %get3A_722 = tpu.vector_load %arg8[%get3A_720, %get3A_721] {strides = array<i32>} : memref<64x768xf32, #tpu.memory_space<vmem>>, vector<1x16xf32>,
        %get3A_723 = vector.shape_cast %get3A_722 : vector<1x16xf32> to vector<16xf32>
        %mul3A_724 = arith.mulf %get3A_723, %mul3A_605 : vector<16xf32>
        %sub3A_725 = arith.subf %mul3A_724, %mul3A_606 : vector<16xf32>
        %get3A_726 = arith.constant 96 : index
        %get3A_727 = tpu.vector_load %arg10[%get3A_726] {strides = array<i32>} : memref<768xf32, #tpu.memory_space<vmem>>, vector<16xf32>,
        %get3A_728 = vector.shape_cast %get3A_727 : vector<16xf32> to vector<16xf32>
        %mul3A_729 = arith.mulf %sub3A_725, %get3A_728 : vector<16xf32>
        %get3A_730 = arith.constant 96 : index
        %get3A_731 = tpu.vector_load %arg11[%get3A_730] {strides = array<i32>} : memref<768xf32, #tpu.memory_space<vmem>>, vector<16xf32>,
        %get3A_732 = vector.shape_cast %get3A_731 : vector<16xf32> to vector<16xf32>
        %add3A_733 = arith.addf %mul3A_729, %get3A_732 : vector<16xf32>
        %swap3A_734 = arith.index_cast %scan3A_94 : i32 to index
        %swap3A_735 = arith.constant 96 : index
        %swap3A_736 = tpu.vector_load %arg8[%swap3A_734, %swap3A_735] {strides = array<i32>} : memref<64x768xf32, #tpu.memory_space<vmem>>, vector<1x16xf32>,
        %swap3A_737 = vector.shape_cast %swap3A_736 : vector<1x16xf32> to vector<16xf32>
        %swap3A_738 = vector.shape_cast %add3A_733 : vector<16xf32> to vector<1x16xf32>
        tpu.vector_store %arg8[%swap3A_734, %swap3A_735], %swap3A_738 {strides = array<i32>} : memref<64x768xf32, #tpu.memory_space<vmem>>, vector<1x16xf32>,
        %get3A_739 = arith.index_cast %scan3A_94 : i32 to index
        %get3A_740 = arith.constant 112 : index
        %get3A_741 = tpu.vector_load %arg8[%get3A_739, %get3A_740] {strides = array<i32>} : memref<64x768xf32, #tpu.memory_space<vmem>>, vector<1x16xf32>,
        %get3A_742 = vector.shape_cast %get3A_741 : vector<1x16xf32> to vector<16xf32>
        %mul3A_743 = arith.mulf %get3A_742, %mul3A_605 : vector<16xf32>
        %sub3A_744 = arith.subf %mul3A_743, %mul3A_606 : vector<16xf32>
        %get3A_745 = arith.constant 112 : index
        %get3A_746 = tpu.vector_load %arg10[%get3A_745] {strides = array<i32>} : memref<768xf32, #tpu.memory_space<vmem>>, vector<16xf32>,
        %get3A_747 = vector.shape_cast %get3A_746 : vector<16xf32> to vector<16xf32>
        %mul3A_748 = arith.mulf %sub3A_744, %get3A_747 : vector<16xf32>
        %get3A_749 = arith.constant 112 : index
        %get3A_750 = tpu.vector_load %arg11[%get3A_749] {strides = array<i32>} : memref<768xf32, #tpu.memory_space<vmem>>, vector<16xf32>,
        %get3A_751 = vector.shape_cast %get3A_750 : vector<16xf32> to vector<16xf32>
        %add3A_752 = arith.addf %mul3A_748, %get3A_751 : vector<16xf32>
        %swap3A_753 = arith.index_cast %scan3A_94 : i32 to index
        %swap3A_754 = arith.constant 112 : index
        %swap3A_755 = tpu.vector_load %arg8[%swap3A_753, %swap3A_754] {strides = array<i32>} : memref<64x768xf32, #tpu.memory_space<vmem>>, vector<1x16xf32>,
        %swap3A_756 = vector.shape_cast %swap3A_755 : vector<1x16xf32> to vector<16xf32>
        %swap3A_757 = vector.shape_cast %add3A_752 : vector<16xf32> to vector<1x16xf32>
        tpu.vector_store %arg8[%swap3A_753, %swap3A_754], %swap3A_757 {strides = array<i32>} : memref<64x768xf32, #tpu.memory_space<vmem>>, vector<1x16xf32>,
        %get3A_758 = arith.index_cast %scan3A_94 : i32 to index
        %get3A_759 = arith.constant 128 : index
        %get3A_760 = tpu.vector_load %arg8[%get3A_758, %get3A_759] {strides = array<i32>} : memref<64x768xf32, #tpu.memory_space<vmem>>, vector<1x16xf32>,
        %get3A_761 = vector.shape_cast %get3A_760 : vector<1x16xf32> to vector<16xf32>
        %mul3A_762 = arith.mulf %get3A_761, %mul3A_605 : vector<16xf32>
        %sub3A_763 = arith.subf %mul3A_762, %mul3A_606 : vector<16xf32>
        %get3A_764 = arith.constant 128 : index
        %get3A_765 = tpu.vector_load %arg10[%get3A_764] {strides = array<i32>} : memref<768xf32, #tpu.memory_space<vmem>>, vector<16xf32>,
        %get3A_766 = vector.shape_cast %get3A_765 : vector<16xf32> to vector<16xf32>
        %mul3A_767 = arith.mulf %sub3A_763, %get3A_766 : vector<16xf32>
        %get3A_768 = arith.constant 128 : index
        %get3A_769 = tpu.vector_load %arg11[%get3A_768] {strides = array<i32>} : memref<768xf32, #tpu.memory_space<vmem>>, vector<16xf32>,
        %get3A_770 = vector.shape_cast %get3A_769 : vector<16xf32> to vector<16xf32>
        %add3A_771 = arith.addf %mul3A_767, %get3A_770 : vector<16xf32>
        %swap3A_772 = arith.index_cast %scan3A_94 : i32 to index
        %swap3A_773 = arith.constant 128 : index
        %swap3A_774 = tpu.vector_load %arg8[%swap3A_772, %swap3A_773] {strides = array<i32>} : memref<64x768xf32, #tpu.memory_space<vmem>>, vector<1x16xf32>,
        %swap3A_775 = vector.shape_cast %swap3A_774 : vector<1x16xf32> to vector<16xf32>
        %swap3A_776 = vector.shape_cast %add3A_771 : vector<16xf32> to vector<1x16xf32>
        tpu.vector_store %arg8[%swap3A_772, %swap3A_773], %swap3A_776 {strides = array<i32>} : memref<64x768xf32, #tpu.memory_space<vmem>>, vector<1x16xf32>,
        %get3A_777 = arith.index_cast %scan3A_94 : i32 to index
        %get3A_778 = arith.constant 144 : index
        %get3A_779 = tpu.vector_load %arg8[%get3A_777, %get3A_778] {strides = array<i32>} : memref<64x768xf32, #tpu.memory_space<vmem>>, vector<1x16xf32>,
        %get3A_780 = vector.shape_cast %get3A_779 : vector<1x16xf32> to vector<16xf32>
        %mul3A_781 = arith.mulf %get3A_780, %mul3A_605 : vector<16xf32>
        %sub3A_782 = arith.subf %mul3A_781, %mul3A_606 : vector<16xf32>
        %get3A_783 = arith.constant 144 : index
        %get3A_784 = tpu.vector_load %arg10[%get3A_783] {strides = array<i32>} : memref<768xf32, #tpu.memory_space<vmem>>, vector<16xf32>,
        %get3A_785 = vector.shape_cast %get3A_784 : vector<16xf32> to vector<16xf32>
        %mul3A_786 = arith.mulf %sub3A_782, %get3A_785 : vector<16xf32>
        %get3A_787 = arith.constant 144 : index
        %get3A_788 = tpu.vector_load %arg11[%get3A_787] {strides = array<i32>} : memref<768xf32, #tpu.memory_space<vmem>>, vector<16xf32>,
        %get3A_789 = vector.shape_cast %get3A_788 : vector<16xf32> to vector<16xf32>
        %add3A_790 = arith.addf %mul3A_786, %get3A_789 : vector<16xf32>
        %swap3A_791 = arith.index_cast %scan3A_94 : i32 to index
        %swap3A_792 = arith.constant 144 : index
        %swap3A_793 = tpu.vector_load %arg8[%swap3A_791, %swap3A_792] {strides = array<i32>} : memref<64x768xf32, #tpu.memory_space<vmem>>, vector<1x16xf32>,
        %swap3A_794 = vector.shape_cast %swap3A_793 : vector<1x16xf32> to vector<16xf32>
        %swap3A_795 = vector.shape_cast %add3A_790 : vector<16xf32> to vector<1x16xf32>
        tpu.vector_store %arg8[%swap3A_791, %swap3A_792], %swap3A_795 {strides = array<i32>} : memref<64x768xf32, #tpu.memory_space<vmem>>, vector<1x16xf32>,
        %get3A_796 = arith.index_cast %scan3A_94 : i32 to index
        %get3A_797 = arith.constant 160 : index
        %get3A_798 = tpu.vector_load %arg8[%get3A_796, %get3A_797] {strides = array<i32>} : memref<64x768xf32, #tpu.memory_space<vmem>>, vector<1x16xf32>,
        %get3A_799 = vector.shape_cast %get3A_798 : vector<1x16xf32> to vector<16xf32>
        %mul3A_800 = arith.mulf %get3A_799, %mul3A_605 : vector<16xf32>
        %sub3A_801 = arith.subf %mul3A_800, %mul3A_606 : vector<16xf32>
        %get3A_802 = arith.constant 160 : index
        %get3A_803 = tpu.vector_load %arg10[%get3A_802] {strides = array<i32>} : memref<768xf32, #tpu.memory_space<vmem>>, vector<16xf32>,
        %get3A_804 = vector.shape_cast %get3A_803 : vector<16xf32> to vector<16xf32>
        %mul3A_805 = arith.mulf %sub3A_801, %get3A_804 : vector<16xf32>
        %get3A_806 = arith.constant 160 : index
        %get3A_807 = tpu.vector_load %arg11[%get3A_806] {strides = array<i32>} : memref<768xf32, #tpu.memory_space<vmem>>, vector<16xf32>,
        %get3A_808 = vector.shape_cast %get3A_807 : vector<16xf32> to vector<16xf32>
        %add3A_809 = arith.addf %mul3A_805, %get3A_808 : vector<16xf32>
        %swap3A_810 = arith.index_cast %scan3A_94 : i32 to index
        %swap3A_811 = arith.constant 160 : index
        %swap3A_812 = tpu.vector_load %arg8[%swap3A_810, %swap3A_811] {strides = array<i32>} : memref<64x768xf32, #tpu.memory_space<vmem>>, vector<1x16xf32>,
        %swap3A_813 = vector.shape_cast %swap3A_812 : vector<1x16xf32> to vector<16xf32>
        %swap3A_814 = vector.shape_cast %add3A_809 : vector<16xf32> to vector<1x16xf32>
        tpu.vector_store %arg8[%swap3A_810, %swap3A_811], %swap3A_814 {strides = array<i32>} : memref<64x768xf32, #tpu.memory_space<vmem>>, vector<1x16xf32>,
        %get3A_815 = arith.index_cast %scan3A_94 : i32 to index
        %get3A_816 = arith.constant 176 : index
        %get3A_817 = tpu.vector_load %arg8[%get3A_815, %get3A_816] {strides = array<i32>} : memref<64x768xf32, #tpu.memory_space<vmem>>, vector<1x16xf32>,
        %get3A_818 = vector.shape_cast %get3A_817 : vector<1x16xf32> to vector<16xf32>
        %mul3A_819 = arith.mulf %get3A_818, %mul3A_605 : vector<16xf32>
        %sub3A_820 = arith.subf %mul3A_819, %mul3A_606 : vector<16xf32>
        %get3A_821 = arith.constant 176 : index
        %get3A_822 = tpu.vector_load %arg10[%get3A_821] {strides = array<i32>} : memref<768xf32, #tpu.memory_space<vmem>>, vector<16xf32>,
        %get3A_823 = vector.shape_cast %get3A_822 : vector<16xf32> to vector<16xf32>
        %mul3A_824 = arith.mulf %sub3A_820, %get3A_823 : vector<16xf32>
        %get3A_825 = arith.constant 176 : index
        %get3A_826 = tpu.vector_load %arg11[%get3A_825] {strides = array<i32>} : memref<768xf32, #tpu.memory_space<vmem>>, vector<16xf32>,
        %get3A_827 = vector.shape_cast %get3A_826 : vector<16xf32> to vector<16xf32>
        %add3A_828 = arith.addf %mul3A_824, %get3A_827 : vector<16xf32>
        %swap3A_829 = arith.index_cast %scan3A_94 : i32 to index
        %swap3A_830 = arith.constant 176 : index
        %swap3A_831 = tpu.vector_load %arg8[%swap3A_829, %swap3A_830] {strides = array<i32>} : memref<64x768xf32, #tpu.memory_space<vmem>>, vector<1x16xf32>,
        %swap3A_832 = vector.shape_cast %swap3A_831 : vector<1x16xf32> to vector<16xf32>
        %swap3A_833 = vector.shape_cast %add3A_828 : vector<16xf32> to vector<1x16xf32>
        tpu.vector_store %arg8[%swap3A_829, %swap3A_830], %swap3A_833 {strides = array<i32>} : memref<64x768xf32, #tpu.memory_space<vmem>>, vector<1x16xf32>,
        %get3A_834 = arith.index_cast %scan3A_94 : i32 to index
        %get3A_835 = arith.constant 192 : index
        %get3A_836 = tpu.vector_load %arg8[%get3A_834, %get3A_835] {strides = array<i32>} : memref<64x768xf32, #tpu.memory_space<vmem>>, vector<1x16xf32>,
        %get3A_837 = vector.shape_cast %get3A_836 : vector<1x16xf32> to vector<16xf32>
        %mul3A_838 = arith.mulf %get3A_837, %mul3A_605 : vector<16xf32>
        %sub3A_839 = arith.subf %mul3A_838, %mul3A_606 : vector<16xf32>
        %get3A_840 = arith.constant 192 : index
        %get3A_841 = tpu.vector_load %arg10[%get3A_840] {strides = array<i32>} : memref<768xf32, #tpu.memory_space<vmem>>, vector<16xf32>,
        %get3A_842 = vector.shape_cast %get3A_841 : vector<16xf32> to vector<16xf32>
        %mul3A_843 = arith.mulf %sub3A_839, %get3A_842 : vector<16xf32>
        %get3A_844 = arith.constant 192 : index
        %get3A_845 = tpu.vector_load %arg11[%get3A_844] {strides = array<i32>} : memref<768xf32, #tpu.memory_space<vmem>>, vector<16xf32>,
        %get3A_846 = vector.shape_cast %get3A_845 : vector<16xf32> to vector<16xf32>
        %add3A_847 = arith.addf %mul3A_843, %get3A_846 : vector<16xf32>
        %swap3A_848 = arith.index_cast %scan3A_94 : i32 to index
        %swap3A_849 = arith.constant 192 : index
        %swap3A_850 = tpu.vector_load %arg8[%swap3A_848, %swap3A_849] {strides = array<i32>} : memref<64x768xf32, #tpu.memory_space<vmem>>, vector<1x16xf32>,
        %swap3A_851 = vector.shape_cast %swap3A_850 : vector<1x16xf32> to vector<16xf32>
        %swap3A_852 = vector.shape_cast %add3A_847 : vector<16xf32> to vector<1x16xf32>
        tpu.vector_store %arg8[%swap3A_848, %swap3A_849], %swap3A_852 {strides = array<i32>} : memref<64x768xf32, #tpu.memory_space<vmem>>, vector<1x16xf32>,
        %get3A_853 = arith.index_cast %scan3A_94 : i32 to index
        %get3A_854 = arith.constant 208 : index
        %get3A_855 = tpu.vector_load %arg8[%get3A_853, %get3A_854] {strides = array<i32>} : memref<64x768xf32, #tpu.memory_space<vmem>>, vector<1x16xf32>,
        %get3A_856 = vector.shape_cast %get3A_855 : vector<1x16xf32> to vector<16xf32>
        %mul3A_857 = arith.mulf %get3A_856, %mul3A_605 : vector<16xf32>
        %sub3A_858 = arith.subf %mul3A_857, %mul3A_606 : vector<16xf32>
        %get3A_859 = arith.constant 208 : index
        %get3A_860 = tpu.vector_load %arg10[%get3A_859] {strides = array<i32>} : memref<768xf32, #tpu.memory_space<vmem>>, vector<16xf32>,
        %get3A_861 = vector.shape_cast %get3A_860 : vector<16xf32> to vector<16xf32>
        %mul3A_862 = arith.mulf %sub3A_858, %get3A_861 : vector<16xf32>
        %get3A_863 = arith.constant 208 : index
        %get3A_864 = tpu.vector_load %arg11[%get3A_863] {strides = array<i32>} : memref<768xf32, #tpu.memory_space<vmem>>, vector<16xf32>,
        %get3A_865 = vector.shape_cast %get3A_864 : vector<16xf32> to vector<16xf32>
        %add3A_866 = arith.addf %mul3A_862, %get3A_865 : vector<16xf32>
        %swap3A_867 = arith.index_cast %scan3A_94 : i32 to index
        %swap3A_868 = arith.constant 208 : index
        %swap3A_869 = tpu.vector_load %arg8[%swap3A_867, %swap3A_868] {strides = array<i32>} : memref<64x768xf32, #tpu.memory_space<vmem>>, vector<1x16xf32>,
        %swap3A_870 = vector.shape_cast %swap3A_869 : vector<1x16xf32> to vector<16xf32>
        %swap3A_871 = vector.shape_cast %add3A_866 : vector<16xf32> to vector<1x16xf32>
        tpu.vector_store %arg8[%swap3A_867, %swap3A_868], %swap3A_871 {strides = array<i32>} : memref<64x768xf32, #tpu.memory_space<vmem>>, vector<1x16xf32>,
        %get3A_872 = arith.index_cast %scan3A_94 : i32 to index
        %get3A_873 = arith.constant 224 : index
        %get3A_874 = tpu.vector_load %arg8[%get3A_872, %get3A_873] {strides = array<i32>} : memref<64x768xf32, #tpu.memory_space<vmem>>, vector<1x16xf32>,
        %get3A_875 = vector.shape_cast %get3A_874 : vector<1x16xf32> to vector<16xf32>
        %mul3A_876 = arith.mulf %get3A_875, %mul3A_605 : vector<16xf32>
        %sub3A_877 = arith.subf %mul3A_876, %mul3A_606 : vector<16xf32>
        %get3A_878 = arith.constant 224 : index
        %get3A_879 = tpu.vector_load %arg10[%get3A_878] {strides = array<i32>} : memref<768xf32, #tpu.memory_space<vmem>>, vector<16xf32>,
        %get3A_880 = vector.shape_cast %get3A_879 : vector<16xf32> to vector<16xf32>
        %mul3A_881 = arith.mulf %sub3A_877, %get3A_880 : vector<16xf32>
        %get3A_882 = arith.constant 224 : index
        %get3A_883 = tpu.vector_load %arg11[%get3A_882] {strides = array<i32>} : memref<768xf32, #tpu.memory_space<vmem>>, vector<16xf32>,
        %get3A_884 = vector.shape_cast %get3A_883 : vector<16xf32> to vector<16xf32>
        %add3A_885 = arith.addf %mul3A_881, %get3A_884 : vector<16xf32>
        %swap3A_886 = arith.index_cast %scan3A_94 : i32 to index
        %swap3A_887 = arith.constant 224 : index
        %swap3A_888 = tpu.vector_load %arg8[%swap3A_886, %swap3A_887] {strides = array<i32>} : memref<64x768xf32, #tpu.memory_space<vmem>>, vector<1x16xf32>,
        %swap3A_889 = vector.shape_cast %swap3A_888 : vector<1x16xf32> to vector<16xf32>
        %swap3A_890 = vector.shape_cast %add3A_885 : vector<16xf32> to vector<1x16xf32>
        tpu.vector_store %arg8[%swap3A_886, %swap3A_887], %swap3A_890 {strides = array<i32>} : memref<64x768xf32, #tpu.memory_space<vmem>>, vector<1x16xf32>,
        %get3A_891 = arith.index_cast %scan3A_94 : i32 to index
        %get3A_892 = arith.constant 240 : index
        %get3A_893 = tpu.vector_load %arg8[%get3A_891, %get3A_892] {strides = array<i32>} : memref<64x768xf32, #tpu.memory_space<vmem>>, vector<1x16xf32>,
        %get3A_894 = vector.shape_cast %get3A_893 : vector<1x16xf32> to vector<16xf32>
        %mul3A_895 = arith.mulf %get3A_894, %mul3A_605 : vector<16xf32>
        %sub3A_896 = arith.subf %mul3A_895, %mul3A_606 : vector<16xf32>
        %get3A_897 = arith.constant 240 : index
        %get3A_898 = tpu.vector_load %arg10[%get3A_897] {strides = array<i32>} : memref<768xf32, #tpu.memory_space<vmem>>, vector<16xf32>,
        %get3A_899 = vector.shape_cast %get3A_898 : vector<16xf32> to vector<16xf32>
        %mul3A_900 = arith.mulf %sub3A_896, %get3A_899 : vector<16xf32>
        %get3A_901 = arith.constant 240 : index
        %get3A_902 = tpu.vector_load %arg11[%get3A_901] {strides = array<i32>} : memref<768xf32, #tpu.memory_space<vmem>>, vector<16xf32>,
        %get3A_903 = vector.shape_cast %get3A_902 : vector<16xf32> to vector<16xf32>
        %add3A_904 = arith.addf %mul3A_900, %get3A_903 : vector<16xf32>
        %swap3A_905 = arith.index_cast %scan3A_94 : i32 to index
        %swap3A_906 = arith.constant 240 : index
        %swap3A_907 = tpu.vector_load %arg8[%swap3A_905, %swap3A_906] {strides = array<i32>} : memref<64x768xf32, #tpu.memory_space<vmem>>, vector<1x16xf32>,
        %swap3A_908 = vector.shape_cast %swap3A_907 : vector<1x16xf32> to vector<16xf32>
        %swap3A_909 = vector.shape_cast %add3A_904 : vector<16xf32> to vector<1x16xf32>
        tpu.vector_store %arg8[%swap3A_905, %swap3A_906], %swap3A_909 {strides = array<i32>} : memref<64x768xf32, #tpu.memory_space<vmem>>, vector<1x16xf32>,
        %get3A_910 = arith.index_cast %scan3A_94 : i32 to index
        %get3A_911 = arith.constant 256 : index
        %get3A_912 = tpu.vector_load %arg8[%get3A_910, %get3A_911] {strides = array<i32>} : memref<64x768xf32, #tpu.memory_space<vmem>>, vector<1x16xf32>,
        %get3A_913 = vector.shape_cast %get3A_912 : vector<1x16xf32> to vector<16xf32>
        %mul3A_914 = arith.mulf %get3A_913, %mul3A_605 : vector<16xf32>
        %sub3A_915 = arith.subf %mul3A_914, %mul3A_606 : vector<16xf32>
        %get3A_916 = arith.constant 256 : index
        %get3A_917 = tpu.vector_load %arg10[%get3A_916] {strides = array<i32>} : memref<768xf32, #tpu.memory_space<vmem>>, vector<16xf32>,
        %get3A_918 = vector.shape_cast %get3A_917 : vector<16xf32> to vector<16xf32>
        %mul3A_919 = arith.mulf %sub3A_915, %get3A_918 : vector<16xf32>
        %get3A_920 = arith.constant 256 : index
        %get3A_921 = tpu.vector_load %arg11[%get3A_920] {strides = array<i32>} : memref<768xf32, #tpu.memory_space<vmem>>, vector<16xf32>,
        %get3A_922 = vector.shape_cast %get3A_921 : vector<16xf32> to vector<16xf32>
        %add3A_923 = arith.addf %mul3A_919, %get3A_922 : vector<16xf32>
        %swap3A_924 = arith.index_cast %scan3A_94 : i32 to index
        %swap3A_925 = arith.constant 256 : index
        %swap3A_926 = tpu.vector_load %arg8[%swap3A_924, %swap3A_925] {strides = array<i32>} : memref<64x768xf32, #tpu.memory_space<vmem>>, vector<1x16xf32>,
        %swap3A_927 = vector.shape_cast %swap3A_926 : vector<1x16xf32> to vector<16xf32>
        %swap3A_928 = vector.shape_cast %add3A_923 : vector<16xf32> to vector<1x16xf32>
        tpu.vector_store %arg8[%swap3A_924, %swap3A_925], %swap3A_928 {strides = array<i32>} : memref<64x768xf32, #tpu.memory_space<vmem>>, vector<1x16xf32>,
        %get3A_929 = arith.index_cast %scan3A_94 : i32 to index
        %get3A_930 = arith.constant 272 : index
        %get3A_931 = tpu.vector_load %arg8[%get3A_929, %get3A_930] {strides = array<i32>} : memref<64x768xf32, #tpu.memory_space<vmem>>, vector<1x16xf32>,
        %get3A_932 = vector.shape_cast %get3A_931 : vector<1x16xf32> to vector<16xf32>
        %mul3A_933 = arith.mulf %get3A_932, %mul3A_605 : vector<16xf32>
        %sub3A_934 = arith.subf %mul3A_933, %mul3A_606 : vector<16xf32>
        %get3A_935 = arith.constant 272 : index
        %get3A_936 = tpu.vector_load %arg10[%get3A_935] {strides = array<i32>} : memref<768xf32, #tpu.memory_space<vmem>>, vector<16xf32>,
        %get3A_937 = vector.shape_cast %get3A_936 : vector<16xf32> to vector<16xf32>
        %mul3A_938 = arith.mulf %sub3A_934, %get3A_937 : vector<16xf32>
        %get3A_939 = arith.constant 272 : index
        %get3A_940 = tpu.vector_load %arg11[%get3A_939] {strides = array<i32>} : memref<768xf32, #tpu.memory_space<vmem>>, vector<16xf32>,
        %get3A_941 = vector.shape_cast %get3A_940 : vector<16xf32> to vector<16xf32>
        %add3A_942 = arith.addf %mul3A_938, %get3A_941 : vector<16xf32>
        %swap3A_943 = arith.index_cast %scan3A_94 : i32 to index
        %swap3A_944 = arith.constant 272 : index
        %swap3A_945 = tpu.vector_load %arg8[%swap3A_943, %swap3A_944] {strides = array<i32>} : memref<64x768xf32, #tpu.memory_space<vmem>>, vector<1x16xf32>,
        %swap3A_946 = vector.shape_cast %swap3A_945 : vector<1x16xf32> to vector<16xf32>
        %swap3A_947 = vector.shape_cast %add3A_942 : vector<16xf32> to vector<1x16xf32>
        tpu.vector_store %arg8[%swap3A_943, %swap3A_944], %swap3A_947 {strides = array<i32>} : memref<64x768xf32, #tpu.memory_space<vmem>>, vector<1x16xf32>,
        %get3A_948 = arith.index_cast %scan3A_94 : i32 to index
        %get3A_949 = arith.constant 288 : index
        %get3A_950 = tpu.vector_load %arg8[%get3A_948, %get3A_949] {strides = array<i32>} : memref<64x768xf32, #tpu.memory_space<vmem>>, vector<1x16xf32>,
        %get3A_951 = vector.shape_cast %get3A_950 : vector<1x16xf32> to vector<16xf32>
        %mul3A_952 = arith.mulf %get3A_951, %mul3A_605 : vector<16xf32>
        %sub3A_953 = arith.subf %mul3A_952, %mul3A_606 : vector<16xf32>
        %get3A_954 = arith.constant 288 : index
        %get3A_955 = tpu.vector_load %arg10[%get3A_954] {strides = array<i32>} : memref<768xf32, #tpu.memory_space<vmem>>, vector<16xf32>,
        %get3A_956 = vector.shape_cast %get3A_955 : vector<16xf32> to vector<16xf32>
        %mul3A_957 = arith.mulf %sub3A_953, %get3A_956 : vector<16xf32>
        %get3A_958 = arith.constant 288 : index
        %get3A_959 = tpu.vector_load %arg11[%get3A_958] {strides = array<i32>} : memref<768xf32, #tpu.memory_space<vmem>>, vector<16xf32>,
        %get3A_960 = vector.shape_cast %get3A_959 : vector<16xf32> to vector<16xf32>
        %add3A_961 = arith.addf %mul3A_957, %get3A_960 : vector<16xf32>
        %swap3A_962 = arith.index_cast %scan3A_94 : i32 to index
        %swap3A_963 = arith.constant 288 : index
        %swap3A_964 = tpu.vector_load %arg8[%swap3A_962, %swap3A_963] {strides = array<i32>} : memref<64x768xf32, #tpu.memory_space<vmem>>, vector<1x16xf32>,
        %swap3A_965 = vector.shape_cast %swap3A_964 : vector<1x16xf32> to vector<16xf32>
        %swap3A_966 = vector.shape_cast %add3A_961 : vector<16xf32> to vector<1x16xf32>
        tpu.vector_store %arg8[%swap3A_962, %swap3A_963], %swap3A_966 {strides = array<i32>} : memref<64x768xf32, #tpu.memory_space<vmem>>, vector<1x16xf32>,
        %get3A_967 = arith.index_cast %scan3A_94 : i32 to index
        %get3A_968 = arith.constant 304 : index
        %get3A_969 = tpu.vector_load %arg8[%get3A_967, %get3A_968] {strides = array<i32>} : memref<64x768xf32, #tpu.memory_space<vmem>>, vector<1x16xf32>,
        %get3A_970 = vector.shape_cast %get3A_969 : vector<1x16xf32> to vector<16xf32>
        %mul3A_971 = arith.mulf %get3A_970, %mul3A_605 : vector<16xf32>
        %sub3A_972 = arith.subf %mul3A_971, %mul3A_606 : vector<16xf32>
        %get3A_973 = arith.constant 304 : index
        %get3A_974 = tpu.vector_load %arg10[%get3A_973] {strides = array<i32>} : memref<768xf32, #tpu.memory_space<vmem>>, vector<16xf32>,
        %get3A_975 = vector.shape_cast %get3A_974 : vector<16xf32> to vector<16xf32>
        %mul3A_976 = arith.mulf %sub3A_972, %get3A_975 : vector<16xf32>
        %get3A_977 = arith.constant 304 : index
        %get3A_978 = tpu.vector_load %arg11[%get3A_977] {strides = array<i32>} : memref<768xf32, #tpu.memory_space<vmem>>, vector<16xf32>,
        %get3A_979 = vector.shape_cast %get3A_978 : vector<16xf32> to vector<16xf32>
        %add3A_980 = arith.addf %mul3A_976, %get3A_979 : vector<16xf32>
        %swap3A_981 = arith.index_cast %scan3A_94 : i32 to index
        %swap3A_982 = arith.constant 304 : index
        %swap3A_983 = tpu.vector_load %arg8[%swap3A_981, %swap3A_982] {strides = array<i32>} : memref<64x768xf32, #tpu.memory_space<vmem>>, vector<1x16xf32>,
        %swap3A_984 = vector.shape_cast %swap3A_983 : vector<1x16xf32> to vector<16xf32>
        %swap3A_985 = vector.shape_cast %add3A_980 : vector<16xf32> to vector<1x16xf32>
        tpu.vector_store %arg8[%swap3A_981, %swap3A_982], %swap3A_985 {strides = array<i32>} : memref<64x768xf32, #tpu.memory_space<vmem>>, vector<1x16xf32>,
        %get3A_986 = arith.index_cast %scan3A_94 : i32 to index
        %get3A_987 = arith.constant 320 : index
        %get3A_988 = tpu.vector_load %arg8[%get3A_986, %get3A_987] {strides = array<i32>} : memref<64x768xf32, #tpu.memory_space<vmem>>, vector<1x16xf32>,
        %get3A_989 = vector.shape_cast %get3A_988 : vector<1x16xf32> to vector<16xf32>
        %mul3A_990 = arith.mulf %get3A_989, %mul3A_605 : vector<16xf32>
        %sub3A_991 = arith.subf %mul3A_990, %mul3A_606 : vector<16xf32>
        %get3A_992 = arith.constant 320 : index
        %get3A_993 = tpu.vector_load %arg10[%get3A_992] {strides = array<i32>} : memref<768xf32, #tpu.memory_space<vmem>>, vector<16xf32>,
        %get3A_994 = vector.shape_cast %get3A_993 : vector<16xf32> to vector<16xf32>
        %mul3A_995 = arith.mulf %sub3A_991, %get3A_994 : vector<16xf32>
        %get3A_996 = arith.constant 320 : index
        %get3A_997 = tpu.vector_load %arg11[%get3A_996] {strides = array<i32>} : memref<768xf32, #tpu.memory_space<vmem>>, vector<16xf32>,
        %get3A_998 = vector.shape_cast %get3A_997 : vector<16xf32> to vector<16xf32>
        %add3A_999 = arith.addf %mul3A_995, %get3A_998 : vector<16xf32>
        %swap3A_1000 = arith.index_cast %scan3A_94 : i32 to index
        %swap3A_1001 = arith.constant 320 : index
        %swap3A_1002 = tpu.vector_load %arg8[%swap3A_1000, %swap3A_1001] {strides = array<i32>} : memref<64x768xf32, #tpu.memory_space<vmem>>, vector<1x16xf32>,
        %swap3A_1003 = vector.shape_cast %swap3A_1002 : vector<1x16xf32> to vector<16xf32>
        %swap3A_1004 = vector.shape_cast %add3A_999 : vector<16xf32> to vector<1x16xf32>
        tpu.vector_store %arg8[%swap3A_1000, %swap3A_1001], %swap3A_1004 {strides = array<i32>} : memref<64x768xf32, #tpu.memory_space<vmem>>, vector<1x16xf32>,
        %get3A_1005 = arith.index_cast %scan3A_94 : i32 to index
        %get3A_1006 = arith.constant 336 : index
        %get3A_1007 = tpu.vector_load %arg8[%get3A_1005, %get3A_1006] {strides = array<i32>} : memref<64x768xf32, #tpu.memory_space<vmem>>, vector<1x16xf32>,
        %get3A_1008 = vector.shape_cast %get3A_1007 : vector<1x16xf32> to vector<16xf32>
        %mul3A_1009 = arith.mulf %get3A_1008, %mul3A_605 : vector<16xf32>
        %sub3A_1010 = arith.subf %mul3A_1009, %mul3A_606 : vector<16xf32>
        %get3A_1011 = arith.constant 336 : index
        %get3A_1012 = tpu.vector_load %arg10[%get3A_1011] {strides = array<i32>} : memref<768xf32, #tpu.memory_space<vmem>>, vector<16xf32>,
        %get3A_1013 = vector.shape_cast %get3A_1012 : vector<16xf32> to vector<16xf32>
        %mul3A_1014 = arith.mulf %sub3A_1010, %get3A_1013 : vector<16xf32>
        %get3A_1015 = arith.constant 336 : index
        %get3A_1016 = tpu.vector_load %arg11[%get3A_1015] {strides = array<i32>} : memref<768xf32, #tpu.memory_space<vmem>>, vector<16xf32>,
        %get3A_1017 = vector.shape_cast %get3A_1016 : vector<16xf32> to vector<16xf32>
        %add3A_1018 = arith.addf %mul3A_1014, %get3A_1017 : vector<16xf32>
        %swap3A_1019 = arith.index_cast %scan3A_94 : i32 to index
        %swap3A_1020 = arith.constant 336 : index
        %swap3A_1021 = tpu.vector_load %arg8[%swap3A_1019, %swap3A_1020] {strides = array<i32>} : memref<64x768xf32, #tpu.memory_space<vmem>>, vector<1x16xf32>,
        %swap3A_1022 = vector.shape_cast %swap3A_1021 : vector<1x16xf32> to vector<16xf32>
        %swap3A_1023 = vector.shape_cast %add3A_1018 : vector<16xf32> to vector<1x16xf32>
        tpu.vector_store %arg8[%swap3A_1019, %swap3A_1020], %swap3A_1023 {strides = array<i32>} : memref<64x768xf32, #tpu.memory_space<vmem>>, vector<1x16xf32>,
        %get3A_1024 = arith.index_cast %scan3A_94 : i32 to index
        %get3A_1025 = arith.constant 352 : index
        %get3A_1026 = tpu.vector_load %arg8[%get3A_1024, %get3A_1025] {strides = array<i32>} : memref<64x768xf32, #tpu.memory_space<vmem>>, vector<1x16xf32>,
        %get3A_1027 = vector.shape_cast %get3A_1026 : vector<1x16xf32> to vector<16xf32>
        %mul3A_1028 = arith.mulf %get3A_1027, %mul3A_605 : vector<16xf32>
        %sub3A_1029 = arith.subf %mul3A_1028, %mul3A_606 : vector<16xf32>
        %get3A_1030 = arith.constant 352 : index
        %get3A_1031 = tpu.vector_load %arg10[%get3A_1030] {strides = array<i32>} : memref<768xf32, #tpu.memory_space<vmem>>, vector<16xf32>,
        %get3A_1032 = vector.shape_cast %get3A_1031 : vector<16xf32> to vector<16xf32>
        %mul3A_1033 = arith.mulf %sub3A_1029, %get3A_1032 : vector<16xf32>
        %get3A_1034 = arith.constant 352 : index
        %get3A_1035 = tpu.vector_load %arg11[%get3A_1034] {strides = array<i32>} : memref<768xf32, #tpu.memory_space<vmem>>, vector<16xf32>,
        %get3A_1036 = vector.shape_cast %get3A_1035 : vector<16xf32> to vector<16xf32>
        %add3A_1037 = arith.addf %mul3A_1033, %get3A_1036 : vector<16xf32>
        %swap3A_1038 = arith.index_cast %scan3A_94 : i32 to index
        %swap3A_1039 = arith.constant 352 : index
        %swap3A_1040 = tpu.vector_load %arg8[%swap3A_1038, %swap3A_1039] {strides = array<i32>} : memref<64x768xf32, #tpu.memory_space<vmem>>, vector<1x16xf32>,
        %swap3A_1041 = vector.shape_cast %swap3A_1040 : vector<1x16xf32> to vector<16xf32>
        %swap3A_1042 = vector.shape_cast %add3A_1037 : vector<16xf32> to vector<1x16xf32>
        tpu.vector_store %arg8[%swap3A_1038, %swap3A_1039], %swap3A_1042 {strides = array<i32>} : memref<64x768xf32, #tpu.memory_space<vmem>>, vector<1x16xf32>,
        %get3A_1043 = arith.index_cast %scan3A_94 : i32 to index
        %get3A_1044 = arith.constant 368 : index
        %get3A_1045 = tpu.vector_load %arg8[%get3A_1043, %get3A_1044] {strides = array<i32>} : memref<64x768xf32, #tpu.memory_space<vmem>>, vector<1x16xf32>,
        %get3A_1046 = vector.shape_cast %get3A_1045 : vector<1x16xf32> to vector<16xf32>
        %mul3A_1047 = arith.mulf %get3A_1046, %mul3A_605 : vector<16xf32>
        %sub3A_1048 = arith.subf %mul3A_1047, %mul3A_606 : vector<16xf32>
        %get3A_1049 = arith.constant 368 : index
        %get3A_1050 = tpu.vector_load %arg10[%get3A_1049] {strides = array<i32>} : memref<768xf32, #tpu.memory_space<vmem>>, vector<16xf32>,
        %get3A_1051 = vector.shape_cast %get3A_1050 : vector<16xf32> to vector<16xf32>
        %mul3A_1052 = arith.mulf %sub3A_1048, %get3A_1051 : vector<16xf32>
        %get3A_1053 = arith.constant 368 : index
        %get3A_1054 = tpu.vector_load %arg11[%get3A_1053] {strides = array<i32>} : memref<768xf32, #tpu.memory_space<vmem>>, vector<16xf32>,
        %get3A_1055 = vector.shape_cast %get3A_1054 : vector<16xf32> to vector<16xf32>
        %add3A_1056 = arith.addf %mul3A_1052, %get3A_1055 : vector<16xf32>
        %swap3A_1057 = arith.index_cast %scan3A_94 : i32 to index
        %swap3A_1058 = arith.constant 368 : index
        %swap3A_1059 = tpu.vector_load %arg8[%swap3A_1057, %swap3A_1058] {strides = array<i32>} : memref<64x768xf32, #tpu.memory_space<vmem>>, vector<1x16xf32>,
        %swap3A_1060 = vector.shape_cast %swap3A_1059 : vector<1x16xf32> to vector<16xf32>
        %swap3A_1061 = vector.shape_cast %add3A_1056 : vector<16xf32> to vector<1x16xf32>
        tpu.vector_store %arg8[%swap3A_1057, %swap3A_1058], %swap3A_1061 {strides = array<i32>} : memref<64x768xf32, #tpu.memory_space<vmem>>, vector<1x16xf32>,
        %get3A_1062 = arith.index_cast %scan3A_94 : i32 to index
        %get3A_1063 = arith.constant 384 : index
        %get3A_1064 = tpu.vector_load %arg8[%get3A_1062, %get3A_1063] {strides = array<i32>} : memref<64x768xf32, #tpu.memory_space<vmem>>, vector<1x16xf32>,
        %get3A_1065 = vector.shape_cast %get3A_1064 : vector<1x16xf32> to vector<16xf32>
        %mul3A_1066 = arith.mulf %get3A_1065, %mul3A_605 : vector<16xf32>
        %sub3A_1067 = arith.subf %mul3A_1066, %mul3A_606 : vector<16xf32>
        %get3A_1068 = arith.constant 384 : index
        %get3A_1069 = tpu.vector_load %arg10[%get3A_1068] {strides = array<i32>} : memref<768xf32, #tpu.memory_space<vmem>>, vector<16xf32>,
        %get3A_1070 = vector.shape_cast %get3A_1069 : vector<16xf32> to vector<16xf32>
        %mul3A_1071 = arith.mulf %sub3A_1067, %get3A_1070 : vector<16xf32>
        %get3A_1072 = arith.constant 384 : index
        %get3A_1073 = tpu.vector_load %arg11[%get3A_1072] {strides = array<i32>} : memref<768xf32, #tpu.memory_space<vmem>>, vector<16xf32>,
        %get3A_1074 = vector.shape_cast %get3A_1073 : vector<16xf32> to vector<16xf32>
        %add3A_1075 = arith.addf %mul3A_1071, %get3A_1074 : vector<16xf32>
        %swap3A_1076 = arith.index_cast %scan3A_94 : i32 to index
        %swap3A_1077 = arith.constant 384 : index
        %swap3A_1078 = tpu.vector_load %arg8[%swap3A_1076, %swap3A_1077] {strides = array<i32>} : memref<64x768xf32, #tpu.memory_space<vmem>>, vector<1x16xf32>,
        %swap3A_1079 = vector.shape_cast %swap3A_1078 : vector<1x16xf32> to vector<16xf32>
        %swap3A_1080 = vector.shape_cast %add3A_1075 : vector<16xf32> to vector<1x16xf32>
        tpu.vector_store %arg8[%swap3A_1076, %swap3A_1077], %swap3A_1080 {strides = array<i32>} : memref<64x768xf32, #tpu.memory_space<vmem>>, vector<1x16xf32>,
        %get3A_1081 = arith.index_cast %scan3A_94 : i32 to index
        %get3A_1082 = arith.constant 400 : index
        %get3A_1083 = tpu.vector_load %arg8[%get3A_1081, %get3A_1082] {strides = array<i32>} : memref<64x768xf32, #tpu.memory_space<vmem>>, vector<1x16xf32>,
        %get3A_1084 = vector.shape_cast %get3A_1083 : vector<1x16xf32> to vector<16xf32>
        %mul3A_1085 = arith.mulf %get3A_1084, %mul3A_605 : vector<16xf32>
        %sub3A_1086 = arith.subf %mul3A_1085, %mul3A_606 : vector<16xf32>
        %get3A_1087 = arith.constant 400 : index
        %get3A_1088 = tpu.vector_load %arg10[%get3A_1087] {strides = array<i32>} : memref<768xf32, #tpu.memory_space<vmem>>, vector<16xf32>,
        %get3A_1089 = vector.shape_cast %get3A_1088 : vector<16xf32> to vector<16xf32>
        %mul3A_1090 = arith.mulf %sub3A_1086, %get3A_1089 : vector<16xf32>
        %get3A_1091 = arith.constant 400 : index
        %get3A_1092 = tpu.vector_load %arg11[%get3A_1091] {strides = array<i32>} : memref<768xf32, #tpu.memory_space<vmem>>, vector<16xf32>,
        %get3A_1093 = vector.shape_cast %get3A_1092 : vector<16xf32> to vector<16xf32>
        %add3A_1094 = arith.addf %mul3A_1090, %get3A_1093 : vector<16xf32>
        %swap3A_1095 = arith.index_cast %scan3A_94 : i32 to index
        %swap3A_1096 = arith.constant 400 : index
        %swap3A_1097 = tpu.vector_load %arg8[%swap3A_1095, %swap3A_1096] {strides = array<i32>} : memref<64x768xf32, #tpu.memory_space<vmem>>, vector<1x16xf32>,
        %swap3A_1098 = vector.shape_cast %swap3A_1097 : vector<1x16xf32> to vector<16xf32>
        %swap3A_1099 = vector.shape_cast %add3A_1094 : vector<16xf32> to vector<1x16xf32>
        tpu.vector_store %arg8[%swap3A_1095, %swap3A_1096], %swap3A_1099 {strides = array<i32>} : memref<64x768xf32, #tpu.memory_space<vmem>>, vector<1x16xf32>,
        %get3A_1100 = arith.index_cast %scan3A_94 : i32 to index
        %get3A_1101 = arith.constant 416 : index
        %get3A_1102 = tpu.vector_load %arg8[%get3A_1100, %get3A_1101] {strides = array<i32>} : memref<64x768xf32, #tpu.memory_space<vmem>>, vector<1x16xf32>,
        %get3A_1103 = vector.shape_cast %get3A_1102 : vector<1x16xf32> to vector<16xf32>
        %mul3A_1104 = arith.mulf %get3A_1103, %mul3A_605 : vector<16xf32>
        %sub3A_1105 = arith.subf %mul3A_1104, %mul3A_606 : vector<16xf32>
        %get3A_1106 = arith.constant 416 : index
        %get3A_1107 = tpu.vector_load %arg10[%get3A_1106] {strides = array<i32>} : memref<768xf32, #tpu.memory_space<vmem>>, vector<16xf32>,
        %get3A_1108 = vector.shape_cast %get3A_1107 : vector<16xf32> to vector<16xf32>
        %mul3A_1109 = arith.mulf %sub3A_1105, %get3A_1108 : vector<16xf32>
        %get3A_1110 = arith.constant 416 : index
        %get3A_1111 = tpu.vector_load %arg11[%get3A_1110] {strides = array<i32>} : memref<768xf32, #tpu.memory_space<vmem>>, vector<16xf32>,
        %get3A_1112 = vector.shape_cast %get3A_1111 : vector<16xf32> to vector<16xf32>
        %add3A_1113 = arith.addf %mul3A_1109, %get3A_1112 : vector<16xf32>
        %swap3A_1114 = arith.index_cast %scan3A_94 : i32 to index
        %swap3A_1115 = arith.constant 416 : index
        %swap3A_1116 = tpu.vector_load %arg8[%swap3A_1114, %swap3A_1115] {strides = array<i32>} : memref<64x768xf32, #tpu.memory_space<vmem>>, vector<1x16xf32>,
        %swap3A_1117 = vector.shape_cast %swap3A_1116 : vector<1x16xf32> to vector<16xf32>
        %swap3A_1118 = vector.shape_cast %add3A_1113 : vector<16xf32> to vector<1x16xf32>
        tpu.vector_store %arg8[%swap3A_1114, %swap3A_1115], %swap3A_1118 {strides = array<i32>} : memref<64x768xf32, #tpu.memory_space<vmem>>, vector<1x16xf32>,
        %get3A_1119 = arith.index_cast %scan3A_94 : i32 to index
        %get3A_1120 = arith.constant 432 : index
        %get3A_1121 = tpu.vector_load %arg8[%get3A_1119, %get3A_1120] {strides = array<i32>} : memref<64x768xf32, #tpu.memory_space<vmem>>, vector<1x16xf32>,
        %get3A_1122 = vector.shape_cast %get3A_1121 : vector<1x16xf32> to vector<16xf32>
        %mul3A_1123 = arith.mulf %get3A_1122, %mul3A_605 : vector<16xf32>
        %sub3A_1124 = arith.subf %mul3A_1123, %mul3A_606 : vector<16xf32>
        %get3A_1125 = arith.constant 432 : index
        %get3A_1126 = tpu.vector_load %arg10[%get3A_1125] {strides = array<i32>} : memref<768xf32, #tpu.memory_space<vmem>>, vector<16xf32>,
        %get3A_1127 = vector.shape_cast %get3A_1126 : vector<16xf32> to vector<16xf32>
        %mul3A_1128 = arith.mulf %sub3A_1124, %get3A_1127 : vector<16xf32>
        %get3A_1129 = arith.constant 432 : index
        %get3A_1130 = tpu.vector_load %arg11[%get3A_1129] {strides = array<i32>} : memref<768xf32, #tpu.memory_space<vmem>>, vector<16xf32>,
        %get3A_1131 = vector.shape_cast %get3A_1130 : vector<16xf32> to vector<16xf32>
        %add3A_1132 = arith.addf %mul3A_1128, %get3A_1131 : vector<16xf32>
        %swap3A_1133 = arith.index_cast %scan3A_94 : i32 to index
        %swap3A_1134 = arith.constant 432 : index
        %swap3A_1135 = tpu.vector_load %arg8[%swap3A_1133, %swap3A_1134] {strides = array<i32>} : memref<64x768xf32, #tpu.memory_space<vmem>>, vector<1x16xf32>,
        %swap3A_1136 = vector.shape_cast %swap3A_1135 : vector<1x16xf32> to vector<16xf32>
        %swap3A_1137 = vector.shape_cast %add3A_1132 : vector<16xf32> to vector<1x16xf32>
        tpu.vector_store %arg8[%swap3A_1133, %swap3A_1134], %swap3A_1137 {strides = array<i32>} : memref<64x768xf32, #tpu.memory_space<vmem>>, vector<1x16xf32>,
        %get3A_1138 = arith.index_cast %scan3A_94 : i32 to index
        %get3A_1139 = arith.constant 448 : index
        %get3A_1140 = tpu.vector_load %arg8[%get3A_1138, %get3A_1139] {strides = array<i32>} : memref<64x768xf32, #tpu.memory_space<vmem>>, vector<1x16xf32>,
        %get3A_1141 = vector.shape_cast %get3A_1140 : vector<1x16xf32> to vector<16xf32>
        %mul3A_1142 = arith.mulf %get3A_1141, %mul3A_605 : vector<16xf32>
        %sub3A_1143 = arith.subf %mul3A_1142, %mul3A_606 : vector<16xf32>
        %get3A_1144 = arith.constant 448 : index
        %get3A_1145 = tpu.vector_load %arg10[%get3A_1144] {strides = array<i32>} : memref<768xf32, #tpu.memory_space<vmem>>, vector<16xf32>,
        %get3A_1146 = vector.shape_cast %get3A_1145 : vector<16xf32> to vector<16xf32>
        %mul3A_1147 = arith.mulf %sub3A_1143, %get3A_1146 : vector<16xf32>
        %get3A_1148 = arith.constant 448 : index
        %get3A_1149 = tpu.vector_load %arg11[%get3A_1148] {strides = array<i32>} : memref<768xf32, #tpu.memory_space<vmem>>, vector<16xf32>,
        %get3A_1150 = vector.shape_cast %get3A_1149 : vector<16xf32> to vector<16xf32>
        %add3A_1151 = arith.addf %mul3A_1147, %get3A_1150 : vector<16xf32>
        %swap3A_1152 = arith.index_cast %scan3A_94 : i32 to index
        %swap3A_1153 = arith.constant 448 : index
        %swap3A_1154 = tpu.vector_load %arg8[%swap3A_1152, %swap3A_1153] {strides = array<i32>} : memref<64x768xf32, #tpu.memory_space<vmem>>, vector<1x16xf32>,
        %swap3A_1155 = vector.shape_cast %swap3A_1154 : vector<1x16xf32> to vector<16xf32>
        %swap3A_1156 = vector.shape_cast %add3A_1151 : vector<16xf32> to vector<1x16xf32>
        tpu.vector_store %arg8[%swap3A_1152, %swap3A_1153], %swap3A_1156 {strides = array<i32>} : memref<64x768xf32, #tpu.memory_space<vmem>>, vector<1x16xf32>,
        %get3A_1157 = arith.index_cast %scan3A_94 : i32 to index
        %get3A_1158 = arith.constant 464 : index
        %get3A_1159 = tpu.vector_load %arg8[%get3A_1157, %get3A_1158] {strides = array<i32>} : memref<64x768xf32, #tpu.memory_space<vmem>>, vector<1x16xf32>,
        %get3A_1160 = vector.shape_cast %get3A_1159 : vector<1x16xf32> to vector<16xf32>
        %mul3A_1161 = arith.mulf %get3A_1160, %mul3A_605 : vector<16xf32>
        %sub3A_1162 = arith.subf %mul3A_1161, %mul3A_606 : vector<16xf32>
        %get3A_1163 = arith.constant 464 : index
        %get3A_1164 = tpu.vector_load %arg10[%get3A_1163] {strides = array<i32>} : memref<768xf32, #tpu.memory_space<vmem>>, vector<16xf32>,
        %get3A_1165 = vector.shape_cast %get3A_1164 : vector<16xf32> to vector<16xf32>
        %mul3A_1166 = arith.mulf %sub3A_1162, %get3A_1165 : vector<16xf32>
        %get3A_1167 = arith.constant 464 : index
        %get3A_1168 = tpu.vector_load %arg11[%get3A_1167] {strides = array<i32>} : memref<768xf32, #tpu.memory_space<vmem>>, vector<16xf32>,
        %get3A_1169 = vector.shape_cast %get3A_1168 : vector<16xf32> to vector<16xf32>
        %add3A_1170 = arith.addf %mul3A_1166, %get3A_1169 : vector<16xf32>
        %swap3A_1171 = arith.index_cast %scan3A_94 : i32 to index
        %swap3A_1172 = arith.constant 464 : index
        %swap3A_1173 = tpu.vector_load %arg8[%swap3A_1171, %swap3A_1172] {strides = array<i32>} : memref<64x768xf32, #tpu.memory_space<vmem>>, vector<1x16xf32>,
        %swap3A_1174 = vector.shape_cast %swap3A_1173 : vector<1x16xf32> to vector<16xf32>
        %swap3A_1175 = vector.shape_cast %add3A_1170 : vector<16xf32> to vector<1x16xf32>
        tpu.vector_store %arg8[%swap3A_1171, %swap3A_1172], %swap3A_1175 {strides = array<i32>} : memref<64x768xf32, #tpu.memory_space<vmem>>, vector<1x16xf32>,
        %get3A_1176 = arith.index_cast %scan3A_94 : i32 to index
        %get3A_1177 = arith.constant 480 : index
        %get3A_1178 = tpu.vector_load %arg8[%get3A_1176, %get3A_1177] {strides = array<i32>} : memref<64x768xf32, #tpu.memory_space<vmem>>, vector<1x16xf32>,
        %get3A_1179 = vector.shape_cast %get3A_1178 : vector<1x16xf32> to vector<16xf32>
        %mul3A_1180 = arith.mulf %get3A_1179, %mul3A_605 : vector<16xf32>
        %sub3A_1181 = arith.subf %mul3A_1180, %mul3A_606 : vector<16xf32>
        %get3A_1182 = arith.constant 480 : index
        %get3A_1183 = tpu.vector_load %arg10[%get3A_1182] {strides = array<i32>} : memref<768xf32, #tpu.memory_space<vmem>>, vector<16xf32>,
        %get3A_1184 = vector.shape_cast %get3A_1183 : vector<16xf32> to vector<16xf32>
        %mul3A_1185 = arith.mulf %sub3A_1181, %get3A_1184 : vector<16xf32>
        %get3A_1186 = arith.constant 480 : index
        %get3A_1187 = tpu.vector_load %arg11[%get3A_1186] {strides = array<i32>} : memref<768xf32, #tpu.memory_space<vmem>>, vector<16xf32>,
        %get3A_1188 = vector.shape_cast %get3A_1187 : vector<16xf32> to vector<16xf32>
        %add3A_1189 = arith.addf %mul3A_1185, %get3A_1188 : vector<16xf32>
        %swap3A_1190 = arith.index_cast %scan3A_94 : i32 to index
        %swap3A_1191 = arith.constant 480 : index
        %swap3A_1192 = tpu.vector_load %arg8[%swap3A_1190, %swap3A_1191] {strides = array<i32>} : memref<64x768xf32, #tpu.memory_space<vmem>>, vector<1x16xf32>,
        %swap3A_1193 = vector.shape_cast %swap3A_1192 : vector<1x16xf32> to vector<16xf32>
        %swap3A_1194 = vector.shape_cast %add3A_1189 : vector<16xf32> to vector<1x16xf32>
        tpu.vector_store %arg8[%swap3A_1190, %swap3A_1191], %swap3A_1194 {strides = array<i32>} : memref<64x768xf32, #tpu.memory_space<vmem>>, vector<1x16xf32>,
        %get3A_1195 = arith.index_cast %scan3A_94 : i32 to index
        %get3A_1196 = arith.constant 496 : index
        %get3A_1197 = tpu.vector_load %arg8[%get3A_1195, %get3A_1196] {strides = array<i32>} : memref<64x768xf32, #tpu.memory_space<vmem>>, vector<1x16xf32>,
        %get3A_1198 = vector.shape_cast %get3A_1197 : vector<1x16xf32> to vector<16xf32>
        %mul3A_1199 = arith.mulf %get3A_1198, %mul3A_605 : vector<16xf32>
        %sub3A_1200 = arith.subf %mul3A_1199, %mul3A_606 : vector<16xf32>
        %get3A_1201 = arith.constant 496 : index
        %get3A_1202 = tpu.vector_load %arg10[%get3A_1201] {strides = array<i32>} : memref<768xf32, #tpu.memory_space<vmem>>, vector<16xf32>,
        %get3A_1203 = vector.shape_cast %get3A_1202 : vector<16xf32> to vector<16xf32>
        %mul3A_1204 = arith.mulf %sub3A_1200, %get3A_1203 : vector<16xf32>
        %get3A_1205 = arith.constant 496 : index
        %get3A_1206 = tpu.vector_load %arg11[%get3A_1205] {strides = array<i32>} : memref<768xf32, #tpu.memory_space<vmem>>, vector<16xf32>,
        %get3A_1207 = vector.shape_cast %get3A_1206 : vector<16xf32> to vector<16xf32>
        %add3A_1208 = arith.addf %mul3A_1204, %get3A_1207 : vector<16xf32>
        %swap3A_1209 = arith.index_cast %scan3A_94 : i32 to index
        %swap3A_1210 = arith.constant 496 : index
        %swap3A_1211 = tpu.vector_load %arg8[%swap3A_1209, %swap3A_1210] {strides = array<i32>} : memref<64x768xf32, #tpu.memory_space<vmem>>, vector<1x16xf32>,
        %swap3A_1212 = vector.shape_cast %swap3A_1211 : vector<1x16xf32> to vector<16xf32>
        %swap3A_1213 = vector.shape_cast %add3A_1208 : vector<16xf32> to vector<1x16xf32>
        tpu.vector_store %arg8[%swap3A_1209, %swap3A_1210], %swap3A_1213 {strides = array<i32>} : memref<64x768xf32, #tpu.memory_space<vmem>>, vector<1x16xf32>,
        %get3A_1214 = arith.index_cast %scan3A_94 : i32 to index
        %get3A_1215 = arith.constant 512 : index
        %get3A_1216 = tpu.vector_load %arg8[%get3A_1214, %get3A_1215] {strides = array<i32>} : memref<64x768xf32, #tpu.memory_space<vmem>>, vector<1x16xf32>,
        %get3A_1217 = vector.shape_cast %get3A_1216 : vector<1x16xf32> to vector<16xf32>
        %mul3A_1218 = arith.mulf %get3A_1217, %mul3A_605 : vector<16xf32>
        %sub3A_1219 = arith.subf %mul3A_1218, %mul3A_606 : vector<16xf32>
        %get3A_1220 = arith.constant 512 : index
        %get3A_1221 = tpu.vector_load %arg10[%get3A_1220] {strides = array<i32>} : memref<768xf32, #tpu.memory_space<vmem>>, vector<16xf32>,
        %get3A_1222 = vector.shape_cast %get3A_1221 : vector<16xf32> to vector<16xf32>
        %mul3A_1223 = arith.mulf %sub3A_1219, %get3A_1222 : vector<16xf32>
        %get3A_1224 = arith.constant 512 : index
        %get3A_1225 = tpu.vector_load %arg11[%get3A_1224] {strides = array<i32>} : memref<768xf32, #tpu.memory_space<vmem>>, vector<16xf32>,
        %get3A_1226 = vector.shape_cast %get3A_1225 : vector<16xf32> to vector<16xf32>
        %add3A_1227 = arith.addf %mul3A_1223, %get3A_1226 : vector<16xf32>
        %swap3A_1228 = arith.index_cast %scan3A_94 : i32 to index
        %swap3A_1229 = arith.constant 512 : index
        %swap3A_1230 = tpu.vector_load %arg8[%swap3A_1228, %swap3A_1229] {strides = array<i32>} : memref<64x768xf32, #tpu.memory_space<vmem>>, vector<1x16xf32>,
        %swap3A_1231 = vector.shape_cast %swap3A_1230 : vector<1x16xf32> to vector<16xf32>
        %swap3A_1232 = vector.shape_cast %add3A_1227 : vector<16xf32> to vector<1x16xf32>
        tpu.vector_store %arg8[%swap3A_1228, %swap3A_1229], %swap3A_1232 {strides = array<i32>} : memref<64x768xf32, #tpu.memory_space<vmem>>, vector<1x16xf32>,
        %get3A_1233 = arith.index_cast %scan3A_94 : i32 to index
        %get3A_1234 = arith.constant 528 : index
        %get3A_1235 = tpu.vector_load %arg8[%get3A_1233, %get3A_1234] {strides = array<i32>} : memref<64x768xf32, #tpu.memory_space<vmem>>, vector<1x16xf32>,
        %get3A_1236 = vector.shape_cast %get3A_1235 : vector<1x16xf32> to vector<16xf32>
        %mul3A_1237 = arith.mulf %get3A_1236, %mul3A_605 : vector<16xf32>
        %sub3A_1238 = arith.subf %mul3A_1237, %mul3A_606 : vector<16xf32>
        %get3A_1239 = arith.constant 528 : index
        %get3A_1240 = tpu.vector_load %arg10[%get3A_1239] {strides = array<i32>} : memref<768xf32, #tpu.memory_space<vmem>>, vector<16xf32>,
        %get3A_1241 = vector.shape_cast %get3A_1240 : vector<16xf32> to vector<16xf32>
        %mul3A_1242 = arith.mulf %sub3A_1238, %get3A_1241 : vector<16xf32>
        %get3A_1243 = arith.constant 528 : index
        %get3A_1244 = tpu.vector_load %arg11[%get3A_1243] {strides = array<i32>} : memref<768xf32, #tpu.memory_space<vmem>>, vector<16xf32>,
        %get3A_1245 = vector.shape_cast %get3A_1244 : vector<16xf32> to vector<16xf32>
        %add3A_1246 = arith.addf %mul3A_1242, %get3A_1245 : vector<16xf32>
        %swap3A_1247 = arith.index_cast %scan3A_94 : i32 to index
        %swap3A_1248 = arith.constant 528 : index
        %swap3A_1249 = tpu.vector_load %arg8[%swap3A_1247, %swap3A_1248] {strides = array<i32>} : memref<64x768xf32, #tpu.memory_space<vmem>>, vector<1x16xf32>,
        %swap3A_1250 = vector.shape_cast %swap3A_1249 : vector<1x16xf32> to vector<16xf32>
        %swap3A_1251 = vector.shape_cast %add3A_1246 : vector<16xf32> to vector<1x16xf32>
        tpu.vector_store %arg8[%swap3A_1247, %swap3A_1248], %swap3A_1251 {strides = array<i32>} : memref<64x768xf32, #tpu.memory_space<vmem>>, vector<1x16xf32>,
        %get3A_1252 = arith.index_cast %scan3A_94 : i32 to index
        %get3A_1253 = arith.constant 544 : index
        %get3A_1254 = tpu.vector_load %arg8[%get3A_1252, %get3A_1253] {strides = array<i32>} : memref<64x768xf32, #tpu.memory_space<vmem>>, vector<1x16xf32>,
        %get3A_1255 = vector.shape_cast %get3A_1254 : vector<1x16xf32> to vector<16xf32>
        %mul3A_1256 = arith.mulf %get3A_1255, %mul3A_605 : vector<16xf32>
        %sub3A_1257 = arith.subf %mul3A_1256, %mul3A_606 : vector<16xf32>
        %get3A_1258 = arith.constant 544 : index
        %get3A_1259 = tpu.vector_load %arg10[%get3A_1258] {strides = array<i32>} : memref<768xf32, #tpu.memory_space<vmem>>, vector<16xf32>,
        %get3A_1260 = vector.shape_cast %get3A_1259 : vector<16xf32> to vector<16xf32>
        %mul3A_1261 = arith.mulf %sub3A_1257, %get3A_1260 : vector<16xf32>
        %get3A_1262 = arith.constant 544 : index
        %get3A_1263 = tpu.vector_load %arg11[%get3A_1262] {strides = array<i32>} : memref<768xf32, #tpu.memory_space<vmem>>, vector<16xf32>,
        %get3A_1264 = vector.shape_cast %get3A_1263 : vector<16xf32> to vector<16xf32>
        %add3A_1265 = arith.addf %mul3A_1261, %get3A_1264 : vector<16xf32>
        %swap3A_1266 = arith.index_cast %scan3A_94 : i32 to index
        %swap3A_1267 = arith.constant 544 : index
        %swap3A_1268 = tpu.vector_load %arg8[%swap3A_1266, %swap3A_1267] {strides = array<i32>} : memref<64x768xf32, #tpu.memory_space<vmem>>, vector<1x16xf32>,
        %swap3A_1269 = vector.shape_cast %swap3A_1268 : vector<1x16xf32> to vector<16xf32>
        %swap3A_1270 = vector.shape_cast %add3A_1265 : vector<16xf32> to vector<1x16xf32>
        tpu.vector_store %arg8[%swap3A_1266, %swap3A_1267], %swap3A_1270 {strides = array<i32>} : memref<64x768xf32, #tpu.memory_space<vmem>>, vector<1x16xf32>,
        %get3A_1271 = arith.index_cast %scan3A_94 : i32 to index
        %get3A_1272 = arith.constant 560 : index
        %get3A_1273 = tpu.vector_load %arg8[%get3A_1271, %get3A_1272] {strides = array<i32>} : memref<64x768xf32, #tpu.memory_space<vmem>>, vector<1x16xf32>,
        %get3A_1274 = vector.shape_cast %get3A_1273 : vector<1x16xf32> to vector<16xf32>
        %mul3A_1275 = arith.mulf %get3A_1274, %mul3A_605 : vector<16xf32>
        %sub3A_1276 = arith.subf %mul3A_1275, %mul3A_606 : vector<16xf32>
        %get3A_1277 = arith.constant 560 : index
        %get3A_1278 = tpu.vector_load %arg10[%get3A_1277] {strides = array<i32>} : memref<768xf32, #tpu.memory_space<vmem>>, vector<16xf32>,
        %get3A_1279 = vector.shape_cast %get3A_1278 : vector<16xf32> to vector<16xf32>
        %mul3A_1280 = arith.mulf %sub3A_1276, %get3A_1279 : vector<16xf32>
        %get3A_1281 = arith.constant 560 : index
        %get3A_1282 = tpu.vector_load %arg11[%get3A_1281] {strides = array<i32>} : memref<768xf32, #tpu.memory_space<vmem>>, vector<16xf32>,
        %get3A_1283 = vector.shape_cast %get3A_1282 : vector<16xf32> to vector<16xf32>
        %add3A_1284 = arith.addf %mul3A_1280, %get3A_1283 : vector<16xf32>
        %swap3A_1285 = arith.index_cast %scan3A_94 : i32 to index
        %swap3A_1286 = arith.constant 560 : index
        %swap3A_1287 = tpu.vector_load %arg8[%swap3A_1285, %swap3A_1286] {strides = array<i32>} : memref<64x768xf32, #tpu.memory_space<vmem>>, vector<1x16xf32>,
        %swap3A_1288 = vector.shape_cast %swap3A_1287 : vector<1x16xf32> to vector<16xf32>
        %swap3A_1289 = vector.shape_cast %add3A_1284 : vector<16xf32> to vector<1x16xf32>
        tpu.vector_store %arg8[%swap3A_1285, %swap3A_1286], %swap3A_1289 {strides = array<i32>} : memref<64x768xf32, #tpu.memory_space<vmem>>, vector<1x16xf32>,
        %get3A_1290 = arith.index_cast %scan3A_94 : i32 to index
        %get3A_1291 = arith.constant 576 : index
        %get3A_1292 = tpu.vector_load %arg8[%get3A_1290, %get3A_1291] {strides = array<i32>} : memref<64x768xf32, #tpu.memory_space<vmem>>, vector<1x16xf32>,
        %get3A_1293 = vector.shape_cast %get3A_1292 : vector<1x16xf32> to vector<16xf32>
        %mul3A_1294 = arith.mulf %get3A_1293, %mul3A_605 : vector<16xf32>
        %sub3A_1295 = arith.subf %mul3A_1294, %mul3A_606 : vector<16xf32>
        %get3A_1296 = arith.constant 576 : index
        %get3A_1297 = tpu.vector_load %arg10[%get3A_1296] {strides = array<i32>} : memref<768xf32, #tpu.memory_space<vmem>>, vector<16xf32>,
        %get3A_1298 = vector.shape_cast %get3A_1297 : vector<16xf32> to vector<16xf32>
        %mul3A_1299 = arith.mulf %sub3A_1295, %get3A_1298 : vector<16xf32>
        %get3A_1300 = arith.constant 576 : index
        %get3A_1301 = tpu.vector_load %arg11[%get3A_1300] {strides = array<i32>} : memref<768xf32, #tpu.memory_space<vmem>>, vector<16xf32>,
        %get3A_1302 = vector.shape_cast %get3A_1301 : vector<16xf32> to vector<16xf32>
        %add3A_1303 = arith.addf %mul3A_1299, %get3A_1302 : vector<16xf32>
        %swap3A_1304 = arith.index_cast %scan3A_94 : i32 to index
        %swap3A_1305 = arith.constant 576 : index
        %swap3A_1306 = tpu.vector_load %arg8[%swap3A_1304, %swap3A_1305] {strides = array<i32>} : memref<64x768xf32, #tpu.memory_space<vmem>>, vector<1x16xf32>,
        %swap3A_1307 = vector.shape_cast %swap3A_1306 : vector<1x16xf32> to vector<16xf32>
        %swap3A_1308 = vector.shape_cast %add3A_1303 : vector<16xf32> to vector<1x16xf32>
        tpu.vector_store %arg8[%swap3A_1304, %swap3A_1305], %swap3A_1308 {strides = array<i32>} : memref<64x768xf32, #tpu.memory_space<vmem>>, vector<1x16xf32>,
        %get3A_1309 = arith.index_cast %scan3A_94 : i32 to index
        %get3A_1310 = arith.constant 592 : index
        %get3A_1311 = tpu.vector_load %arg8[%get3A_1309, %get3A_1310] {strides = array<i32>} : memref<64x768xf32, #tpu.memory_space<vmem>>, vector<1x16xf32>,
        %get3A_1312 = vector.shape_cast %get3A_1311 : vector<1x16xf32> to vector<16xf32>
        %mul3A_1313 = arith.mulf %get3A_1312, %mul3A_605 : vector<16xf32>
        %sub3A_1314 = arith.subf %mul3A_1313, %mul3A_606 : vector<16xf32>
        %get3A_1315 = arith.constant 592 : index
        %get3A_1316 = tpu.vector_load %arg10[%get3A_1315] {strides = array<i32>} : memref<768xf32, #tpu.memory_space<vmem>>, vector<16xf32>,
        %get3A_1317 = vector.shape_cast %get3A_1316 : vector<16xf32> to vector<16xf32>
        %mul3A_1318 = arith.mulf %sub3A_1314, %get3A_1317 : vector<16xf32>
        %get3A_1319 = arith.constant 592 : index
        %get3A_1320 = tpu.vector_load %arg11[%get3A_1319] {strides = array<i32>} : memref<768xf32, #tpu.memory_space<vmem>>, vector<16xf32>,
        %get3A_1321 = vector.shape_cast %get3A_1320 : vector<16xf32> to vector<16xf32>
        %add3A_1322 = arith.addf %mul3A_1318, %get3A_1321 : vector<16xf32>
        %swap3A_1323 = arith.index_cast %scan3A_94 : i32 to index
        %swap3A_1324 = arith.constant 592 : index
        %swap3A_1325 = tpu.vector_load %arg8[%swap3A_1323, %swap3A_1324] {strides = array<i32>} : memref<64x768xf32, #tpu.memory_space<vmem>>, vector<1x16xf32>,
        %swap3A_1326 = vector.shape_cast %swap3A_1325 : vector<1x16xf32> to vector<16xf32>
        %swap3A_1327 = vector.shape_cast %add3A_1322 : vector<16xf32> to vector<1x16xf32>
        tpu.vector_store %arg8[%swap3A_1323, %swap3A_1324], %swap3A_1327 {strides = array<i32>} : memref<64x768xf32, #tpu.memory_space<vmem>>, vector<1x16xf32>,
        %get3A_1328 = arith.index_cast %scan3A_94 : i32 to index
        %get3A_1329 = arith.constant 608 : index
        %get3A_1330 = tpu.vector_load %arg8[%get3A_1328, %get3A_1329] {strides = array<i32>} : memref<64x768xf32, #tpu.memory_space<vmem>>, vector<1x16xf32>,
        %get3A_1331 = vector.shape_cast %get3A_1330 : vector<1x16xf32> to vector<16xf32>
        %mul3A_1332 = arith.mulf %get3A_1331, %mul3A_605 : vector<16xf32>
        %sub3A_1333 = arith.subf %mul3A_1332, %mul3A_606 : vector<16xf32>
        %get3A_1334 = arith.constant 608 : index
        %get3A_1335 = tpu.vector_load %arg10[%get3A_1334] {strides = array<i32>} : memref<768xf32, #tpu.memory_space<vmem>>, vector<16xf32>,
        %get3A_1336 = vector.shape_cast %get3A_1335 : vector<16xf32> to vector<16xf32>
        %mul3A_1337 = arith.mulf %sub3A_1333, %get3A_1336 : vector<16xf32>
        %get3A_1338 = arith.constant 608 : index
        %get3A_1339 = tpu.vector_load %arg11[%get3A_1338] {strides = array<i32>} : memref<768xf32, #tpu.memory_space<vmem>>, vector<16xf32>,
        %get3A_1340 = vector.shape_cast %get3A_1339 : vector<16xf32> to vector<16xf32>
        %add3A_1341 = arith.addf %mul3A_1337, %get3A_1340 : vector<16xf32>
        %swap3A_1342 = arith.index_cast %scan3A_94 : i32 to index
        %swap3A_1343 = arith.constant 608 : index
        %swap3A_1344 = tpu.vector_load %arg8[%swap3A_1342, %swap3A_1343] {strides = array<i32>} : memref<64x768xf32, #tpu.memory_space<vmem>>, vector<1x16xf32>,
        %swap3A_1345 = vector.shape_cast %swap3A_1344 : vector<1x16xf32> to vector<16xf32>
        %swap3A_1346 = vector.shape_cast %add3A_1341 : vector<16xf32> to vector<1x16xf32>
        tpu.vector_store %arg8[%swap3A_1342, %swap3A_1343], %swap3A_1346 {strides = array<i32>} : memref<64x768xf32, #tpu.memory_space<vmem>>, vector<1x16xf32>,
        %get3A_1347 = arith.index_cast %scan3A_94 : i32 to index
        %get3A_1348 = arith.constant 624 : index
        %get3A_1349 = tpu.vector_load %arg8[%get3A_1347, %get3A_1348] {strides = array<i32>} : memref<64x768xf32, #tpu.memory_space<vmem>>, vector<1x16xf32>,
        %get3A_1350 = vector.shape_cast %get3A_1349 : vector<1x16xf32> to vector<16xf32>
        %mul3A_1351 = arith.mulf %get3A_1350, %mul3A_605 : vector<16xf32>
        %sub3A_1352 = arith.subf %mul3A_1351, %mul3A_606 : vector<16xf32>
        %get3A_1353 = arith.constant 624 : index
        %get3A_1354 = tpu.vector_load %arg10[%get3A_1353] {strides = array<i32>} : memref<768xf32, #tpu.memory_space<vmem>>, vector<16xf32>,
        %get3A_1355 = vector.shape_cast %get3A_1354 : vector<16xf32> to vector<16xf32>
        %mul3A_1356 = arith.mulf %sub3A_1352, %get3A_1355 : vector<16xf32>
        %get3A_1357 = arith.constant 624 : index
        %get3A_1358 = tpu.vector_load %arg11[%get3A_1357] {strides = array<i32>} : memref<768xf32, #tpu.memory_space<vmem>>, vector<16xf32>,
        %get3A_1359 = vector.shape_cast %get3A_1358 : vector<16xf32> to vector<16xf32>
        %add3A_1360 = arith.addf %mul3A_1356, %get3A_1359 : vector<16xf32>
        %swap3A_1361 = arith.index_cast %scan3A_94 : i32 to index
        %swap3A_1362 = arith.constant 624 : index
        %swap3A_1363 = tpu.vector_load %arg8[%swap3A_1361, %swap3A_1362] {strides = array<i32>} : memref<64x768xf32, #tpu.memory_space<vmem>>, vector<1x16xf32>,
        %swap3A_1364 = vector.shape_cast %swap3A_1363 : vector<1x16xf32> to vector<16xf32>
        %swap3A_1365 = vector.shape_cast %add3A_1360 : vector<16xf32> to vector<1x16xf32>
        tpu.vector_store %arg8[%swap3A_1361, %swap3A_1362], %swap3A_1365 {strides = array<i32>} : memref<64x768xf32, #tpu.memory_space<vmem>>, vector<1x16xf32>,
        %get3A_1366 = arith.index_cast %scan3A_94 : i32 to index
        %get3A_1367 = arith.constant 640 : index
        %get3A_1368 = tpu.vector_load %arg8[%get3A_1366, %get3A_1367] {strides = array<i32>} : memref<64x768xf32, #tpu.memory_space<vmem>>, vector<1x16xf32>,
        %get3A_1369 = vector.shape_cast %get3A_1368 : vector<1x16xf32> to vector<16xf32>
        %mul3A_1370 = arith.mulf %get3A_1369, %mul3A_605 : vector<16xf32>
        %sub3A_1371 = arith.subf %mul3A_1370, %mul3A_606 : vector<16xf32>
        %get3A_1372 = arith.constant 640 : index
        %get3A_1373 = tpu.vector_load %arg10[%get3A_1372] {strides = array<i32>} : memref<768xf32, #tpu.memory_space<vmem>>, vector<16xf32>,
        %get3A_1374 = vector.shape_cast %get3A_1373 : vector<16xf32> to vector<16xf32>
        %mul3A_1375 = arith.mulf %sub3A_1371, %get3A_1374 : vector<16xf32>
        %get3A_1376 = arith.constant 640 : index
        %get3A_1377 = tpu.vector_load %arg11[%get3A_1376] {strides = array<i32>} : memref<768xf32, #tpu.memory_space<vmem>>, vector<16xf32>,
        %get3A_1378 = vector.shape_cast %get3A_1377 : vector<16xf32> to vector<16xf32>
        %add3A_1379 = arith.addf %mul3A_1375, %get3A_1378 : vector<16xf32>
        %swap3A_1380 = arith.index_cast %scan3A_94 : i32 to index
        %swap3A_1381 = arith.constant 640 : index
        %swap3A_1382 = tpu.vector_load %arg8[%swap3A_1380, %swap3A_1381] {strides = array<i32>} : memref<64x768xf32, #tpu.memory_space<vmem>>, vector<1x16xf32>,
        %swap3A_1383 = vector.shape_cast %swap3A_1382 : vector<1x16xf32> to vector<16xf32>
        %swap3A_1384 = vector.shape_cast %add3A_1379 : vector<16xf32> to vector<1x16xf32>
        tpu.vector_store %arg8[%swap3A_1380, %swap3A_1381], %swap3A_1384 {strides = array<i32>} : memref<64x768xf32, #tpu.memory_space<vmem>>, vector<1x16xf32>,
        %get3A_1385 = arith.index_cast %scan3A_94 : i32 to index
        %get3A_1386 = arith.constant 656 : index
        %get3A_1387 = tpu.vector_load %arg8[%get3A_1385, %get3A_1386] {strides = array<i32>} : memref<64x768xf32, #tpu.memory_space<vmem>>, vector<1x16xf32>,
        %get3A_1388 = vector.shape_cast %get3A_1387 : vector<1x16xf32> to vector<16xf32>
        %mul3A_1389 = arith.mulf %get3A_1388, %mul3A_605 : vector<16xf32>
        %sub3A_1390 = arith.subf %mul3A_1389, %mul3A_606 : vector<16xf32>
        %get3A_1391 = arith.constant 656 : index
        %get3A_1392 = tpu.vector_load %arg10[%get3A_1391] {strides = array<i32>} : memref<768xf32, #tpu.memory_space<vmem>>, vector<16xf32>,
        %get3A_1393 = vector.shape_cast %get3A_1392 : vector<16xf32> to vector<16xf32>
        %mul3A_1394 = arith.mulf %sub3A_1390, %get3A_1393 : vector<16xf32>
        %get3A_1395 = arith.constant 656 : index
        %get3A_1396 = tpu.vector_load %arg11[%get3A_1395] {strides = array<i32>} : memref<768xf32, #tpu.memory_space<vmem>>, vector<16xf32>,
        %get3A_1397 = vector.shape_cast %get3A_1396 : vector<16xf32> to vector<16xf32>
        %add3A_1398 = arith.addf %mul3A_1394, %get3A_1397 : vector<16xf32>
        %swap3A_1399 = arith.index_cast %scan3A_94 : i32 to index
        %swap3A_1400 = arith.constant 656 : index
        %swap3A_1401 = tpu.vector_load %arg8[%swap3A_1399, %swap3A_1400] {strides = array<i32>} : memref<64x768xf32, #tpu.memory_space<vmem>>, vector<1x16xf32>,
        %swap3A_1402 = vector.shape_cast %swap3A_1401 : vector<1x16xf32> to vector<16xf32>
        %swap3A_1403 = vector.shape_cast %add3A_1398 : vector<16xf32> to vector<1x16xf32>
        tpu.vector_store %arg8[%swap3A_1399, %swap3A_1400], %swap3A_1403 {strides = array<i32>} : memref<64x768xf32, #tpu.memory_space<vmem>>, vector<1x16xf32>,
        %get3A_1404 = arith.index_cast %scan3A_94 : i32 to index
        %get3A_1405 = arith.constant 672 : index
        %get3A_1406 = tpu.vector_load %arg8[%get3A_1404, %get3A_1405] {strides = array<i32>} : memref<64x768xf32, #tpu.memory_space<vmem>>, vector<1x16xf32>,
        %get3A_1407 = vector.shape_cast %get3A_1406 : vector<1x16xf32> to vector<16xf32>
        %mul3A_1408 = arith.mulf %get3A_1407, %mul3A_605 : vector<16xf32>
        %sub3A_1409 = arith.subf %mul3A_1408, %mul3A_606 : vector<16xf32>
        %get3A_1410 = arith.constant 672 : index
        %get3A_1411 = tpu.vector_load %arg10[%get3A_1410] {strides = array<i32>} : memref<768xf32, #tpu.memory_space<vmem>>, vector<16xf32>,
        %get3A_1412 = vector.shape_cast %get3A_1411 : vector<16xf32> to vector<16xf32>
        %mul3A_1413 = arith.mulf %sub3A_1409, %get3A_1412 : vector<16xf32>
        %get3A_1414 = arith.constant 672 : index
        %get3A_1415 = tpu.vector_load %arg11[%get3A_1414] {strides = array<i32>} : memref<768xf32, #tpu.memory_space<vmem>>, vector<16xf32>,
        %get3A_1416 = vector.shape_cast %get3A_1415 : vector<16xf32> to vector<16xf32>
        %add3A_1417 = arith.addf %mul3A_1413, %get3A_1416 : vector<16xf32>
        %swap3A_1418 = arith.index_cast %scan3A_94 : i32 to index
        %swap3A_1419 = arith.constant 672 : index
        %swap3A_1420 = tpu.vector_load %arg8[%swap3A_1418, %swap3A_1419] {strides = array<i32>} : memref<64x768xf32, #tpu.memory_space<vmem>>, vector<1x16xf32>,
        %swap3A_1421 = vector.shape_cast %swap3A_1420 : vector<1x16xf32> to vector<16xf32>
        %swap3A_1422 = vector.shape_cast %add3A_1417 : vector<16xf32> to vector<1x16xf32>
        tpu.vector_store %arg8[%swap3A_1418, %swap3A_1419], %swap3A_1422 {strides = array<i32>} : memref<64x768xf32, #tpu.memory_space<vmem>>, vector<1x16xf32>,
        %get3A_1423 = arith.index_cast %scan3A_94 : i32 to index
        %get3A_1424 = arith.constant 688 : index
        %get3A_1425 = tpu.vector_load %arg8[%get3A_1423, %get3A_1424] {strides = array<i32>} : memref<64x768xf32, #tpu.memory_space<vmem>>, vector<1x16xf32>,
        %get3A_1426 = vector.shape_cast %get3A_1425 : vector<1x16xf32> to vector<16xf32>
        %mul3A_1427 = arith.mulf %get3A_1426, %mul3A_605 : vector<16xf32>
        %sub3A_1428 = arith.subf %mul3A_1427, %mul3A_606 : vector<16xf32>
        %get3A_1429 = arith.constant 688 : index
        %get3A_1430 = tpu.vector_load %arg10[%get3A_1429] {strides = array<i32>} : memref<768xf32, #tpu.memory_space<vmem>>, vector<16xf32>,
        %get3A_1431 = vector.shape_cast %get3A_1430 : vector<16xf32> to vector<16xf32>
        %mul3A_1432 = arith.mulf %sub3A_1428, %get3A_1431 : vector<16xf32>
        %get3A_1433 = arith.constant 688 : index
        %get3A_1434 = tpu.vector_load %arg11[%get3A_1433] {strides = array<i32>} : memref<768xf32, #tpu.memory_space<vmem>>, vector<16xf32>,
        %get3A_1435 = vector.shape_cast %get3A_1434 : vector<16xf32> to vector<16xf32>
        %add3A_1436 = arith.addf %mul3A_1432, %get3A_1435 : vector<16xf32>
        %swap3A_1437 = arith.index_cast %scan3A_94 : i32 to index
        %swap3A_1438 = arith.constant 688 : index
        %swap3A_1439 = tpu.vector_load %arg8[%swap3A_1437, %swap3A_1438] {strides = array<i32>} : memref<64x768xf32, #tpu.memory_space<vmem>>, vector<1x16xf32>,
        %swap3A_1440 = vector.shape_cast %swap3A_1439 : vector<1x16xf32> to vector<16xf32>
        %swap3A_1441 = vector.shape_cast %add3A_1436 : vector<16xf32> to vector<1x16xf32>
        tpu.vector_store %arg8[%swap3A_1437, %swap3A_1438], %swap3A_1441 {strides = array<i32>} : memref<64x768xf32, #tpu.memory_space<vmem>>, vector<1x16xf32>,
        %get3A_1442 = arith.index_cast %scan3A_94 : i32 to index
        %get3A_1443 = arith.constant 704 : index
        %get3A_1444 = tpu.vector_load %arg8[%get3A_1442, %get3A_1443] {strides = array<i32>} : memref<64x768xf32, #tpu.memory_space<vmem>>, vector<1x16xf32>,
        %get3A_1445 = vector.shape_cast %get3A_1444 : vector<1x16xf32> to vector<16xf32>
        %mul3A_1446 = arith.mulf %get3A_1445, %mul3A_605 : vector<16xf32>
        %sub3A_1447 = arith.subf %mul3A_1446, %mul3A_606 : vector<16xf32>
        %get3A_1448 = arith.constant 704 : index
        %get3A_1449 = tpu.vector_load %arg10[%get3A_1448] {strides = array<i32>} : memref<768xf32, #tpu.memory_space<vmem>>, vector<16xf32>,
        %get3A_1450 = vector.shape_cast %get3A_1449 : vector<16xf32> to vector<16xf32>
        %mul3A_1451 = arith.mulf %sub3A_1447, %get3A_1450 : vector<16xf32>
        %get3A_1452 = arith.constant 704 : index
        %get3A_1453 = tpu.vector_load %arg11[%get3A_1452] {strides = array<i32>} : memref<768xf32, #tpu.memory_space<vmem>>, vector<16xf32>,
        %get3A_1454 = vector.shape_cast %get3A_1453 : vector<16xf32> to vector<16xf32>
        %add3A_1455 = arith.addf %mul3A_1451, %get3A_1454 : vector<16xf32>
        %swap3A_1456 = arith.index_cast %scan3A_94 : i32 to index
        %swap3A_1457 = arith.constant 704 : index
        %swap3A_1458 = tpu.vector_load %arg8[%swap3A_1456, %swap3A_1457] {strides = array<i32>} : memref<64x768xf32, #tpu.memory_space<vmem>>, vector<1x16xf32>,
        %swap3A_1459 = vector.shape_cast %swap3A_1458 : vector<1x16xf32> to vector<16xf32>
        %swap3A_1460 = vector.shape_cast %add3A_1455 : vector<16xf32> to vector<1x16xf32>
        tpu.vector_store %arg8[%swap3A_1456, %swap3A_1457], %swap3A_1460 {strides = array<i32>} : memref<64x768xf32, #tpu.memory_space<vmem>>, vector<1x16xf32>,
        %get3A_1461 = arith.index_cast %scan3A_94 : i32 to index
        %get3A_1462 = arith.constant 720 : index
        %get3A_1463 = tpu.vector_load %arg8[%get3A_1461, %get3A_1462] {strides = array<i32>} : memref<64x768xf32, #tpu.memory_space<vmem>>, vector<1x16xf32>,
        %get3A_1464 = vector.shape_cast %get3A_1463 : vector<1x16xf32> to vector<16xf32>
        %mul3A_1465 = arith.mulf %get3A_1464, %mul3A_605 : vector<16xf32>
        %sub3A_1466 = arith.subf %mul3A_1465, %mul3A_606 : vector<16xf32>
        %get3A_1467 = arith.constant 720 : index
        %get3A_1468 = tpu.vector_load %arg10[%get3A_1467] {strides = array<i32>} : memref<768xf32, #tpu.memory_space<vmem>>, vector<16xf32>,
        %get3A_1469 = vector.shape_cast %get3A_1468 : vector<16xf32> to vector<16xf32>
        %mul3A_1470 = arith.mulf %sub3A_1466, %get3A_1469 : vector<16xf32>
        %get3A_1471 = arith.constant 720 : index
        %get3A_1472 = tpu.vector_load %arg11[%get3A_1471] {strides = array<i32>} : memref<768xf32, #tpu.memory_space<vmem>>, vector<16xf32>,
        %get3A_1473 = vector.shape_cast %get3A_1472 : vector<16xf32> to vector<16xf32>
        %add3A_1474 = arith.addf %mul3A_1470, %get3A_1473 : vector<16xf32>
        %swap3A_1475 = arith.index_cast %scan3A_94 : i32 to index
        %swap3A_1476 = arith.constant 720 : index
        %swap3A_1477 = tpu.vector_load %arg8[%swap3A_1475, %swap3A_1476] {strides = array<i32>} : memref<64x768xf32, #tpu.memory_space<vmem>>, vector<1x16xf32>,
        %swap3A_1478 = vector.shape_cast %swap3A_1477 : vector<1x16xf32> to vector<16xf32>
        %swap3A_1479 = vector.shape_cast %add3A_1474 : vector<16xf32> to vector<1x16xf32>
        tpu.vector_store %arg8[%swap3A_1475, %swap3A_1476], %swap3A_1479 {strides = array<i32>} : memref<64x768xf32, #tpu.memory_space<vmem>>, vector<1x16xf32>,
        %get3A_1480 = arith.index_cast %scan3A_94 : i32 to index
        %get3A_1481 = arith.constant 736 : index
        %get3A_1482 = tpu.vector_load %arg8[%get3A_1480, %get3A_1481] {strides = array<i32>} : memref<64x768xf32, #tpu.memory_space<vmem>>, vector<1x16xf32>,
        %get3A_1483 = vector.shape_cast %get3A_1482 : vector<1x16xf32> to vector<16xf32>
        %mul3A_1484 = arith.mulf %get3A_1483, %mul3A_605 : vector<16xf32>
        %sub3A_1485 = arith.subf %mul3A_1484, %mul3A_606 : vector<16xf32>
        %get3A_1486 = arith.constant 736 : index
        %get3A_1487 = tpu.vector_load %arg10[%get3A_1486] {strides = array<i32>} : memref<768xf32, #tpu.memory_space<vmem>>, vector<16xf32>,
        %get3A_1488 = vector.shape_cast %get3A_1487 : vector<16xf32> to vector<16xf32>
        %mul3A_1489 = arith.mulf %sub3A_1485, %get3A_1488 : vector<16xf32>
        %get3A_1490 = arith.constant 736 : index
        %get3A_1491 = tpu.vector_load %arg11[%get3A_1490] {strides = array<i32>} : memref<768xf32, #tpu.memory_space<vmem>>, vector<16xf32>,
        %get3A_1492 = vector.shape_cast %get3A_1491 : vector<16xf32> to vector<16xf32>
        %add3A_1493 = arith.addf %mul3A_1489, %get3A_1492 : vector<16xf32>
        %swap3A_1494 = arith.index_cast %scan3A_94 : i32 to index
        %swap3A_1495 = arith.constant 736 : index
        %swap3A_1496 = tpu.vector_load %arg8[%swap3A_1494, %swap3A_1495] {strides = array<i32>} : memref<64x768xf32, #tpu.memory_space<vmem>>, vector<1x16xf32>,
        %swap3A_1497 = vector.shape_cast %swap3A_1496 : vector<1x16xf32> to vector<16xf32>
        %swap3A_1498 = vector.shape_cast %add3A_1493 : vector<16xf32> to vector<1x16xf32>
        tpu.vector_store %arg8[%swap3A_1494, %swap3A_1495], %swap3A_1498 {strides = array<i32>} : memref<64x768xf32, #tpu.memory_space<vmem>>, vector<1x16xf32>,
        %get3A_1499 = arith.index_cast %scan3A_94 : i32 to index
        %get3A_1500 = arith.constant 752 : index
        %get3A_1501 = tpu.vector_load %arg8[%get3A_1499, %get3A_1500] {strides = array<i32>} : memref<64x768xf32, #tpu.memory_space<vmem>>, vector<1x16xf32>,
        %get3A_1502 = vector.shape_cast %get3A_1501 : vector<1x16xf32> to vector<16xf32>
        %mul3A_1503 = arith.mulf %get3A_1502, %mul3A_605 : vector<16xf32>
        %sub3A_1504 = arith.subf %mul3A_1503, %mul3A_606 : vector<16xf32>
        %get3A_1505 = arith.constant 752 : index
        %get3A_1506 = tpu.vector_load %arg10[%get3A_1505] {strides = array<i32>} : memref<768xf32, #tpu.memory_space<vmem>>, vector<16xf32>,
        %get3A_1507 = vector.shape_cast %get3A_1506 : vector<16xf32> to vector<16xf32>
        %mul3A_1508 = arith.mulf %sub3A_1504, %get3A_1507 : vector<16xf32>
        %get3A_1509 = arith.constant 752 : index
        %get3A_1510 = tpu.vector_load %arg11[%get3A_1509] {strides = array<i32>} : memref<768xf32, #tpu.memory_space<vmem>>, vector<16xf32>,
        %get3A_1511 = vector.shape_cast %get3A_1510 : vector<16xf32> to vector<16xf32>
        %add3A_1512 = arith.addf %mul3A_1508, %get3A_1511 : vector<16xf32>
        %swap3A_1513 = arith.index_cast %scan3A_94 : i32 to index
        %swap3A_1514 = arith.constant 752 : index
        %swap3A_1515 = tpu.vector_load %arg8[%swap3A_1513, %swap3A_1514] {strides = array<i32>} : memref<64x768xf32, #tpu.memory_space<vmem>>, vector<1x16xf32>,
        %swap3A_1516 = vector.shape_cast %swap3A_1515 : vector<1x16xf32> to vector<16xf32>
        %swap3A_1517 = vector.shape_cast %add3A_1512 : vector<16xf32> to vector<1x16xf32>
        tpu.vector_store %arg8[%swap3A_1513, %swap3A_1514], %swap3A_1517 {strides = array<i32>} : memref<64x768xf32, #tpu.memory_space<vmem>>, vector<1x16xf32>,
      }
      %scan3A_47 = arith.constant 64 : i32
      %dma_start3A_48 = arith.constant 0 : i32
      %dma_start3A_49 = arith.constant 0 : i32
      %dma_start3A_50 = tpu.memref_slice %arg6[%add3A, %add3A_24, %dma_start3A_48, %dma_start3A_49] : memref<32x8x64x768xf32, #tpu.memory_space<hbm>> -> memref<1x1x64x768xf32, #tpu.memory_space<hbm>>
      %dma_start3A_51 = tpu.memref_squeeze %dma_start3A_50 : memref<1x1x64x768xf32, #tpu.memory_space<hbm>> -> memref<64x768xf32, #tpu.memory_space<hbm>>
      %dma_start3A_52 = arith.constant 0 : i32
      %dma_start3A_53 = arith.constant 0 : i32
      %dma_start3A_54 = tpu.memref_slice %arg6[%add3A, %add3A_24, %dma_start3A_52, %dma_start3A_53] : memref<32x8x64x768xf32, #tpu.memory_space<hbm>> -> memref<1x1x64x768xf32, #tpu.memory_space<hbm>>
      %dma_start3A_55 = tpu.memref_squeeze %dma_start3A_54 : memref<1x1x64x768xf32, #tpu.memory_space<hbm>> -> memref<64x768xf32, #tpu.memory_space<hbm>>
      tpu.enqueue_dma source(%arg8 : memref<64x768xf32, #tpu.memory_space<vmem>>) target(%dma_start3A_55 : memref<64x768xf32, #tpu.memory_space<hbm>>) target_semaphore(%arg14 : memref<!tpu.dma_semaphore, #tpu.memory_space<semaphore_mem>>)
      %mul3A_56 = arith.constant 2 : i32
      %mul3A_57 = arith.muli %scan3A_20, %mul3A_56 : i32
      %add3A_58 = arith.constant 1 : i32
      %add3A_59 = arith.addi %mul3A_57, %add3A_58 : i32
      %dma_wait3A_60 = arith.constant 0 : i32
      %dma_wait3A_61 = arith.constant 0 : i32
      %dma_wait3A_62 = tpu.memref_slice %arg7[%dma_wait3A_60, %dma_wait3A_61] : memref<8x64xi32, #tpu.memory_space<vmem>> -> memref<1x64xi32, #tpu.memory_space<vmem>>
      %dma_wait3A_63 = tpu.memref_squeeze %dma_wait3A_62 : memref<1x64xi32, #tpu.memory_space<vmem>> -> memref<64xi32, #tpu.memory_space<vmem>>
      %dma_wait3A_64 = arith.constant 0 : i32
      %dma_wait3A_65 = arith.constant 0 : i32
      %dma_wait3A_66 = tpu.memref_slice %arg3[%dma_wait3A_64, %dma_wait3A_65] : memref<4096x768xf32, #tpu.memory_space<hbm>> -> memref<4096x768xf32, #tpu.memory_space<hbm>>
      tpu.wait_indirect_dma semaphore(%arg13 : memref<!tpu.dma_semaphore, #tpu.memory_space<semaphore_mem>>) src(%dma_wait3A_66 : memref<4096x768xf32, #tpu.memory_space<hbm>>) dst(%arg9 : memref<64x768xf32, #tpu.memory_space<vmem>>)
      %dma_wait3A_67 = arith.constant 0 : i32
      %dma_wait3A_68 = arith.constant 0 : i32
      %dma_wait3A_69 = arith.constant 0 : i32
      %dma_wait3A_70 = tpu.memref_slice %arg6[%add3A, %dma_wait3A_67, %dma_wait3A_68, %dma_wait3A_69] : memref<32x8x64x768xf32, #tpu.memory_space<hbm>> -> memref<1x1x64x768xf32, #tpu.memory_space<hbm>>
      %dma_wait3A_71 = tpu.memref_squeeze %dma_wait3A_70 : memref<1x1x64x768xf32, #tpu.memory_space<hbm>> -> memref<64x768xf32, #tpu.memory_space<hbm>>
      %dma_wait3A_72 = arith.constant 0 : i32
      %dma_wait3A_73 = arith.constant 0 : i32
      %dma_wait3A_74 = tpu.memref_slice %arg6[%add3A, %dma_wait3A_67, %dma_wait3A_72, %dma_wait3A_73] : memref<32x8x64x768xf32, #tpu.memory_space<hbm>> -> memref<1x1x64x768xf32, #tpu.memory_space<hbm>>
      %dma_wait3A_75 = tpu.memref_squeeze %dma_wait3A_74 : memref<1x1x64x768xf32, #tpu.memory_space<hbm>> -> memref<64x768xf32, #tpu.memory_space<hbm>>
      tpu.wait_dma2 semaphore(%arg14 : memref<!tpu.dma_semaphore, #tpu.memory_space<semaphore_mem>>) src(%arg8 : memref<64x768xf32, #tpu.memory_space<vmem>>) dst(%dma_wait3A_75 : memref<64x768xf32, #tpu.memory_space<hbm>>)
      %lt3A = arith.constant 3 : i32
      %lt3A_76 = arith.cmpi slt, %scan3A_20, %lt3A : i32
      %convert_element_type3A_77 = arith.extui %lt3A_76 : i1 to i32
      %cond3A_78 = arith.constant 0 : i32
      %cond3A_79 = arith.cmpi ne, %convert_element_type3A_77, %cond3A_78 : i32
      scf.if %cond3A_79 {
        %add3A_94 = arith.constant 1 : i32
        %add3A_95 = arith.addi %add3A_59, %add3A_94 : i32
        %dma_start3A_96 = arith.constant 0 : i32
        %dma_start3A_97 = tpu.memref_slice %arg7[%add3A_95, %dma_start3A_96] : memref<8x64xi32, #tpu.memory_space<vmem>> -> memref<1x64xi32, #tpu.memory_space<vmem>>
        %dma_start3A_98 = tpu.memref_squeeze %dma_start3A_97 : memref<1x64xi32, #tpu.memory_space<vmem>> -> memref<64xi32, #tpu.memory_space<vmem>>
        %dma_start3A_99 = arith.constant 0 : i32
        %dma_start3A_100 = arith.constant 0 : i32
        %dma_start3A_101 = tpu.memref_slice %arg3[%dma_start3A_99, %dma_start3A_100] : memref<4096x768xf32, #tpu.memory_space<hbm>> -> memref<4096x768xf32, #tpu.memory_space<hbm>>
        tpu.enqueue_indirect_dma source(%dma_start3A_101 : memref<4096x768xf32, #tpu.memory_space<hbm>>) target(%arg8 : memref<64x768xf32, #tpu.memory_space<vmem>>) offsets(%dma_start3A_98 : memref<64xi32, #tpu.memory_space<vmem>>) semaphore(%arg12 : memref<!tpu.dma_semaphore, #tpu.memory_space<semaphore_mem>>)
      } else {
      }
      %scan3A_80 = arith.constant 0 : i32
      %scan3A_81 = arith.constant 0 : i32
      %scan3A_82 = arith.constant 64 : i32
      %scan3A_83 = arith.addi %scan3A_81, %scan3A_82 : i32
      %scan3A_84 = arith.constant 1 : i32
      scf.for %scan3A_94 = %scan3A_81 to %scan3A_83 step %scan3A_84  : i32 {
        %broadcast_in_dim3A = arith.constant 0.000000e+00 : f32
        %broadcast_in_dim3A_95 = vector.broadcast %broadcast_in_dim3A : f32 to vector<16xf32>
        %broadcast_in_dim3A_96 = arith.constant 0.000000e+00 : f32
        %broadcast_in_dim3A_97 = vector.broadcast %broadcast_in_dim3A_96 : f32 to vector<16xf32>
        %broadcast_in_dim3A_98 = arith.constant 0.000000e+00 : f32
        %broadcast_in_dim3A_99 = vector.broadcast %broadcast_in_dim3A_98 : f32 to vector<16xf32>
        %broadcast_in_dim3A_100 = arith.constant 0.000000e+00 : f32
        %broadcast_in_dim3A_101 = vector.broadcast %broadcast_in_dim3A_100 : f32 to vector<16xf32>
        %broadcast_in_dim3A_102 = arith.constant 0.000000e+00 : f32
        %broadcast_in_dim3A_103 = vector.broadcast %broadcast_in_dim3A_102 : f32 to vector<16xf32>
        %broadcast_in_dim3A_104 = arith.constant 0.000000e+00 : f32
        %broadcast_in_dim3A_105 = vector.broadcast %broadcast_in_dim3A_104 : f32 to vector<16xf32>
        %broadcast_in_dim3A_106 = arith.constant 0.000000e+00 : f32
        %broadcast_in_dim3A_107 = vector.broadcast %broadcast_in_dim3A_106 : f32 to vector<16xf32>
        %broadcast_in_dim3A_108 = arith.constant 0.000000e+00 : f32
        %broadcast_in_dim3A_109 = vector.broadcast %broadcast_in_dim3A_108 : f32 to vector<16xf32>
        %get3A = arith.index_cast %scan3A_94 : i32 to index
        %get3A_110 = arith.constant 0 : index
        %get3A_111 = tpu.vector_load %arg9[%get3A, %get3A_110] {strides = array<i32>} : memref<64x768xf32, #tpu.memory_space<vmem>>, vector<1x16xf32>,
        %get3A_112 = vector.shape_cast %get3A_111 : vector<1x16xf32> to vector<16xf32>
        %add3A_113 = arith.addf %broadcast_in_dim3A_95, %get3A_112 : vector<16xf32>
        %mul3A_114 = arith.mulf %get3A_112, %get3A_112 : vector<16xf32>
        %add3A_115 = arith.addf %broadcast_in_dim3A_103, %mul3A_114 : vector<16xf32>
        %get3A_116 = arith.index_cast %scan3A_94 : i32 to index
        %get3A_117 = arith.constant 16 : index
        %get3A_118 = tpu.vector_load %arg9[%get3A_116, %get3A_117] {strides = array<i32>} : memref<64x768xf32, #tpu.memory_space<vmem>>, vector<1x16xf32>,
        %get3A_119 = vector.shape_cast %get3A_118 : vector<1x16xf32> to vector<16xf32>
        %add3A_120 = arith.addf %broadcast_in_dim3A_97, %get3A_119 : vector<16xf32>
        %mul3A_121 = arith.mulf %get3A_119, %get3A_119 : vector<16xf32>
        %add3A_122 = arith.addf %broadcast_in_dim3A_105, %mul3A_121 : vector<16xf32>
        %get3A_123 = arith.index_cast %scan3A_94 : i32 to index
        %get3A_124 = arith.constant 32 : index
        %get3A_125 = tpu.vector_load %arg9[%get3A_123, %get3A_124] {strides = array<i32>} : memref<64x768xf32, #tpu.memory_space<vmem>>, vector<1x16xf32>,
        %get3A_126 = vector.shape_cast %get3A_125 : vector<1x16xf32> to vector<16xf32>
        %add3A_127 = arith.addf %broadcast_in_dim3A_99, %get3A_126 : vector<16xf32>
        %mul3A_128 = arith.mulf %get3A_126, %get3A_126 : vector<16xf32>
        %add3A_129 = arith.addf %broadcast_in_dim3A_107, %mul3A_128 : vector<16xf32>
        %get3A_130 = arith.index_cast %scan3A_94 : i32 to index
        %get3A_131 = arith.constant 48 : index
        %get3A_132 = tpu.vector_load %arg9[%get3A_130, %get3A_131] {strides = array<i32>} : memref<64x768xf32, #tpu.memory_space<vmem>>, vector<1x16xf32>,
        %get3A_133 = vector.shape_cast %get3A_132 : vector<1x16xf32> to vector<16xf32>
        %add3A_134 = arith.addf %broadcast_in_dim3A_101, %get3A_133 : vector<16xf32>
        %mul3A_135 = arith.mulf %get3A_133, %get3A_133 : vector<16xf32>
        %add3A_136 = arith.addf %broadcast_in_dim3A_109, %mul3A_135 : vector<16xf32>
        %get3A_137 = arith.index_cast %scan3A_94 : i32 to index
        %get3A_138 = arith.constant 64 : index
        %get3A_139 = tpu.vector_load %arg9[%get3A_137, %get3A_138] {strides = array<i32>} : memref<64x768xf32, #tpu.memory_space<vmem>>, vector<1x16xf32>,
        %get3A_140 = vector.shape_cast %get3A_139 : vector<1x16xf32> to vector<16xf32>
        %add3A_141 = arith.addf %add3A_113, %get3A_140 : vector<16xf32>
        %mul3A_142 = arith.mulf %get3A_140, %get3A_140 : vector<16xf32>
        %add3A_143 = arith.addf %add3A_115, %mul3A_142 : vector<16xf32>
        %get3A_144 = arith.index_cast %scan3A_94 : i32 to index
        %get3A_145 = arith.constant 80 : index
        %get3A_146 = tpu.vector_load %arg9[%get3A_144, %get3A_145] {strides = array<i32>} : memref<64x768xf32, #tpu.memory_space<vmem>>, vector<1x16xf32>,
        %get3A_147 = vector.shape_cast %get3A_146 : vector<1x16xf32> to vector<16xf32>
        %add3A_148 = arith.addf %add3A_120, %get3A_147 : vector<16xf32>
        %mul3A_149 = arith.mulf %get3A_147, %get3A_147 : vector<16xf32>
        %add3A_150 = arith.addf %add3A_122, %mul3A_149 : vector<16xf32>
        %get3A_151 = arith.index_cast %scan3A_94 : i32 to index
        %get3A_152 = arith.constant 96 : index
        %get3A_153 = tpu.vector_load %arg9[%get3A_151, %get3A_152] {strides = array<i32>} : memref<64x768xf32, #tpu.memory_space<vmem>>, vector<1x16xf32>,
        %get3A_154 = vector.shape_cast %get3A_153 : vector<1x16xf32> to vector<16xf32>
        %add3A_155 = arith.addf %add3A_127, %get3A_154 : vector<16xf32>
        %mul3A_156 = arith.mulf %get3A_154, %get3A_154 : vector<16xf32>
        %add3A_157 = arith.addf %add3A_129, %mul3A_156 : vector<16xf32>
        %get3A_158 = arith.index_cast %scan3A_94 : i32 to index
        %get3A_159 = arith.constant 112 : index
        %get3A_160 = tpu.vector_load %arg9[%get3A_158, %get3A_159] {strides = array<i32>} : memref<64x768xf32, #tpu.memory_space<vmem>>, vector<1x16xf32>,
        %get3A_161 = vector.shape_cast %get3A_160 : vector<1x16xf32> to vector<16xf32>
        %add3A_162 = arith.addf %add3A_134, %get3A_161 : vector<16xf32>
        %mul3A_163 = arith.mulf %get3A_161, %get3A_161 : vector<16xf32>
        %add3A_164 = arith.addf %add3A_136, %mul3A_163 : vector<16xf32>
        %get3A_165 = arith.index_cast %scan3A_94 : i32 to index
        %get3A_166 = arith.constant 128 : index
        %get3A_167 = tpu.vector_load %arg9[%get3A_165, %get3A_166] {strides = array<i32>} : memref<64x768xf32, #tpu.memory_space<vmem>>, vector<1x16xf32>,
        %get3A_168 = vector.shape_cast %get3A_167 : vector<1x16xf32> to vector<16xf32>
        %add3A_169 = arith.addf %add3A_141, %get3A_168 : vector<16xf32>
        %mul3A_170 = arith.mulf %get3A_168, %get3A_168 : vector<16xf32>
        %add3A_171 = arith.addf %add3A_143, %mul3A_170 : vector<16xf32>
        %get3A_172 = arith.index_cast %scan3A_94 : i32 to index
        %get3A_173 = arith.constant 144 : index
        %get3A_174 = tpu.vector_load %arg9[%get3A_172, %get3A_173] {strides = array<i32>} : memref<64x768xf32, #tpu.memory_space<vmem>>, vector<1x16xf32>,
        %get3A_175 = vector.shape_cast %get3A_174 : vector<1x16xf32> to vector<16xf32>
        %add3A_176 = arith.addf %add3A_148, %get3A_175 : vector<16xf32>
        %mul3A_177 = arith.mulf %get3A_175, %get3A_175 : vector<16xf32>
        %add3A_178 = arith.addf %add3A_150, %mul3A_177 : vector<16xf32>
        %get3A_179 = arith.index_cast %scan3A_94 : i32 to index
        %get3A_180 = arith.constant 160 : index
        %get3A_181 = tpu.vector_load %arg9[%get3A_179, %get3A_180] {strides = array<i32>} : memref<64x768xf32, #tpu.memory_space<vmem>>, vector<1x16xf32>,
        %get3A_182 = vector.shape_cast %get3A_181 : vector<1x16xf32> to vector<16xf32>
        %add3A_183 = arith.addf %add3A_155, %get3A_182 : vector<16xf32>
        %mul3A_184 = arith.mulf %get3A_182, %get3A_182 : vector<16xf32>
        %add3A_185 = arith.addf %add3A_157, %mul3A_184 : vector<16xf32>
        %get3A_186 = arith.index_cast %scan3A_94 : i32 to index
        %get3A_187 = arith.constant 176 : index
        %get3A_188 = tpu.vector_load %arg9[%get3A_186, %get3A_187] {strides = array<i32>} : memref<64x768xf32, #tpu.memory_space<vmem>>, vector<1x16xf32>,
        %get3A_189 = vector.shape_cast %get3A_188 : vector<1x16xf32> to vector<16xf32>
        %add3A_190 = arith.addf %add3A_162, %get3A_189 : vector<16xf32>
        %mul3A_191 = arith.mulf %get3A_189, %get3A_189 : vector<16xf32>
        %add3A_192 = arith.addf %add3A_164, %mul3A_191 : vector<16xf32>
        %get3A_193 = arith.index_cast %scan3A_94 : i32 to index
        %get3A_194 = arith.constant 192 : index
        %get3A_195 = tpu.vector_load %arg9[%get3A_193, %get3A_194] {strides = array<i32>} : memref<64x768xf32, #tpu.memory_space<vmem>>, vector<1x16xf32>,
        %get3A_196 = vector.shape_cast %get3A_195 : vector<1x16xf32> to vector<16xf32>
        %add3A_197 = arith.addf %add3A_169, %get3A_196 : vector<16xf32>
        %mul3A_198 = arith.mulf %get3A_196, %get3A_196 : vector<16xf32>
        %add3A_199 = arith.addf %add3A_171, %mul3A_198 : vector<16xf32>
        %get3A_200 = arith.index_cast %scan3A_94 : i32 to index
        %get3A_201 = arith.constant 208 : index
        %get3A_202 = tpu.vector_load %arg9[%get3A_200, %get3A_201] {strides = array<i32>} : memref<64x768xf32, #tpu.memory_space<vmem>>, vector<1x16xf32>,
        %get3A_203 = vector.shape_cast %get3A_202 : vector<1x16xf32> to vector<16xf32>
        %add3A_204 = arith.addf %add3A_176, %get3A_203 : vector<16xf32>
        %mul3A_205 = arith.mulf %get3A_203, %get3A_203 : vector<16xf32>
        %add3A_206 = arith.addf %add3A_178, %mul3A_205 : vector<16xf32>
        %get3A_207 = arith.index_cast %scan3A_94 : i32 to index
        %get3A_208 = arith.constant 224 : index
        %get3A_209 = tpu.vector_load %arg9[%get3A_207, %get3A_208] {strides = array<i32>} : memref<64x768xf32, #tpu.memory_space<vmem>>, vector<1x16xf32>,
        %get3A_210 = vector.shape_cast %get3A_209 : vector<1x16xf32> to vector<16xf32>
        %add3A_211 = arith.addf %add3A_183, %get3A_210 : vector<16xf32>
        %mul3A_212 = arith.mulf %get3A_210, %get3A_210 : vector<16xf32>
        %add3A_213 = arith.addf %add3A_185, %mul3A_212 : vector<16xf32>
        %get3A_214 = arith.index_cast %scan3A_94 : i32 to index
        %get3A_215 = arith.constant 240 : index
        %get3A_216 = tpu.vector_load %arg9[%get3A_214, %get3A_215] {strides = array<i32>} : memref<64x768xf32, #tpu.memory_space<vmem>>, vector<1x16xf32>,
        %get3A_217 = vector.shape_cast %get3A_216 : vector<1x16xf32> to vector<16xf32>
        %add3A_218 = arith.addf %add3A_190, %get3A_217 : vector<16xf32>
        %mul3A_219 = arith.mulf %get3A_217, %get3A_217 : vector<16xf32>
        %add3A_220 = arith.addf %add3A_192, %mul3A_219 : vector<16xf32>
        %get3A_221 = arith.index_cast %scan3A_94 : i32 to index
        %get3A_222 = arith.constant 256 : index
        %get3A_223 = tpu.vector_load %arg9[%get3A_221, %get3A_222] {strides = array<i32>} : memref<64x768xf32, #tpu.memory_space<vmem>>, vector<1x16xf32>,
        %get3A_224 = vector.shape_cast %get3A_223 : vector<1x16xf32> to vector<16xf32>
        %add3A_225 = arith.addf %add3A_197, %get3A_224 : vector<16xf32>
        %mul3A_226 = arith.mulf %get3A_224, %get3A_224 : vector<16xf32>
        %add3A_227 = arith.addf %add3A_199, %mul3A_226 : vector<16xf32>
        %get3A_228 = arith.index_cast %scan3A_94 : i32 to index
        %get3A_229 = arith.constant 272 : index
        %get3A_230 = tpu.vector_load %arg9[%get3A_228, %get3A_229] {strides = array<i32>} : memref<64x768xf32, #tpu.memory_space<vmem>>, vector<1x16xf32>,
        %get3A_231 = vector.shape_cast %get3A_230 : vector<1x16xf32> to vector<16xf32>
        %add3A_232 = arith.addf %add3A_204, %get3A_231 : vector<16xf32>
        %mul3A_233 = arith.mulf %get3A_231, %get3A_231 : vector<16xf32>
        %add3A_234 = arith.addf %add3A_206, %mul3A_233 : vector<16xf32>
        %get3A_235 = arith.index_cast %scan3A_94 : i32 to index
        %get3A_236 = arith.constant 288 : index
        %get3A_237 = tpu.vector_load %arg9[%get3A_235, %get3A_236] {strides = array<i32>} : memref<64x768xf32, #tpu.memory_space<vmem>>, vector<1x16xf32>,
        %get3A_238 = vector.shape_cast %get3A_237 : vector<1x16xf32> to vector<16xf32>
        %add3A_239 = arith.addf %add3A_211, %get3A_238 : vector<16xf32>
        %mul3A_240 = arith.mulf %get3A_238, %get3A_238 : vector<16xf32>
        %add3A_241 = arith.addf %add3A_213, %mul3A_240 : vector<16xf32>
        %get3A_242 = arith.index_cast %scan3A_94 : i32 to index
        %get3A_243 = arith.constant 304 : index
        %get3A_244 = tpu.vector_load %arg9[%get3A_242, %get3A_243] {strides = array<i32>} : memref<64x768xf32, #tpu.memory_space<vmem>>, vector<1x16xf32>,
        %get3A_245 = vector.shape_cast %get3A_244 : vector<1x16xf32> to vector<16xf32>
        %add3A_246 = arith.addf %add3A_218, %get3A_245 : vector<16xf32>
        %mul3A_247 = arith.mulf %get3A_245, %get3A_245 : vector<16xf32>
        %add3A_248 = arith.addf %add3A_220, %mul3A_247 : vector<16xf32>
        %get3A_249 = arith.index_cast %scan3A_94 : i32 to index
        %get3A_250 = arith.constant 320 : index
        %get3A_251 = tpu.vector_load %arg9[%get3A_249, %get3A_250] {strides = array<i32>} : memref<64x768xf32, #tpu.memory_space<vmem>>, vector<1x16xf32>,
        %get3A_252 = vector.shape_cast %get3A_251 : vector<1x16xf32> to vector<16xf32>
        %add3A_253 = arith.addf %add3A_225, %get3A_252 : vector<16xf32>
        %mul3A_254 = arith.mulf %get3A_252, %get3A_252 : vector<16xf32>
        %add3A_255 = arith.addf %add3A_227, %mul3A_254 : vector<16xf32>
        %get3A_256 = arith.index_cast %scan3A_94 : i32 to index
        %get3A_257 = arith.constant 336 : index
        %get3A_258 = tpu.vector_load %arg9[%get3A_256, %get3A_257] {strides = array<i32>} : memref<64x768xf32, #tpu.memory_space<vmem>>, vector<1x16xf32>,
        %get3A_259 = vector.shape_cast %get3A_258 : vector<1x16xf32> to vector<16xf32>
        %add3A_260 = arith.addf %add3A_232, %get3A_259 : vector<16xf32>
        %mul3A_261 = arith.mulf %get3A_259, %get3A_259 : vector<16xf32>
        %add3A_262 = arith.addf %add3A_234, %mul3A_261 : vector<16xf32>
        %get3A_263 = arith.index_cast %scan3A_94 : i32 to index
        %get3A_264 = arith.constant 352 : index
        %get3A_265 = tpu.vector_load %arg9[%get3A_263, %get3A_264] {strides = array<i32>} : memref<64x768xf32, #tpu.memory_space<vmem>>, vector<1x16xf32>,
        %get3A_266 = vector.shape_cast %get3A_265 : vector<1x16xf32> to vector<16xf32>
        %add3A_267 = arith.addf %add3A_239, %get3A_266 : vector<16xf32>
        %mul3A_268 = arith.mulf %get3A_266, %get3A_266 : vector<16xf32>
        %add3A_269 = arith.addf %add3A_241, %mul3A_268 : vector<16xf32>
        %get3A_270 = arith.index_cast %scan3A_94 : i32 to index
        %get3A_271 = arith.constant 368 : index
        %get3A_272 = tpu.vector_load %arg9[%get3A_270, %get3A_271] {strides = array<i32>} : memref<64x768xf32, #tpu.memory_space<vmem>>, vector<1x16xf32>,
        %get3A_273 = vector.shape_cast %get3A_272 : vector<1x16xf32> to vector<16xf32>
        %add3A_274 = arith.addf %add3A_246, %get3A_273 : vector<16xf32>
        %mul3A_275 = arith.mulf %get3A_273, %get3A_273 : vector<16xf32>
        %add3A_276 = arith.addf %add3A_248, %mul3A_275 : vector<16xf32>
        %get3A_277 = arith.index_cast %scan3A_94 : i32 to index
        %get3A_278 = arith.constant 384 : index
        %get3A_279 = tpu.vector_load %arg9[%get3A_277, %get3A_278] {strides = array<i32>} : memref<64x768xf32, #tpu.memory_space<vmem>>, vector<1x16xf32>,
        %get3A_280 = vector.shape_cast %get3A_279 : vector<1x16xf32> to vector<16xf32>
        %add3A_281 = arith.addf %add3A_253, %get3A_280 : vector<16xf32>
        %mul3A_282 = arith.mulf %get3A_280, %get3A_280 : vector<16xf32>
        %add3A_283 = arith.addf %add3A_255, %mul3A_282 : vector<16xf32>
        %get3A_284 = arith.index_cast %scan3A_94 : i32 to index
        %get3A_285 = arith.constant 400 : index
        %get3A_286 = tpu.vector_load %arg9[%get3A_284, %get3A_285] {strides = array<i32>} : memref<64x768xf32, #tpu.memory_space<vmem>>, vector<1x16xf32>,
        %get3A_287 = vector.shape_cast %get3A_286 : vector<1x16xf32> to vector<16xf32>
        %add3A_288 = arith.addf %add3A_260, %get3A_287 : vector<16xf32>
        %mul3A_289 = arith.mulf %get3A_287, %get3A_287 : vector<16xf32>
        %add3A_290 = arith.addf %add3A_262, %mul3A_289 : vector<16xf32>
        %get3A_291 = arith.index_cast %scan3A_94 : i32 to index
        %get3A_292 = arith.constant 416 : index
        %get3A_293 = tpu.vector_load %arg9[%get3A_291, %get3A_292] {strides = array<i32>} : memref<64x768xf32, #tpu.memory_space<vmem>>, vector<1x16xf32>,
        %get3A_294 = vector.shape_cast %get3A_293 : vector<1x16xf32> to vector<16xf32>
        %add3A_295 = arith.addf %add3A_267, %get3A_294 : vector<16xf32>
        %mul3A_296 = arith.mulf %get3A_294, %get3A_294 : vector<16xf32>
        %add3A_297 = arith.addf %add3A_269, %mul3A_296 : vector<16xf32>
        %get3A_298 = arith.index_cast %scan3A_94 : i32 to index
        %get3A_299 = arith.constant 432 : index
        %get3A_300 = tpu.vector_load %arg9[%get3A_298, %get3A_299] {strides = array<i32>} : memref<64x768xf32, #tpu.memory_space<vmem>>, vector<1x16xf32>,
        %get3A_301 = vector.shape_cast %get3A_300 : vector<1x16xf32> to vector<16xf32>
        %add3A_302 = arith.addf %add3A_274, %get3A_301 : vector<16xf32>
        %mul3A_303 = arith.mulf %get3A_301, %get3A_301 : vector<16xf32>
        %add3A_304 = arith.addf %add3A_276, %mul3A_303 : vector<16xf32>
        %get3A_305 = arith.index_cast %scan3A_94 : i32 to index
        %get3A_306 = arith.constant 448 : index
        %get3A_307 = tpu.vector_load %arg9[%get3A_305, %get3A_306] {strides = array<i32>} : memref<64x768xf32, #tpu.memory_space<vmem>>, vector<1x16xf32>,
        %get3A_308 = vector.shape_cast %get3A_307 : vector<1x16xf32> to vector<16xf32>
        %add3A_309 = arith.addf %add3A_281, %get3A_308 : vector<16xf32>
        %mul3A_310 = arith.mulf %get3A_308, %get3A_308 : vector<16xf32>
        %add3A_311 = arith.addf %add3A_283, %mul3A_310 : vector<16xf32>
        %get3A_312 = arith.index_cast %scan3A_94 : i32 to index
        %get3A_313 = arith.constant 464 : index
        %get3A_314 = tpu.vector_load %arg9[%get3A_312, %get3A_313] {strides = array<i32>} : memref<64x768xf32, #tpu.memory_space<vmem>>, vector<1x16xf32>,
        %get3A_315 = vector.shape_cast %get3A_314 : vector<1x16xf32> to vector<16xf32>
        %add3A_316 = arith.addf %add3A_288, %get3A_315 : vector<16xf32>
        %mul3A_317 = arith.mulf %get3A_315, %get3A_315 : vector<16xf32>
        %add3A_318 = arith.addf %add3A_290, %mul3A_317 : vector<16xf32>
        %get3A_319 = arith.index_cast %scan3A_94 : i32 to index
        %get3A_320 = arith.constant 480 : index
        %get3A_321 = tpu.vector_load %arg9[%get3A_319, %get3A_320] {strides = array<i32>} : memref<64x768xf32, #tpu.memory_space<vmem>>, vector<1x16xf32>,
        %get3A_322 = vector.shape_cast %get3A_321 : vector<1x16xf32> to vector<16xf32>
        %add3A_323 = arith.addf %add3A_295, %get3A_322 : vector<16xf32>
        %mul3A_324 = arith.mulf %get3A_322, %get3A_322 : vector<16xf32>
        %add3A_325 = arith.addf %add3A_297, %mul3A_324 : vector<16xf32>
        %get3A_326 = arith.index_cast %scan3A_94 : i32 to index
        %get3A_327 = arith.constant 496 : index
        %get3A_328 = tpu.vector_load %arg9[%get3A_326, %get3A_327] {strides = array<i32>} : memref<64x768xf32, #tpu.memory_space<vmem>>, vector<1x16xf32>,
        %get3A_329 = vector.shape_cast %get3A_328 : vector<1x16xf32> to vector<16xf32>
        %add3A_330 = arith.addf %add3A_302, %get3A_329 : vector<16xf32>
        %mul3A_331 = arith.mulf %get3A_329, %get3A_329 : vector<16xf32>
        %add3A_332 = arith.addf %add3A_304, %mul3A_331 : vector<16xf32>
        %get3A_333 = arith.index_cast %scan3A_94 : i32 to index
        %get3A_334 = arith.constant 512 : index
        %get3A_335 = tpu.vector_load %arg9[%get3A_333, %get3A_334] {strides = array<i32>} : memref<64x768xf32, #tpu.memory_space<vmem>>, vector<1x16xf32>,
        %get3A_336 = vector.shape_cast %get3A_335 : vector<1x16xf32> to vector<16xf32>
        %add3A_337 = arith.addf %add3A_309, %get3A_336 : vector<16xf32>
        %mul3A_338 = arith.mulf %get3A_336, %get3A_336 : vector<16xf32>
        %add3A_339 = arith.addf %add3A_311, %mul3A_338 : vector<16xf32>
        %get3A_340 = arith.index_cast %scan3A_94 : i32 to index
        %get3A_341 = arith.constant 528 : index
        %get3A_342 = tpu.vector_load %arg9[%get3A_340, %get3A_341] {strides = array<i32>} : memref<64x768xf32, #tpu.memory_space<vmem>>, vector<1x16xf32>,
        %get3A_343 = vector.shape_cast %get3A_342 : vector<1x16xf32> to vector<16xf32>
        %add3A_344 = arith.addf %add3A_316, %get3A_343 : vector<16xf32>
        %mul3A_345 = arith.mulf %get3A_343, %get3A_343 : vector<16xf32>
        %add3A_346 = arith.addf %add3A_318, %mul3A_345 : vector<16xf32>
        %get3A_347 = arith.index_cast %scan3A_94 : i32 to index
        %get3A_348 = arith.constant 544 : index
        %get3A_349 = tpu.vector_load %arg9[%get3A_347, %get3A_348] {strides = array<i32>} : memref<64x768xf32, #tpu.memory_space<vmem>>, vector<1x16xf32>,
        %get3A_350 = vector.shape_cast %get3A_349 : vector<1x16xf32> to vector<16xf32>
        %add3A_351 = arith.addf %add3A_323, %get3A_350 : vector<16xf32>
        %mul3A_352 = arith.mulf %get3A_350, %get3A_350 : vector<16xf32>
        %add3A_353 = arith.addf %add3A_325, %mul3A_352 : vector<16xf32>
        %get3A_354 = arith.index_cast %scan3A_94 : i32 to index
        %get3A_355 = arith.constant 560 : index
        %get3A_356 = tpu.vector_load %arg9[%get3A_354, %get3A_355] {strides = array<i32>} : memref<64x768xf32, #tpu.memory_space<vmem>>, vector<1x16xf32>,
        %get3A_357 = vector.shape_cast %get3A_356 : vector<1x16xf32> to vector<16xf32>
        %add3A_358 = arith.addf %add3A_330, %get3A_357 : vector<16xf32>
        %mul3A_359 = arith.mulf %get3A_357, %get3A_357 : vector<16xf32>
        %add3A_360 = arith.addf %add3A_332, %mul3A_359 : vector<16xf32>
        %get3A_361 = arith.index_cast %scan3A_94 : i32 to index
        %get3A_362 = arith.constant 576 : index
        %get3A_363 = tpu.vector_load %arg9[%get3A_361, %get3A_362] {strides = array<i32>} : memref<64x768xf32, #tpu.memory_space<vmem>>, vector<1x16xf32>,
        %get3A_364 = vector.shape_cast %get3A_363 : vector<1x16xf32> to vector<16xf32>
        %add3A_365 = arith.addf %add3A_337, %get3A_364 : vector<16xf32>
        %mul3A_366 = arith.mulf %get3A_364, %get3A_364 : vector<16xf32>
        %add3A_367 = arith.addf %add3A_339, %mul3A_366 : vector<16xf32>
        %get3A_368 = arith.index_cast %scan3A_94 : i32 to index
        %get3A_369 = arith.constant 592 : index
        %get3A_370 = tpu.vector_load %arg9[%get3A_368, %get3A_369] {strides = array<i32>} : memref<64x768xf32, #tpu.memory_space<vmem>>, vector<1x16xf32>,
        %get3A_371 = vector.shape_cast %get3A_370 : vector<1x16xf32> to vector<16xf32>
        %add3A_372 = arith.addf %add3A_344, %get3A_371 : vector<16xf32>
        %mul3A_373 = arith.mulf %get3A_371, %get3A_371 : vector<16xf32>
        %add3A_374 = arith.addf %add3A_346, %mul3A_373 : vector<16xf32>
        %get3A_375 = arith.index_cast %scan3A_94 : i32 to index
        %get3A_376 = arith.constant 608 : index
        %get3A_377 = tpu.vector_load %arg9[%get3A_375, %get3A_376] {strides = array<i32>} : memref<64x768xf32, #tpu.memory_space<vmem>>, vector<1x16xf32>,
        %get3A_378 = vector.shape_cast %get3A_377 : vector<1x16xf32> to vector<16xf32>
        %add3A_379 = arith.addf %add3A_351, %get3A_378 : vector<16xf32>
        %mul3A_380 = arith.mulf %get3A_378, %get3A_378 : vector<16xf32>
        %add3A_381 = arith.addf %add3A_353, %mul3A_380 : vector<16xf32>
        %get3A_382 = arith.index_cast %scan3A_94 : i32 to index
        %get3A_383 = arith.constant 624 : index
        %get3A_384 = tpu.vector_load %arg9[%get3A_382, %get3A_383] {strides = array<i32>} : memref<64x768xf32, #tpu.memory_space<vmem>>, vector<1x16xf32>,
        %get3A_385 = vector.shape_cast %get3A_384 : vector<1x16xf32> to vector<16xf32>
        %add3A_386 = arith.addf %add3A_358, %get3A_385 : vector<16xf32>
        %mul3A_387 = arith.mulf %get3A_385, %get3A_385 : vector<16xf32>
        %add3A_388 = arith.addf %add3A_360, %mul3A_387 : vector<16xf32>
        %get3A_389 = arith.index_cast %scan3A_94 : i32 to index
        %get3A_390 = arith.constant 640 : index
        %get3A_391 = tpu.vector_load %arg9[%get3A_389, %get3A_390] {strides = array<i32>} : memref<64x768xf32, #tpu.memory_space<vmem>>, vector<1x16xf32>,
        %get3A_392 = vector.shape_cast %get3A_391 : vector<1x16xf32> to vector<16xf32>
        %add3A_393 = arith.addf %add3A_365, %get3A_392 : vector<16xf32>
        %mul3A_394 = arith.mulf %get3A_392, %get3A_392 : vector<16xf32>
        %add3A_395 = arith.addf %add3A_367, %mul3A_394 : vector<16xf32>
        %get3A_396 = arith.index_cast %scan3A_94 : i32 to index
        %get3A_397 = arith.constant 656 : index
        %get3A_398 = tpu.vector_load %arg9[%get3A_396, %get3A_397] {strides = array<i32>} : memref<64x768xf32, #tpu.memory_space<vmem>>, vector<1x16xf32>,
        %get3A_399 = vector.shape_cast %get3A_398 : vector<1x16xf32> to vector<16xf32>
        %add3A_400 = arith.addf %add3A_372, %get3A_399 : vector<16xf32>
        %mul3A_401 = arith.mulf %get3A_399, %get3A_399 : vector<16xf32>
        %add3A_402 = arith.addf %add3A_374, %mul3A_401 : vector<16xf32>
        %get3A_403 = arith.index_cast %scan3A_94 : i32 to index
        %get3A_404 = arith.constant 672 : index
        %get3A_405 = tpu.vector_load %arg9[%get3A_403, %get3A_404] {strides = array<i32>} : memref<64x768xf32, #tpu.memory_space<vmem>>, vector<1x16xf32>,
        %get3A_406 = vector.shape_cast %get3A_405 : vector<1x16xf32> to vector<16xf32>
        %add3A_407 = arith.addf %add3A_379, %get3A_406 : vector<16xf32>
        %mul3A_408 = arith.mulf %get3A_406, %get3A_406 : vector<16xf32>
        %add3A_409 = arith.addf %add3A_381, %mul3A_408 : vector<16xf32>
        %get3A_410 = arith.index_cast %scan3A_94 : i32 to index
        %get3A_411 = arith.constant 688 : index
        %get3A_412 = tpu.vector_load %arg9[%get3A_410, %get3A_411] {strides = array<i32>} : memref<64x768xf32, #tpu.memory_space<vmem>>, vector<1x16xf32>,
        %get3A_413 = vector.shape_cast %get3A_412 : vector<1x16xf32> to vector<16xf32>
        %add3A_414 = arith.addf %add3A_386, %get3A_413 : vector<16xf32>
        %mul3A_415 = arith.mulf %get3A_413, %get3A_413 : vector<16xf32>
        %add3A_416 = arith.addf %add3A_388, %mul3A_415 : vector<16xf32>
        %get3A_417 = arith.index_cast %scan3A_94 : i32 to index
        %get3A_418 = arith.constant 704 : index
        %get3A_419 = tpu.vector_load %arg9[%get3A_417, %get3A_418] {strides = array<i32>} : memref<64x768xf32, #tpu.memory_space<vmem>>, vector<1x16xf32>,
        %get3A_420 = vector.shape_cast %get3A_419 : vector<1x16xf32> to vector<16xf32>
        %add3A_421 = arith.addf %add3A_393, %get3A_420 : vector<16xf32>
        %mul3A_422 = arith.mulf %get3A_420, %get3A_420 : vector<16xf32>
        %add3A_423 = arith.addf %add3A_395, %mul3A_422 : vector<16xf32>
        %get3A_424 = arith.index_cast %scan3A_94 : i32 to index
        %get3A_425 = arith.constant 720 : index
        %get3A_426 = tpu.vector_load %arg9[%get3A_424, %get3A_425] {strides = array<i32>} : memref<64x768xf32, #tpu.memory_space<vmem>>, vector<1x16xf32>,
        %get3A_427 = vector.shape_cast %get3A_426 : vector<1x16xf32> to vector<16xf32>
        %add3A_428 = arith.addf %add3A_400, %get3A_427 : vector<16xf32>
        %mul3A_429 = arith.mulf %get3A_427, %get3A_427 : vector<16xf32>
        %add3A_430 = arith.addf %add3A_402, %mul3A_429 : vector<16xf32>
        %get3A_431 = arith.index_cast %scan3A_94 : i32 to index
        %get3A_432 = arith.constant 736 : index
        %get3A_433 = tpu.vector_load %arg9[%get3A_431, %get3A_432] {strides = array<i32>} : memref<64x768xf32, #tpu.memory_space<vmem>>, vector<1x16xf32>,
        %get3A_434 = vector.shape_cast %get3A_433 : vector<1x16xf32> to vector<16xf32>
        %add3A_435 = arith.addf %add3A_407, %get3A_434 : vector<16xf32>
        %mul3A_436 = arith.mulf %get3A_434, %get3A_434 : vector<16xf32>
        %add3A_437 = arith.addf %add3A_409, %mul3A_436 : vector<16xf32>
        %get3A_438 = arith.index_cast %scan3A_94 : i32 to index
        %get3A_439 = arith.constant 752 : index
        %get3A_440 = tpu.vector_load %arg9[%get3A_438, %get3A_439] {strides = array<i32>} : memref<64x768xf32, #tpu.memory_space<vmem>>, vector<1x16xf32>,
        %get3A_441 = vector.shape_cast %get3A_440 : vector<1x16xf32> to vector<16xf32>
        %add3A_442 = arith.addf %add3A_414, %get3A_441 : vector<16xf32>
        %mul3A_443 = arith.mulf %get3A_441, %get3A_441 : vector<16xf32>
        %add3A_444 = arith.addf %add3A_416, %mul3A_443 : vector<16xf32>
        %add3A_445 = arith.addf %add3A_421, %add3A_428 : vector<16xf32>
        %add3A_446 = arith.addf %add3A_435, %add3A_442 : vector<16xf32>
        %add3A_447 = arith.addf %add3A_445, %add3A_446 : vector<16xf32>
        %add3A_448 = arith.addf %add3A_423, %add3A_430 : vector<16xf32>
        %add3A_449 = arith.addf %add3A_437, %add3A_444 : vector<16xf32>
        %add3A_450 = arith.addf %add3A_448, %add3A_449 : vector<16xf32>
        %iota3A = tpu.iota {dimensions = array<i32: 0>} : vector<16xi32>
        %xor3A = arith.constant 8 : i32
        %xor3A_451 = vector.broadcast %xor3A : i32 to vector<16xi32>
        %xor3A_452 = arith.xori %iota3A, %xor3A_451 : vector<16xi32>
        %lt3A_453 = arith.constant 0 : i32
        %lt3A_454 = vector.broadcast %lt3A_453 : i32 to vector<16xi32>
        %lt3A_455 = arith.cmpi slt, %xor3A_452, %lt3A_454 : vector<16xi32>
        %add3A_456 = arith.constant 16 : i32
        %add3A_457 = vector.broadcast %add3A_456 : i32 to vector<16xi32>
        %add3A_458 = arith.addi %xor3A_452, %add3A_457 : vector<16xi32>
        %select_n3A = arith.select %lt3A_455, %add3A_458, %xor3A_452 : vector<16xi1>, vector<16xi32>
        %broadcast_in_dim3A_459 = vector.shape_cast %select_n3A : vector<16xi32> to vector<16x1xi32>
        %gather3A = vector.shape_cast %broadcast_in_dim3A_459 : vector<16x1xi32> to vector<16xi32>
        %gather3A_460 = tpu.dynamic_gather %add3A_447[%gather3A] in [0] : vector<16xf32>, vector<16xi32> -> vector<16xf32>
        %add3A_461 = arith.addf %add3A_447, %gather3A_460 : vector<16xf32>
        %xor3A_462 = arith.constant 4 : i32
        %xor3A_463 = vector.broadcast %xor3A_462 : i32 to vector<16xi32>
        %xor3A_464 = arith.xori %iota3A, %xor3A_463 : vector<16xi32>
        %lt3A_465 = arith.constant 0 : i32
        %lt3A_466 = vector.broadcast %lt3A_465 : i32 to vector<16xi32>
        %lt3A_467 = arith.cmpi slt, %xor3A_464, %lt3A_466 : vector<16xi32>
        %add3A_468 = arith.constant 16 : i32
        %add3A_469 = vector.broadcast %add3A_468 : i32 to vector<16xi32>
        %add3A_470 = arith.addi %xor3A_464, %add3A_469 : vector<16xi32>
        %select_n3A_471 = arith.select %lt3A_467, %add3A_470, %xor3A_464 : vector<16xi1>, vector<16xi32>
        %broadcast_in_dim3A_472 = vector.shape_cast %select_n3A_471 : vector<16xi32> to vector<16x1xi32>
        %gather3A_473 = vector.shape_cast %broadcast_in_dim3A_472 : vector<16x1xi32> to vector<16xi32>
        %gather3A_474 = tpu.dynamic_gather %add3A_461[%gather3A_473] in [0] : vector<16xf32>, vector<16xi32> -> vector<16xf32>
        %add3A_475 = arith.addf %add3A_461, %gather3A_474 : vector<16xf32>
        %xor3A_476 = arith.constant 2 : i32
        %xor3A_477 = vector.broadcast %xor3A_476 : i32 to vector<16xi32>
        %xor3A_478 = arith.xori %iota3A, %xor3A_477 : vector<16xi32>
        %lt3A_479 = arith.constant 0 : i32
        %lt3A_480 = vector.broadcast %lt3A_479 : i32 to vector<16xi32>
        %lt3A_481 = arith.cmpi slt, %xor3A_478, %lt3A_480 : vector<16xi32>
        %add3A_482 = arith.constant 16 : i32
        %add3A_483 = vector.broadcast %add3A_482 : i32 to vector<16xi32>
        %add3A_484 = arith.addi %xor3A_478, %add3A_483 : vector<16xi32>
        %select_n3A_485 = arith.select %lt3A_481, %add3A_484, %xor3A_478 : vector<16xi1>, vector<16xi32>
        %broadcast_in_dim3A_486 = vector.shape_cast %select_n3A_485 : vector<16xi32> to vector<16x1xi32>
        %gather3A_487 = vector.shape_cast %broadcast_in_dim3A_486 : vector<16x1xi32> to vector<16xi32>
        %gather3A_488 = tpu.dynamic_gather %add3A_475[%gather3A_487] in [0] : vector<16xf32>, vector<16xi32> -> vector<16xf32>
        %add3A_489 = arith.addf %add3A_475, %gather3A_488 : vector<16xf32>
        %xor3A_490 = arith.constant 1 : i32
        %xor3A_491 = vector.broadcast %xor3A_490 : i32 to vector<16xi32>
        %xor3A_492 = arith.xori %iota3A, %xor3A_491 : vector<16xi32>
        %lt3A_493 = arith.constant 0 : i32
        %lt3A_494 = vector.broadcast %lt3A_493 : i32 to vector<16xi32>
        %lt3A_495 = arith.cmpi slt, %xor3A_492, %lt3A_494 : vector<16xi32>
        %add3A_496 = arith.constant 16 : i32
        %add3A_497 = vector.broadcast %add3A_496 : i32 to vector<16xi32>
        %add3A_498 = arith.addi %xor3A_492, %add3A_497 : vector<16xi32>
        %select_n3A_499 = arith.select %lt3A_495, %add3A_498, %xor3A_492 : vector<16xi1>, vector<16xi32>
        %broadcast_in_dim3A_500 = vector.shape_cast %select_n3A_499 : vector<16xi32> to vector<16x1xi32>
        %gather3A_501 = vector.shape_cast %broadcast_in_dim3A_500 : vector<16x1xi32> to vector<16xi32>
        %gather3A_502 = tpu.dynamic_gather %add3A_489[%gather3A_501] in [0] : vector<16xf32>, vector<16xi32> -> vector<16xf32>
        %add3A_503 = arith.addf %add3A_489, %gather3A_502 : vector<16xf32>
        %mul3A_504 = arith.constant 0.00130208337 : f32
        %mul3A_505 = vector.broadcast %mul3A_504 : f32 to vector<16xf32>
        %mul3A_506 = arith.mulf %add3A_503, %mul3A_505 : vector<16xf32>
        %iota3A_507 = tpu.iota {dimensions = array<i32: 0>} : vector<16xi32>
        %xor3A_508 = arith.constant 8 : i32
        %xor3A_509 = vector.broadcast %xor3A_508 : i32 to vector<16xi32>
        %xor3A_510 = arith.xori %iota3A_507, %xor3A_509 : vector<16xi32>
        %lt3A_511 = arith.constant 0 : i32
        %lt3A_512 = vector.broadcast %lt3A_511 : i32 to vector<16xi32>
        %lt3A_513 = arith.cmpi slt, %xor3A_510, %lt3A_512 : vector<16xi32>
        %add3A_514 = arith.constant 16 : i32
        %add3A_515 = vector.broadcast %add3A_514 : i32 to vector<16xi32>
        %add3A_516 = arith.addi %xor3A_510, %add3A_515 : vector<16xi32>
        %select_n3A_517 = arith.select %lt3A_513, %add3A_516, %xor3A_510 : vector<16xi1>, vector<16xi32>
        %broadcast_in_dim3A_518 = vector.shape_cast %select_n3A_517 : vector<16xi32> to vector<16x1xi32>
        %gather3A_519 = vector.shape_cast %broadcast_in_dim3A_518 : vector<16x1xi32> to vector<16xi32>
        %gather3A_520 = tpu.dynamic_gather %add3A_450[%gather3A_519] in [0] : vector<16xf32>, vector<16xi32> -> vector<16xf32>
        %add3A_521 = arith.addf %add3A_450, %gather3A_520 : vector<16xf32>
        %xor3A_522 = arith.constant 4 : i32
        %xor3A_523 = vector.broadcast %xor3A_522 : i32 to vector<16xi32>
        %xor3A_524 = arith.xori %iota3A_507, %xor3A_523 : vector<16xi32>
        %lt3A_525 = arith.constant 0 : i32
        %lt3A_526 = vector.broadcast %lt3A_525 : i32 to vector<16xi32>
        %lt3A_527 = arith.cmpi slt, %xor3A_524, %lt3A_526 : vector<16xi32>
        %add3A_528 = arith.constant 16 : i32
        %add3A_529 = vector.broadcast %add3A_528 : i32 to vector<16xi32>
        %add3A_530 = arith.addi %xor3A_524, %add3A_529 : vector<16xi32>
        %select_n3A_531 = arith.select %lt3A_527, %add3A_530, %xor3A_524 : vector<16xi1>, vector<16xi32>
        %broadcast_in_dim3A_532 = vector.shape_cast %select_n3A_531 : vector<16xi32> to vector<16x1xi32>
        %gather3A_533 = vector.shape_cast %broadcast_in_dim3A_532 : vector<16x1xi32> to vector<16xi32>
        %gather3A_534 = tpu.dynamic_gather %add3A_521[%gather3A_533] in [0] : vector<16xf32>, vector<16xi32> -> vector<16xf32>
        %add3A_535 = arith.addf %add3A_521, %gather3A_534 : vector<16xf32>
        %xor3A_536 = arith.constant 2 : i32
        %xor3A_537 = vector.broadcast %xor3A_536 : i32 to vector<16xi32>
        %xor3A_538 = arith.xori %iota3A_507, %xor3A_537 : vector<16xi32>
        %lt3A_539 = arith.constant 0 : i32
        %lt3A_540 = vector.broadcast %lt3A_539 : i32 to vector<16xi32>
        %lt3A_541 = arith.cmpi slt, %xor3A_538, %lt3A_540 : vector<16xi32>
        %add3A_542 = arith.constant 16 : i32
        %add3A_543 = vector.broadcast %add3A_542 : i32 to vector<16xi32>
        %add3A_544 = arith.addi %xor3A_538, %add3A_543 : vector<16xi32>
        %select_n3A_545 = arith.select %lt3A_541, %add3A_544, %xor3A_538 : vector<16xi1>, vector<16xi32>
        %broadcast_in_dim3A_546 = vector.shape_cast %select_n3A_545 : vector<16xi32> to vector<16x1xi32>
        %gather3A_547 = vector.shape_cast %broadcast_in_dim3A_546 : vector<16x1xi32> to vector<16xi32>
        %gather3A_548 = tpu.dynamic_gather %add3A_535[%gather3A_547] in [0] : vector<16xf32>, vector<16xi32> -> vector<16xf32>
        %add3A_549 = arith.addf %add3A_535, %gather3A_548 : vector<16xf32>
        %xor3A_550 = arith.constant 1 : i32
        %xor3A_551 = vector.broadcast %xor3A_550 : i32 to vector<16xi32>
        %xor3A_552 = arith.xori %iota3A_507, %xor3A_551 : vector<16xi32>
        %lt3A_553 = arith.constant 0 : i32
        %lt3A_554 = vector.broadcast %lt3A_553 : i32 to vector<16xi32>
        %lt3A_555 = arith.cmpi slt, %xor3A_552, %lt3A_554 : vector<16xi32>
        %add3A_556 = arith.constant 16 : i32
        %add3A_557 = vector.broadcast %add3A_556 : i32 to vector<16xi32>
        %add3A_558 = arith.addi %xor3A_552, %add3A_557 : vector<16xi32>
        %select_n3A_559 = arith.select %lt3A_555, %add3A_558, %xor3A_552 : vector<16xi1>, vector<16xi32>
        %broadcast_in_dim3A_560 = vector.shape_cast %select_n3A_559 : vector<16xi32> to vector<16x1xi32>
        %gather3A_561 = vector.shape_cast %broadcast_in_dim3A_560 : vector<16x1xi32> to vector<16xi32>
        %gather3A_562 = tpu.dynamic_gather %add3A_549[%gather3A_561] in [0] : vector<16xf32>, vector<16xi32> -> vector<16xf32>
        %add3A_563 = arith.addf %add3A_549, %gather3A_562 : vector<16xf32>
        %mul3A_564 = arith.constant 0.00130208337 : f32
        %mul3A_565 = vector.broadcast %mul3A_564 : f32 to vector<16xf32>
        %mul3A_566 = arith.mulf %add3A_563, %mul3A_565 : vector<16xf32>
        %mul3A_567 = arith.mulf %mul3A_506, %mul3A_506 : vector<16xf32>
        %sub3A = arith.subf %mul3A_566, %mul3A_567 : vector<16xf32>
        %max3A = arith.constant 0.000000e+00 : f32
        %max3A_568 = vector.broadcast %max3A : f32 to vector<16xf32>
        %max3A_569 = arith.maximumf %sub3A, %max3A_568 : vector<16xf32>
        %add3A_570 = arith.constant 9.99999996E-13 : f32
        %add3A_571 = vector.broadcast %add3A_570 : f32 to vector<16xf32>
        %add3A_572 = arith.addf %max3A_569, %add3A_571 : vector<16xf32>
        %bitcast_convert_type3A = tpu.bitcast %add3A_572 : vector<16xf32> -> vector<16xi32>
        %shift_right_arithmetic3A = arith.constant 1 : i32
        %shift_right_arithmetic3A_573 = vector.broadcast %shift_right_arithmetic3A : i32 to vector<16xi32>
        %shift_right_arithmetic3A_574 = arith.shrsi %bitcast_convert_type3A, %shift_right_arithmetic3A_573 : vector<16xi32>
        %sub3A_575 = arith.constant 1597463007 : i32
        %sub3A_576 = vector.broadcast %sub3A_575 : i32 to vector<16xi32>
        %sub3A_577 = arith.subi %sub3A_576, %shift_right_arithmetic3A_574 : vector<16xi32>
        %bitcast_convert_type3A_578 = tpu.bitcast %sub3A_577 : vector<16xi32> -> vector<16xf32>
        %mul3A_579 = arith.constant 5.000000e-01 : f32
        %mul3A_580 = vector.broadcast %mul3A_579 : f32 to vector<16xf32>
        %mul3A_581 = arith.mulf %mul3A_580, %add3A_572 : vector<16xf32>
        %mul3A_582 = arith.mulf %mul3A_581, %bitcast_convert_type3A_578 : vector<16xf32>
        %mul3A_583 = arith.mulf %mul3A_582, %bitcast_convert_type3A_578 : vector<16xf32>
        %sub3A_584 = arith.constant 1.500000e+00 : f32
        %sub3A_585 = vector.broadcast %sub3A_584 : f32 to vector<16xf32>
        %sub3A_586 = arith.subf %sub3A_585, %mul3A_583 : vector<16xf32>
        %mul3A_587 = arith.mulf %bitcast_convert_type3A_578, %sub3A_586 : vector<16xf32>
        %mul3A_588 = arith.constant 5.000000e-01 : f32
        %mul3A_589 = vector.broadcast %mul3A_588 : f32 to vector<16xf32>
        %mul3A_590 = arith.mulf %mul3A_589, %add3A_572 : vector<16xf32>
        %mul3A_591 = arith.mulf %mul3A_590, %mul3A_587 : vector<16xf32>
        %mul3A_592 = arith.mulf %mul3A_591, %mul3A_587 : vector<16xf32>
        %sub3A_593 = arith.constant 1.500000e+00 : f32
        %sub3A_594 = vector.broadcast %sub3A_593 : f32 to vector<16xf32>
        %sub3A_595 = arith.subf %sub3A_594, %mul3A_592 : vector<16xf32>
        %mul3A_596 = arith.mulf %mul3A_587, %sub3A_595 : vector<16xf32>
        %mul3A_597 = arith.constant 5.000000e-01 : f32
        %mul3A_598 = vector.broadcast %mul3A_597 : f32 to vector<16xf32>
        %mul3A_599 = arith.mulf %mul3A_598, %add3A_572 : vector<16xf32>
        %mul3A_600 = arith.mulf %mul3A_599, %mul3A_596 : vector<16xf32>
        %mul3A_601 = arith.mulf %mul3A_600, %mul3A_596 : vector<16xf32>
        %sub3A_602 = arith.constant 1.500000e+00 : f32
        %sub3A_603 = vector.broadcast %sub3A_602 : f32 to vector<16xf32>
        %sub3A_604 = arith.subf %sub3A_603, %mul3A_601 : vector<16xf32>
        %mul3A_605 = arith.mulf %mul3A_596, %sub3A_604 : vector<16xf32>
        %mul3A_606 = arith.mulf %mul3A_506, %mul3A_605 : vector<16xf32>
        %get3A_607 = arith.index_cast %scan3A_94 : i32 to index
        %get3A_608 = arith.constant 0 : index
        %get3A_609 = tpu.vector_load %arg9[%get3A_607, %get3A_608] {strides = array<i32>} : memref<64x768xf32, #tpu.memory_space<vmem>>, vector<1x16xf32>,
        %get3A_610 = vector.shape_cast %get3A_609 : vector<1x16xf32> to vector<16xf32>
        %mul3A_611 = arith.mulf %get3A_610, %mul3A_605 : vector<16xf32>
        %sub3A_612 = arith.subf %mul3A_611, %mul3A_606 : vector<16xf32>
        %get3A_613 = arith.constant 0 : index
        %get3A_614 = tpu.vector_load %arg10[%get3A_613] {strides = array<i32>} : memref<768xf32, #tpu.memory_space<vmem>>, vector<16xf32>,
        %get3A_615 = vector.shape_cast %get3A_614 : vector<16xf32> to vector<16xf32>
        %mul3A_616 = arith.mulf %sub3A_612, %get3A_615 : vector<16xf32>
        %get3A_617 = arith.constant 0 : index
        %get3A_618 = tpu.vector_load %arg11[%get3A_617] {strides = array<i32>} : memref<768xf32, #tpu.memory_space<vmem>>, vector<16xf32>,
        %get3A_619 = vector.shape_cast %get3A_618 : vector<16xf32> to vector<16xf32>
        %add3A_620 = arith.addf %mul3A_616, %get3A_619 : vector<16xf32>
        %swap3A = arith.index_cast %scan3A_94 : i32 to index
        %swap3A_621 = arith.constant 0 : index
        %swap3A_622 = tpu.vector_load %arg9[%swap3A, %swap3A_621] {strides = array<i32>} : memref<64x768xf32, #tpu.memory_space<vmem>>, vector<1x16xf32>,
        %swap3A_623 = vector.shape_cast %swap3A_622 : vector<1x16xf32> to vector<16xf32>
        %swap3A_624 = vector.shape_cast %add3A_620 : vector<16xf32> to vector<1x16xf32>
        tpu.vector_store %arg9[%swap3A, %swap3A_621], %swap3A_624 {strides = array<i32>} : memref<64x768xf32, #tpu.memory_space<vmem>>, vector<1x16xf32>,
        %get3A_625 = arith.index_cast %scan3A_94 : i32 to index
        %get3A_626 = arith.constant 16 : index
        %get3A_627 = tpu.vector_load %arg9[%get3A_625, %get3A_626] {strides = array<i32>} : memref<64x768xf32, #tpu.memory_space<vmem>>, vector<1x16xf32>,
        %get3A_628 = vector.shape_cast %get3A_627 : vector<1x16xf32> to vector<16xf32>
        %mul3A_629 = arith.mulf %get3A_628, %mul3A_605 : vector<16xf32>
        %sub3A_630 = arith.subf %mul3A_629, %mul3A_606 : vector<16xf32>
        %get3A_631 = arith.constant 16 : index
        %get3A_632 = tpu.vector_load %arg10[%get3A_631] {strides = array<i32>} : memref<768xf32, #tpu.memory_space<vmem>>, vector<16xf32>,
        %get3A_633 = vector.shape_cast %get3A_632 : vector<16xf32> to vector<16xf32>
        %mul3A_634 = arith.mulf %sub3A_630, %get3A_633 : vector<16xf32>
        %get3A_635 = arith.constant 16 : index
        %get3A_636 = tpu.vector_load %arg11[%get3A_635] {strides = array<i32>} : memref<768xf32, #tpu.memory_space<vmem>>, vector<16xf32>,
        %get3A_637 = vector.shape_cast %get3A_636 : vector<16xf32> to vector<16xf32>
        %add3A_638 = arith.addf %mul3A_634, %get3A_637 : vector<16xf32>
        %swap3A_639 = arith.index_cast %scan3A_94 : i32 to index
        %swap3A_640 = arith.constant 16 : index
        %swap3A_641 = tpu.vector_load %arg9[%swap3A_639, %swap3A_640] {strides = array<i32>} : memref<64x768xf32, #tpu.memory_space<vmem>>, vector<1x16xf32>,
        %swap3A_642 = vector.shape_cast %swap3A_641 : vector<1x16xf32> to vector<16xf32>
        %swap3A_643 = vector.shape_cast %add3A_638 : vector<16xf32> to vector<1x16xf32>
        tpu.vector_store %arg9[%swap3A_639, %swap3A_640], %swap3A_643 {strides = array<i32>} : memref<64x768xf32, #tpu.memory_space<vmem>>, vector<1x16xf32>,
        %get3A_644 = arith.index_cast %scan3A_94 : i32 to index
        %get3A_645 = arith.constant 32 : index
        %get3A_646 = tpu.vector_load %arg9[%get3A_644, %get3A_645] {strides = array<i32>} : memref<64x768xf32, #tpu.memory_space<vmem>>, vector<1x16xf32>,
        %get3A_647 = vector.shape_cast %get3A_646 : vector<1x16xf32> to vector<16xf32>
        %mul3A_648 = arith.mulf %get3A_647, %mul3A_605 : vector<16xf32>
        %sub3A_649 = arith.subf %mul3A_648, %mul3A_606 : vector<16xf32>
        %get3A_650 = arith.constant 32 : index
        %get3A_651 = tpu.vector_load %arg10[%get3A_650] {strides = array<i32>} : memref<768xf32, #tpu.memory_space<vmem>>, vector<16xf32>,
        %get3A_652 = vector.shape_cast %get3A_651 : vector<16xf32> to vector<16xf32>
        %mul3A_653 = arith.mulf %sub3A_649, %get3A_652 : vector<16xf32>
        %get3A_654 = arith.constant 32 : index
        %get3A_655 = tpu.vector_load %arg11[%get3A_654] {strides = array<i32>} : memref<768xf32, #tpu.memory_space<vmem>>, vector<16xf32>,
        %get3A_656 = vector.shape_cast %get3A_655 : vector<16xf32> to vector<16xf32>
        %add3A_657 = arith.addf %mul3A_653, %get3A_656 : vector<16xf32>
        %swap3A_658 = arith.index_cast %scan3A_94 : i32 to index
        %swap3A_659 = arith.constant 32 : index
        %swap3A_660 = tpu.vector_load %arg9[%swap3A_658, %swap3A_659] {strides = array<i32>} : memref<64x768xf32, #tpu.memory_space<vmem>>, vector<1x16xf32>,
        %swap3A_661 = vector.shape_cast %swap3A_660 : vector<1x16xf32> to vector<16xf32>
        %swap3A_662 = vector.shape_cast %add3A_657 : vector<16xf32> to vector<1x16xf32>
        tpu.vector_store %arg9[%swap3A_658, %swap3A_659], %swap3A_662 {strides = array<i32>} : memref<64x768xf32, #tpu.memory_space<vmem>>, vector<1x16xf32>,
        %get3A_663 = arith.index_cast %scan3A_94 : i32 to index
        %get3A_664 = arith.constant 48 : index
        %get3A_665 = tpu.vector_load %arg9[%get3A_663, %get3A_664] {strides = array<i32>} : memref<64x768xf32, #tpu.memory_space<vmem>>, vector<1x16xf32>,
        %get3A_666 = vector.shape_cast %get3A_665 : vector<1x16xf32> to vector<16xf32>
        %mul3A_667 = arith.mulf %get3A_666, %mul3A_605 : vector<16xf32>
        %sub3A_668 = arith.subf %mul3A_667, %mul3A_606 : vector<16xf32>
        %get3A_669 = arith.constant 48 : index
        %get3A_670 = tpu.vector_load %arg10[%get3A_669] {strides = array<i32>} : memref<768xf32, #tpu.memory_space<vmem>>, vector<16xf32>,
        %get3A_671 = vector.shape_cast %get3A_670 : vector<16xf32> to vector<16xf32>
        %mul3A_672 = arith.mulf %sub3A_668, %get3A_671 : vector<16xf32>
        %get3A_673 = arith.constant 48 : index
        %get3A_674 = tpu.vector_load %arg11[%get3A_673] {strides = array<i32>} : memref<768xf32, #tpu.memory_space<vmem>>, vector<16xf32>,
        %get3A_675 = vector.shape_cast %get3A_674 : vector<16xf32> to vector<16xf32>
        %add3A_676 = arith.addf %mul3A_672, %get3A_675 : vector<16xf32>
        %swap3A_677 = arith.index_cast %scan3A_94 : i32 to index
        %swap3A_678 = arith.constant 48 : index
        %swap3A_679 = tpu.vector_load %arg9[%swap3A_677, %swap3A_678] {strides = array<i32>} : memref<64x768xf32, #tpu.memory_space<vmem>>, vector<1x16xf32>,
        %swap3A_680 = vector.shape_cast %swap3A_679 : vector<1x16xf32> to vector<16xf32>
        %swap3A_681 = vector.shape_cast %add3A_676 : vector<16xf32> to vector<1x16xf32>
        tpu.vector_store %arg9[%swap3A_677, %swap3A_678], %swap3A_681 {strides = array<i32>} : memref<64x768xf32, #tpu.memory_space<vmem>>, vector<1x16xf32>,
        %get3A_682 = arith.index_cast %scan3A_94 : i32 to index
        %get3A_683 = arith.constant 64 : index
        %get3A_684 = tpu.vector_load %arg9[%get3A_682, %get3A_683] {strides = array<i32>} : memref<64x768xf32, #tpu.memory_space<vmem>>, vector<1x16xf32>,
        %get3A_685 = vector.shape_cast %get3A_684 : vector<1x16xf32> to vector<16xf32>
        %mul3A_686 = arith.mulf %get3A_685, %mul3A_605 : vector<16xf32>
        %sub3A_687 = arith.subf %mul3A_686, %mul3A_606 : vector<16xf32>
        %get3A_688 = arith.constant 64 : index
        %get3A_689 = tpu.vector_load %arg10[%get3A_688] {strides = array<i32>} : memref<768xf32, #tpu.memory_space<vmem>>, vector<16xf32>,
        %get3A_690 = vector.shape_cast %get3A_689 : vector<16xf32> to vector<16xf32>
        %mul3A_691 = arith.mulf %sub3A_687, %get3A_690 : vector<16xf32>
        %get3A_692 = arith.constant 64 : index
        %get3A_693 = tpu.vector_load %arg11[%get3A_692] {strides = array<i32>} : memref<768xf32, #tpu.memory_space<vmem>>, vector<16xf32>,
        %get3A_694 = vector.shape_cast %get3A_693 : vector<16xf32> to vector<16xf32>
        %add3A_695 = arith.addf %mul3A_691, %get3A_694 : vector<16xf32>
        %swap3A_696 = arith.index_cast %scan3A_94 : i32 to index
        %swap3A_697 = arith.constant 64 : index
        %swap3A_698 = tpu.vector_load %arg9[%swap3A_696, %swap3A_697] {strides = array<i32>} : memref<64x768xf32, #tpu.memory_space<vmem>>, vector<1x16xf32>,
        %swap3A_699 = vector.shape_cast %swap3A_698 : vector<1x16xf32> to vector<16xf32>
        %swap3A_700 = vector.shape_cast %add3A_695 : vector<16xf32> to vector<1x16xf32>
        tpu.vector_store %arg9[%swap3A_696, %swap3A_697], %swap3A_700 {strides = array<i32>} : memref<64x768xf32, #tpu.memory_space<vmem>>, vector<1x16xf32>,
        %get3A_701 = arith.index_cast %scan3A_94 : i32 to index
        %get3A_702 = arith.constant 80 : index
        %get3A_703 = tpu.vector_load %arg9[%get3A_701, %get3A_702] {strides = array<i32>} : memref<64x768xf32, #tpu.memory_space<vmem>>, vector<1x16xf32>,
        %get3A_704 = vector.shape_cast %get3A_703 : vector<1x16xf32> to vector<16xf32>
        %mul3A_705 = arith.mulf %get3A_704, %mul3A_605 : vector<16xf32>
        %sub3A_706 = arith.subf %mul3A_705, %mul3A_606 : vector<16xf32>
        %get3A_707 = arith.constant 80 : index
        %get3A_708 = tpu.vector_load %arg10[%get3A_707] {strides = array<i32>} : memref<768xf32, #tpu.memory_space<vmem>>, vector<16xf32>,
        %get3A_709 = vector.shape_cast %get3A_708 : vector<16xf32> to vector<16xf32>
        %mul3A_710 = arith.mulf %sub3A_706, %get3A_709 : vector<16xf32>
        %get3A_711 = arith.constant 80 : index
        %get3A_712 = tpu.vector_load %arg11[%get3A_711] {strides = array<i32>} : memref<768xf32, #tpu.memory_space<vmem>>, vector<16xf32>,
        %get3A_713 = vector.shape_cast %get3A_712 : vector<16xf32> to vector<16xf32>
        %add3A_714 = arith.addf %mul3A_710, %get3A_713 : vector<16xf32>
        %swap3A_715 = arith.index_cast %scan3A_94 : i32 to index
        %swap3A_716 = arith.constant 80 : index
        %swap3A_717 = tpu.vector_load %arg9[%swap3A_715, %swap3A_716] {strides = array<i32>} : memref<64x768xf32, #tpu.memory_space<vmem>>, vector<1x16xf32>,
        %swap3A_718 = vector.shape_cast %swap3A_717 : vector<1x16xf32> to vector<16xf32>
        %swap3A_719 = vector.shape_cast %add3A_714 : vector<16xf32> to vector<1x16xf32>
        tpu.vector_store %arg9[%swap3A_715, %swap3A_716], %swap3A_719 {strides = array<i32>} : memref<64x768xf32, #tpu.memory_space<vmem>>, vector<1x16xf32>,
        %get3A_720 = arith.index_cast %scan3A_94 : i32 to index
        %get3A_721 = arith.constant 96 : index
        %get3A_722 = tpu.vector_load %arg9[%get3A_720, %get3A_721] {strides = array<i32>} : memref<64x768xf32, #tpu.memory_space<vmem>>, vector<1x16xf32>,
        %get3A_723 = vector.shape_cast %get3A_722 : vector<1x16xf32> to vector<16xf32>
        %mul3A_724 = arith.mulf %get3A_723, %mul3A_605 : vector<16xf32>
        %sub3A_725 = arith.subf %mul3A_724, %mul3A_606 : vector<16xf32>
        %get3A_726 = arith.constant 96 : index
        %get3A_727 = tpu.vector_load %arg10[%get3A_726] {strides = array<i32>} : memref<768xf32, #tpu.memory_space<vmem>>, vector<16xf32>,
        %get3A_728 = vector.shape_cast %get3A_727 : vector<16xf32> to vector<16xf32>
        %mul3A_729 = arith.mulf %sub3A_725, %get3A_728 : vector<16xf32>
        %get3A_730 = arith.constant 96 : index
        %get3A_731 = tpu.vector_load %arg11[%get3A_730] {strides = array<i32>} : memref<768xf32, #tpu.memory_space<vmem>>, vector<16xf32>,
        %get3A_732 = vector.shape_cast %get3A_731 : vector<16xf32> to vector<16xf32>
        %add3A_733 = arith.addf %mul3A_729, %get3A_732 : vector<16xf32>
        %swap3A_734 = arith.index_cast %scan3A_94 : i32 to index
        %swap3A_735 = arith.constant 96 : index
        %swap3A_736 = tpu.vector_load %arg9[%swap3A_734, %swap3A_735] {strides = array<i32>} : memref<64x768xf32, #tpu.memory_space<vmem>>, vector<1x16xf32>,
        %swap3A_737 = vector.shape_cast %swap3A_736 : vector<1x16xf32> to vector<16xf32>
        %swap3A_738 = vector.shape_cast %add3A_733 : vector<16xf32> to vector<1x16xf32>
        tpu.vector_store %arg9[%swap3A_734, %swap3A_735], %swap3A_738 {strides = array<i32>} : memref<64x768xf32, #tpu.memory_space<vmem>>, vector<1x16xf32>,
        %get3A_739 = arith.index_cast %scan3A_94 : i32 to index
        %get3A_740 = arith.constant 112 : index
        %get3A_741 = tpu.vector_load %arg9[%get3A_739, %get3A_740] {strides = array<i32>} : memref<64x768xf32, #tpu.memory_space<vmem>>, vector<1x16xf32>,
        %get3A_742 = vector.shape_cast %get3A_741 : vector<1x16xf32> to vector<16xf32>
        %mul3A_743 = arith.mulf %get3A_742, %mul3A_605 : vector<16xf32>
        %sub3A_744 = arith.subf %mul3A_743, %mul3A_606 : vector<16xf32>
        %get3A_745 = arith.constant 112 : index
        %get3A_746 = tpu.vector_load %arg10[%get3A_745] {strides = array<i32>} : memref<768xf32, #tpu.memory_space<vmem>>, vector<16xf32>,
        %get3A_747 = vector.shape_cast %get3A_746 : vector<16xf32> to vector<16xf32>
        %mul3A_748 = arith.mulf %sub3A_744, %get3A_747 : vector<16xf32>
        %get3A_749 = arith.constant 112 : index
        %get3A_750 = tpu.vector_load %arg11[%get3A_749] {strides = array<i32>} : memref<768xf32, #tpu.memory_space<vmem>>, vector<16xf32>,
        %get3A_751 = vector.shape_cast %get3A_750 : vector<16xf32> to vector<16xf32>
        %add3A_752 = arith.addf %mul3A_748, %get3A_751 : vector<16xf32>
        %swap3A_753 = arith.index_cast %scan3A_94 : i32 to index
        %swap3A_754 = arith.constant 112 : index
        %swap3A_755 = tpu.vector_load %arg9[%swap3A_753, %swap3A_754] {strides = array<i32>} : memref<64x768xf32, #tpu.memory_space<vmem>>, vector<1x16xf32>,
        %swap3A_756 = vector.shape_cast %swap3A_755 : vector<1x16xf32> to vector<16xf32>
        %swap3A_757 = vector.shape_cast %add3A_752 : vector<16xf32> to vector<1x16xf32>
        tpu.vector_store %arg9[%swap3A_753, %swap3A_754], %swap3A_757 {strides = array<i32>} : memref<64x768xf32, #tpu.memory_space<vmem>>, vector<1x16xf32>,
        %get3A_758 = arith.index_cast %scan3A_94 : i32 to index
        %get3A_759 = arith.constant 128 : index
        %get3A_760 = tpu.vector_load %arg9[%get3A_758, %get3A_759] {strides = array<i32>} : memref<64x768xf32, #tpu.memory_space<vmem>>, vector<1x16xf32>,
        %get3A_761 = vector.shape_cast %get3A_760 : vector<1x16xf32> to vector<16xf32>
        %mul3A_762 = arith.mulf %get3A_761, %mul3A_605 : vector<16xf32>
        %sub3A_763 = arith.subf %mul3A_762, %mul3A_606 : vector<16xf32>
        %get3A_764 = arith.constant 128 : index
        %get3A_765 = tpu.vector_load %arg10[%get3A_764] {strides = array<i32>} : memref<768xf32, #tpu.memory_space<vmem>>, vector<16xf32>,
        %get3A_766 = vector.shape_cast %get3A_765 : vector<16xf32> to vector<16xf32>
        %mul3A_767 = arith.mulf %sub3A_763, %get3A_766 : vector<16xf32>
        %get3A_768 = arith.constant 128 : index
        %get3A_769 = tpu.vector_load %arg11[%get3A_768] {strides = array<i32>} : memref<768xf32, #tpu.memory_space<vmem>>, vector<16xf32>,
        %get3A_770 = vector.shape_cast %get3A_769 : vector<16xf32> to vector<16xf32>
        %add3A_771 = arith.addf %mul3A_767, %get3A_770 : vector<16xf32>
        %swap3A_772 = arith.index_cast %scan3A_94 : i32 to index
        %swap3A_773 = arith.constant 128 : index
        %swap3A_774 = tpu.vector_load %arg9[%swap3A_772, %swap3A_773] {strides = array<i32>} : memref<64x768xf32, #tpu.memory_space<vmem>>, vector<1x16xf32>,
        %swap3A_775 = vector.shape_cast %swap3A_774 : vector<1x16xf32> to vector<16xf32>
        %swap3A_776 = vector.shape_cast %add3A_771 : vector<16xf32> to vector<1x16xf32>
        tpu.vector_store %arg9[%swap3A_772, %swap3A_773], %swap3A_776 {strides = array<i32>} : memref<64x768xf32, #tpu.memory_space<vmem>>, vector<1x16xf32>,
        %get3A_777 = arith.index_cast %scan3A_94 : i32 to index
        %get3A_778 = arith.constant 144 : index
        %get3A_779 = tpu.vector_load %arg9[%get3A_777, %get3A_778] {strides = array<i32>} : memref<64x768xf32, #tpu.memory_space<vmem>>, vector<1x16xf32>,
        %get3A_780 = vector.shape_cast %get3A_779 : vector<1x16xf32> to vector<16xf32>
        %mul3A_781 = arith.mulf %get3A_780, %mul3A_605 : vector<16xf32>
        %sub3A_782 = arith.subf %mul3A_781, %mul3A_606 : vector<16xf32>
        %get3A_783 = arith.constant 144 : index
        %get3A_784 = tpu.vector_load %arg10[%get3A_783] {strides = array<i32>} : memref<768xf32, #tpu.memory_space<vmem>>, vector<16xf32>,
        %get3A_785 = vector.shape_cast %get3A_784 : vector<16xf32> to vector<16xf32>
        %mul3A_786 = arith.mulf %sub3A_782, %get3A_785 : vector<16xf32>
        %get3A_787 = arith.constant 144 : index
        %get3A_788 = tpu.vector_load %arg11[%get3A_787] {strides = array<i32>} : memref<768xf32, #tpu.memory_space<vmem>>, vector<16xf32>,
        %get3A_789 = vector.shape_cast %get3A_788 : vector<16xf32> to vector<16xf32>
        %add3A_790 = arith.addf %mul3A_786, %get3A_789 : vector<16xf32>
        %swap3A_791 = arith.index_cast %scan3A_94 : i32 to index
        %swap3A_792 = arith.constant 144 : index
        %swap3A_793 = tpu.vector_load %arg9[%swap3A_791, %swap3A_792] {strides = array<i32>} : memref<64x768xf32, #tpu.memory_space<vmem>>, vector<1x16xf32>,
        %swap3A_794 = vector.shape_cast %swap3A_793 : vector<1x16xf32> to vector<16xf32>
        %swap3A_795 = vector.shape_cast %add3A_790 : vector<16xf32> to vector<1x16xf32>
        tpu.vector_store %arg9[%swap3A_791, %swap3A_792], %swap3A_795 {strides = array<i32>} : memref<64x768xf32, #tpu.memory_space<vmem>>, vector<1x16xf32>,
        %get3A_796 = arith.index_cast %scan3A_94 : i32 to index
        %get3A_797 = arith.constant 160 : index
        %get3A_798 = tpu.vector_load %arg9[%get3A_796, %get3A_797] {strides = array<i32>} : memref<64x768xf32, #tpu.memory_space<vmem>>, vector<1x16xf32>,
        %get3A_799 = vector.shape_cast %get3A_798 : vector<1x16xf32> to vector<16xf32>
        %mul3A_800 = arith.mulf %get3A_799, %mul3A_605 : vector<16xf32>
        %sub3A_801 = arith.subf %mul3A_800, %mul3A_606 : vector<16xf32>
        %get3A_802 = arith.constant 160 : index
        %get3A_803 = tpu.vector_load %arg10[%get3A_802] {strides = array<i32>} : memref<768xf32, #tpu.memory_space<vmem>>, vector<16xf32>,
        %get3A_804 = vector.shape_cast %get3A_803 : vector<16xf32> to vector<16xf32>
        %mul3A_805 = arith.mulf %sub3A_801, %get3A_804 : vector<16xf32>
        %get3A_806 = arith.constant 160 : index
        %get3A_807 = tpu.vector_load %arg11[%get3A_806] {strides = array<i32>} : memref<768xf32, #tpu.memory_space<vmem>>, vector<16xf32>,
        %get3A_808 = vector.shape_cast %get3A_807 : vector<16xf32> to vector<16xf32>
        %add3A_809 = arith.addf %mul3A_805, %get3A_808 : vector<16xf32>
        %swap3A_810 = arith.index_cast %scan3A_94 : i32 to index
        %swap3A_811 = arith.constant 160 : index
        %swap3A_812 = tpu.vector_load %arg9[%swap3A_810, %swap3A_811] {strides = array<i32>} : memref<64x768xf32, #tpu.memory_space<vmem>>, vector<1x16xf32>,
        %swap3A_813 = vector.shape_cast %swap3A_812 : vector<1x16xf32> to vector<16xf32>
        %swap3A_814 = vector.shape_cast %add3A_809 : vector<16xf32> to vector<1x16xf32>
        tpu.vector_store %arg9[%swap3A_810, %swap3A_811], %swap3A_814 {strides = array<i32>} : memref<64x768xf32, #tpu.memory_space<vmem>>, vector<1x16xf32>,
        %get3A_815 = arith.index_cast %scan3A_94 : i32 to index
        %get3A_816 = arith.constant 176 : index
        %get3A_817 = tpu.vector_load %arg9[%get3A_815, %get3A_816] {strides = array<i32>} : memref<64x768xf32, #tpu.memory_space<vmem>>, vector<1x16xf32>,
        %get3A_818 = vector.shape_cast %get3A_817 : vector<1x16xf32> to vector<16xf32>
        %mul3A_819 = arith.mulf %get3A_818, %mul3A_605 : vector<16xf32>
        %sub3A_820 = arith.subf %mul3A_819, %mul3A_606 : vector<16xf32>
        %get3A_821 = arith.constant 176 : index
        %get3A_822 = tpu.vector_load %arg10[%get3A_821] {strides = array<i32>} : memref<768xf32, #tpu.memory_space<vmem>>, vector<16xf32>,
        %get3A_823 = vector.shape_cast %get3A_822 : vector<16xf32> to vector<16xf32>
        %mul3A_824 = arith.mulf %sub3A_820, %get3A_823 : vector<16xf32>
        %get3A_825 = arith.constant 176 : index
        %get3A_826 = tpu.vector_load %arg11[%get3A_825] {strides = array<i32>} : memref<768xf32, #tpu.memory_space<vmem>>, vector<16xf32>,
        %get3A_827 = vector.shape_cast %get3A_826 : vector<16xf32> to vector<16xf32>
        %add3A_828 = arith.addf %mul3A_824, %get3A_827 : vector<16xf32>
        %swap3A_829 = arith.index_cast %scan3A_94 : i32 to index
        %swap3A_830 = arith.constant 176 : index
        %swap3A_831 = tpu.vector_load %arg9[%swap3A_829, %swap3A_830] {strides = array<i32>} : memref<64x768xf32, #tpu.memory_space<vmem>>, vector<1x16xf32>,
        %swap3A_832 = vector.shape_cast %swap3A_831 : vector<1x16xf32> to vector<16xf32>
        %swap3A_833 = vector.shape_cast %add3A_828 : vector<16xf32> to vector<1x16xf32>
        tpu.vector_store %arg9[%swap3A_829, %swap3A_830], %swap3A_833 {strides = array<i32>} : memref<64x768xf32, #tpu.memory_space<vmem>>, vector<1x16xf32>,
        %get3A_834 = arith.index_cast %scan3A_94 : i32 to index
        %get3A_835 = arith.constant 192 : index
        %get3A_836 = tpu.vector_load %arg9[%get3A_834, %get3A_835] {strides = array<i32>} : memref<64x768xf32, #tpu.memory_space<vmem>>, vector<1x16xf32>,
        %get3A_837 = vector.shape_cast %get3A_836 : vector<1x16xf32> to vector<16xf32>
        %mul3A_838 = arith.mulf %get3A_837, %mul3A_605 : vector<16xf32>
        %sub3A_839 = arith.subf %mul3A_838, %mul3A_606 : vector<16xf32>
        %get3A_840 = arith.constant 192 : index
        %get3A_841 = tpu.vector_load %arg10[%get3A_840] {strides = array<i32>} : memref<768xf32, #tpu.memory_space<vmem>>, vector<16xf32>,
        %get3A_842 = vector.shape_cast %get3A_841 : vector<16xf32> to vector<16xf32>
        %mul3A_843 = arith.mulf %sub3A_839, %get3A_842 : vector<16xf32>
        %get3A_844 = arith.constant 192 : index
        %get3A_845 = tpu.vector_load %arg11[%get3A_844] {strides = array<i32>} : memref<768xf32, #tpu.memory_space<vmem>>, vector<16xf32>,
        %get3A_846 = vector.shape_cast %get3A_845 : vector<16xf32> to vector<16xf32>
        %add3A_847 = arith.addf %mul3A_843, %get3A_846 : vector<16xf32>
        %swap3A_848 = arith.index_cast %scan3A_94 : i32 to index
        %swap3A_849 = arith.constant 192 : index
        %swap3A_850 = tpu.vector_load %arg9[%swap3A_848, %swap3A_849] {strides = array<i32>} : memref<64x768xf32, #tpu.memory_space<vmem>>, vector<1x16xf32>,
        %swap3A_851 = vector.shape_cast %swap3A_850 : vector<1x16xf32> to vector<16xf32>
        %swap3A_852 = vector.shape_cast %add3A_847 : vector<16xf32> to vector<1x16xf32>
        tpu.vector_store %arg9[%swap3A_848, %swap3A_849], %swap3A_852 {strides = array<i32>} : memref<64x768xf32, #tpu.memory_space<vmem>>, vector<1x16xf32>,
        %get3A_853 = arith.index_cast %scan3A_94 : i32 to index
        %get3A_854 = arith.constant 208 : index
        %get3A_855 = tpu.vector_load %arg9[%get3A_853, %get3A_854] {strides = array<i32>} : memref<64x768xf32, #tpu.memory_space<vmem>>, vector<1x16xf32>,
        %get3A_856 = vector.shape_cast %get3A_855 : vector<1x16xf32> to vector<16xf32>
        %mul3A_857 = arith.mulf %get3A_856, %mul3A_605 : vector<16xf32>
        %sub3A_858 = arith.subf %mul3A_857, %mul3A_606 : vector<16xf32>
        %get3A_859 = arith.constant 208 : index
        %get3A_860 = tpu.vector_load %arg10[%get3A_859] {strides = array<i32>} : memref<768xf32, #tpu.memory_space<vmem>>, vector<16xf32>,
        %get3A_861 = vector.shape_cast %get3A_860 : vector<16xf32> to vector<16xf32>
        %mul3A_862 = arith.mulf %sub3A_858, %get3A_861 : vector<16xf32>
        %get3A_863 = arith.constant 208 : index
        %get3A_864 = tpu.vector_load %arg11[%get3A_863] {strides = array<i32>} : memref<768xf32, #tpu.memory_space<vmem>>, vector<16xf32>,
        %get3A_865 = vector.shape_cast %get3A_864 : vector<16xf32> to vector<16xf32>
        %add3A_866 = arith.addf %mul3A_862, %get3A_865 : vector<16xf32>
        %swap3A_867 = arith.index_cast %scan3A_94 : i32 to index
        %swap3A_868 = arith.constant 208 : index
        %swap3A_869 = tpu.vector_load %arg9[%swap3A_867, %swap3A_868] {strides = array<i32>} : memref<64x768xf32, #tpu.memory_space<vmem>>, vector<1x16xf32>,
        %swap3A_870 = vector.shape_cast %swap3A_869 : vector<1x16xf32> to vector<16xf32>
        %swap3A_871 = vector.shape_cast %add3A_866 : vector<16xf32> to vector<1x16xf32>
        tpu.vector_store %arg9[%swap3A_867, %swap3A_868], %swap3A_871 {strides = array<i32>} : memref<64x768xf32, #tpu.memory_space<vmem>>, vector<1x16xf32>,
        %get3A_872 = arith.index_cast %scan3A_94 : i32 to index
        %get3A_873 = arith.constant 224 : index
        %get3A_874 = tpu.vector_load %arg9[%get3A_872, %get3A_873] {strides = array<i32>} : memref<64x768xf32, #tpu.memory_space<vmem>>, vector<1x16xf32>,
        %get3A_875 = vector.shape_cast %get3A_874 : vector<1x16xf32> to vector<16xf32>
        %mul3A_876 = arith.mulf %get3A_875, %mul3A_605 : vector<16xf32>
        %sub3A_877 = arith.subf %mul3A_876, %mul3A_606 : vector<16xf32>
        %get3A_878 = arith.constant 224 : index
        %get3A_879 = tpu.vector_load %arg10[%get3A_878] {strides = array<i32>} : memref<768xf32, #tpu.memory_space<vmem>>, vector<16xf32>,
        %get3A_880 = vector.shape_cast %get3A_879 : vector<16xf32> to vector<16xf32>
        %mul3A_881 = arith.mulf %sub3A_877, %get3A_880 : vector<16xf32>
        %get3A_882 = arith.constant 224 : index
        %get3A_883 = tpu.vector_load %arg11[%get3A_882] {strides = array<i32>} : memref<768xf32, #tpu.memory_space<vmem>>, vector<16xf32>,
        %get3A_884 = vector.shape_cast %get3A_883 : vector<16xf32> to vector<16xf32>
        %add3A_885 = arith.addf %mul3A_881, %get3A_884 : vector<16xf32>
        %swap3A_886 = arith.index_cast %scan3A_94 : i32 to index
        %swap3A_887 = arith.constant 224 : index
        %swap3A_888 = tpu.vector_load %arg9[%swap3A_886, %swap3A_887] {strides = array<i32>} : memref<64x768xf32, #tpu.memory_space<vmem>>, vector<1x16xf32>,
        %swap3A_889 = vector.shape_cast %swap3A_888 : vector<1x16xf32> to vector<16xf32>
        %swap3A_890 = vector.shape_cast %add3A_885 : vector<16xf32> to vector<1x16xf32>
        tpu.vector_store %arg9[%swap3A_886, %swap3A_887], %swap3A_890 {strides = array<i32>} : memref<64x768xf32, #tpu.memory_space<vmem>>, vector<1x16xf32>,
        %get3A_891 = arith.index_cast %scan3A_94 : i32 to index
        %get3A_892 = arith.constant 240 : index
        %get3A_893 = tpu.vector_load %arg9[%get3A_891, %get3A_892] {strides = array<i32>} : memref<64x768xf32, #tpu.memory_space<vmem>>, vector<1x16xf32>,
        %get3A_894 = vector.shape_cast %get3A_893 : vector<1x16xf32> to vector<16xf32>
        %mul3A_895 = arith.mulf %get3A_894, %mul3A_605 : vector<16xf32>
        %sub3A_896 = arith.subf %mul3A_895, %mul3A_606 : vector<16xf32>
        %get3A_897 = arith.constant 240 : index
        %get3A_898 = tpu.vector_load %arg10[%get3A_897] {strides = array<i32>} : memref<768xf32, #tpu.memory_space<vmem>>, vector<16xf32>,
        %get3A_899 = vector.shape_cast %get3A_898 : vector<16xf32> to vector<16xf32>
        %mul3A_900 = arith.mulf %sub3A_896, %get3A_899 : vector<16xf32>
        %get3A_901 = arith.constant 240 : index
        %get3A_902 = tpu.vector_load %arg11[%get3A_901] {strides = array<i32>} : memref<768xf32, #tpu.memory_space<vmem>>, vector<16xf32>,
        %get3A_903 = vector.shape_cast %get3A_902 : vector<16xf32> to vector<16xf32>
        %add3A_904 = arith.addf %mul3A_900, %get3A_903 : vector<16xf32>
        %swap3A_905 = arith.index_cast %scan3A_94 : i32 to index
        %swap3A_906 = arith.constant 240 : index
        %swap3A_907 = tpu.vector_load %arg9[%swap3A_905, %swap3A_906] {strides = array<i32>} : memref<64x768xf32, #tpu.memory_space<vmem>>, vector<1x16xf32>,
        %swap3A_908 = vector.shape_cast %swap3A_907 : vector<1x16xf32> to vector<16xf32>
        %swap3A_909 = vector.shape_cast %add3A_904 : vector<16xf32> to vector<1x16xf32>
        tpu.vector_store %arg9[%swap3A_905, %swap3A_906], %swap3A_909 {strides = array<i32>} : memref<64x768xf32, #tpu.memory_space<vmem>>, vector<1x16xf32>,
        %get3A_910 = arith.index_cast %scan3A_94 : i32 to index
        %get3A_911 = arith.constant 256 : index
        %get3A_912 = tpu.vector_load %arg9[%get3A_910, %get3A_911] {strides = array<i32>} : memref<64x768xf32, #tpu.memory_space<vmem>>, vector<1x16xf32>,
        %get3A_913 = vector.shape_cast %get3A_912 : vector<1x16xf32> to vector<16xf32>
        %mul3A_914 = arith.mulf %get3A_913, %mul3A_605 : vector<16xf32>
        %sub3A_915 = arith.subf %mul3A_914, %mul3A_606 : vector<16xf32>
        %get3A_916 = arith.constant 256 : index
        %get3A_917 = tpu.vector_load %arg10[%get3A_916] {strides = array<i32>} : memref<768xf32, #tpu.memory_space<vmem>>, vector<16xf32>,
        %get3A_918 = vector.shape_cast %get3A_917 : vector<16xf32> to vector<16xf32>
        %mul3A_919 = arith.mulf %sub3A_915, %get3A_918 : vector<16xf32>
        %get3A_920 = arith.constant 256 : index
        %get3A_921 = tpu.vector_load %arg11[%get3A_920] {strides = array<i32>} : memref<768xf32, #tpu.memory_space<vmem>>, vector<16xf32>,
        %get3A_922 = vector.shape_cast %get3A_921 : vector<16xf32> to vector<16xf32>
        %add3A_923 = arith.addf %mul3A_919, %get3A_922 : vector<16xf32>
        %swap3A_924 = arith.index_cast %scan3A_94 : i32 to index
        %swap3A_925 = arith.constant 256 : index
        %swap3A_926 = tpu.vector_load %arg9[%swap3A_924, %swap3A_925] {strides = array<i32>} : memref<64x768xf32, #tpu.memory_space<vmem>>, vector<1x16xf32>,
        %swap3A_927 = vector.shape_cast %swap3A_926 : vector<1x16xf32> to vector<16xf32>
        %swap3A_928 = vector.shape_cast %add3A_923 : vector<16xf32> to vector<1x16xf32>
        tpu.vector_store %arg9[%swap3A_924, %swap3A_925], %swap3A_928 {strides = array<i32>} : memref<64x768xf32, #tpu.memory_space<vmem>>, vector<1x16xf32>,
        %get3A_929 = arith.index_cast %scan3A_94 : i32 to index
        %get3A_930 = arith.constant 272 : index
        %get3A_931 = tpu.vector_load %arg9[%get3A_929, %get3A_930] {strides = array<i32>} : memref<64x768xf32, #tpu.memory_space<vmem>>, vector<1x16xf32>,
        %get3A_932 = vector.shape_cast %get3A_931 : vector<1x16xf32> to vector<16xf32>
        %mul3A_933 = arith.mulf %get3A_932, %mul3A_605 : vector<16xf32>
        %sub3A_934 = arith.subf %mul3A_933, %mul3A_606 : vector<16xf32>
        %get3A_935 = arith.constant 272 : index
        %get3A_936 = tpu.vector_load %arg10[%get3A_935] {strides = array<i32>} : memref<768xf32, #tpu.memory_space<vmem>>, vector<16xf32>,
        %get3A_937 = vector.shape_cast %get3A_936 : vector<16xf32> to vector<16xf32>
        %mul3A_938 = arith.mulf %sub3A_934, %get3A_937 : vector<16xf32>
        %get3A_939 = arith.constant 272 : index
        %get3A_940 = tpu.vector_load %arg11[%get3A_939] {strides = array<i32>} : memref<768xf32, #tpu.memory_space<vmem>>, vector<16xf32>,
        %get3A_941 = vector.shape_cast %get3A_940 : vector<16xf32> to vector<16xf32>
        %add3A_942 = arith.addf %mul3A_938, %get3A_941 : vector<16xf32>
        %swap3A_943 = arith.index_cast %scan3A_94 : i32 to index
        %swap3A_944 = arith.constant 272 : index
        %swap3A_945 = tpu.vector_load %arg9[%swap3A_943, %swap3A_944] {strides = array<i32>} : memref<64x768xf32, #tpu.memory_space<vmem>>, vector<1x16xf32>,
        %swap3A_946 = vector.shape_cast %swap3A_945 : vector<1x16xf32> to vector<16xf32>
        %swap3A_947 = vector.shape_cast %add3A_942 : vector<16xf32> to vector<1x16xf32>
        tpu.vector_store %arg9[%swap3A_943, %swap3A_944], %swap3A_947 {strides = array<i32>} : memref<64x768xf32, #tpu.memory_space<vmem>>, vector<1x16xf32>,
        %get3A_948 = arith.index_cast %scan3A_94 : i32 to index
        %get3A_949 = arith.constant 288 : index
        %get3A_950 = tpu.vector_load %arg9[%get3A_948, %get3A_949] {strides = array<i32>} : memref<64x768xf32, #tpu.memory_space<vmem>>, vector<1x16xf32>,
        %get3A_951 = vector.shape_cast %get3A_950 : vector<1x16xf32> to vector<16xf32>
        %mul3A_952 = arith.mulf %get3A_951, %mul3A_605 : vector<16xf32>
        %sub3A_953 = arith.subf %mul3A_952, %mul3A_606 : vector<16xf32>
        %get3A_954 = arith.constant 288 : index
        %get3A_955 = tpu.vector_load %arg10[%get3A_954] {strides = array<i32>} : memref<768xf32, #tpu.memory_space<vmem>>, vector<16xf32>,
        %get3A_956 = vector.shape_cast %get3A_955 : vector<16xf32> to vector<16xf32>
        %mul3A_957 = arith.mulf %sub3A_953, %get3A_956 : vector<16xf32>
        %get3A_958 = arith.constant 288 : index
        %get3A_959 = tpu.vector_load %arg11[%get3A_958] {strides = array<i32>} : memref<768xf32, #tpu.memory_space<vmem>>, vector<16xf32>,
        %get3A_960 = vector.shape_cast %get3A_959 : vector<16xf32> to vector<16xf32>
        %add3A_961 = arith.addf %mul3A_957, %get3A_960 : vector<16xf32>
        %swap3A_962 = arith.index_cast %scan3A_94 : i32 to index
        %swap3A_963 = arith.constant 288 : index
        %swap3A_964 = tpu.vector_load %arg9[%swap3A_962, %swap3A_963] {strides = array<i32>} : memref<64x768xf32, #tpu.memory_space<vmem>>, vector<1x16xf32>,
        %swap3A_965 = vector.shape_cast %swap3A_964 : vector<1x16xf32> to vector<16xf32>
        %swap3A_966 = vector.shape_cast %add3A_961 : vector<16xf32> to vector<1x16xf32>
        tpu.vector_store %arg9[%swap3A_962, %swap3A_963], %swap3A_966 {strides = array<i32>} : memref<64x768xf32, #tpu.memory_space<vmem>>, vector<1x16xf32>,
        %get3A_967 = arith.index_cast %scan3A_94 : i32 to index
        %get3A_968 = arith.constant 304 : index
        %get3A_969 = tpu.vector_load %arg9[%get3A_967, %get3A_968] {strides = array<i32>} : memref<64x768xf32, #tpu.memory_space<vmem>>, vector<1x16xf32>,
        %get3A_970 = vector.shape_cast %get3A_969 : vector<1x16xf32> to vector<16xf32>
        %mul3A_971 = arith.mulf %get3A_970, %mul3A_605 : vector<16xf32>
        %sub3A_972 = arith.subf %mul3A_971, %mul3A_606 : vector<16xf32>
        %get3A_973 = arith.constant 304 : index
        %get3A_974 = tpu.vector_load %arg10[%get3A_973] {strides = array<i32>} : memref<768xf32, #tpu.memory_space<vmem>>, vector<16xf32>,
        %get3A_975 = vector.shape_cast %get3A_974 : vector<16xf32> to vector<16xf32>
        %mul3A_976 = arith.mulf %sub3A_972, %get3A_975 : vector<16xf32>
        %get3A_977 = arith.constant 304 : index
        %get3A_978 = tpu.vector_load %arg11[%get3A_977] {strides = array<i32>} : memref<768xf32, #tpu.memory_space<vmem>>, vector<16xf32>,
        %get3A_979 = vector.shape_cast %get3A_978 : vector<16xf32> to vector<16xf32>
        %add3A_980 = arith.addf %mul3A_976, %get3A_979 : vector<16xf32>
        %swap3A_981 = arith.index_cast %scan3A_94 : i32 to index
        %swap3A_982 = arith.constant 304 : index
        %swap3A_983 = tpu.vector_load %arg9[%swap3A_981, %swap3A_982] {strides = array<i32>} : memref<64x768xf32, #tpu.memory_space<vmem>>, vector<1x16xf32>,
        %swap3A_984 = vector.shape_cast %swap3A_983 : vector<1x16xf32> to vector<16xf32>
        %swap3A_985 = vector.shape_cast %add3A_980 : vector<16xf32> to vector<1x16xf32>
        tpu.vector_store %arg9[%swap3A_981, %swap3A_982], %swap3A_985 {strides = array<i32>} : memref<64x768xf32, #tpu.memory_space<vmem>>, vector<1x16xf32>,
        %get3A_986 = arith.index_cast %scan3A_94 : i32 to index
        %get3A_987 = arith.constant 320 : index
        %get3A_988 = tpu.vector_load %arg9[%get3A_986, %get3A_987] {strides = array<i32>} : memref<64x768xf32, #tpu.memory_space<vmem>>, vector<1x16xf32>,
        %get3A_989 = vector.shape_cast %get3A_988 : vector<1x16xf32> to vector<16xf32>
        %mul3A_990 = arith.mulf %get3A_989, %mul3A_605 : vector<16xf32>
        %sub3A_991 = arith.subf %mul3A_990, %mul3A_606 : vector<16xf32>
        %get3A_992 = arith.constant 320 : index
        %get3A_993 = tpu.vector_load %arg10[%get3A_992] {strides = array<i32>} : memref<768xf32, #tpu.memory_space<vmem>>, vector<16xf32>,
        %get3A_994 = vector.shape_cast %get3A_993 : vector<16xf32> to vector<16xf32>
        %mul3A_995 = arith.mulf %sub3A_991, %get3A_994 : vector<16xf32>
        %get3A_996 = arith.constant 320 : index
        %get3A_997 = tpu.vector_load %arg11[%get3A_996] {strides = array<i32>} : memref<768xf32, #tpu.memory_space<vmem>>, vector<16xf32>,
        %get3A_998 = vector.shape_cast %get3A_997 : vector<16xf32> to vector<16xf32>
        %add3A_999 = arith.addf %mul3A_995, %get3A_998 : vector<16xf32>
        %swap3A_1000 = arith.index_cast %scan3A_94 : i32 to index
        %swap3A_1001 = arith.constant 320 : index
        %swap3A_1002 = tpu.vector_load %arg9[%swap3A_1000, %swap3A_1001] {strides = array<i32>} : memref<64x768xf32, #tpu.memory_space<vmem>>, vector<1x16xf32>,
        %swap3A_1003 = vector.shape_cast %swap3A_1002 : vector<1x16xf32> to vector<16xf32>
        %swap3A_1004 = vector.shape_cast %add3A_999 : vector<16xf32> to vector<1x16xf32>
        tpu.vector_store %arg9[%swap3A_1000, %swap3A_1001], %swap3A_1004 {strides = array<i32>} : memref<64x768xf32, #tpu.memory_space<vmem>>, vector<1x16xf32>,
        %get3A_1005 = arith.index_cast %scan3A_94 : i32 to index
        %get3A_1006 = arith.constant 336 : index
        %get3A_1007 = tpu.vector_load %arg9[%get3A_1005, %get3A_1006] {strides = array<i32>} : memref<64x768xf32, #tpu.memory_space<vmem>>, vector<1x16xf32>,
        %get3A_1008 = vector.shape_cast %get3A_1007 : vector<1x16xf32> to vector<16xf32>
        %mul3A_1009 = arith.mulf %get3A_1008, %mul3A_605 : vector<16xf32>
        %sub3A_1010 = arith.subf %mul3A_1009, %mul3A_606 : vector<16xf32>
        %get3A_1011 = arith.constant 336 : index
        %get3A_1012 = tpu.vector_load %arg10[%get3A_1011] {strides = array<i32>} : memref<768xf32, #tpu.memory_space<vmem>>, vector<16xf32>,
        %get3A_1013 = vector.shape_cast %get3A_1012 : vector<16xf32> to vector<16xf32>
        %mul3A_1014 = arith.mulf %sub3A_1010, %get3A_1013 : vector<16xf32>
        %get3A_1015 = arith.constant 336 : index
        %get3A_1016 = tpu.vector_load %arg11[%get3A_1015] {strides = array<i32>} : memref<768xf32, #tpu.memory_space<vmem>>, vector<16xf32>,
        %get3A_1017 = vector.shape_cast %get3A_1016 : vector<16xf32> to vector<16xf32>
        %add3A_1018 = arith.addf %mul3A_1014, %get3A_1017 : vector<16xf32>
        %swap3A_1019 = arith.index_cast %scan3A_94 : i32 to index
        %swap3A_1020 = arith.constant 336 : index
        %swap3A_1021 = tpu.vector_load %arg9[%swap3A_1019, %swap3A_1020] {strides = array<i32>} : memref<64x768xf32, #tpu.memory_space<vmem>>, vector<1x16xf32>,
        %swap3A_1022 = vector.shape_cast %swap3A_1021 : vector<1x16xf32> to vector<16xf32>
        %swap3A_1023 = vector.shape_cast %add3A_1018 : vector<16xf32> to vector<1x16xf32>
        tpu.vector_store %arg9[%swap3A_1019, %swap3A_1020], %swap3A_1023 {strides = array<i32>} : memref<64x768xf32, #tpu.memory_space<vmem>>, vector<1x16xf32>,
        %get3A_1024 = arith.index_cast %scan3A_94 : i32 to index
        %get3A_1025 = arith.constant 352 : index
        %get3A_1026 = tpu.vector_load %arg9[%get3A_1024, %get3A_1025] {strides = array<i32>} : memref<64x768xf32, #tpu.memory_space<vmem>>, vector<1x16xf32>,
        %get3A_1027 = vector.shape_cast %get3A_1026 : vector<1x16xf32> to vector<16xf32>
        %mul3A_1028 = arith.mulf %get3A_1027, %mul3A_605 : vector<16xf32>
        %sub3A_1029 = arith.subf %mul3A_1028, %mul3A_606 : vector<16xf32>
        %get3A_1030 = arith.constant 352 : index
        %get3A_1031 = tpu.vector_load %arg10[%get3A_1030] {strides = array<i32>} : memref<768xf32, #tpu.memory_space<vmem>>, vector<16xf32>,
        %get3A_1032 = vector.shape_cast %get3A_1031 : vector<16xf32> to vector<16xf32>
        %mul3A_1033 = arith.mulf %sub3A_1029, %get3A_1032 : vector<16xf32>
        %get3A_1034 = arith.constant 352 : index
        %get3A_1035 = tpu.vector_load %arg11[%get3A_1034] {strides = array<i32>} : memref<768xf32, #tpu.memory_space<vmem>>, vector<16xf32>,
        %get3A_1036 = vector.shape_cast %get3A_1035 : vector<16xf32> to vector<16xf32>
        %add3A_1037 = arith.addf %mul3A_1033, %get3A_1036 : vector<16xf32>
        %swap3A_1038 = arith.index_cast %scan3A_94 : i32 to index
        %swap3A_1039 = arith.constant 352 : index
        %swap3A_1040 = tpu.vector_load %arg9[%swap3A_1038, %swap3A_1039] {strides = array<i32>} : memref<64x768xf32, #tpu.memory_space<vmem>>, vector<1x16xf32>,
        %swap3A_1041 = vector.shape_cast %swap3A_1040 : vector<1x16xf32> to vector<16xf32>
        %swap3A_1042 = vector.shape_cast %add3A_1037 : vector<16xf32> to vector<1x16xf32>
        tpu.vector_store %arg9[%swap3A_1038, %swap3A_1039], %swap3A_1042 {strides = array<i32>} : memref<64x768xf32, #tpu.memory_space<vmem>>, vector<1x16xf32>,
        %get3A_1043 = arith.index_cast %scan3A_94 : i32 to index
        %get3A_1044 = arith.constant 368 : index
        %get3A_1045 = tpu.vector_load %arg9[%get3A_1043, %get3A_1044] {strides = array<i32>} : memref<64x768xf32, #tpu.memory_space<vmem>>, vector<1x16xf32>,
        %get3A_1046 = vector.shape_cast %get3A_1045 : vector<1x16xf32> to vector<16xf32>
        %mul3A_1047 = arith.mulf %get3A_1046, %mul3A_605 : vector<16xf32>
        %sub3A_1048 = arith.subf %mul3A_1047, %mul3A_606 : vector<16xf32>
        %get3A_1049 = arith.constant 368 : index
        %get3A_1050 = tpu.vector_load %arg10[%get3A_1049] {strides = array<i32>} : memref<768xf32, #tpu.memory_space<vmem>>, vector<16xf32>,
        %get3A_1051 = vector.shape_cast %get3A_1050 : vector<16xf32> to vector<16xf32>
        %mul3A_1052 = arith.mulf %sub3A_1048, %get3A_1051 : vector<16xf32>
        %get3A_1053 = arith.constant 368 : index
        %get3A_1054 = tpu.vector_load %arg11[%get3A_1053] {strides = array<i32>} : memref<768xf32, #tpu.memory_space<vmem>>, vector<16xf32>,
        %get3A_1055 = vector.shape_cast %get3A_1054 : vector<16xf32> to vector<16xf32>
        %add3A_1056 = arith.addf %mul3A_1052, %get3A_1055 : vector<16xf32>
        %swap3A_1057 = arith.index_cast %scan3A_94 : i32 to index
        %swap3A_1058 = arith.constant 368 : index
        %swap3A_1059 = tpu.vector_load %arg9[%swap3A_1057, %swap3A_1058] {strides = array<i32>} : memref<64x768xf32, #tpu.memory_space<vmem>>, vector<1x16xf32>,
        %swap3A_1060 = vector.shape_cast %swap3A_1059 : vector<1x16xf32> to vector<16xf32>
        %swap3A_1061 = vector.shape_cast %add3A_1056 : vector<16xf32> to vector<1x16xf32>
        tpu.vector_store %arg9[%swap3A_1057, %swap3A_1058], %swap3A_1061 {strides = array<i32>} : memref<64x768xf32, #tpu.memory_space<vmem>>, vector<1x16xf32>,
        %get3A_1062 = arith.index_cast %scan3A_94 : i32 to index
        %get3A_1063 = arith.constant 384 : index
        %get3A_1064 = tpu.vector_load %arg9[%get3A_1062, %get3A_1063] {strides = array<i32>} : memref<64x768xf32, #tpu.memory_space<vmem>>, vector<1x16xf32>,
        %get3A_1065 = vector.shape_cast %get3A_1064 : vector<1x16xf32> to vector<16xf32>
        %mul3A_1066 = arith.mulf %get3A_1065, %mul3A_605 : vector<16xf32>
        %sub3A_1067 = arith.subf %mul3A_1066, %mul3A_606 : vector<16xf32>
        %get3A_1068 = arith.constant 384 : index
        %get3A_1069 = tpu.vector_load %arg10[%get3A_1068] {strides = array<i32>} : memref<768xf32, #tpu.memory_space<vmem>>, vector<16xf32>,
        %get3A_1070 = vector.shape_cast %get3A_1069 : vector<16xf32> to vector<16xf32>
        %mul3A_1071 = arith.mulf %sub3A_1067, %get3A_1070 : vector<16xf32>
        %get3A_1072 = arith.constant 384 : index
        %get3A_1073 = tpu.vector_load %arg11[%get3A_1072] {strides = array<i32>} : memref<768xf32, #tpu.memory_space<vmem>>, vector<16xf32>,
        %get3A_1074 = vector.shape_cast %get3A_1073 : vector<16xf32> to vector<16xf32>
        %add3A_1075 = arith.addf %mul3A_1071, %get3A_1074 : vector<16xf32>
        %swap3A_1076 = arith.index_cast %scan3A_94 : i32 to index
        %swap3A_1077 = arith.constant 384 : index
        %swap3A_1078 = tpu.vector_load %arg9[%swap3A_1076, %swap3A_1077] {strides = array<i32>} : memref<64x768xf32, #tpu.memory_space<vmem>>, vector<1x16xf32>,
        %swap3A_1079 = vector.shape_cast %swap3A_1078 : vector<1x16xf32> to vector<16xf32>
        %swap3A_1080 = vector.shape_cast %add3A_1075 : vector<16xf32> to vector<1x16xf32>
        tpu.vector_store %arg9[%swap3A_1076, %swap3A_1077], %swap3A_1080 {strides = array<i32>} : memref<64x768xf32, #tpu.memory_space<vmem>>, vector<1x16xf32>,
        %get3A_1081 = arith.index_cast %scan3A_94 : i32 to index
        %get3A_1082 = arith.constant 400 : index
        %get3A_1083 = tpu.vector_load %arg9[%get3A_1081, %get3A_1082] {strides = array<i32>} : memref<64x768xf32, #tpu.memory_space<vmem>>, vector<1x16xf32>,
        %get3A_1084 = vector.shape_cast %get3A_1083 : vector<1x16xf32> to vector<16xf32>
        %mul3A_1085 = arith.mulf %get3A_1084, %mul3A_605 : vector<16xf32>
        %sub3A_1086 = arith.subf %mul3A_1085, %mul3A_606 : vector<16xf32>
        %get3A_1087 = arith.constant 400 : index
        %get3A_1088 = tpu.vector_load %arg10[%get3A_1087] {strides = array<i32>} : memref<768xf32, #tpu.memory_space<vmem>>, vector<16xf32>,
        %get3A_1089 = vector.shape_cast %get3A_1088 : vector<16xf32> to vector<16xf32>
        %mul3A_1090 = arith.mulf %sub3A_1086, %get3A_1089 : vector<16xf32>
        %get3A_1091 = arith.constant 400 : index
        %get3A_1092 = tpu.vector_load %arg11[%get3A_1091] {strides = array<i32>} : memref<768xf32, #tpu.memory_space<vmem>>, vector<16xf32>,
        %get3A_1093 = vector.shape_cast %get3A_1092 : vector<16xf32> to vector<16xf32>
        %add3A_1094 = arith.addf %mul3A_1090, %get3A_1093 : vector<16xf32>
        %swap3A_1095 = arith.index_cast %scan3A_94 : i32 to index
        %swap3A_1096 = arith.constant 400 : index
        %swap3A_1097 = tpu.vector_load %arg9[%swap3A_1095, %swap3A_1096] {strides = array<i32>} : memref<64x768xf32, #tpu.memory_space<vmem>>, vector<1x16xf32>,
        %swap3A_1098 = vector.shape_cast %swap3A_1097 : vector<1x16xf32> to vector<16xf32>
        %swap3A_1099 = vector.shape_cast %add3A_1094 : vector<16xf32> to vector<1x16xf32>
        tpu.vector_store %arg9[%swap3A_1095, %swap3A_1096], %swap3A_1099 {strides = array<i32>} : memref<64x768xf32, #tpu.memory_space<vmem>>, vector<1x16xf32>,
        %get3A_1100 = arith.index_cast %scan3A_94 : i32 to index
        %get3A_1101 = arith.constant 416 : index
        %get3A_1102 = tpu.vector_load %arg9[%get3A_1100, %get3A_1101] {strides = array<i32>} : memref<64x768xf32, #tpu.memory_space<vmem>>, vector<1x16xf32>,
        %get3A_1103 = vector.shape_cast %get3A_1102 : vector<1x16xf32> to vector<16xf32>
        %mul3A_1104 = arith.mulf %get3A_1103, %mul3A_605 : vector<16xf32>
        %sub3A_1105 = arith.subf %mul3A_1104, %mul3A_606 : vector<16xf32>
        %get3A_1106 = arith.constant 416 : index
        %get3A_1107 = tpu.vector_load %arg10[%get3A_1106] {strides = array<i32>} : memref<768xf32, #tpu.memory_space<vmem>>, vector<16xf32>,
        %get3A_1108 = vector.shape_cast %get3A_1107 : vector<16xf32> to vector<16xf32>
        %mul3A_1109 = arith.mulf %sub3A_1105, %get3A_1108 : vector<16xf32>
        %get3A_1110 = arith.constant 416 : index
        %get3A_1111 = tpu.vector_load %arg11[%get3A_1110] {strides = array<i32>} : memref<768xf32, #tpu.memory_space<vmem>>, vector<16xf32>,
        %get3A_1112 = vector.shape_cast %get3A_1111 : vector<16xf32> to vector<16xf32>
        %add3A_1113 = arith.addf %mul3A_1109, %get3A_1112 : vector<16xf32>
        %swap3A_1114 = arith.index_cast %scan3A_94 : i32 to index
        %swap3A_1115 = arith.constant 416 : index
        %swap3A_1116 = tpu.vector_load %arg9[%swap3A_1114, %swap3A_1115] {strides = array<i32>} : memref<64x768xf32, #tpu.memory_space<vmem>>, vector<1x16xf32>,
        %swap3A_1117 = vector.shape_cast %swap3A_1116 : vector<1x16xf32> to vector<16xf32>
        %swap3A_1118 = vector.shape_cast %add3A_1113 : vector<16xf32> to vector<1x16xf32>
        tpu.vector_store %arg9[%swap3A_1114, %swap3A_1115], %swap3A_1118 {strides = array<i32>} : memref<64x768xf32, #tpu.memory_space<vmem>>, vector<1x16xf32>,
        %get3A_1119 = arith.index_cast %scan3A_94 : i32 to index
        %get3A_1120 = arith.constant 432 : index
        %get3A_1121 = tpu.vector_load %arg9[%get3A_1119, %get3A_1120] {strides = array<i32>} : memref<64x768xf32, #tpu.memory_space<vmem>>, vector<1x16xf32>,
        %get3A_1122 = vector.shape_cast %get3A_1121 : vector<1x16xf32> to vector<16xf32>
        %mul3A_1123 = arith.mulf %get3A_1122, %mul3A_605 : vector<16xf32>
        %sub3A_1124 = arith.subf %mul3A_1123, %mul3A_606 : vector<16xf32>
        %get3A_1125 = arith.constant 432 : index
        %get3A_1126 = tpu.vector_load %arg10[%get3A_1125] {strides = array<i32>} : memref<768xf32, #tpu.memory_space<vmem>>, vector<16xf32>,
        %get3A_1127 = vector.shape_cast %get3A_1126 : vector<16xf32> to vector<16xf32>
        %mul3A_1128 = arith.mulf %sub3A_1124, %get3A_1127 : vector<16xf32>
        %get3A_1129 = arith.constant 432 : index
        %get3A_1130 = tpu.vector_load %arg11[%get3A_1129] {strides = array<i32>} : memref<768xf32, #tpu.memory_space<vmem>>, vector<16xf32>,
        %get3A_1131 = vector.shape_cast %get3A_1130 : vector<16xf32> to vector<16xf32>
        %add3A_1132 = arith.addf %mul3A_1128, %get3A_1131 : vector<16xf32>
        %swap3A_1133 = arith.index_cast %scan3A_94 : i32 to index
        %swap3A_1134 = arith.constant 432 : index
        %swap3A_1135 = tpu.vector_load %arg9[%swap3A_1133, %swap3A_1134] {strides = array<i32>} : memref<64x768xf32, #tpu.memory_space<vmem>>, vector<1x16xf32>,
        %swap3A_1136 = vector.shape_cast %swap3A_1135 : vector<1x16xf32> to vector<16xf32>
        %swap3A_1137 = vector.shape_cast %add3A_1132 : vector<16xf32> to vector<1x16xf32>
        tpu.vector_store %arg9[%swap3A_1133, %swap3A_1134], %swap3A_1137 {strides = array<i32>} : memref<64x768xf32, #tpu.memory_space<vmem>>, vector<1x16xf32>,
        %get3A_1138 = arith.index_cast %scan3A_94 : i32 to index
        %get3A_1139 = arith.constant 448 : index
        %get3A_1140 = tpu.vector_load %arg9[%get3A_1138, %get3A_1139] {strides = array<i32>} : memref<64x768xf32, #tpu.memory_space<vmem>>, vector<1x16xf32>,
        %get3A_1141 = vector.shape_cast %get3A_1140 : vector<1x16xf32> to vector<16xf32>
        %mul3A_1142 = arith.mulf %get3A_1141, %mul3A_605 : vector<16xf32>
        %sub3A_1143 = arith.subf %mul3A_1142, %mul3A_606 : vector<16xf32>
        %get3A_1144 = arith.constant 448 : index
        %get3A_1145 = tpu.vector_load %arg10[%get3A_1144] {strides = array<i32>} : memref<768xf32, #tpu.memory_space<vmem>>, vector<16xf32>,
        %get3A_1146 = vector.shape_cast %get3A_1145 : vector<16xf32> to vector<16xf32>
        %mul3A_1147 = arith.mulf %sub3A_1143, %get3A_1146 : vector<16xf32>
        %get3A_1148 = arith.constant 448 : index
        %get3A_1149 = tpu.vector_load %arg11[%get3A_1148] {strides = array<i32>} : memref<768xf32, #tpu.memory_space<vmem>>, vector<16xf32>,
        %get3A_1150 = vector.shape_cast %get3A_1149 : vector<16xf32> to vector<16xf32>
        %add3A_1151 = arith.addf %mul3A_1147, %get3A_1150 : vector<16xf32>
        %swap3A_1152 = arith.index_cast %scan3A_94 : i32 to index
        %swap3A_1153 = arith.constant 448 : index
        %swap3A_1154 = tpu.vector_load %arg9[%swap3A_1152, %swap3A_1153] {strides = array<i32>} : memref<64x768xf32, #tpu.memory_space<vmem>>, vector<1x16xf32>,
        %swap3A_1155 = vector.shape_cast %swap3A_1154 : vector<1x16xf32> to vector<16xf32>
        %swap3A_1156 = vector.shape_cast %add3A_1151 : vector<16xf32> to vector<1x16xf32>
        tpu.vector_store %arg9[%swap3A_1152, %swap3A_1153], %swap3A_1156 {strides = array<i32>} : memref<64x768xf32, #tpu.memory_space<vmem>>, vector<1x16xf32>,
        %get3A_1157 = arith.index_cast %scan3A_94 : i32 to index
        %get3A_1158 = arith.constant 464 : index
        %get3A_1159 = tpu.vector_load %arg9[%get3A_1157, %get3A_1158] {strides = array<i32>} : memref<64x768xf32, #tpu.memory_space<vmem>>, vector<1x16xf32>,
        %get3A_1160 = vector.shape_cast %get3A_1159 : vector<1x16xf32> to vector<16xf32>
        %mul3A_1161 = arith.mulf %get3A_1160, %mul3A_605 : vector<16xf32>
        %sub3A_1162 = arith.subf %mul3A_1161, %mul3A_606 : vector<16xf32>
        %get3A_1163 = arith.constant 464 : index
        %get3A_1164 = tpu.vector_load %arg10[%get3A_1163] {strides = array<i32>} : memref<768xf32, #tpu.memory_space<vmem>>, vector<16xf32>,
        %get3A_1165 = vector.shape_cast %get3A_1164 : vector<16xf32> to vector<16xf32>
        %mul3A_1166 = arith.mulf %sub3A_1162, %get3A_1165 : vector<16xf32>
        %get3A_1167 = arith.constant 464 : index
        %get3A_1168 = tpu.vector_load %arg11[%get3A_1167] {strides = array<i32>} : memref<768xf32, #tpu.memory_space<vmem>>, vector<16xf32>,
        %get3A_1169 = vector.shape_cast %get3A_1168 : vector<16xf32> to vector<16xf32>
        %add3A_1170 = arith.addf %mul3A_1166, %get3A_1169 : vector<16xf32>
        %swap3A_1171 = arith.index_cast %scan3A_94 : i32 to index
        %swap3A_1172 = arith.constant 464 : index
        %swap3A_1173 = tpu.vector_load %arg9[%swap3A_1171, %swap3A_1172] {strides = array<i32>} : memref<64x768xf32, #tpu.memory_space<vmem>>, vector<1x16xf32>,
        %swap3A_1174 = vector.shape_cast %swap3A_1173 : vector<1x16xf32> to vector<16xf32>
        %swap3A_1175 = vector.shape_cast %add3A_1170 : vector<16xf32> to vector<1x16xf32>
        tpu.vector_store %arg9[%swap3A_1171, %swap3A_1172], %swap3A_1175 {strides = array<i32>} : memref<64x768xf32, #tpu.memory_space<vmem>>, vector<1x16xf32>,
        %get3A_1176 = arith.index_cast %scan3A_94 : i32 to index
        %get3A_1177 = arith.constant 480 : index
        %get3A_1178 = tpu.vector_load %arg9[%get3A_1176, %get3A_1177] {strides = array<i32>} : memref<64x768xf32, #tpu.memory_space<vmem>>, vector<1x16xf32>,
        %get3A_1179 = vector.shape_cast %get3A_1178 : vector<1x16xf32> to vector<16xf32>
        %mul3A_1180 = arith.mulf %get3A_1179, %mul3A_605 : vector<16xf32>
        %sub3A_1181 = arith.subf %mul3A_1180, %mul3A_606 : vector<16xf32>
        %get3A_1182 = arith.constant 480 : index
        %get3A_1183 = tpu.vector_load %arg10[%get3A_1182] {strides = array<i32>} : memref<768xf32, #tpu.memory_space<vmem>>, vector<16xf32>,
        %get3A_1184 = vector.shape_cast %get3A_1183 : vector<16xf32> to vector<16xf32>
        %mul3A_1185 = arith.mulf %sub3A_1181, %get3A_1184 : vector<16xf32>
        %get3A_1186 = arith.constant 480 : index
        %get3A_1187 = tpu.vector_load %arg11[%get3A_1186] {strides = array<i32>} : memref<768xf32, #tpu.memory_space<vmem>>, vector<16xf32>,
        %get3A_1188 = vector.shape_cast %get3A_1187 : vector<16xf32> to vector<16xf32>
        %add3A_1189 = arith.addf %mul3A_1185, %get3A_1188 : vector<16xf32>
        %swap3A_1190 = arith.index_cast %scan3A_94 : i32 to index
        %swap3A_1191 = arith.constant 480 : index
        %swap3A_1192 = tpu.vector_load %arg9[%swap3A_1190, %swap3A_1191] {strides = array<i32>} : memref<64x768xf32, #tpu.memory_space<vmem>>, vector<1x16xf32>,
        %swap3A_1193 = vector.shape_cast %swap3A_1192 : vector<1x16xf32> to vector<16xf32>
        %swap3A_1194 = vector.shape_cast %add3A_1189 : vector<16xf32> to vector<1x16xf32>
        tpu.vector_store %arg9[%swap3A_1190, %swap3A_1191], %swap3A_1194 {strides = array<i32>} : memref<64x768xf32, #tpu.memory_space<vmem>>, vector<1x16xf32>,
        %get3A_1195 = arith.index_cast %scan3A_94 : i32 to index
        %get3A_1196 = arith.constant 496 : index
        %get3A_1197 = tpu.vector_load %arg9[%get3A_1195, %get3A_1196] {strides = array<i32>} : memref<64x768xf32, #tpu.memory_space<vmem>>, vector<1x16xf32>,
        %get3A_1198 = vector.shape_cast %get3A_1197 : vector<1x16xf32> to vector<16xf32>
        %mul3A_1199 = arith.mulf %get3A_1198, %mul3A_605 : vector<16xf32>
        %sub3A_1200 = arith.subf %mul3A_1199, %mul3A_606 : vector<16xf32>
        %get3A_1201 = arith.constant 496 : index
        %get3A_1202 = tpu.vector_load %arg10[%get3A_1201] {strides = array<i32>} : memref<768xf32, #tpu.memory_space<vmem>>, vector<16xf32>,
        %get3A_1203 = vector.shape_cast %get3A_1202 : vector<16xf32> to vector<16xf32>
        %mul3A_1204 = arith.mulf %sub3A_1200, %get3A_1203 : vector<16xf32>
        %get3A_1205 = arith.constant 496 : index
        %get3A_1206 = tpu.vector_load %arg11[%get3A_1205] {strides = array<i32>} : memref<768xf32, #tpu.memory_space<vmem>>, vector<16xf32>,
        %get3A_1207 = vector.shape_cast %get3A_1206 : vector<16xf32> to vector<16xf32>
        %add3A_1208 = arith.addf %mul3A_1204, %get3A_1207 : vector<16xf32>
        %swap3A_1209 = arith.index_cast %scan3A_94 : i32 to index
        %swap3A_1210 = arith.constant 496 : index
        %swap3A_1211 = tpu.vector_load %arg9[%swap3A_1209, %swap3A_1210] {strides = array<i32>} : memref<64x768xf32, #tpu.memory_space<vmem>>, vector<1x16xf32>,
        %swap3A_1212 = vector.shape_cast %swap3A_1211 : vector<1x16xf32> to vector<16xf32>
        %swap3A_1213 = vector.shape_cast %add3A_1208 : vector<16xf32> to vector<1x16xf32>
        tpu.vector_store %arg9[%swap3A_1209, %swap3A_1210], %swap3A_1213 {strides = array<i32>} : memref<64x768xf32, #tpu.memory_space<vmem>>, vector<1x16xf32>,
        %get3A_1214 = arith.index_cast %scan3A_94 : i32 to index
        %get3A_1215 = arith.constant 512 : index
        %get3A_1216 = tpu.vector_load %arg9[%get3A_1214, %get3A_1215] {strides = array<i32>} : memref<64x768xf32, #tpu.memory_space<vmem>>, vector<1x16xf32>,
        %get3A_1217 = vector.shape_cast %get3A_1216 : vector<1x16xf32> to vector<16xf32>
        %mul3A_1218 = arith.mulf %get3A_1217, %mul3A_605 : vector<16xf32>
        %sub3A_1219 = arith.subf %mul3A_1218, %mul3A_606 : vector<16xf32>
        %get3A_1220 = arith.constant 512 : index
        %get3A_1221 = tpu.vector_load %arg10[%get3A_1220] {strides = array<i32>} : memref<768xf32, #tpu.memory_space<vmem>>, vector<16xf32>,
        %get3A_1222 = vector.shape_cast %get3A_1221 : vector<16xf32> to vector<16xf32>
        %mul3A_1223 = arith.mulf %sub3A_1219, %get3A_1222 : vector<16xf32>
        %get3A_1224 = arith.constant 512 : index
        %get3A_1225 = tpu.vector_load %arg11[%get3A_1224] {strides = array<i32>} : memref<768xf32, #tpu.memory_space<vmem>>, vector<16xf32>,
        %get3A_1226 = vector.shape_cast %get3A_1225 : vector<16xf32> to vector<16xf32>
        %add3A_1227 = arith.addf %mul3A_1223, %get3A_1226 : vector<16xf32>
        %swap3A_1228 = arith.index_cast %scan3A_94 : i32 to index
        %swap3A_1229 = arith.constant 512 : index
        %swap3A_1230 = tpu.vector_load %arg9[%swap3A_1228, %swap3A_1229] {strides = array<i32>} : memref<64x768xf32, #tpu.memory_space<vmem>>, vector<1x16xf32>,
        %swap3A_1231 = vector.shape_cast %swap3A_1230 : vector<1x16xf32> to vector<16xf32>
        %swap3A_1232 = vector.shape_cast %add3A_1227 : vector<16xf32> to vector<1x16xf32>
        tpu.vector_store %arg9[%swap3A_1228, %swap3A_1229], %swap3A_1232 {strides = array<i32>} : memref<64x768xf32, #tpu.memory_space<vmem>>, vector<1x16xf32>,
        %get3A_1233 = arith.index_cast %scan3A_94 : i32 to index
        %get3A_1234 = arith.constant 528 : index
        %get3A_1235 = tpu.vector_load %arg9[%get3A_1233, %get3A_1234] {strides = array<i32>} : memref<64x768xf32, #tpu.memory_space<vmem>>, vector<1x16xf32>,
        %get3A_1236 = vector.shape_cast %get3A_1235 : vector<1x16xf32> to vector<16xf32>
        %mul3A_1237 = arith.mulf %get3A_1236, %mul3A_605 : vector<16xf32>
        %sub3A_1238 = arith.subf %mul3A_1237, %mul3A_606 : vector<16xf32>
        %get3A_1239 = arith.constant 528 : index
        %get3A_1240 = tpu.vector_load %arg10[%get3A_1239] {strides = array<i32>} : memref<768xf32, #tpu.memory_space<vmem>>, vector<16xf32>,
        %get3A_1241 = vector.shape_cast %get3A_1240 : vector<16xf32> to vector<16xf32>
        %mul3A_1242 = arith.mulf %sub3A_1238, %get3A_1241 : vector<16xf32>
        %get3A_1243 = arith.constant 528 : index
        %get3A_1244 = tpu.vector_load %arg11[%get3A_1243] {strides = array<i32>} : memref<768xf32, #tpu.memory_space<vmem>>, vector<16xf32>,
        %get3A_1245 = vector.shape_cast %get3A_1244 : vector<16xf32> to vector<16xf32>
        %add3A_1246 = arith.addf %mul3A_1242, %get3A_1245 : vector<16xf32>
        %swap3A_1247 = arith.index_cast %scan3A_94 : i32 to index
        %swap3A_1248 = arith.constant 528 : index
        %swap3A_1249 = tpu.vector_load %arg9[%swap3A_1247, %swap3A_1248] {strides = array<i32>} : memref<64x768xf32, #tpu.memory_space<vmem>>, vector<1x16xf32>,
        %swap3A_1250 = vector.shape_cast %swap3A_1249 : vector<1x16xf32> to vector<16xf32>
        %swap3A_1251 = vector.shape_cast %add3A_1246 : vector<16xf32> to vector<1x16xf32>
        tpu.vector_store %arg9[%swap3A_1247, %swap3A_1248], %swap3A_1251 {strides = array<i32>} : memref<64x768xf32, #tpu.memory_space<vmem>>, vector<1x16xf32>,
        %get3A_1252 = arith.index_cast %scan3A_94 : i32 to index
        %get3A_1253 = arith.constant 544 : index
        %get3A_1254 = tpu.vector_load %arg9[%get3A_1252, %get3A_1253] {strides = array<i32>} : memref<64x768xf32, #tpu.memory_space<vmem>>, vector<1x16xf32>,
        %get3A_1255 = vector.shape_cast %get3A_1254 : vector<1x16xf32> to vector<16xf32>
        %mul3A_1256 = arith.mulf %get3A_1255, %mul3A_605 : vector<16xf32>
        %sub3A_1257 = arith.subf %mul3A_1256, %mul3A_606 : vector<16xf32>
        %get3A_1258 = arith.constant 544 : index
        %get3A_1259 = tpu.vector_load %arg10[%get3A_1258] {strides = array<i32>} : memref<768xf32, #tpu.memory_space<vmem>>, vector<16xf32>,
        %get3A_1260 = vector.shape_cast %get3A_1259 : vector<16xf32> to vector<16xf32>
        %mul3A_1261 = arith.mulf %sub3A_1257, %get3A_1260 : vector<16xf32>
        %get3A_1262 = arith.constant 544 : index
        %get3A_1263 = tpu.vector_load %arg11[%get3A_1262] {strides = array<i32>} : memref<768xf32, #tpu.memory_space<vmem>>, vector<16xf32>,
        %get3A_1264 = vector.shape_cast %get3A_1263 : vector<16xf32> to vector<16xf32>
        %add3A_1265 = arith.addf %mul3A_1261, %get3A_1264 : vector<16xf32>
        %swap3A_1266 = arith.index_cast %scan3A_94 : i32 to index
        %swap3A_1267 = arith.constant 544 : index
        %swap3A_1268 = tpu.vector_load %arg9[%swap3A_1266, %swap3A_1267] {strides = array<i32>} : memref<64x768xf32, #tpu.memory_space<vmem>>, vector<1x16xf32>,
        %swap3A_1269 = vector.shape_cast %swap3A_1268 : vector<1x16xf32> to vector<16xf32>
        %swap3A_1270 = vector.shape_cast %add3A_1265 : vector<16xf32> to vector<1x16xf32>
        tpu.vector_store %arg9[%swap3A_1266, %swap3A_1267], %swap3A_1270 {strides = array<i32>} : memref<64x768xf32, #tpu.memory_space<vmem>>, vector<1x16xf32>,
        %get3A_1271 = arith.index_cast %scan3A_94 : i32 to index
        %get3A_1272 = arith.constant 560 : index
        %get3A_1273 = tpu.vector_load %arg9[%get3A_1271, %get3A_1272] {strides = array<i32>} : memref<64x768xf32, #tpu.memory_space<vmem>>, vector<1x16xf32>,
        %get3A_1274 = vector.shape_cast %get3A_1273 : vector<1x16xf32> to vector<16xf32>
        %mul3A_1275 = arith.mulf %get3A_1274, %mul3A_605 : vector<16xf32>
        %sub3A_1276 = arith.subf %mul3A_1275, %mul3A_606 : vector<16xf32>
        %get3A_1277 = arith.constant 560 : index
        %get3A_1278 = tpu.vector_load %arg10[%get3A_1277] {strides = array<i32>} : memref<768xf32, #tpu.memory_space<vmem>>, vector<16xf32>,
        %get3A_1279 = vector.shape_cast %get3A_1278 : vector<16xf32> to vector<16xf32>
        %mul3A_1280 = arith.mulf %sub3A_1276, %get3A_1279 : vector<16xf32>
        %get3A_1281 = arith.constant 560 : index
        %get3A_1282 = tpu.vector_load %arg11[%get3A_1281] {strides = array<i32>} : memref<768xf32, #tpu.memory_space<vmem>>, vector<16xf32>,
        %get3A_1283 = vector.shape_cast %get3A_1282 : vector<16xf32> to vector<16xf32>
        %add3A_1284 = arith.addf %mul3A_1280, %get3A_1283 : vector<16xf32>
        %swap3A_1285 = arith.index_cast %scan3A_94 : i32 to index
        %swap3A_1286 = arith.constant 560 : index
        %swap3A_1287 = tpu.vector_load %arg9[%swap3A_1285, %swap3A_1286] {strides = array<i32>} : memref<64x768xf32, #tpu.memory_space<vmem>>, vector<1x16xf32>,
        %swap3A_1288 = vector.shape_cast %swap3A_1287 : vector<1x16xf32> to vector<16xf32>
        %swap3A_1289 = vector.shape_cast %add3A_1284 : vector<16xf32> to vector<1x16xf32>
        tpu.vector_store %arg9[%swap3A_1285, %swap3A_1286], %swap3A_1289 {strides = array<i32>} : memref<64x768xf32, #tpu.memory_space<vmem>>, vector<1x16xf32>,
        %get3A_1290 = arith.index_cast %scan3A_94 : i32 to index
        %get3A_1291 = arith.constant 576 : index
        %get3A_1292 = tpu.vector_load %arg9[%get3A_1290, %get3A_1291] {strides = array<i32>} : memref<64x768xf32, #tpu.memory_space<vmem>>, vector<1x16xf32>,
        %get3A_1293 = vector.shape_cast %get3A_1292 : vector<1x16xf32> to vector<16xf32>
        %mul3A_1294 = arith.mulf %get3A_1293, %mul3A_605 : vector<16xf32>
        %sub3A_1295 = arith.subf %mul3A_1294, %mul3A_606 : vector<16xf32>
        %get3A_1296 = arith.constant 576 : index
        %get3A_1297 = tpu.vector_load %arg10[%get3A_1296] {strides = array<i32>} : memref<768xf32, #tpu.memory_space<vmem>>, vector<16xf32>,
        %get3A_1298 = vector.shape_cast %get3A_1297 : vector<16xf32> to vector<16xf32>
        %mul3A_1299 = arith.mulf %sub3A_1295, %get3A_1298 : vector<16xf32>
        %get3A_1300 = arith.constant 576 : index
        %get3A_1301 = tpu.vector_load %arg11[%get3A_1300] {strides = array<i32>} : memref<768xf32, #tpu.memory_space<vmem>>, vector<16xf32>,
        %get3A_1302 = vector.shape_cast %get3A_1301 : vector<16xf32> to vector<16xf32>
        %add3A_1303 = arith.addf %mul3A_1299, %get3A_1302 : vector<16xf32>
        %swap3A_1304 = arith.index_cast %scan3A_94 : i32 to index
        %swap3A_1305 = arith.constant 576 : index
        %swap3A_1306 = tpu.vector_load %arg9[%swap3A_1304, %swap3A_1305] {strides = array<i32>} : memref<64x768xf32, #tpu.memory_space<vmem>>, vector<1x16xf32>,
        %swap3A_1307 = vector.shape_cast %swap3A_1306 : vector<1x16xf32> to vector<16xf32>
        %swap3A_1308 = vector.shape_cast %add3A_1303 : vector<16xf32> to vector<1x16xf32>
        tpu.vector_store %arg9[%swap3A_1304, %swap3A_1305], %swap3A_1308 {strides = array<i32>} : memref<64x768xf32, #tpu.memory_space<vmem>>, vector<1x16xf32>,
        %get3A_1309 = arith.index_cast %scan3A_94 : i32 to index
        %get3A_1310 = arith.constant 592 : index
        %get3A_1311 = tpu.vector_load %arg9[%get3A_1309, %get3A_1310] {strides = array<i32>} : memref<64x768xf32, #tpu.memory_space<vmem>>, vector<1x16xf32>,
        %get3A_1312 = vector.shape_cast %get3A_1311 : vector<1x16xf32> to vector<16xf32>
        %mul3A_1313 = arith.mulf %get3A_1312, %mul3A_605 : vector<16xf32>
        %sub3A_1314 = arith.subf %mul3A_1313, %mul3A_606 : vector<16xf32>
        %get3A_1315 = arith.constant 592 : index
        %get3A_1316 = tpu.vector_load %arg10[%get3A_1315] {strides = array<i32>} : memref<768xf32, #tpu.memory_space<vmem>>, vector<16xf32>,
        %get3A_1317 = vector.shape_cast %get3A_1316 : vector<16xf32> to vector<16xf32>
        %mul3A_1318 = arith.mulf %sub3A_1314, %get3A_1317 : vector<16xf32>
        %get3A_1319 = arith.constant 592 : index
        %get3A_1320 = tpu.vector_load %arg11[%get3A_1319] {strides = array<i32>} : memref<768xf32, #tpu.memory_space<vmem>>, vector<16xf32>,
        %get3A_1321 = vector.shape_cast %get3A_1320 : vector<16xf32> to vector<16xf32>
        %add3A_1322 = arith.addf %mul3A_1318, %get3A_1321 : vector<16xf32>
        %swap3A_1323 = arith.index_cast %scan3A_94 : i32 to index
        %swap3A_1324 = arith.constant 592 : index
        %swap3A_1325 = tpu.vector_load %arg9[%swap3A_1323, %swap3A_1324] {strides = array<i32>} : memref<64x768xf32, #tpu.memory_space<vmem>>, vector<1x16xf32>,
        %swap3A_1326 = vector.shape_cast %swap3A_1325 : vector<1x16xf32> to vector<16xf32>
        %swap3A_1327 = vector.shape_cast %add3A_1322 : vector<16xf32> to vector<1x16xf32>
        tpu.vector_store %arg9[%swap3A_1323, %swap3A_1324], %swap3A_1327 {strides = array<i32>} : memref<64x768xf32, #tpu.memory_space<vmem>>, vector<1x16xf32>,
        %get3A_1328 = arith.index_cast %scan3A_94 : i32 to index
        %get3A_1329 = arith.constant 608 : index
        %get3A_1330 = tpu.vector_load %arg9[%get3A_1328, %get3A_1329] {strides = array<i32>} : memref<64x768xf32, #tpu.memory_space<vmem>>, vector<1x16xf32>,
        %get3A_1331 = vector.shape_cast %get3A_1330 : vector<1x16xf32> to vector<16xf32>
        %mul3A_1332 = arith.mulf %get3A_1331, %mul3A_605 : vector<16xf32>
        %sub3A_1333 = arith.subf %mul3A_1332, %mul3A_606 : vector<16xf32>
        %get3A_1334 = arith.constant 608 : index
        %get3A_1335 = tpu.vector_load %arg10[%get3A_1334] {strides = array<i32>} : memref<768xf32, #tpu.memory_space<vmem>>, vector<16xf32>,
        %get3A_1336 = vector.shape_cast %get3A_1335 : vector<16xf32> to vector<16xf32>
        %mul3A_1337 = arith.mulf %sub3A_1333, %get3A_1336 : vector<16xf32>
        %get3A_1338 = arith.constant 608 : index
        %get3A_1339 = tpu.vector_load %arg11[%get3A_1338] {strides = array<i32>} : memref<768xf32, #tpu.memory_space<vmem>>, vector<16xf32>,
        %get3A_1340 = vector.shape_cast %get3A_1339 : vector<16xf32> to vector<16xf32>
        %add3A_1341 = arith.addf %mul3A_1337, %get3A_1340 : vector<16xf32>
        %swap3A_1342 = arith.index_cast %scan3A_94 : i32 to index
        %swap3A_1343 = arith.constant 608 : index
        %swap3A_1344 = tpu.vector_load %arg9[%swap3A_1342, %swap3A_1343] {strides = array<i32>} : memref<64x768xf32, #tpu.memory_space<vmem>>, vector<1x16xf32>,
        %swap3A_1345 = vector.shape_cast %swap3A_1344 : vector<1x16xf32> to vector<16xf32>
        %swap3A_1346 = vector.shape_cast %add3A_1341 : vector<16xf32> to vector<1x16xf32>
        tpu.vector_store %arg9[%swap3A_1342, %swap3A_1343], %swap3A_1346 {strides = array<i32>} : memref<64x768xf32, #tpu.memory_space<vmem>>, vector<1x16xf32>,
        %get3A_1347 = arith.index_cast %scan3A_94 : i32 to index
        %get3A_1348 = arith.constant 624 : index
        %get3A_1349 = tpu.vector_load %arg9[%get3A_1347, %get3A_1348] {strides = array<i32>} : memref<64x768xf32, #tpu.memory_space<vmem>>, vector<1x16xf32>,
        %get3A_1350 = vector.shape_cast %get3A_1349 : vector<1x16xf32> to vector<16xf32>
        %mul3A_1351 = arith.mulf %get3A_1350, %mul3A_605 : vector<16xf32>
        %sub3A_1352 = arith.subf %mul3A_1351, %mul3A_606 : vector<16xf32>
        %get3A_1353 = arith.constant 624 : index
        %get3A_1354 = tpu.vector_load %arg10[%get3A_1353] {strides = array<i32>} : memref<768xf32, #tpu.memory_space<vmem>>, vector<16xf32>,
        %get3A_1355 = vector.shape_cast %get3A_1354 : vector<16xf32> to vector<16xf32>
        %mul3A_1356 = arith.mulf %sub3A_1352, %get3A_1355 : vector<16xf32>
        %get3A_1357 = arith.constant 624 : index
        %get3A_1358 = tpu.vector_load %arg11[%get3A_1357] {strides = array<i32>} : memref<768xf32, #tpu.memory_space<vmem>>, vector<16xf32>,
        %get3A_1359 = vector.shape_cast %get3A_1358 : vector<16xf32> to vector<16xf32>
        %add3A_1360 = arith.addf %mul3A_1356, %get3A_1359 : vector<16xf32>
        %swap3A_1361 = arith.index_cast %scan3A_94 : i32 to index
        %swap3A_1362 = arith.constant 624 : index
        %swap3A_1363 = tpu.vector_load %arg9[%swap3A_1361, %swap3A_1362] {strides = array<i32>} : memref<64x768xf32, #tpu.memory_space<vmem>>, vector<1x16xf32>,
        %swap3A_1364 = vector.shape_cast %swap3A_1363 : vector<1x16xf32> to vector<16xf32>
        %swap3A_1365 = vector.shape_cast %add3A_1360 : vector<16xf32> to vector<1x16xf32>
        tpu.vector_store %arg9[%swap3A_1361, %swap3A_1362], %swap3A_1365 {strides = array<i32>} : memref<64x768xf32, #tpu.memory_space<vmem>>, vector<1x16xf32>,
        %get3A_1366 = arith.index_cast %scan3A_94 : i32 to index
        %get3A_1367 = arith.constant 640 : index
        %get3A_1368 = tpu.vector_load %arg9[%get3A_1366, %get3A_1367] {strides = array<i32>} : memref<64x768xf32, #tpu.memory_space<vmem>>, vector<1x16xf32>,
        %get3A_1369 = vector.shape_cast %get3A_1368 : vector<1x16xf32> to vector<16xf32>
        %mul3A_1370 = arith.mulf %get3A_1369, %mul3A_605 : vector<16xf32>
        %sub3A_1371 = arith.subf %mul3A_1370, %mul3A_606 : vector<16xf32>
        %get3A_1372 = arith.constant 640 : index
        %get3A_1373 = tpu.vector_load %arg10[%get3A_1372] {strides = array<i32>} : memref<768xf32, #tpu.memory_space<vmem>>, vector<16xf32>,
        %get3A_1374 = vector.shape_cast %get3A_1373 : vector<16xf32> to vector<16xf32>
        %mul3A_1375 = arith.mulf %sub3A_1371, %get3A_1374 : vector<16xf32>
        %get3A_1376 = arith.constant 640 : index
        %get3A_1377 = tpu.vector_load %arg11[%get3A_1376] {strides = array<i32>} : memref<768xf32, #tpu.memory_space<vmem>>, vector<16xf32>,
        %get3A_1378 = vector.shape_cast %get3A_1377 : vector<16xf32> to vector<16xf32>
        %add3A_1379 = arith.addf %mul3A_1375, %get3A_1378 : vector<16xf32>
        %swap3A_1380 = arith.index_cast %scan3A_94 : i32 to index
        %swap3A_1381 = arith.constant 640 : index
        %swap3A_1382 = tpu.vector_load %arg9[%swap3A_1380, %swap3A_1381] {strides = array<i32>} : memref<64x768xf32, #tpu.memory_space<vmem>>, vector<1x16xf32>,
        %swap3A_1383 = vector.shape_cast %swap3A_1382 : vector<1x16xf32> to vector<16xf32>
        %swap3A_1384 = vector.shape_cast %add3A_1379 : vector<16xf32> to vector<1x16xf32>
        tpu.vector_store %arg9[%swap3A_1380, %swap3A_1381], %swap3A_1384 {strides = array<i32>} : memref<64x768xf32, #tpu.memory_space<vmem>>, vector<1x16xf32>,
        %get3A_1385 = arith.index_cast %scan3A_94 : i32 to index
        %get3A_1386 = arith.constant 656 : index
        %get3A_1387 = tpu.vector_load %arg9[%get3A_1385, %get3A_1386] {strides = array<i32>} : memref<64x768xf32, #tpu.memory_space<vmem>>, vector<1x16xf32>,
        %get3A_1388 = vector.shape_cast %get3A_1387 : vector<1x16xf32> to vector<16xf32>
        %mul3A_1389 = arith.mulf %get3A_1388, %mul3A_605 : vector<16xf32>
        %sub3A_1390 = arith.subf %mul3A_1389, %mul3A_606 : vector<16xf32>
        %get3A_1391 = arith.constant 656 : index
        %get3A_1392 = tpu.vector_load %arg10[%get3A_1391] {strides = array<i32>} : memref<768xf32, #tpu.memory_space<vmem>>, vector<16xf32>,
        %get3A_1393 = vector.shape_cast %get3A_1392 : vector<16xf32> to vector<16xf32>
        %mul3A_1394 = arith.mulf %sub3A_1390, %get3A_1393 : vector<16xf32>
        %get3A_1395 = arith.constant 656 : index
        %get3A_1396 = tpu.vector_load %arg11[%get3A_1395] {strides = array<i32>} : memref<768xf32, #tpu.memory_space<vmem>>, vector<16xf32>,
        %get3A_1397 = vector.shape_cast %get3A_1396 : vector<16xf32> to vector<16xf32>
        %add3A_1398 = arith.addf %mul3A_1394, %get3A_1397 : vector<16xf32>
        %swap3A_1399 = arith.index_cast %scan3A_94 : i32 to index
        %swap3A_1400 = arith.constant 656 : index
        %swap3A_1401 = tpu.vector_load %arg9[%swap3A_1399, %swap3A_1400] {strides = array<i32>} : memref<64x768xf32, #tpu.memory_space<vmem>>, vector<1x16xf32>,
        %swap3A_1402 = vector.shape_cast %swap3A_1401 : vector<1x16xf32> to vector<16xf32>
        %swap3A_1403 = vector.shape_cast %add3A_1398 : vector<16xf32> to vector<1x16xf32>
        tpu.vector_store %arg9[%swap3A_1399, %swap3A_1400], %swap3A_1403 {strides = array<i32>} : memref<64x768xf32, #tpu.memory_space<vmem>>, vector<1x16xf32>,
        %get3A_1404 = arith.index_cast %scan3A_94 : i32 to index
        %get3A_1405 = arith.constant 672 : index
        %get3A_1406 = tpu.vector_load %arg9[%get3A_1404, %get3A_1405] {strides = array<i32>} : memref<64x768xf32, #tpu.memory_space<vmem>>, vector<1x16xf32>,
        %get3A_1407 = vector.shape_cast %get3A_1406 : vector<1x16xf32> to vector<16xf32>
        %mul3A_1408 = arith.mulf %get3A_1407, %mul3A_605 : vector<16xf32>
        %sub3A_1409 = arith.subf %mul3A_1408, %mul3A_606 : vector<16xf32>
        %get3A_1410 = arith.constant 672 : index
        %get3A_1411 = tpu.vector_load %arg10[%get3A_1410] {strides = array<i32>} : memref<768xf32, #tpu.memory_space<vmem>>, vector<16xf32>,
        %get3A_1412 = vector.shape_cast %get3A_1411 : vector<16xf32> to vector<16xf32>
        %mul3A_1413 = arith.mulf %sub3A_1409, %get3A_1412 : vector<16xf32>
        %get3A_1414 = arith.constant 672 : index
        %get3A_1415 = tpu.vector_load %arg11[%get3A_1414] {strides = array<i32>} : memref<768xf32, #tpu.memory_space<vmem>>, vector<16xf32>,
        %get3A_1416 = vector.shape_cast %get3A_1415 : vector<16xf32> to vector<16xf32>
        %add3A_1417 = arith.addf %mul3A_1413, %get3A_1416 : vector<16xf32>
        %swap3A_1418 = arith.index_cast %scan3A_94 : i32 to index
        %swap3A_1419 = arith.constant 672 : index
        %swap3A_1420 = tpu.vector_load %arg9[%swap3A_1418, %swap3A_1419] {strides = array<i32>} : memref<64x768xf32, #tpu.memory_space<vmem>>, vector<1x16xf32>,
        %swap3A_1421 = vector.shape_cast %swap3A_1420 : vector<1x16xf32> to vector<16xf32>
        %swap3A_1422 = vector.shape_cast %add3A_1417 : vector<16xf32> to vector<1x16xf32>
        tpu.vector_store %arg9[%swap3A_1418, %swap3A_1419], %swap3A_1422 {strides = array<i32>} : memref<64x768xf32, #tpu.memory_space<vmem>>, vector<1x16xf32>,
        %get3A_1423 = arith.index_cast %scan3A_94 : i32 to index
        %get3A_1424 = arith.constant 688 : index
        %get3A_1425 = tpu.vector_load %arg9[%get3A_1423, %get3A_1424] {strides = array<i32>} : memref<64x768xf32, #tpu.memory_space<vmem>>, vector<1x16xf32>,
        %get3A_1426 = vector.shape_cast %get3A_1425 : vector<1x16xf32> to vector<16xf32>
        %mul3A_1427 = arith.mulf %get3A_1426, %mul3A_605 : vector<16xf32>
        %sub3A_1428 = arith.subf %mul3A_1427, %mul3A_606 : vector<16xf32>
        %get3A_1429 = arith.constant 688 : index
        %get3A_1430 = tpu.vector_load %arg10[%get3A_1429] {strides = array<i32>} : memref<768xf32, #tpu.memory_space<vmem>>, vector<16xf32>,
        %get3A_1431 = vector.shape_cast %get3A_1430 : vector<16xf32> to vector<16xf32>
        %mul3A_1432 = arith.mulf %sub3A_1428, %get3A_1431 : vector<16xf32>
        %get3A_1433 = arith.constant 688 : index
        %get3A_1434 = tpu.vector_load %arg11[%get3A_1433] {strides = array<i32>} : memref<768xf32, #tpu.memory_space<vmem>>, vector<16xf32>,
        %get3A_1435 = vector.shape_cast %get3A_1434 : vector<16xf32> to vector<16xf32>
        %add3A_1436 = arith.addf %mul3A_1432, %get3A_1435 : vector<16xf32>
        %swap3A_1437 = arith.index_cast %scan3A_94 : i32 to index
        %swap3A_1438 = arith.constant 688 : index
        %swap3A_1439 = tpu.vector_load %arg9[%swap3A_1437, %swap3A_1438] {strides = array<i32>} : memref<64x768xf32, #tpu.memory_space<vmem>>, vector<1x16xf32>,
        %swap3A_1440 = vector.shape_cast %swap3A_1439 : vector<1x16xf32> to vector<16xf32>
        %swap3A_1441 = vector.shape_cast %add3A_1436 : vector<16xf32> to vector<1x16xf32>
        tpu.vector_store %arg9[%swap3A_1437, %swap3A_1438], %swap3A_1441 {strides = array<i32>} : memref<64x768xf32, #tpu.memory_space<vmem>>, vector<1x16xf32>,
        %get3A_1442 = arith.index_cast %scan3A_94 : i32 to index
        %get3A_1443 = arith.constant 704 : index
        %get3A_1444 = tpu.vector_load %arg9[%get3A_1442, %get3A_1443] {strides = array<i32>} : memref<64x768xf32, #tpu.memory_space<vmem>>, vector<1x16xf32>,
        %get3A_1445 = vector.shape_cast %get3A_1444 : vector<1x16xf32> to vector<16xf32>
        %mul3A_1446 = arith.mulf %get3A_1445, %mul3A_605 : vector<16xf32>
        %sub3A_1447 = arith.subf %mul3A_1446, %mul3A_606 : vector<16xf32>
        %get3A_1448 = arith.constant 704 : index
        %get3A_1449 = tpu.vector_load %arg10[%get3A_1448] {strides = array<i32>} : memref<768xf32, #tpu.memory_space<vmem>>, vector<16xf32>,
        %get3A_1450 = vector.shape_cast %get3A_1449 : vector<16xf32> to vector<16xf32>
        %mul3A_1451 = arith.mulf %sub3A_1447, %get3A_1450 : vector<16xf32>
        %get3A_1452 = arith.constant 704 : index
        %get3A_1453 = tpu.vector_load %arg11[%get3A_1452] {strides = array<i32>} : memref<768xf32, #tpu.memory_space<vmem>>, vector<16xf32>,
        %get3A_1454 = vector.shape_cast %get3A_1453 : vector<16xf32> to vector<16xf32>
        %add3A_1455 = arith.addf %mul3A_1451, %get3A_1454 : vector<16xf32>
        %swap3A_1456 = arith.index_cast %scan3A_94 : i32 to index
        %swap3A_1457 = arith.constant 704 : index
        %swap3A_1458 = tpu.vector_load %arg9[%swap3A_1456, %swap3A_1457] {strides = array<i32>} : memref<64x768xf32, #tpu.memory_space<vmem>>, vector<1x16xf32>,
        %swap3A_1459 = vector.shape_cast %swap3A_1458 : vector<1x16xf32> to vector<16xf32>
        %swap3A_1460 = vector.shape_cast %add3A_1455 : vector<16xf32> to vector<1x16xf32>
        tpu.vector_store %arg9[%swap3A_1456, %swap3A_1457], %swap3A_1460 {strides = array<i32>} : memref<64x768xf32, #tpu.memory_space<vmem>>, vector<1x16xf32>,
        %get3A_1461 = arith.index_cast %scan3A_94 : i32 to index
        %get3A_1462 = arith.constant 720 : index
        %get3A_1463 = tpu.vector_load %arg9[%get3A_1461, %get3A_1462] {strides = array<i32>} : memref<64x768xf32, #tpu.memory_space<vmem>>, vector<1x16xf32>,
        %get3A_1464 = vector.shape_cast %get3A_1463 : vector<1x16xf32> to vector<16xf32>
        %mul3A_1465 = arith.mulf %get3A_1464, %mul3A_605 : vector<16xf32>
        %sub3A_1466 = arith.subf %mul3A_1465, %mul3A_606 : vector<16xf32>
        %get3A_1467 = arith.constant 720 : index
        %get3A_1468 = tpu.vector_load %arg10[%get3A_1467] {strides = array<i32>} : memref<768xf32, #tpu.memory_space<vmem>>, vector<16xf32>,
        %get3A_1469 = vector.shape_cast %get3A_1468 : vector<16xf32> to vector<16xf32>
        %mul3A_1470 = arith.mulf %sub3A_1466, %get3A_1469 : vector<16xf32>
        %get3A_1471 = arith.constant 720 : index
        %get3A_1472 = tpu.vector_load %arg11[%get3A_1471] {strides = array<i32>} : memref<768xf32, #tpu.memory_space<vmem>>, vector<16xf32>,
        %get3A_1473 = vector.shape_cast %get3A_1472 : vector<16xf32> to vector<16xf32>
        %add3A_1474 = arith.addf %mul3A_1470, %get3A_1473 : vector<16xf32>
        %swap3A_1475 = arith.index_cast %scan3A_94 : i32 to index
        %swap3A_1476 = arith.constant 720 : index
        %swap3A_1477 = tpu.vector_load %arg9[%swap3A_1475, %swap3A_1476] {strides = array<i32>} : memref<64x768xf32, #tpu.memory_space<vmem>>, vector<1x16xf32>,
        %swap3A_1478 = vector.shape_cast %swap3A_1477 : vector<1x16xf32> to vector<16xf32>
        %swap3A_1479 = vector.shape_cast %add3A_1474 : vector<16xf32> to vector<1x16xf32>
        tpu.vector_store %arg9[%swap3A_1475, %swap3A_1476], %swap3A_1479 {strides = array<i32>} : memref<64x768xf32, #tpu.memory_space<vmem>>, vector<1x16xf32>,
        %get3A_1480 = arith.index_cast %scan3A_94 : i32 to index
        %get3A_1481 = arith.constant 736 : index
        %get3A_1482 = tpu.vector_load %arg9[%get3A_1480, %get3A_1481] {strides = array<i32>} : memref<64x768xf32, #tpu.memory_space<vmem>>, vector<1x16xf32>,
        %get3A_1483 = vector.shape_cast %get3A_1482 : vector<1x16xf32> to vector<16xf32>
        %mul3A_1484 = arith.mulf %get3A_1483, %mul3A_605 : vector<16xf32>
        %sub3A_1485 = arith.subf %mul3A_1484, %mul3A_606 : vector<16xf32>
        %get3A_1486 = arith.constant 736 : index
        %get3A_1487 = tpu.vector_load %arg10[%get3A_1486] {strides = array<i32>} : memref<768xf32, #tpu.memory_space<vmem>>, vector<16xf32>,
        %get3A_1488 = vector.shape_cast %get3A_1487 : vector<16xf32> to vector<16xf32>
        %mul3A_1489 = arith.mulf %sub3A_1485, %get3A_1488 : vector<16xf32>
        %get3A_1490 = arith.constant 736 : index
        %get3A_1491 = tpu.vector_load %arg11[%get3A_1490] {strides = array<i32>} : memref<768xf32, #tpu.memory_space<vmem>>, vector<16xf32>,
        %get3A_1492 = vector.shape_cast %get3A_1491 : vector<16xf32> to vector<16xf32>
        %add3A_1493 = arith.addf %mul3A_1489, %get3A_1492 : vector<16xf32>
        %swap3A_1494 = arith.index_cast %scan3A_94 : i32 to index
        %swap3A_1495 = arith.constant 736 : index
        %swap3A_1496 = tpu.vector_load %arg9[%swap3A_1494, %swap3A_1495] {strides = array<i32>} : memref<64x768xf32, #tpu.memory_space<vmem>>, vector<1x16xf32>,
        %swap3A_1497 = vector.shape_cast %swap3A_1496 : vector<1x16xf32> to vector<16xf32>
        %swap3A_1498 = vector.shape_cast %add3A_1493 : vector<16xf32> to vector<1x16xf32>
        tpu.vector_store %arg9[%swap3A_1494, %swap3A_1495], %swap3A_1498 {strides = array<i32>} : memref<64x768xf32, #tpu.memory_space<vmem>>, vector<1x16xf32>,
        %get3A_1499 = arith.index_cast %scan3A_94 : i32 to index
        %get3A_1500 = arith.constant 752 : index
        %get3A_1501 = tpu.vector_load %arg9[%get3A_1499, %get3A_1500] {strides = array<i32>} : memref<64x768xf32, #tpu.memory_space<vmem>>, vector<1x16xf32>,
        %get3A_1502 = vector.shape_cast %get3A_1501 : vector<1x16xf32> to vector<16xf32>
        %mul3A_1503 = arith.mulf %get3A_1502, %mul3A_605 : vector<16xf32>
        %sub3A_1504 = arith.subf %mul3A_1503, %mul3A_606 : vector<16xf32>
        %get3A_1505 = arith.constant 752 : index
        %get3A_1506 = tpu.vector_load %arg10[%get3A_1505] {strides = array<i32>} : memref<768xf32, #tpu.memory_space<vmem>>, vector<16xf32>,
        %get3A_1507 = vector.shape_cast %get3A_1506 : vector<16xf32> to vector<16xf32>
        %mul3A_1508 = arith.mulf %sub3A_1504, %get3A_1507 : vector<16xf32>
        %get3A_1509 = arith.constant 752 : index
        %get3A_1510 = tpu.vector_load %arg11[%get3A_1509] {strides = array<i32>} : memref<768xf32, #tpu.memory_space<vmem>>, vector<16xf32>,
        %get3A_1511 = vector.shape_cast %get3A_1510 : vector<16xf32> to vector<16xf32>
        %add3A_1512 = arith.addf %mul3A_1508, %get3A_1511 : vector<16xf32>
        %swap3A_1513 = arith.index_cast %scan3A_94 : i32 to index
        %swap3A_1514 = arith.constant 752 : index
        %swap3A_1515 = tpu.vector_load %arg9[%swap3A_1513, %swap3A_1514] {strides = array<i32>} : memref<64x768xf32, #tpu.memory_space<vmem>>, vector<1x16xf32>,
        %swap3A_1516 = vector.shape_cast %swap3A_1515 : vector<1x16xf32> to vector<16xf32>
        %swap3A_1517 = vector.shape_cast %add3A_1512 : vector<16xf32> to vector<1x16xf32>
        tpu.vector_store %arg9[%swap3A_1513, %swap3A_1514], %swap3A_1517 {strides = array<i32>} : memref<64x768xf32, #tpu.memory_space<vmem>>, vector<1x16xf32>,
      }
      %scan3A_85 = arith.constant 64 : i32
      %dma_start3A_86 = arith.constant 0 : i32
      %dma_start3A_87 = arith.constant 0 : i32
      %dma_start3A_88 = tpu.memref_slice %arg6[%add3A, %add3A_59, %dma_start3A_86, %dma_start3A_87] : memref<32x8x64x768xf32, #tpu.memory_space<hbm>> -> memref<1x1x64x768xf32, #tpu.memory_space<hbm>>
      %dma_start3A_89 = tpu.memref_squeeze %dma_start3A_88 : memref<1x1x64x768xf32, #tpu.memory_space<hbm>> -> memref<64x768xf32, #tpu.memory_space<hbm>>
      %dma_start3A_90 = arith.constant 0 : i32
      %dma_start3A_91 = arith.constant 0 : i32
      %dma_start3A_92 = tpu.memref_slice %arg6[%add3A, %add3A_59, %dma_start3A_90, %dma_start3A_91] : memref<32x8x64x768xf32, #tpu.memory_space<hbm>> -> memref<1x1x64x768xf32, #tpu.memory_space<hbm>>
      %dma_start3A_93 = tpu.memref_squeeze %dma_start3A_92 : memref<1x1x64x768xf32, #tpu.memory_space<hbm>> -> memref<64x768xf32, #tpu.memory_space<hbm>>
      tpu.enqueue_dma source(%arg9 : memref<64x768xf32, #tpu.memory_space<vmem>>) target(%dma_start3A_93 : memref<64x768xf32, #tpu.memory_space<hbm>>) target_semaphore(%arg15 : memref<!tpu.dma_semaphore, #tpu.memory_space<semaphore_mem>>)
    }
    %scan3A_11 = arith.constant 4 : i32
    %dma_wait3A = arith.constant 0 : i32
    %dma_wait3A_12 = arith.constant 0 : i32
    %dma_wait3A_13 = arith.constant 0 : i32
    %dma_wait3A_14 = tpu.memref_slice %arg6[%add3A, %dma_wait3A, %dma_wait3A_12, %dma_wait3A_13] : memref<32x8x64x768xf32, #tpu.memory_space<hbm>> -> memref<1x1x64x768xf32, #tpu.memory_space<hbm>>
    %dma_wait3A_15 = tpu.memref_squeeze %dma_wait3A_14 : memref<1x1x64x768xf32, #tpu.memory_space<hbm>> -> memref<64x768xf32, #tpu.memory_space<hbm>>
    %dma_wait3A_16 = arith.constant 0 : i32
    %dma_wait3A_17 = arith.constant 0 : i32
    %dma_wait3A_18 = tpu.memref_slice %arg6[%add3A, %dma_wait3A, %dma_wait3A_16, %dma_wait3A_17] : memref<32x8x64x768xf32, #tpu.memory_space<hbm>> -> memref<1x1x64x768xf32, #tpu.memory_space<hbm>>
    %dma_wait3A_19 = tpu.memref_squeeze %dma_wait3A_18 : memref<1x1x64x768xf32, #tpu.memory_space<hbm>> -> memref<64x768xf32, #tpu.memory_space<hbm>>
    tpu.wait_dma2 semaphore(%arg15 : memref<!tpu.dma_semaphore, #tpu.memory_space<semaphore_mem>>) src(%arg9 : memref<64x768xf32, #tpu.memory_space<vmem>>) dst(%dma_wait3A_19 : memref<64x768xf32, #tpu.memory_space<hbm>>)
    return
  }
}

</mosaic_0001>

<sc_bundles>
// kernel: kernel.3.cloned.1.call-start
scs
__scs_entry_jumppad:
0x0: {  	(pc) =	sbr.rel $0x88, $3  }
0x1: {  	(tag) =	ssettag $0x0;
	lr =	simm.s32 $0x1  }
0x2: {  	[smem:$0x3F9C] =	sst lr;
	_ =	strace $0xD0000000  }
0x3: {  	_ = 	snop  }
0x4: {  	_ = 	snop  }
0x5: {  	_ = 	snop  }
0x6: {  	_ = 	snop  }
0x7: {  	_ = 	snop  }
__scs_overlays_trampoline_lowered:
0x8: {  	[smem:$0x3FAB] =	sst s0  }
0x9: {  	[smem:$0x3FAC] =	sst s1  }
0xa: {  	[smem:$0x3FAD] =	sst s2  }
0xb: {  	[smem:$0x3FAE] =	sst s3  }
0xc: {  	[smem:$0x3FAF] =	sst s4  }
0xd: {  	[smem:$0x3FB0] =	sst s5  }
0xe: {  	[smem:$0x3FB1] =	sst s6  }
0xf: {  	[smem:$0x3FB2] =	sst s7  }
0x10: {  	[smem:$0x3FB3] =	sst s8  }
0x11: {  	[smem:$0x3FB4] =	sst s9;
	s0 =	simm.s32 @!p0 $0x0  }
0x12: {  	s1 =	sld [smem:$0x3F9A];
	s0 =	simm.s32 @p0 $0x1  }
0x13: {  	[smem:$0x3FB5] =	sst s0;
	s0 =	simm.s32 @!p1 $0x0  }
0x14: {  	s2 =	sld [smem:$0x3F99];
	s0 =	simm.s32 @p1 $0x1  }
0x15: {  	[smem:$0x3FB6] =	sst s0;
	s0 =	simm.s32 @!p2 $0x0  }
0x16: {  	s3 =	sld [smem:$0x3FDB];
	s0 =	simm.s32 @p2 $0x1  }
0x17: {  	s4 =	simm.s32 $0x1BF5;
	[smem:$0x3FB8] =	sst s0  }
0x18: {  	s0 =	sld [smem:$0x3F9B];
	_ =	swait.ge [sflag:s4], $0x0  }
0x19: {  	s7 =	sld [smem:$0x3F9C]  }
0x1a: {  	s8 =	sadd.s32 $0xFFFFE003, lr  }
0x1b: {  	s9 =	sadd.s32 $0xFFFFFEF7, lr;
	s5 =	simm.s32 $0xFFFFFFFF;
	p2 =	slt.u32 s8, $0xFFFFF086  }
0x1c: {  	p1 =	slt.u32 s9, $0xF7A;
	s5 =	simm.s32 @!p2 $0x0  }
0x1d: {  	s5 =	simm.s32 @p1 $0x1;
	p0 =	seq.s32 s7, s2  }
0x1e: {  	s7 =	smul.u32 @!p0 $0xF7A, s2;
	p2 =	seq.s32 @!p0 s5, $0x0  }
0x1f: {  	s9 =	smul.u32 $0xF7A, s1;
	s8 =	simm.s32 @!p0 $0x1BF5;
	p2 =	por !p2, p0  }
0x20: {  	[sflag:s8] =	ssyncset.s32 @!p0 $0xFFFFF086;
	s6 =	sadd.s32 @!p0 s3, s7;
	s7 =	simm.s32 @!p0 $0x108  }
0x21: {  	s3 =	sadd.s32 s3, s9;
	s6 =	sadd.s32 @!p0 $0x88, s6;
	s7 =	simm.s32 @p2 $0x1082  }
0x22: {  	[simem:s7], [sflag:s8] =	dma.local @!p0 [hbm:s6], $0xF7A  }
0x23: {  	s9 =	sor.u32 $0xD0000000, s2;
	s6 =	simm.s32 $0x108;
	_ =	swait.ge @!p0 [sflag:s8], $0x0  }
0x24: {  	s3 =	sadd.s32 $0x88, s3;
	s6 =	simm.s32 @!p1 $0x1082;
	[sflag:s4] =	ssyncset.s32 $0xFFFFF086  }
0x25: {  	[simem:s6], [sflag:s4] =	dma.local [hbm:s3], $0xF7A  }
0x26: {  	[smem:$0x3F9C] =	sst s1;
	(tag) =	ssettag s2;
	_ =	strace s9  }
0x27: {  	s1 =	sld [smem:$0x3FAC]  }
0x28: {  	s2 =	sld [smem:$0x3FAD]  }
0x29: {  	s4 =	sld [smem:$0x3FAF]  }
0x2a: {  	p0 =	seq.s32 s5, $0x0;
	s5 =	sld [smem:$0x3FB0]  }
0x2b: {  	s6 =	sld [smem:$0x3FB1]  }
0x2c: {  	s7 =	sld [smem:$0x3FB2]  }
0x2d: {  	s3 =	simm.s32 $0x108;
	s8 =	sld [smem:$0x3FB3]  }
0x2e: {  	s3 =	simm.s32 @!p0 $0x1082;
	s9 =	sld [smem:$0x3FB4]  }
0x2f: {  	lr =	sadd.s32 s0, s3;
	s0 =	sld [smem:$0x3FAB]  }
0x30: {  	s3 =	sld [smem:$0x3FAE]  }
0x31: {  	[smem:$0x3FB7] =	sst s10  }
0x32: {  	s10 =	sld [smem:$0x3FB5];
	_ =	sdelay $0x3  }
0x33: {  	p0 =	seq.s32 s10, $0x1;
	s10 =	sld [smem:$0x3FB7];
	_ =	sdelay $0x3  }
0x34: {  	[smem:$0x3FB7] =	sst s10  }
0x35: {  	s10 =	sld [smem:$0x3FB6];
	_ =	sdelay $0x3  }
0x36: {  	p1 =	seq.s32 s10, $0x1;
	s10 =	sld [smem:$0x3FB7];
	_ =	sdelay $0x3  }
0x37: {  	[smem:$0x3FB7] =	sst s10  }
0x38: {  	s10 =	sld [smem:$0x3FB8]  }
0x39: {  	_ = 	snop;
	(pc) =	sbr.ind lr, $3  }
0x3a: {  	_ = 	snop  }
0x3b: {  	_ = 	snop  }
0x3c: {  	p2 =	seq.s32 s10, $0x1;
	s10 =	sld [smem:$0x3FB7]  }
0x3d: {  	_ =	shalt  }
0x3e: {  	_ =	shalt  }
0x3f: {  	_ =	shalt  }
0x40: {  	_ =	shalt  }
0x41: {  	_ =	shalt  }
0x42: {  	_ =	shalt  }
0x43: {  	_ =	shalt  }
0x44: {  	_ =	shalt  }
0x45: {  	_ =	shalt  }
0x46: {  	_ =	shalt  }
0x47: {  	_ =	shalt  }
0x48: {  	_ =	shalt  }
0x49: {  	_ =	shalt  }
0x4a: {  	_ =	shalt  }
0x4b: {  	_ =	shalt  }
0x4c: {  	_ =	shalt  }
0x4d: {  	_ =	shalt  }
0x4e: {  	_ =	shalt  }
0x4f: {  	_ =	shalt  }
0x50: {  	_ =	shalt  }
0x51: {  	_ =	shalt  }
0x52: {  	_ =	shalt  }
0x53: {  	_ =	shalt  }
0x54: {  	_ =	shalt  }
0x55: {  	_ =	shalt  }
0x56: {  	_ =	shalt  }
0x57: {  	_ =	shalt  }
0x58: {  	_ =	shalt  }
0x59: {  	_ =	shalt  }
0x5a: {  	_ =	shalt  }
0x5b: {  	_ =	shalt  }
0x5c: {  	_ =	shalt  }
0x5d: {  	_ =	shalt  }
0x5e: {  	_ =	shalt  }
0x5f: {  	_ =	shalt  }
0x60: {  	_ =	shalt  }
0x61: {  	_ =	shalt  }
0x62: {  	_ =	shalt  }
0x63: {  	_ =	shalt  }
0x64: {  	_ =	shalt  }
0x65: {  	_ =	shalt  }
0x66: {  	_ =	shalt  }
0x67: {  	_ =	shalt  }
0x68: {  	_ =	shalt  }
0x69: {  	_ =	shalt  }
0x6a: {  	_ =	shalt  }
0x6b: {  	_ =	shalt  }
0x6c: {  	_ =	shalt  }
0x6d: {  	_ =	shalt  }
0x6e: {  	_ =	shalt  }
0x6f: {  	_ =	shalt  }
0x70: {  	_ =	shalt  }
0x71: {  	_ =	shalt  }
0x72: {  	_ =	shalt  }
0x73: {  	_ =	shalt  }
0x74: {  	_ =	shalt  }
0x75: {  	_ =	shalt  }
0x76: {  	_ =	shalt  }
0x77: {  	_ =	shalt  }
0x78: {  	_ =	shalt  }
0x79: {  	_ =	shalt  }
0x7a: {  	_ =	shalt  }
0x7b: {  	_ =	shalt  }
0x7c: {  	_ =	shalt  }
0x7d: {  	_ =	shalt  }
0x7e: {  	_ =	shalt  }
0x7f: {  	_ =	shalt  }
0x80: {  	_ =	shalt  }
0x81: {  	_ =	shalt  }
0x82: {  	_ =	shalt  }
0x83: {  	_ =	shalt  }
0x84: {  	_ =	shalt  }
0x85: {  	_ =	shalt  }
0x86: {  	_ =	shalt  }
0x87: {  	_ =	shalt  }
.Lfunc_end0:
.L_simem_size_0:
called_computation_lowered:
.L_overlay_start_0:
0x88: {  	s2 =	sld [smem:$0x3FD9]  }
0x89: {  	s3 =	sld [smem:$0x3FFE];
	_ =	sdelay $0x1  }
0x8a: {  	s1 =	srdreg.scid  }
0x8b: {  	s0 =	sand.u32 $0x1, s1  }
0x8c: {  	s17 =	sshll.u32 s0, $0xA;
	s2 =	sadd.s32 s3, s2  }
0x8d: {  	s2 =	sadd.s32 s2, s17  }
0x8e: {  	[smem:$0x3FC3] =	sst s2  }
0x8f: {  	_ = 	snop  }
0x90: {  	s2 =	sld [smem:$0x3FC6]  }
0x91: {  	s18 =	sld [smem:$0x3FC5]  }
0x92: {  	s4 =	sld [smem:$0x3FD0];
	(tm) =	ssettm $0x1  }
0x93: {  	s5 =	sld [smem:$0x3FFB];
	_ =	sdelay $0x3  }
0x94: {  	_ =	strace s5  }
0x95: {  	s5 =	sld [smem:$0x3FFC];
	_ =	sdelay $0x3  }
0x96: {  	_ =	strace s5  }
0x97: {  	s5 =	sld [smem:$0x3FFD];
	_ =	sdelay $0x3  }
0x98: {  	_ =	strace s5  }
0x99: {  	_ =	strace $0x8FFFFFFF  }
0x9a: {  	s19 =	sld [smem:$0x3FDB];
	_ =	sdelay $0x1  }
0x9b: {  	s6 =	simm.s32 $_scs_section_size  }
0x9c: {  	s7 =	simm.s32 $_size__tile_overlayer_lowered;
	s8 =	simm.s32 $_tile_overlayer_lowered  }
0x9d: {  	s22 =	simm.s32 $0x1BFF;
	s21 =	sshll.u32 s8, $0x1;
	s5 =	sadd.s32 s6, s19  }
0x9e: {  	s9 =	simm.s32 $0x0;
	s20 =	sshll.u32 s7, $0x1;
	s7 =	sadd.s32 s21, s5  }
0x9f: {  	[timem:s9], [sflag:s22] =	dma.local [hbm:s7], s20  }
0xa0: {  	_ =	swait.ge [sflag:s22], s20  }
0xa1: {  	s6 =	ssub.s32 $0x0, s20;
	[sflag:s22] =	ssyncset.done $0x0  }
0xa2: {  	[sflag:s22] =	ssyncadd.s32 s6;
	_ =	sdelay $0x1  }
0xa3: {  	s23 =	simm.s32 $0x1B8B  }
0xa4: {  	_ =	swait.ge [sflag:s23], $0x1  }
0xa5: {  	[sflag:s23] =	ssyncset.done $0x0  }
0xa6: {  	s25 =	simm.s32 $0x1B8E;
	s24 =	sld [smem:$0x3FFE];
	[sflag:s23] =	ssyncadd.s32 $0xFFFFFFFF  }
0xa7: {  	s26 =	simm.s32 $execute0_lowered;
	[smem:$0x3FD2] =	sst s25  }
0xa8: {  	s7 =	sshll.u32 s26, $0x1;
	_ =	strace $0x80000046;
	[dreg:$0x1] =	wrdreg $0xFFFFFFFF  }
0xa9: {  	s28 =	simm.s32 $_size_execute0_lowered;
	s5 =	sadd.s32 s5, s7;
	[dreg:$0x0] =	wrdreg $0x0  }
0xaa: {  	s7 =	sshll.u32 s28, $0x1;
	[dreg:$0x2] =	wrdreg s5  }
0xab: {  	[dreg:$0x3] =	wrdreg s7  }
0xac: {  	[dreg:$0x4] =	wrdreg $0xC0  }
0xad: {  	_ =	task [dreg:s9], $0x5FFFF  }
0xae: {  	[dreg:$0x1] =	wrdreg $0xFFFFFFFF  }
0xaf: {  	[dreg:$0x0] =	wrdreg $0x60  }
0xb0: {  	[dreg:$0x2] =	wrdreg s24  }
0xb1: {  	[dreg:$0x3] =	wrdreg s2  }
0xb2: {  	[dreg:$0x4] =	wrdreg s18  }
0xb3: {  	[dreg:$0x5] =	wrdreg s4  }
0xb4: {  	[dreg:$0x6] =	wrdreg $0x9  }
0xb5: {  	_ =	task.clear_ibuf [dreg:s9], $0x7FFFF;
	_ =	strace $0x90000046  }
0xb6: {  	s29 =	simm.s32 $0x9;
	_ =	strace $0x80000048  }
0xb7: {  	_ =	swait.ge [sflag:s29], $0x1  }
0xb8: {  	[sflag:s29] =	ssyncadd.s32 $0xFFFFFFFF  }
0xb9: {  	_ =	strace $0x90000048  }
0xba: {  	_ =	sfence  }
0xbb: {  	s30 =	sld [smem:$0x0];
	_ =	sdelay $0x2  }
0xbc: {  	s31 =	sshll.u32 s1, $0xD;
	s1 =	sshrl.u32 s1, $0x2  }
0xbd: {  	s3 =	sand.u32 $0x4000, s31;
	s1 =	sadd.s32 s1, s30  }
0xbe: {  	s0 =	sor.u32 s3, s0;
	s1 =	sshll.u32 s1, $0x11  }
0xbf: {  	s0 =	sor.u32 s1, s0  }
0xc0: {  	s0 =	sadd.s32 $0x8F2B, s0  }
0xc1: {  	[sflag:s0] =	ssyncadd.remote.s32 $0x1  }
0xc2: {  	_ =	sfence.sel $0xFFFF  }
0xc3: {  	[dreg:$0x0] =	wrdreg $0xFFFFFFFF;
	(pc) =	sbr.abs _section_cstart, $3  }
0xc4: {  	[dreg:$0x1] =	wrdreg $0xFFFFFFFF  }
0xc5: {  	_ =	task.clear_ibuf [dreg:s9], $0x2FFFF;
	_ =	strace $0x9FFFFFFF  }
0xc6: {  	(tm) =	ssettm $0x7FFFFFFF  }
0xc7: {  	_ =	shalt  }
tec
execute0_lowered:
.L_overlay_start_1:
0x0: {  	(tag) =	ssettag $0x1  }
0x1: {  	s0 =	rddreg [dreg:$0x0]  }
0x2: {  	s4 =	rddreg [dreg:$0x3];
	s15 =	simm.s32 $0x400;
	v0 =	vimm.s32 $0x76543210;
	v1 =	vimm.s32 $0xBA98FEDC  }
0x3: {  	s1 =	srdreg.scid;
	s2 =	stileid.u32;
	s5 =	simm.s32 $0x0;
	v2 =	vimm.s32 $0xFEDCBA98;
	v3 =	vimm.s32 $0x32107654;
	v4 =	vimm.s32 $0xDCFE98BA  }
0x4: {  	v5 =	vimm.s32 $0x54761032;
	v6 =	vimm.s32 $0xEFCDAB89;
	s12 =	simm.s32 $0x1;
	s16 =	simm.s32 $0xC400;
	s28 =	simm.s32 $0x11C00  }
0x5: {  	v7 =	vimm.s32 $0x67452301;
	s29 =	simm.s32 $0x12400;
	s30 =	simm.s32 $0x12C00;
	s31 =	simm.s32 $0x13400  }
0x6: {  	s13 =	simm.s32 $0x15C00;
	s14 =	simm.s32 $0x16400;
	vm0 =	vmmov $0xffff;
	s11 =	simm.s32 $0x17400;
	v1 =	vunpack.c.l.s4.s8 v1;
	v3 =	vunpack.c.l.s4.s8 v3  }
0x7: {  	s17 =	simm.s32 $0x17C00;
	s18 =	simm.s32 $0x2;
	s19 =	simm.s32 $0x3;
	v0 =	vunpack.c.l.s4.s8 v0;
	v4 =	vunpack.c.l.s4.s8 v4;
	v5 =	vunpack.c.l.s4.s8 v5  }
0x8: {  	s22 =	simm.s32 $0x0;
	s1 =	sand.u32 $0x1, s1;
	s2 =	sshll.u32 s2, $0x1;
	v2 =	vunpack.c.l.s4.s8 v2;
	v1 =	vunpack.c.0.s8.s32 v1;
	v3 =	vunpack.c.0.s8.s32 v3  }
0x9: {  	[smem:$0x7FF] =	sst s5;
	s6 =	sadd.s32 $0x1000, s0;
	s8 =	sadd.s32 $0x1100, s0;
	v6 =	vunpack.c.l.s4.s8 v6;
	v7 =	vunpack.c.l.s4.s8 v7;
	v4 =	vunpack.c.0.s8.s32 v4  }
0xa: {  	s9 =	sadd.s32 $0x1200, s0;
	s3 =	ssub.s32 $0x2, s1;
	s1 =	sor.u32 s1, s2;
	v5 =	vunpack.c.0.s8.s32 v5;
	v2 =	vunpack.c.0.s8.s32 v2;
	v8 =	vcombine.low v3, v1  }
0xb: {  	_ =	strace $0x80000047;
	s24 =	sshrl.u32 s3, $0x1;
	s7 =	sshll.u32 s1, $0x7;
	v1 =	vunpack.c.0.s8.s32 v6;
	v3 =	vunpack.c.0.s8.s32 v7;
	v6 =	vlaneseq.u32  }
0xc: {  	s10 =	smul.u32 $0x60000, s1;
	s1 =	simm.s32 $0x14C00;
	s2 =	ssub.s32 s3, s24;
	v5 =	vcombine.low v5, v4;
	v7 =	vunpack.c.0.s8.s32 v0;
	v4 =	vshrl.u32 v6, $0x3  }
0xd: {  	s25 =	sadd.s32 s0, s7;
	s0 =	simm.s32 $0x13C00;
	s3 =	simm.s32 $0x15400;
	v0 =	vand.u32 $0x7, v6;
	v9 =	vcombine.low v3, v1;
	v1 =	vmul.u32 $0x8, v4  }
0xe: {  	s7 =	simm.s32 $0x16C00;
	[dreg:$0x5] =	wrdreg s25;
	s26 =	smax.u32 s2, $0x1;
	v3 =	vand.u32 $0xF, v2;
	v2 =	vor.u32 $0x8, v6;
	v4 =	vand.u32 $0xF, v8  }
0xf: {  	s2 =	simm.s32 $0x14400;
	[dreg:$0x6] =	wrdreg s26;
	s26 =	simm.s32 $0x11400;
	v5 =	vand.u32 $0xF, v5;
	v3 =	vcombine.low v3, v7;
	v6 =	vand.u32 $0xF, v9  }
.LBB2_1:
0x10: {  	[dreg:$0x7] =	wrdreg s22  }
0x11: {  	s20 =	rddreg [dreg:$0x5];
	s21 =	simm.s32 $0x5  }
0x12: {  	[tilespmem:s5], [sflag:$0x5] =	stream.linear.gather [hbm4b:s20+s5], $0x400, $0x38;
	[tilespmem:$0x18A00] =	vst v63  }
0x13: {  	_ =	swait.ge [sflag:s21], $0x400  }
0x14: {  	[sflag:s21] =	ssyncset.done $0x0  }
0x15: {  	[sflag:s21] =	ssyncadd.s32 $0xFFFFFC00  }
0x16: {  	s23 =	simm.s32 $0x18400;
	s22 =	rddreg [dreg:$0x1]  }
0x17: {  	[tilespmem:s23], [sflag:$0x5] =	stream.linear.gather [hbm4b:s22+s5], $0x300, $0x38;
	[tilespmem:$0x18A00] =	vst v63  }
0x18: {  	_ =	swait.ge [sflag:s21], $0x300  }
0x19: {  	[sflag:s21] =	ssyncset.done $0x0  }
0x1a: {  	[sflag:s21] =	ssyncadd.s32 $0xFFFFFD00  }
0x1b: {  	s25 =	simm.s32 $0x18700;
	s24 =	rddreg [dreg:$0x2]  }
0x1c: {  	[tilespmem:s25], [sflag:$0x5] =	stream.linear.gather [hbm4b:s24+s5], $0x300, $0x38;
	[tilespmem:$0x18A00] =	vst v63  }
0x1d: {  	_ =	swait.ge [sflag:s21], $0x300  }
0x1e: {  	[sflag:s21] =	ssyncset.done $0x0  }
0x1f: {  	[sflag:s21] =	ssyncadd.s32 $0xFFFFFD00  }
0x20: {  	v7 =	vld [tilespmem:$0x0];
	_ =	sdelay $0x4  }
0x21: {  	v8 =	vshrl.u32 v7, $0x3  }
0x22: {  	v8 =	vmul.u32 $0x30, v8  }
0x23: {  	v7 =	vand.u32 $0x7, v7  }
0x24: {  	v7 =	vor.u32 v7, v8  }
0x25: {  	v8 =	vperm.xlane v7, v0;
	_ =	sdelay $0x1  }
0x26: {  	v8 =	vadd.s32 v1, v8;
	_ =	sdelay $0x3  }
0x27: {  	v7 =	vperm.xlane v7, v2  }
0x28: {  	[tilespmem:s15], [sflag:$0x1] =	stream.indirect_vreg.gather [hbm4b:s6+s5], $0x80, v8, vm0, $0xb8;
	[tilespmem:$0x18A00] =	vst v63  }
0x29: {  	s23 =	simm.s32 $0xC00;
	v7 =	vadd.s32 v1, v7  }
0x2a: {  	[tilespmem:s23], [sflag:$0x1] =	stream.indirect_vreg.gather [hbm4b:s8+s5], $0x80, v8, vm0, $0xb8;
	[tilespmem:$0x18A00] =	vst v63  }
0x2b: {  	s24 =	simm.s32 $0x1400  }
0x2c: {  	[tilespmem:s24], [sflag:$0x1] =	stream.indirect_vreg.gather [hbm4b:s9+s5], $0x80, v8, vm0, $0xb8;
	[tilespmem:$0x18A00] =	vst v63  }
0x2d: {  	s25 =	simm.s32 $0x1C00  }
0x2e: {  	[tilespmem:s25], [sflag:$0x1] =	stream.indirect_vreg.gather [hbm4b:s6+s5], $0x80, v7, vm0, $0xb8;
	[tilespmem:$0x18A00] =	vst v63  }
0x2f: {  	s21 =	simm.s32 $0x2400  }
0x30: {  	[tilespmem:s21], [sflag:$0x1] =	stream.indirect_vreg.gather [hbm4b:s8+s5], $0x80, v7, vm0, $0xb8;
	[tilespmem:$0x18A00] =	vst v63  }
0x31: {  	s22 =	simm.s32 $0x2C00  }
0x32: {  	[tilespmem:s22], [sflag:$0x1] =	stream.indirect_vreg.gather [hbm4b:s9+s5], $0x80, v7, vm0, $0xb8;
	[tilespmem:$0x18A00] =	vst v63  }
0x33: {  	v7 =	vld [tilespmem:$0x10];
	_ =	sdelay $0x4  }
0x34: {  	v8 =	vshrl.u32 v7, $0x3  }
0x35: {  	v8 =	vmul.u32 $0x30, v8  }
0x36: {  	v7 =	vand.u32 $0x7, v7  }
0x37: {  	v7 =	vor.u32 v7, v8  }
0x38: {  	v8 =	vperm.xlane v7, v0;
	_ =	sdelay $0x1  }
0x39: {  	v8 =	vadd.s32 v1, v8;
	_ =	sdelay $0x3  }
0x3a: {  	s23 =	simm.s32 $0x3400;
	v7 =	vperm.xlane v7, v2  }
0x3b: {  	[tilespmem:s23], [sflag:$0x1] =	stream.indirect_vreg.gather [hbm4b:s6+s5], $0x80, v8, vm0, $0xb8;
	[tilespmem:$0x18A00] =	vst v63  }
0x3c: {  	s24 =	simm.s32 $0x3C00;
	v7 =	vadd.s32 v1, v7  }
0x3d: {  	[tilespmem:s24], [sflag:$0x1] =	stream.indirect_vreg.gather [hbm4b:s8+s5], $0x80, v8, vm0, $0xb8;
	[tilespmem:$0x18A00] =	vst v63  }
0x3e: {  	s25 =	simm.s32 $0x4400  }
0x3f: {  	[tilespmem:s25], [sflag:$0x1] =	stream.indirect_vreg.gather [hbm4b:s9+s5], $0x80, v8, vm0, $0xb8;
	[tilespmem:$0x18A00] =	vst v63  }
0x40: {  	s21 =	simm.s32 $0x4C00  }
0x41: {  	[tilespmem:s21], [sflag:$0x1] =	stream.indirect_vreg.gather [hbm4b:s6+s5], $0x80, v7, vm0, $0xb8;
	[tilespmem:$0x18A00] =	vst v63  }
0x42: {  	s22 =	simm.s32 $0x5400  }
0x43: {  	[tilespmem:s22], [sflag:$0x1] =	stream.indirect_vreg.gather [hbm4b:s8+s5], $0x80, v7, vm0, $0xb8;
	[tilespmem:$0x18A00] =	vst v63  }
0x44: {  	s23 =	simm.s32 $0x5C00  }
0x45: {  	[tilespmem:s23], [sflag:$0x1] =	stream.indirect_vreg.gather [hbm4b:s9+s5], $0x80, v7, vm0, $0xb8;
	[tilespmem:$0x18A00] =	vst v63  }
0x46: {  	v7 =	vld [tilespmem:$0x20];
	_ =	sdelay $0x4  }
0x47: {  	v8 =	vshrl.u32 v7, $0x3  }
0x48: {  	v8 =	vmul.u32 $0x30, v8  }
0x49: {  	v7 =	vand.u32 $0x7, v7  }
0x4a: {  	v7 =	vor.u32 v7, v8  }
0x4b: {  	v8 =	vperm.xlane v7, v0;
	_ =	sdelay $0x1  }
0x4c: {  	v8 =	vadd.s32 v1, v8;
	_ =	sdelay $0x3  }
0x4d: {  	s24 =	simm.s32 $0x6400;
	v7 =	vperm.xlane v7, v2  }
0x4e: {  	[tilespmem:s24], [sflag:$0x1] =	stream.indirect_vreg.gather [hbm4b:s6+s5], $0x80, v8, vm0, $0xb8;
	[tilespmem:$0x18A00] =	vst v63  }
0x4f: {  	s25 =	simm.s32 $0x6C00;
	v7 =	vadd.s32 v1, v7  }
0x50: {  	[tilespmem:s25], [sflag:$0x1] =	stream.indirect_vreg.gather [hbm4b:s8+s5], $0x80, v8, vm0, $0xb8;
	[tilespmem:$0x18A00] =	vst v63  }
0x51: {  	s21 =	simm.s32 $0x7400  }
0x52: {  	[tilespmem:s21], [sflag:$0x1] =	stream.indirect_vreg.gather [hbm4b:s9+s5], $0x80, v8, vm0, $0xb8;
	[tilespmem:$0x18A00] =	vst v63  }
0x53: {  	s22 =	simm.s32 $0x7C00  }
0x54: {  	[tilespmem:s22], [sflag:$0x1] =	stream.indirect_vreg.gather [hbm4b:s6+s5], $0x80, v7, vm0, $0xb8;
	[tilespmem:$0x18A00] =	vst v63  }
0x55: {  	s23 =	simm.s32 $0x8400  }
0x56: {  	[tilespmem:s23], [sflag:$0x1] =	stream.indirect_vreg.gather [hbm4b:s8+s5], $0x80, v7, vm0, $0xb8;
	[tilespmem:$0x18A00] =	vst v63  }
0x57: {  	s24 =	simm.s32 $0x8C00  }
0x58: {  	[tilespmem:s24], [sflag:$0x1] =	stream.indirect_vreg.gather [hbm4b:s9+s5], $0x80, v7, vm0, $0xb8;
	[tilespmem:$0x18A00] =	vst v63  }
0x59: {  	v7 =	vld [tilespmem:$0x30];
	_ =	sdelay $0x4  }
0x5a: {  	v8 =	vshrl.u32 v7, $0x3  }
0x5b: {  	v8 =	vmul.u32 $0x30, v8  }
0x5c: {  	v7 =	vand.u32 $0x7, v7  }
0x5d: {  	v7 =	vor.u32 v7, v8  }
0x5e: {  	v8 =	vperm.xlane v7, v0;
	_ =	sdelay $0x1  }
0x5f: {  	v8 =	vadd.s32 v1, v8;
	_ =	sdelay $0x3  }
0x60: {  	s25 =	simm.s32 $0x9400;
	v7 =	vperm.xlane v7, v2  }
0x61: {  	[tilespmem:s25], [sflag:$0x1] =	stream.indirect_vreg.gather [hbm4b:s6+s5], $0x80, v8, vm0, $0xb8;
	[tilespmem:$0x18A00] =	vst v63  }
0x62: {  	s21 =	simm.s32 $0x9C00;
	v7 =	vadd.s32 v1, v7  }
0x63: {  	[tilespmem:s21], [sflag:$0x1] =	stream.indirect_vreg.gather [hbm4b:s8+s5], $0x80, v8, vm0, $0xb8;
	[tilespmem:$0x18A00] =	vst v63  }
0x64: {  	s22 =	simm.s32 $0xA400  }
0x65: {  	[tilespmem:s22], [sflag:$0x1] =	stream.indirect_vreg.gather [hbm4b:s9+s5], $0x80, v8, vm0, $0xb8;
	[tilespmem:$0x18A00] =	vst v63  }
0x66: {  	s23 =	simm.s32 $0xAC00  }
0x67: {  	[tilespmem:s23], [sflag:$0x1] =	stream.indirect_vreg.gather [hbm4b:s6+s5], $0x80, v7, vm0, $0xb8;
	[tilespmem:$0x18A00] =	vst v63  }
0x68: {  	s24 =	simm.s32 $0xB400  }
0x69: {  	[tilespmem:s24], [sflag:$0x1] =	stream.indirect_vreg.gather [hbm4b:s8+s5], $0x80, v7, vm0, $0xb8;
	[tilespmem:$0x18A00] =	vst v63  }
0x6a: {  	s20 =	simm.s32 $0x0;
	s25 =	simm.s32 $0xBC00  }
0x6b: {  	[tilespmem:s25], [sflag:$0x1] =	stream.indirect_vreg.gather [hbm4b:s9+s5], $0x80, v7, vm0, $0xb8;
	[tilespmem:$0x18A00] =	vst v63  }
.LBB2_2:
0x6c: {  	_ =	swait.ge [sflag:s12], $0xC000  }
0x6d: {  	p0 =	seq.s32 s20, $0x0;
	[sflag:s12] =	ssyncset.done $0x0  }
0x6e: {  	s21 =	sshll.u32 s20, $0x1;
	s22 =	simm.s32 @!p0 $0x4;
	[sflag:s12] =	ssyncadd.s32 $0xFFFF4000  }
0x6f: {  	s21 =	sor.u32 $0x1, s21;
	_ =	swait.ge @!p0 [sflag:s22], $0xC000  }
0x70: {  	s23 =	sshll.u32 s21, $0x7;
	[sflag:s22] =	ssyncset.done @!p0 $0x0  }
0x71: {  	s23 =	sand.u32 $0x3FFFFF80, s23;
	[sflag:s22] =	ssyncadd.s32 @!p0 $0xFFFF4000  }
0x72: {  	v7 =	vld [tilespmem:s23+$0x0];
	_ =	sdelay $0x4  }
0x73: {  	v8 =	vshrl.u32 v7, $0x3  }
0x74: {  	v8 =	vmul.u32 $0x30, v8  }
0x75: {  	v7 =	vand.u32 $0x7, v7  }
0x76: {  	v7 =	vor.u32 v7, v8  }
0x77: {  	v8 =	vperm.xlane v7, v0;
	_ =	sdelay $0x1  }
0x78: {  	v8 =	vadd.s32 v1, v8;
	_ =	sdelay $0x3  }
0x79: {  	s22 =	simm.s32 $0x0;
	v7 =	vperm.xlane v7, v2  }
0x7a: {  	[tilespmem:s16], [sflag:$0x2] =	stream.indirect_vreg.gather [hbm4b:s6+s22], $0x80, v8, vm0, $0xb8;
	[tilespmem:$0x18A00] =	vst v63  }
0x7b: {  	s24 =	simm.s32 $0xCC00;
	v7 =	vadd.s32 v1, v7  }
0x7c: {  	[tilespmem:s24], [sflag:$0x2] =	stream.indirect_vreg.gather [hbm4b:s8+s22], $0x80, v8, vm0, $0xb8;
	[tilespmem:$0x18A00] =	vst v63  }
0x7d: {  	s25 =	simm.s32 $0xD400  }
0x7e: {  	[tilespmem:s25], [sflag:$0x2] =	stream.indirect_vreg.gather [hbm4b:s9+s22], $0x80, v8, vm0, $0xb8;
	[tilespmem:$0x18A00] =	vst v63  }
0x7f: {  	s25 =	simm.s32 $0xDC00  }
0x80: {  	[tilespmem:s25], [sflag:$0x2] =	stream.indirect_vreg.gather [hbm4b:s6+s22], $0x80, v7, vm0, $0xb8;
	[tilespmem:$0x18A00] =	vst v63  }
0x81: {  	s25 =	simm.s32 $0xE400  }
0x82: {  	[tilespmem:s25], [sflag:$0x2] =	stream.indirect_vreg.gather [hbm4b:s8+s22], $0x80, v7, vm0, $0xb8;
	[tilespmem:$0x18A00] =	vst v63  }
0x83: {  	s25 =	simm.s32 $0xEC00  }
0x84: {  	[tilespmem:s25], [sflag:$0x2] =	stream.indirect_vreg.gather [hbm4b:s9+s22], $0x80, v7, vm0, $0xb8;
	[tilespmem:$0x18A00] =	vst v63  }
0x85: {  	v7 =	vld [tilespmem:s23+$0x10];
	_ =	sdelay $0x4  }
0x86: {  	v8 =	vshrl.u32 v7, $0x3  }
0x87: {  	v8 =	vmul.u32 $0x30, v8  }
0x88: {  	v7 =	vand.u32 $0x7, v7  }
0x89: {  	v7 =	vor.u32 v7, v8  }
0x8a: {  	v8 =	vperm.xlane v7, v0;
	_ =	sdelay $0x1  }
0x8b: {  	v8 =	vadd.s32 v1, v8;
	_ =	sdelay $0x3  }
0x8c: {  	s25 =	simm.s32 $0xF400;
	v7 =	vperm.xlane v7, v2  }
0x8d: {  	[tilespmem:s25], [sflag:$0x2] =	stream.indirect_vreg.gather [hbm4b:s6+s22], $0x80, v8, vm0, $0xb8;
	[tilespmem:$0x18A00] =	vst v63  }
0x8e: {  	v7 =	vadd.s32 v1, v7;
	s25 =	simm.s32 $0xFC00  }
0x8f: {  	[tilespmem:s25], [sflag:$0x2] =	stream.indirect_vreg.gather [hbm4b:s8+s22], $0x80, v8, vm0, $0xb8;
	[tilespmem:$0x18A00] =	vst v63  }
0x90: {  	s25 =	simm.s32 $0x10400  }
0x91: {  	[tilespmem:s25], [sflag:$0x2] =	stream.indirect_vreg.gather [hbm4b:s9+s22], $0x80, v8, vm0, $0xb8;
	[tilespmem:$0x18A00] =	vst v63  }
0x92: {  	s25 =	simm.s32 $0x10C00  }
0x93: {  	[tilespmem:s25], [sflag:$0x2] =	stream.indirect_vreg.gather [hbm4b:s6+s22], $0x80, v7, vm0, $0xb8;
	[tilespmem:$0x18A00] =	vst v63  }
0x94: {  	_ = 	snop  }
0x95: {  	[tilespmem:s26], [sflag:$0x2] =	stream.indirect_vreg.gather [hbm4b:s8+s22], $0x80, v7, vm0, $0xb8;
	[tilespmem:$0x18A00] =	vst v63  }
0x96: {  	_ = 	snop  }
0x97: {  	[tilespmem:s28], [sflag:$0x2] =	stream.indirect_vreg.gather [hbm4b:s9+s22], $0x80, v7, vm0, $0xb8;
	[tilespmem:$0x18A00] =	vst v63  }
0x98: {  	v7 =	vld [tilespmem:s23+$0x20];
	_ =	sdelay $0x4  }
0x99: {  	v8 =	vshrl.u32 v7, $0x3  }
0x9a: {  	v8 =	vmul.u32 $0x30, v8  }
0x9b: {  	v7 =	vand.u32 $0x7, v7  }
0x9c: {  	v7 =	vor.u32 v7, v8  }
0x9d: {  	v8 =	vperm.xlane v7, v0;
	_ =	sdelay $0x1  }
0x9e: {  	v8 =	vadd.s32 v1, v8;
	_ =	sdelay $0x3  }
0x9f: {  	v7 =	vperm.xlane v7, v2  }
0xa0: {  	[tilespmem:s29], [sflag:$0x2] =	stream.indirect_vreg.gather [hbm4b:s6+s22], $0x80, v8, vm0, $0xb8;
	[tilespmem:$0x18A00] =	vst v63  }
0xa1: {  	v7 =	vadd.s32 v1, v7  }
0xa2: {  	[tilespmem:s30], [sflag:$0x2] =	stream.indirect_vreg.gather [hbm4b:s8+s22], $0x80, v8, vm0, $0xb8;
	[tilespmem:$0x18A00] =	vst v63  }
0xa3: {  	_ = 	snop  }
0xa4: {  	[tilespmem:s31], [sflag:$0x2] =	stream.indirect_vreg.gather [hbm4b:s9+s22], $0x80, v8, vm0, $0xb8;
	[tilespmem:$0x18A00] =	vst v63  }
0xa5: {  	_ = 	snop  }
0xa6: {  	[tilespmem:s0], [sflag:$0x2] =	stream.indirect_vreg.gather [hbm4b:s6+s22], $0x80, v7, vm0, $0xb8;
	[tilespmem:$0x18A00] =	vst v63  }
0xa7: {  	_ = 	snop  }
0xa8: {  	[tilespmem:s2], [sflag:$0x2] =	stream.indirect_vreg.gather [hbm4b:s8+s22], $0x80, v7, vm0, $0xb8;
	[tilespmem:$0x18A00] =	vst v63  }
0xa9: {  	_ = 	snop  }
0xaa: {  	[tilespmem:s1], [sflag:$0x2] =	stream.indirect_vreg.gather [hbm4b:s9+s22], $0x80, v7, vm0, $0xb8;
	[tilespmem:$0x18A00] =	vst v63  }
0xab: {  	v7 =	vld [tilespmem:s23+$0x30];
	_ =	sdelay $0x4  }
0xac: {  	v8 =	vshrl.u32 v7, $0x3  }
0xad: {  	v8 =	vmul.u32 $0x30, v8  }
0xae: {  	v7 =	vand.u32 $0x7, v7  }
0xaf: {  	v7 =	vor.u32 v7, v8  }
0xb0: {  	v8 =	vperm.xlane v7, v0;
	_ =	sdelay $0x1  }
0xb1: {  	v8 =	vadd.s32 v1, v8;
	_ =	sdelay $0x3  }
0xb2: {  	v7 =	vperm.xlane v7, v2  }
0xb3: {  	[tilespmem:s3], [sflag:$0x2] =	stream.indirect_vreg.gather [hbm4b:s6+s22], $0x80, v8, vm0, $0xb8;
	[tilespmem:$0x18A00] =	vst v63  }
0xb4: {  	v7 =	vadd.s32 v1, v7  }
0xb5: {  	[tilespmem:s13], [sflag:$0x2] =	stream.indirect_vreg.gather [hbm4b:s8+s22], $0x80, v8, vm0, $0xb8;
	[tilespmem:$0x18A00] =	vst v63  }
0xb6: {  	_ = 	snop  }
0xb7: {  	[tilespmem:s14], [sflag:$0x2] =	stream.indirect_vreg.gather [hbm4b:s9+s22], $0x80, v8, vm0, $0xb8;
	[tilespmem:$0x18A00] =	vst v63  }
0xb8: {  	_ = 	snop  }
0xb9: {  	[tilespmem:s7], [sflag:$0x2] =	stream.indirect_vreg.gather [hbm4b:s6+s22], $0x80, v7, vm0, $0xb8;
	[tilespmem:$0x18A00] =	vst v63  }
0xba: {  	_ = 	snop  }
0xbb: {  	[tilespmem:s11], [sflag:$0x2] =	stream.indirect_vreg.gather [hbm4b:s8+s22], $0x80, v7, vm0, $0xb8;
	[tilespmem:$0x18A00] =	vst v63  }
0xbc: {  	s23 =	simm.s32 $0x0  }
0xbd: {  	[tilespmem:s17], [sflag:$0x2] =	stream.indirect_vreg.gather [hbm4b:s9+s22], $0x80, v7, vm0, $0xb8;
	[tilespmem:$0x18A00] =	vst v63  }
.LBB2_3:
0xbe: {  	s24 =	sshrl.u32 s23, $0x3  }
0xbf: {  	s24 =	smul.u32 $0x6000, s24;
	_ =	sdelay $0x1  }
0xc0: {  	s25 =	sand.u32 $0x380, s22;
	s24 =	sshra.s32 s24, $0x2  }
0xc1: {  	s24 =	sor.u32 s25, s24  }
0xc2: {  	v24 =	vld [tilespmem:s24+$0x400]  }
0xc3: {  	v23 =	vld [tilespmem:s24+$0x410]  }
0xc4: {  	v22 =	vld [tilespmem:s24+$0x420]  }
0xc5: {  	v21 =	vld [tilespmem:s24+$0x430]  }
0xc6: {  	v20 =	vld [tilespmem:s24+$0x440]  }
0xc7: {  	v19 =	vld [tilespmem:s24+$0x450]  }
0xc8: {  	v18 =	vld [tilespmem:s24+$0x460]  }
0xc9: {  	v17 =	vld [tilespmem:s24+$0x470];
	v7 =	vadd.f32 $0.0e+00, v24;
	v8 =	vmul.f32 v24, v24  }
0xca: {  	v16 =	vld [tilespmem:s24+$0x800];
	v9 =	vadd.f32 $0.0e+00, v23;
	v10 =	vmul.f32 v23, v23;
	v11 =	vadd.f32 $0.0e+00, v22  }
0xcb: {  	v15 =	vld [tilespmem:s24+$0x810];
	v25 =	vmul.f32 v22, v22;
	v26 =	vadd.f32 $0.0e+00, v21;
	v12 =	vmul.f32 v20, v20  }
0xcc: {  	v14 =	vld [tilespmem:s24+$0x820];
	v27 =	vmul.f32 v21, v21;
	v28 =	vmul.f32 v19, v19;
	v7 =	vadd.f32 v20, v7  }
0xcd: {  	v13 =	vld [tilespmem:s24+$0x830];
	v29 =	vmul.f32 v18, v18;
	v8 =	vadd.f32 v12, v8;
	v9 =	vadd.f32 v19, v9  }
0xce: {  	v46 =	vmul.f32 v17, v17;
	v28 =	vadd.f32 v28, v10;
	v30 =	vadd.f32 v18, v11;
	v12 =	vld [tilespmem:s24+$0x840]  }
0xcf: {  	v47 =	vmul.f32 v16, v16;
	v25 =	vadd.f32 v29, v25;
	v26 =	vadd.f32 v17, v26;
	v11 =	vld [tilespmem:s24+$0x850]  }
0xd0: {  	v31 =	vmul.f32 v15, v15;
	v27 =	vadd.f32 v46, v27;
	v10 =	vld [tilespmem:s24+$0x860];
	v7 =	vadd.f32 v16, v7  }
0xd1: {  	v33 =	vld [tilespmem:s24+$0xC00];
	v32 =	vmul.f32 v14, v14;
	v8 =	vadd.f32 v47, v8;
	v48 =	vadd.f32 v15, v9  }
0xd2: {  	v34 =	vld [tilespmem:s24+$0xC10];
	v49 =	vmul.f32 v13, v13;
	v28 =	vadd.f32 v31, v28;
	v30 =	vadd.f32 v14, v30  }
0xd3: {  	v9 =	vld [tilespmem:s24+$0x870];
	v25 =	vadd.f32 v32, v25;
	v26 =	vadd.f32 v13, v26  }
0xd4: {  	v35 =	vld [tilespmem:s24+$0xC20];
	v27 =	vadd.f32 v49, v27;
	v50 =	vmul.f32 v12, v12;
	v7 =	vadd.f32 v12, v7  }
0xd5: {  	v36 =	vld [tilespmem:s24+$0xC30];
	v51 =	vmul.f32 v11, v11;
	v29 =	vadd.f32 v11, v48;
	v52 =	vmul.f32 v10, v10  }
0xd6: {  	v37 =	vld [tilespmem:s24+$0xC40];
	v54 =	vmul.f32 v33, v33;
	v30 =	vadd.f32 v10, v30;
	v8 =	vadd.f32 v50, v8  }
0xd7: {  	v38 =	vld [tilespmem:s24+$0xC50];
	v55 =	vmul.f32 v34, v34;
	v28 =	vadd.f32 v51, v28;
	v25 =	vadd.f32 v52, v25  }
0xd8: {  	v56 =	vld [tilespmem:s24+$0xC60];
	v53 =	vmul.f32 v9, v9;
	v26 =	vadd.f32 v9, v26;
	v7 =	vadd.f32 v33, v7  }
0xd9: {  	v58 =	vld [tilespmem:s24+$0xC70];
	v57 =	vmul.f32 v35, v35;
	v29 =	vadd.f32 v34, v29;
	v30 =	vadd.f32 v35, v30  }
0xda: {  	v60 =	vld [tilespmem:s24+$0x1000];
	v59 =	vmul.f32 v36, v36;
	v27 =	vadd.f32 v53, v27;
	v8 =	vadd.f32 v54, v8  }
0xdb: {  	v62 =	vld [tilespmem:s24+$0x1010];
	v61 =	vmul.f32 v37, v37;
	v28 =	vadd.f32 v55, v28;
	v25 =	vadd.f32 v57, v25  }
0xdc: {  	v40 =	vld [tilespmem:s24+$0x1020];
	v63 =	vmul.f32 v38, v38;
	v26 =	vadd.f32 v36, v26;
	v7 =	vadd.f32 v37, v7  }
0xdd: {  	v42 =	vld [tilespmem:s24+$0x1030];
	v41 =	vmul.f32 v56, v56;
	v29 =	vadd.f32 v38, v29;
	v30 =	vadd.f32 v56, v30  }
0xde: {  	v44 =	vld [tilespmem:s24+$0x1040];
	v43 =	vmul.f32 v58, v58;
	v27 =	vadd.f32 v59, v27;
	v8 =	vadd.f32 v61, v8  }
0xdf: {  	v45 =	vmul.f32 v60, v60;
	v46 =	vld [tilespmem:s24+$0x1050];
	v28 =	vadd.f32 v63, v28;
	v25 =	vadd.f32 v41, v25  }
0xe0: {  	v47 =	vmul.f32 v62, v62;
	v48 =	vld [tilespmem:s24+$0x1060];
	v26 =	vadd.f32 v58, v26;
	v7 =	vadd.f32 v60, v7  }
0xe1: {  	v49 =	vmul.f32 v40, v40;
	v50 =	vld [tilespmem:s24+$0x1070];
	v29 =	vadd.f32 v62, v29;
	v30 =	vadd.f32 v40, v30  }
0xe2: {  	v51 =	vmul.f32 v42, v42;
	v52 =	vld [tilespmem:s24+$0x1400];
	v27 =	vadd.f32 v43, v27;
	v8 =	vadd.f32 v45, v8  }
0xe3: {  	v53 =	vmul.f32 v44, v44;
	v54 =	vld [tilespmem:s24+$0x1410];
	v28 =	vadd.f32 v47, v28;
	v25 =	vadd.f32 v49, v25  }
0xe4: {  	v55 =	vmul.f32 v46, v46;
	v56 =	vld [tilespmem:s24+$0x1420];
	v26 =	vadd.f32 v42, v26;
	v7 =	vadd.f32 v44, v7  }
0xe5: {  	v57 =	vmul.f32 v48, v48;
	v58 =	vld [tilespmem:s24+$0x1430];
	v29 =	vadd.f32 v46, v29;
	v30 =	vadd.f32 v48, v30  }
0xe6: {  	v60 =	vld [tilespmem:s24+$0x1440];
	v59 =	vmul.f32 v50, v50;
	v27 =	vadd.f32 v51, v27;
	v8 =	vadd.f32 v53, v8  }
0xe7: {  	v62 =	vld [tilespmem:s24+$0x1450];
	v61 =	vmul.f32 v52, v52;
	v28 =	vadd.f32 v55, v28;
	v25 =	vadd.f32 v57, v25  }
0xe8: {  	v40 =	vld [tilespmem:s24+$0x1460];
	v63 =	vmul.f32 v54, v54;
	v26 =	vadd.f32 v50, v26;
	v7 =	vadd.f32 v52, v7  }
0xe9: {  	v42 =	vld [tilespmem:s24+$0x1470];
	v41 =	vmul.f32 v56, v56;
	v29 =	vadd.f32 v54, v29;
	v30 =	vadd.f32 v56, v30  }
0xea: {  	v44 =	vld [tilespmem:s24+$0x1800];
	v43 =	vmul.f32 v58, v58;
	v27 =	vadd.f32 v59, v27;
	v8 =	vadd.f32 v61, v8  }
0xeb: {  	v46 =	vld [tilespmem:s24+$0x1810];
	v45 =	vmul.f32 v60, v60;
	v28 =	vadd.f32 v63, v28;
	v25 =	vadd.f32 v41, v25  }
0xec: {  	v48 =	vld [tilespmem:s24+$0x1820];
	v47 =	vmul.f32 v62, v62;
	v26 =	vadd.f32 v58, v26;
	v7 =	vadd.f32 v60, v7  }
0xed: {  	v50 =	vld [tilespmem:s24+$0x1830];
	v49 =	vmul.f32 v40, v40;
	v29 =	vadd.f32 v62, v29;
	v30 =	vadd.f32 v40, v30  }
0xee: {  	v52 =	vld [tilespmem:s24+$0x1840];
	v51 =	vmul.f32 v42, v42;
	v27 =	vadd.f32 v43, v27;
	v8 =	vadd.f32 v45, v8  }
0xef: {  	v54 =	vld [tilespmem:s24+$0x1850];
	v53 =	vmul.f32 v44, v44;
	v28 =	vadd.f32 v47, v28;
	v25 =	vadd.f32 v49, v25  }
0xf0: {  	v56 =	vld [tilespmem:s24+$0x1860];
	v55 =	vmul.f32 v46, v46;
	v26 =	vadd.f32 v42, v26;
	v7 =	vadd.f32 v44, v7  }
0xf1: {  	v57 =	vmul.f32 v48, v48;
	v29 =	vadd.f32 v46, v29;
	v30 =	vadd.f32 v48, v30  }
0xf2: {  	v58 =	vld [tilespmem:s24+$0x1870];
	v27 =	vadd.f32 v51, v27;
	v8 =	vadd.f32 v53, v8  }
0xf3: {  	v59 =	vmul.f32 v50, v50;
	v28 =	vadd.f32 v55, v28;
	v25 =	vadd.f32 v57, v25  }
0xf4: {  	v60 =	vmul.f32 v52, v52;
	v26 =	vadd.f32 v50, v26;
	v7 =	vadd.f32 v52, v7  }
0xf5: {  	v61 =	vmul.f32 v54, v54;
	v29 =	vadd.f32 v54, v29;
	v30 =	vadd.f32 v56, v30  }
0xf6: {  	v62 =	vmul.f32 v56, v56;
	v27 =	vadd.f32 v59, v27;
	v8 =	vadd.f32 v60, v8  }
0xf7: {  	v63 =	vmul.f32 v58, v58;
	v26 =	vadd.f32 v58, v26;
	v28 =	vadd.f32 v61, v28  }
0xf8: {  	v7 =	vadd.f32 v29, v7;
	v25 =	vadd.f32 v62, v25  }
0xf9: {  	v26 =	vadd.f32 v26, v30;
	v27 =	vadd.f32 v63, v27  }
0xfa: {  	v8 =	vadd.f32 v28, v8  }
0xfb: {  	v7 =	vadd.f32 v26, v7;
	v25 =	vadd.f32 v27, v25;
	_ =	sdelay $0x1  }
0xfc: {  	v8 =	vadd.f32 v25, v8;
	v31 =	vperm.xlane v7, v3;
	_ =	sdelay $0x1  }
0xfd: {  	v7 =	vadd.f32 v7, v31;
	v32 =	vperm.xlane v8, v3;
	_ =	sdelay $0x1  }
0xfe: {  	v33 =	vperm.xlane v7, v4;
	v8 =	vadd.f32 v32, v8;
	_ =	sdelay $0x1  }
0xff: {  	v7 =	vadd.f32 v7, v33;
	v25 =	vperm.xlane v8, v4;
	_ =	sdelay $0x1  }
0x100: {  	v26 =	vperm.xlane v7, v5;
	v8 =	vadd.f32 v25, v8;
	_ =	sdelay $0x1  }
0x101: {  	v7 =	vadd.f32 v7, v26;
	v25 =	vperm.xlane v8, v5;
	_ =	sdelay $0x1  }
0x102: {  	v26 =	vperm.xlane v7, v6;
	v8 =	vadd.f32 v25, v8;
	_ =	sdelay $0x1  }
0x103: {  	v7 =	vadd.f32 v7, v26;
	v25 =	vperm.xlane v8, v6;
	_ =	sdelay $0x1  }
0x104: {  	v26 =	vmul.f32 $1.302083370e-03, v7;
	v7 =	vadd.f32 v25, v8;
	_ =	sdelay $0x1  }
0x105: {  	v7 =	vmul.f32 $1.302083370e-03, v7;
	v8 =	vmul.f32 v26, v26;
	_ =	sdelay $0x1  }
0x106: {  	v7 =	vsub.f32 v7, v8;
	_ =	sdelay $0x1  }
0x107: {  	v7 =	vmax.f32 v7, $0.0e+00  }
0x108: {  	v7 =	vadd.f32 $9.999999960e-13, v7;
	_ =	sdelay $0x1  }
0x109: {  	v8 =	vshra.s32 v7, $0x1;
	v7 =	vmul.f32 $5.000000000e-01, v7  }
0x10a: {  	v8 =	vsub.s32 $0x5F3759DF, v8  }
0x10b: {  	v34 =	vmul.f32 v8, v7;
	_ =	sdelay $0x1  }
0x10c: {  	v25 =	vmul.f32 v8, v34;
	_ =	sdelay $0x1  }
0x10d: {  	v25 =	vsub.f32 $1.500000000e+00, v25;
	_ =	sdelay $0x1  }
0x10e: {  	v8 =	vmul.f32 v8, v25;
	_ =	sdelay $0x1  }
0x10f: {  	v25 =	vmul.f32 v8, v7;
	_ =	sdelay $0x1  }
0x110: {  	v25 =	vmul.f32 v25, v8;
	_ =	sdelay $0x1  }
0x111: {  	v25 =	vsub.f32 $1.500000000e+00, v25;
	_ =	sdelay $0x1  }
0x112: {  	v8 =	vmul.f32 v25, v8;
	_ =	sdelay $0x1  }
0x113: {  	v7 =	vmul.f32 v8, v7;
	_ =	sdelay $0x1  }
0x114: {  	v7 =	vmul.f32 v7, v8;
	_ =	sdelay $0x1  }
0x115: {  	v7 =	vsub.f32 $1.500000000e+00, v7;
	_ =	sdelay $0x1  }
0x116: {  	v7 =	vmul.f32 v7, v8  }
0x117: {  	v35 =	vld [tilespmem:$0x18400]  }
0x118: {  	v8 =	vmul.f32 v7, v26;
	v24 =	vmul.f32 v7, v24  }
0x119: {  	v36 =	vld [tilespmem:$0x18700]  }
0x11a: {  	v24 =	vsub.f32 v24, v8;
	_ =	sdelay $0x1  }
0x11b: {  	v24 =	vmul.f32 v24, v35;
	_ =	sdelay $0x1  }
0x11c: {  	v24 =	vadd.f32 v24, v36;
	_ =	sdelay $0x1  }
0x11d: {  	[tilespmem:s24+$0x400] =	vst v24  }
0x11e: {  	v24 =	vld [tilespmem:$0x18410]  }
0x11f: {  	v23 =	vmul.f32 v7, v23  }
0x120: {  	v37 =	vld [tilespmem:$0x18710]  }
0x121: {  	v23 =	vsub.f32 v23, v8;
	_ =	sdelay $0x1  }
0x122: {  	v23 =	vmul.f32 v23, v24;
	_ =	sdelay $0x1  }
0x123: {  	v23 =	vadd.f32 v23, v37;
	_ =	sdelay $0x1  }
0x124: {  	[tilespmem:s24+$0x410] =	vst v23  }
0x125: {  	v23 =	vld [tilespmem:$0x18420]  }
0x126: {  	v22 =	vmul.f32 v7, v22  }
0x127: {  	v38 =	vld [tilespmem:$0x18720]  }
0x128: {  	v22 =	vsub.f32 v22, v8;
	_ =	sdelay $0x1  }
0x129: {  	v22 =	vmul.f32 v22, v23;
	_ =	sdelay $0x1  }
0x12a: {  	v22 =	vadd.f32 v22, v38;
	_ =	sdelay $0x1  }
0x12b: {  	[tilespmem:s24+$0x420] =	vst v22  }
0x12c: {  	v22 =	vld [tilespmem:$0x18430]  }
0x12d: {  	v21 =	vmul.f32 v7, v21  }
0x12e: {  	v39 =	vld [tilespmem:$0x18730]  }
0x12f: {  	v21 =	vsub.f32 v21, v8;
	_ =	sdelay $0x1  }
0x130: {  	v21 =	vmul.f32 v21, v22;
	_ =	sdelay $0x1  }
0x131: {  	v21 =	vadd.f32 v21, v39;
	_ =	sdelay $0x1  }
0x132: {  	[tilespmem:s24+$0x430] =	vst v21  }
0x133: {  	v21 =	vld [tilespmem:$0x18440]  }
0x134: {  	v20 =	vmul.f32 v7, v20  }
0x135: {  	v40 =	vld [tilespmem:$0x18740]  }
0x136: {  	v20 =	vsub.f32 v20, v8;
	_ =	sdelay $0x1  }
0x137: {  	v20 =	vmul.f32 v20, v21;
	_ =	sdelay $0x1  }
0x138: {  	v20 =	vadd.f32 v20, v40;
	_ =	sdelay $0x1  }
0x139: {  	[tilespmem:s24+$0x440] =	vst v20  }
0x13a: {  	v20 =	vld [tilespmem:$0x18450]  }
0x13b: {  	v19 =	vmul.f32 v7, v19  }
0x13c: {  	v41 =	vld [tilespmem:$0x18750]  }
0x13d: {  	v19 =	vsub.f32 v19, v8;
	_ =	sdelay $0x1  }
0x13e: {  	v19 =	vmul.f32 v19, v20;
	_ =	sdelay $0x1  }
0x13f: {  	v19 =	vadd.f32 v19, v41;
	_ =	sdelay $0x1  }
0x140: {  	[tilespmem:s24+$0x450] =	vst v19  }
0x141: {  	v19 =	vld [tilespmem:$0x18460]  }
0x142: {  	v18 =	vmul.f32 v7, v18  }
0x143: {  	v42 =	vld [tilespmem:$0x18760]  }
0x144: {  	v18 =	vsub.f32 v18, v8;
	_ =	sdelay $0x1  }
0x145: {  	v18 =	vmul.f32 v18, v19;
	_ =	sdelay $0x1  }
0x146: {  	v18 =	vadd.f32 v18, v42;
	_ =	sdelay $0x1  }
0x147: {  	[tilespmem:s24+$0x460] =	vst v18  }
0x148: {  	v18 =	vld [tilespmem:$0x18470]  }
0x149: {  	v17 =	vmul.f32 v7, v17  }
0x14a: {  	v43 =	vld [tilespmem:$0x18770]  }
0x14b: {  	v17 =	vsub.f32 v17, v8;
	_ =	sdelay $0x1  }
0x14c: {  	v17 =	vmul.f32 v17, v18;
	_ =	sdelay $0x1  }
0x14d: {  	v17 =	vadd.f32 v17, v43;
	_ =	sdelay $0x1  }
0x14e: {  	[tilespmem:s24+$0x470] =	vst v17  }
0x14f: {  	v17 =	vld [tilespmem:$0x18480]  }
0x150: {  	v16 =	vmul.f32 v7, v16  }
0x151: {  	v44 =	vld [tilespmem:$0x18780]  }
0x152: {  	v16 =	vsub.f32 v16, v8;
	_ =	sdelay $0x1  }
0x153: {  	v16 =	vmul.f32 v17, v16;
	_ =	sdelay $0x1  }
0x154: {  	v16 =	vadd.f32 v44, v16;
	_ =	sdelay $0x1  }
0x155: {  	[tilespmem:s24+$0x800] =	vst v16  }
0x156: {  	v16 =	vld [tilespmem:$0x18490]  }
0x157: {  	v15 =	vmul.f32 v7, v15  }
0x158: {  	v45 =	vld [tilespmem:$0x18790]  }
0x159: {  	v15 =	vsub.f32 v15, v8;
	_ =	sdelay $0x1  }
0x15a: {  	v15 =	vmul.f32 v16, v15;
	_ =	sdelay $0x1  }
0x15b: {  	v15 =	vadd.f32 v45, v15;
	_ =	sdelay $0x1  }
0x15c: {  	[tilespmem:s24+$0x810] =	vst v15  }
0x15d: {  	v15 =	vld [tilespmem:$0x184A0]  }
0x15e: {  	v14 =	vmul.f32 v7, v14  }
0x15f: {  	v46 =	vld [tilespmem:$0x187A0]  }
0x160: {  	v14 =	vsub.f32 v14, v8;
	_ =	sdelay $0x1  }
0x161: {  	v14 =	vmul.f32 v15, v14;
	_ =	sdelay $0x1  }
0x162: {  	v14 =	vadd.f32 v46, v14;
	_ =	sdelay $0x1  }
0x163: {  	[tilespmem:s24+$0x820] =	vst v14  }
0x164: {  	v14 =	vld [tilespmem:$0x184B0]  }
0x165: {  	v13 =	vmul.f32 v7, v13  }
0x166: {  	v47 =	vld [tilespmem:$0x187B0]  }
0x167: {  	v13 =	vsub.f32 v13, v8;
	_ =	sdelay $0x1  }
0x168: {  	v13 =	vmul.f32 v14, v13;
	_ =	sdelay $0x1  }
0x169: {  	v13 =	vadd.f32 v47, v13;
	_ =	sdelay $0x1  }
0x16a: {  	[tilespmem:s24+$0x830] =	vst v13  }
0x16b: {  	v13 =	vld [tilespmem:$0x184C0]  }
0x16c: {  	v12 =	vmul.f32 v7, v12  }
0x16d: {  	v48 =	vld [tilespmem:$0x187C0]  }
0x16e: {  	v12 =	vsub.f32 v12, v8;
	_ =	sdelay $0x1  }
0x16f: {  	v12 =	vmul.f32 v13, v12;
	_ =	sdelay $0x1  }
0x170: {  	v12 =	vadd.f32 v48, v12;
	_ =	sdelay $0x1  }
0x171: {  	[tilespmem:s24+$0x840] =	vst v12  }
0x172: {  	v12 =	vld [tilespmem:$0x184D0]  }
0x173: {  	v11 =	vmul.f32 v7, v11  }
0x174: {  	v49 =	vld [tilespmem:$0x187D0]  }
0x175: {  	v11 =	vsub.f32 v11, v8;
	_ =	sdelay $0x1  }
0x176: {  	v11 =	vmul.f32 v12, v11;
	_ =	sdelay $0x1  }
0x177: {  	v11 =	vadd.f32 v49, v11;
	_ =	sdelay $0x1  }
0x178: {  	[tilespmem:s24+$0x850] =	vst v11  }
0x179: {  	v11 =	vld [tilespmem:$0x184E0]  }
0x17a: {  	v10 =	vmul.f32 v7, v10  }
0x17b: {  	v50 =	vld [tilespmem:$0x187E0]  }
0x17c: {  	v10 =	vsub.f32 v10, v8;
	_ =	sdelay $0x1  }
0x17d: {  	v10 =	vmul.f32 v11, v10;
	_ =	sdelay $0x1  }
0x17e: {  	v10 =	vadd.f32 v50, v10;
	_ =	sdelay $0x1  }
0x17f: {  	[tilespmem:s24+$0x860] =	vst v10  }
0x180: {  	v10 =	vld [tilespmem:$0x184F0]  }
0x181: {  	v9 =	vmul.f32 v7, v9  }
0x182: {  	v51 =	vld [tilespmem:$0x187F0]  }
0x183: {  	v9 =	vsub.f32 v9, v8;
	_ =	sdelay $0x1  }
0x184: {  	v9 =	vmul.f32 v10, v9  }
0x185: {  	v52 =	vld [tilespmem:s24+$0xC00]  }
0x186: {  	v9 =	vadd.f32 v51, v9;
	_ =	sdelay $0x1  }
0x187: {  	[tilespmem:s24+$0x870] =	vst v9  }
0x188: {  	v9 =	vld [tilespmem:$0x18500]  }
0x189: {  	v10 =	vmul.f32 v52, v7  }
0x18a: {  	v53 =	vld [tilespmem:$0x18800]  }
0x18b: {  	v10 =	vsub.f32 v10, v8;
	_ =	sdelay $0x1  }
0x18c: {  	v9 =	vmul.f32 v10, v9  }
0x18d: {  	v54 =	vld [tilespmem:s24+$0xC10]  }
0x18e: {  	v9 =	vadd.f32 v9, v53;
	_ =	sdelay $0x1  }
0x18f: {  	[tilespmem:s24+$0xC00] =	vst v9  }
0x190: {  	v9 =	vld [tilespmem:$0x18510]  }
0x191: {  	v10 =	vmul.f32 v54, v7  }
0x192: {  	v55 =	vld [tilespmem:$0x18810]  }
0x193: {  	v10 =	vsub.f32 v10, v8;
	_ =	sdelay $0x1  }
0x194: {  	v9 =	vmul.f32 v10, v9  }
0x195: {  	v56 =	vld [tilespmem:s24+$0xC20]  }
0x196: {  	v9 =	vadd.f32 v9, v55;
	_ =	sdelay $0x1  }
0x197: {  	[tilespmem:s24+$0xC10] =	vst v9  }
0x198: {  	v9 =	vld [tilespmem:$0x18520]  }
0x199: {  	v10 =	vmul.f32 v56, v7  }
0x19a: {  	v57 =	vld [tilespmem:$0x18820]  }
0x19b: {  	v10 =	vsub.f32 v10, v8;
	_ =	sdelay $0x1  }
0x19c: {  	v9 =	vmul.f32 v10, v9  }
0x19d: {  	v58 =	vld [tilespmem:s24+$0xC30]  }
0x19e: {  	v9 =	vadd.f32 v9, v57;
	_ =	sdelay $0x1  }
0x19f: {  	[tilespmem:s24+$0xC20] =	vst v9  }
0x1a0: {  	v9 =	vld [tilespmem:$0x18530]  }
0x1a1: {  	v10 =	vmul.f32 v58, v7  }
0x1a2: {  	v59 =	vld [tilespmem:$0x18830]  }
0x1a3: {  	v10 =	vsub.f32 v10, v8;
	_ =	sdelay $0x1  }
0x1a4: {  	v9 =	vmul.f32 v10, v9  }
0x1a5: {  	v60 =	vld [tilespmem:s24+$0xC40]  }
0x1a6: {  	v9 =	vadd.f32 v9, v59;
	_ =	sdelay $0x1  }
0x1a7: {  	[tilespmem:s24+$0xC30] =	vst v9  }
0x1a8: {  	v9 =	vld [tilespmem:$0x18540]  }
0x1a9: {  	v10 =	vmul.f32 v60, v7  }
0x1aa: {  	v61 =	vld [tilespmem:$0x18840]  }
0x1ab: {  	v10 =	vsub.f32 v10, v8;
	_ =	sdelay $0x1  }
0x1ac: {  	v9 =	vmul.f32 v10, v9  }
0x1ad: {  	v62 =	vld [tilespmem:s24+$0xC50]  }
0x1ae: {  	v9 =	vadd.f32 v9, v61;
	_ =	sdelay $0x1  }
0x1af: {  	[tilespmem:s24+$0xC40] =	vst v9  }
0x1b0: {  	v9 =	vld [tilespmem:$0x18550]  }
0x1b1: {  	v10 =	vmul.f32 v62, v7  }
0x1b2: {  	v63 =	vld [tilespmem:$0x18850]  }
0x1b3: {  	v10 =	vsub.f32 v10, v8;
	_ =	sdelay $0x1  }
0x1b4: {  	v9 =	vmul.f32 v10, v9  }
0x1b5: {  	v12 =	vld [tilespmem:s24+$0xC60]  }
0x1b6: {  	v9 =	vadd.f32 v9, v63;
	_ =	sdelay $0x1  }
0x1b7: {  	[tilespmem:s24+$0xC50] =	vst v9  }
0x1b8: {  	v9 =	vld [tilespmem:$0x18560]  }
0x1b9: {  	v10 =	vmul.f32 v12, v7  }
0x1ba: {  	v13 =	vld [tilespmem:$0x18860]  }
0x1bb: {  	v10 =	vsub.f32 v10, v8;
	_ =	sdelay $0x1  }
0x1bc: {  	v9 =	vmul.f32 v10, v9  }
0x1bd: {  	v14 =	vld [tilespmem:s24+$0xC70]  }
0x1be: {  	v9 =	vadd.f32 v9, v13;
	_ =	sdelay $0x1  }
0x1bf: {  	[tilespmem:s24+$0xC60] =	vst v9  }
0x1c0: {  	v9 =	vld [tilespmem:$0x18570]  }
0x1c1: {  	v10 =	vmul.f32 v14, v7  }
0x1c2: {  	v15 =	vld [tilespmem:$0x18870]  }
0x1c3: {  	v10 =	vsub.f32 v10, v8;
	_ =	sdelay $0x1  }
0x1c4: {  	v9 =	vmul.f32 v10, v9  }
0x1c5: {  	v16 =	vld [tilespmem:s24+$0x1000]  }
0x1c6: {  	v9 =	vadd.f32 v9, v15;
	_ =	sdelay $0x1  }
0x1c7: {  	[tilespmem:s24+$0xC70] =	vst v9  }
0x1c8: {  	v9 =	vld [tilespmem:$0x18580]  }
0x1c9: {  	v10 =	vmul.f32 v16, v7  }
0x1ca: {  	v17 =	vld [tilespmem:$0x18880]  }
0x1cb: {  	v10 =	vsub.f32 v10, v8;
	_ =	sdelay $0x1  }
0x1cc: {  	v9 =	vmul.f32 v10, v9  }
0x1cd: {  	v18 =	vld [tilespmem:s24+$0x1010]  }
0x1ce: {  	v9 =	vadd.f32 v9, v17;
	_ =	sdelay $0x1  }
0x1cf: {  	[tilespmem:s24+$0x1000] =	vst v9  }
0x1d0: {  	v9 =	vld [tilespmem:$0x18590]  }
0x1d1: {  	v10 =	vmul.f32 v18, v7  }
0x1d2: {  	v19 =	vld [tilespmem:$0x18890]  }
0x1d3: {  	v10 =	vsub.f32 v10, v8;
	_ =	sdelay $0x1  }
0x1d4: {  	v9 =	vmul.f32 v10, v9  }
0x1d5: {  	v20 =	vld [tilespmem:s24+$0x1020]  }
0x1d6: {  	v9 =	vadd.f32 v9, v19;
	_ =	sdelay $0x1  }
0x1d7: {  	[tilespmem:s24+$0x1010] =	vst v9  }
0x1d8: {  	v9 =	vld [tilespmem:$0x185A0]  }
0x1d9: {  	v10 =	vmul.f32 v20, v7  }
0x1da: {  	v21 =	vld [tilespmem:$0x188A0]  }
0x1db: {  	v10 =	vsub.f32 v10, v8;
	_ =	sdelay $0x1  }
0x1dc: {  	v9 =	vmul.f32 v10, v9  }
0x1dd: {  	v22 =	vld [tilespmem:s24+$0x1030]  }
0x1de: {  	v9 =	vadd.f32 v9, v21;
	_ =	sdelay $0x1  }
0x1df: {  	[tilespmem:s24+$0x1020] =	vst v9  }
0x1e0: {  	v9 =	vld [tilespmem:$0x185B0]  }
0x1e1: {  	v10 =	vmul.f32 v22, v7  }
0x1e2: {  	v23 =	vld [tilespmem:$0x188B0]  }
0x1e3: {  	v10 =	vsub.f32 v10, v8;
	_ =	sdelay $0x1  }
0x1e4: {  	v9 =	vmul.f32 v10, v9  }
0x1e5: {  	v24 =	vld [tilespmem:s24+$0x1040]  }
0x1e6: {  	v9 =	vadd.f32 v9, v23;
	_ =	sdelay $0x1  }
0x1e7: {  	[tilespmem:s24+$0x1030] =	vst v9  }
0x1e8: {  	v9 =	vld [tilespmem:$0x185C0]  }
0x1e9: {  	v10 =	vmul.f32 v24, v7  }
0x1ea: {  	v25 =	vld [tilespmem:$0x188C0]  }
0x1eb: {  	v10 =	vsub.f32 v10, v8;
	_ =	sdelay $0x1  }
0x1ec: {  	v9 =	vmul.f32 v10, v9  }
0x1ed: {  	v26 =	vld [tilespmem:s24+$0x1050]  }
0x1ee: {  	v9 =	vadd.f32 v9, v25;
	_ =	sdelay $0x1  }
0x1ef: {  	[tilespmem:s24+$0x1040] =	vst v9  }
0x1f0: {  	v9 =	vld [tilespmem:$0x185D0]  }
0x1f1: {  	v10 =	vmul.f32 v26, v7  }
0x1f2: {  	v27 =	vld [tilespmem:$0x188D0]  }
0x1f3: {  	v10 =	vsub.f32 v10, v8;
	_ =	sdelay $0x1  }
0x1f4: {  	v9 =	vmul.f32 v10, v9  }
0x1f5: {  	v28 =	vld [tilespmem:s24+$0x1060]  }
0x1f6: {  	v9 =	vadd.f32 v9, v27;
	_ =	sdelay $0x1  }
0x1f7: {  	[tilespmem:s24+$0x1050] =	vst v9  }
0x1f8: {  	v9 =	vld [tilespmem:$0x185E0]  }
0x1f9: {  	v10 =	vmul.f32 v28, v7  }
0x1fa: {  	v29 =	vld [tilespmem:$0x188E0]  }
0x1fb: {  	v10 =	vsub.f32 v10, v8;
	_ =	sdelay $0x1  }
0x1fc: {  	v9 =	vmul.f32 v10, v9  }
0x1fd: {  	v30 =	vld [tilespmem:s24+$0x1070]  }
0x1fe: {  	v9 =	vadd.f32 v9, v29;
	_ =	sdelay $0x1  }
0x1ff: {  	[tilespmem:s24+$0x1060] =	vst v9  }
0x200: {  	v9 =	vld [tilespmem:$0x185F0]  }
0x201: {  	v10 =	vmul.f32 v30, v7  }
0x202: {  	v31 =	vld [tilespmem:$0x188F0]  }
0x203: {  	v10 =	vsub.f32 v10, v8;
	_ =	sdelay $0x1  }
0x204: {  	v9 =	vmul.f32 v10, v9  }
0x205: {  	v32 =	vld [tilespmem:s24+$0x1400]  }
0x206: {  	v9 =	vadd.f32 v9, v31;
	_ =	sdelay $0x1  }
0x207: {  	[tilespmem:s24+$0x1070] =	vst v9  }
0x208: {  	v9 =	vld [tilespmem:$0x18600]  }
0x209: {  	v10 =	vmul.f32 v32, v7  }
0x20a: {  	v33 =	vld [tilespmem:$0x18900]  }
0x20b: {  	v10 =	vsub.f32 v10, v8;
	_ =	sdelay $0x1  }
0x20c: {  	v9 =	vmul.f32 v10, v9  }
0x20d: {  	v34 =	vld [tilespmem:s24+$0x1410]  }
0x20e: {  	v9 =	vadd.f32 v9, v33;
	_ =	sdelay $0x1  }
0x20f: {  	[tilespmem:s24+$0x1400] =	vst v9  }
0x210: {  	v9 =	vld [tilespmem:$0x18610]  }
0x211: {  	v10 =	vmul.f32 v34, v7  }
0x212: {  	v35 =	vld [tilespmem:$0x18910]  }
0x213: {  	v10 =	vsub.f32 v10, v8;
	_ =	sdelay $0x1  }
0x214: {  	v9 =	vmul.f32 v10, v9  }
0x215: {  	v36 =	vld [tilespmem:s24+$0x1420]  }
0x216: {  	v9 =	vadd.f32 v9, v35;
	_ =	sdelay $0x1  }
0x217: {  	[tilespmem:s24+$0x1410] =	vst v9  }
0x218: {  	v9 =	vld [tilespmem:$0x18620]  }
0x219: {  	v10 =	vmul.f32 v36, v7  }
0x21a: {  	v37 =	vld [tilespmem:$0x18920]  }
0x21b: {  	v10 =	vsub.f32 v10, v8;
	_ =	sdelay $0x1  }
0x21c: {  	v9 =	vmul.f32 v10, v9  }
0x21d: {  	v38 =	vld [tilespmem:s24+$0x1430]  }
0x21e: {  	v9 =	vadd.f32 v9, v37;
	_ =	sdelay $0x1  }
0x21f: {  	[tilespmem:s24+$0x1420] =	vst v9  }
0x220: {  	v9 =	vld [tilespmem:$0x18630]  }
0x221: {  	v10 =	vmul.f32 v38, v7  }
0x222: {  	v39 =	vld [tilespmem:$0x18930]  }
0x223: {  	v10 =	vsub.f32 v10, v8;
	_ =	sdelay $0x1  }
0x224: {  	v9 =	vmul.f32 v10, v9  }
0x225: {  	v40 =	vld [tilespmem:s24+$0x1440]  }
0x226: {  	v9 =	vadd.f32 v9, v39;
	_ =	sdelay $0x1  }
0x227: {  	[tilespmem:s24+$0x1430] =	vst v9  }
0x228: {  	v9 =	vld [tilespmem:$0x18640]  }
0x229: {  	v10 =	vmul.f32 v40, v7  }
0x22a: {  	v41 =	vld [tilespmem:$0x18940]  }
0x22b: {  	v10 =	vsub.f32 v10, v8;
	_ =	sdelay $0x1  }
0x22c: {  	v9 =	vmul.f32 v10, v9  }
0x22d: {  	v42 =	vld [tilespmem:s24+$0x1450]  }
0x22e: {  	v9 =	vadd.f32 v9, v41;
	_ =	sdelay $0x1  }
0x22f: {  	[tilespmem:s24+$0x1440] =	vst v9  }
0x230: {  	v9 =	vld [tilespmem:$0x18650]  }
0x231: {  	v10 =	vmul.f32 v42, v7  }
0x232: {  	v43 =	vld [tilespmem:$0x18950]  }
0x233: {  	v10 =	vsub.f32 v10, v8;
	_ =	sdelay $0x1  }
0x234: {  	v9 =	vmul.f32 v10, v9  }
0x235: {  	v44 =	vld [tilespmem:s24+$0x1460]  }
0x236: {  	v9 =	vadd.f32 v9, v43;
	_ =	sdelay $0x1  }
0x237: {  	[tilespmem:s24+$0x1450] =	vst v9  }
0x238: {  	v9 =	vld [tilespmem:$0x18660]  }
0x239: {  	v10 =	vmul.f32 v44, v7  }
0x23a: {  	v45 =	vld [tilespmem:$0x18960]  }
0x23b: {  	v10 =	vsub.f32 v10, v8;
	_ =	sdelay $0x1  }
0x23c: {  	v9 =	vmul.f32 v10, v9  }
0x23d: {  	v46 =	vld [tilespmem:s24+$0x1470]  }
0x23e: {  	v9 =	vadd.f32 v9, v45;
	_ =	sdelay $0x1  }
0x23f: {  	[tilespmem:s24+$0x1460] =	vst v9  }
0x240: {  	v9 =	vld [tilespmem:$0x18670]  }
0x241: {  	v10 =	vmul.f32 v46, v7  }
0x242: {  	v47 =	vld [tilespmem:$0x18970]  }
0x243: {  	v10 =	vsub.f32 v10, v8;
	_ =	sdelay $0x1  }
0x244: {  	v9 =	vmul.f32 v10, v9  }
0x245: {  	v48 =	vld [tilespmem:s24+$0x1800]  }
0x246: {  	v9 =	vadd.f32 v9, v47;
	_ =	sdelay $0x1  }
0x247: {  	[tilespmem:s24+$0x1470] =	vst v9  }
0x248: {  	v9 =	vld [tilespmem:$0x18680]  }
0x249: {  	v10 =	vmul.f32 v48, v7  }
0x24a: {  	v49 =	vld [tilespmem:$0x18980]  }
0x24b: {  	v10 =	vsub.f32 v10, v8;
	_ =	sdelay $0x1  }
0x24c: {  	v9 =	vmul.f32 v10, v9  }
0x24d: {  	v50 =	vld [tilespmem:s24+$0x1810]  }
0x24e: {  	v9 =	vadd.f32 v9, v49;
	_ =	sdelay $0x1  }
0x24f: {  	[tilespmem:s24+$0x1800] =	vst v9  }
0x250: {  	v9 =	vld [tilespmem:$0x18690]  }
0x251: {  	v10 =	vmul.f32 v50, v7  }
0x252: {  	v51 =	vld [tilespmem:$0x18990]  }
0x253: {  	v10 =	vsub.f32 v10, v8;
	_ =	sdelay $0x1  }
0x254: {  	v9 =	vmul.f32 v10, v9  }
0x255: {  	v52 =	vld [tilespmem:s24+$0x1820]  }
0x256: {  	v9 =	vadd.f32 v9, v51;
	_ =	sdelay $0x1  }
0x257: {  	[tilespmem:s24+$0x1810] =	vst v9  }
0x258: {  	v9 =	vld [tilespmem:$0x186A0]  }
0x259: {  	v10 =	vmul.f32 v52, v7  }
0x25a: {  	v53 =	vld [tilespmem:$0x189A0]  }
0x25b: {  	v10 =	vsub.f32 v10, v8;
	_ =	sdelay $0x1  }
0x25c: {  	v9 =	vmul.f32 v10, v9  }
0x25d: {  	v54 =	vld [tilespmem:s24+$0x1830]  }
0x25e: {  	v9 =	vadd.f32 v9, v53;
	_ =	sdelay $0x1  }
0x25f: {  	[tilespmem:s24+$0x1820] =	vst v9  }
0x260: {  	v9 =	vld [tilespmem:$0x186B0]  }
0x261: {  	v10 =	vmul.f32 v54, v7  }
0x262: {  	v55 =	vld [tilespmem:$0x189B0]  }
0x263: {  	v10 =	vsub.f32 v10, v8;
	_ =	sdelay $0x1  }
0x264: {  	v9 =	vmul.f32 v10, v9  }
0x265: {  	v56 =	vld [tilespmem:s24+$0x1840]  }
0x266: {  	v9 =	vadd.f32 v9, v55;
	_ =	sdelay $0x1  }
0x267: {  	[tilespmem:s24+$0x1830] =	vst v9  }
0x268: {  	v9 =	vld [tilespmem:$0x186C0]  }
0x269: {  	v10 =	vmul.f32 v56, v7  }
0x26a: {  	v57 =	vld [tilespmem:$0x189C0]  }
0x26b: {  	v10 =	vsub.f32 v10, v8;
	_ =	sdelay $0x1  }
0x26c: {  	v9 =	vmul.f32 v10, v9  }
0x26d: {  	v58 =	vld [tilespmem:s24+$0x1850]  }
0x26e: {  	v9 =	vadd.f32 v9, v57;
	_ =	sdelay $0x1  }
0x26f: {  	[tilespmem:s24+$0x1840] =	vst v9  }
0x270: {  	v9 =	vld [tilespmem:$0x186D0]  }
0x271: {  	v10 =	vmul.f32 v58, v7  }
0x272: {  	v59 =	vld [tilespmem:$0x189D0]  }
0x273: {  	v10 =	vsub.f32 v10, v8;
	_ =	sdelay $0x1  }
0x274: {  	v9 =	vmul.f32 v10, v9  }
0x275: {  	v60 =	vld [tilespmem:s24+$0x1860]  }
0x276: {  	v9 =	vadd.f32 v9, v59;
	_ =	sdelay $0x1  }
0x277: {  	[tilespmem:s24+$0x1850] =	vst v9  }
0x278: {  	v9 =	vld [tilespmem:$0x186E0]  }
0x279: {  	v10 =	vmul.f32 v60, v7  }
0x27a: {  	v61 =	vld [tilespmem:$0x189E0]  }
0x27b: {  	v10 =	vsub.f32 v10, v8;
	_ =	sdelay $0x1  }
0x27c: {  	v9 =	vmul.f32 v10, v9  }
0x27d: {  	v62 =	vld [tilespmem:s24+$0x1870]  }
0x27e: {  	v9 =	vadd.f32 v9, v61;
	_ =	sdelay $0x1  }
0x27f: {  	[tilespmem:s24+$0x1860] =	vst v9  }
0x280: {  	v9 =	vld [tilespmem:$0x186F0]  }
0x281: {  	v7 =	vmul.f32 v62, v7  }
0x282: {  	v63 =	vld [tilespmem:$0x189F0]  }
0x283: {  	v7 =	vsub.f32 v7, v8  }
0x284: {  	p0 =	sne.s32 s23, $0x3F  }
.Ltmp0:
0x285: {  	v7 =	vmul.f32 v7, v9;
	(pc) =	sbr.rel @p0 .LBB2_3-.Ltmp0, $3  }
0x286: {  	_ = 	snop  }
0x287: {  	v7 =	vadd.f32 v7, v63;
	_ =	sdelay $0x1  }
0x288: {  	s22 =	sadd.s32 $0x80, s22;
	s23 =	sadd.s32 $0x1, s23;
	[tilespmem:s24+$0x1870] =	vst v7  }
0x289: {  	s22 =	smul.u32 $0x18000, s20;
	_ =	sdelay $0x1  }
0x28a: {  	s22 =	sadd.s32 s10, s22  }
0x28b: {  	s22 =	sshrl.u32 s22, $0x3  }
0x28c: {  	s22 =	sadd.s32 s4, s22  }
0x28d: {  	[hbm4b:s22+s5] =	stream.linear.scatter [tilespmem:s15], [sflag:$0x3], $0xC000, $0x38;
	[tilespmem:$0x18A00] =	vst v63  }
0x28e: {  	p0 =	seq.s32 s20, $0x3;
	_ =	swait.ge [sflag:s18], $0xC000  }
.Ltmp1:
0x28f: {  	[sflag:s18] =	ssyncset.done $0x0;
	(pc) =	sbr.rel @p0 .LBB2_6-.Ltmp1, $4  }
0x290: {  	[sflag:s18] =	ssyncadd.s32 $0xFFFF4000  }
0x291: {  	_ =	swait.ge [sflag:s19], $0xC000  }
0x292: {  	[sflag:s19] =	ssyncset.done $0x0  }
0x293: {  	[sflag:s19] =	ssyncadd.s32 $0xFFFF4000  }
0x294: {  	s22 =	sshll.u32 s20, $0x8  }
0x295: {  	s22 =	sand.u32 $0x3FFFFF00, s22  }
0x296: {  	v7 =	vld [tilespmem:s22+$0x100];
	_ =	sdelay $0x4  }
0x297: {  	v8 =	vshrl.u32 v7, $0x3  }
0x298: {  	v8 =	vmul.u32 $0x30, v8  }
0x299: {  	v7 =	vand.u32 $0x7, v7  }
0x29a: {  	v7 =	vor.u32 v7, v8  }
0x29b: {  	v8 =	vperm.xlane v7, v0;
	_ =	sdelay $0x1  }
0x29c: {  	v8 =	vadd.s32 v1, v8;
	_ =	sdelay $0x3  }
0x29d: {  	v7 =	vperm.xlane v7, v2  }
0x29e: {  	[tilespmem:s15], [sflag:$0x1] =	stream.indirect_vreg.gather [hbm4b:s6+s5], $0x80, v8, vm0, $0xb8;
	[tilespmem:$0x18A00] =	vst v63  }
0x29f: {  	s23 =	simm.s32 $0xC00;
	v7 =	vadd.s32 v1, v7  }
0x2a0: {  	[tilespmem:s23], [sflag:$0x1] =	stream.indirect_vreg.gather [hbm4b:s8+s5], $0x80, v8, vm0, $0xb8;
	[tilespmem:$0x18A00] =	vst v63  }
0x2a1: {  	s24 =	simm.s32 $0x1400  }
0x2a2: {  	[tilespmem:s24], [sflag:$0x1] =	stream.indirect_vreg.gather [hbm4b:s9+s5], $0x80, v8, vm0, $0xb8;
	[tilespmem:$0x18A00] =	vst v63  }
0x2a3: {  	s25 =	simm.s32 $0x1C00  }
0x2a4: {  	[tilespmem:s25], [sflag:$0x1] =	stream.indirect_vreg.gather [hbm4b:s6+s5], $0x80, v7, vm0, $0xb8;
	[tilespmem:$0x18A00] =	vst v63  }
0x2a5: {  	s24 =	simm.s32 $0x2400  }
0x2a6: {  	[tilespmem:s24], [sflag:$0x1] =	stream.indirect_vreg.gather [hbm4b:s8+s5], $0x80, v7, vm0, $0xb8;
	[tilespmem:$0x18A00] =	vst v63  }
0x2a7: {  	s25 =	simm.s32 $0x2C00  }
0x2a8: {  	[tilespmem:s25], [sflag:$0x1] =	stream.indirect_vreg.gather [hbm4b:s9+s5], $0x80, v7, vm0, $0xb8;
	[tilespmem:$0x18A00] =	vst v63  }
0x2a9: {  	v7 =	vld [tilespmem:s22+$0x110];
	_ =	sdelay $0x4  }
0x2aa: {  	v8 =	vshrl.u32 v7, $0x3  }
0x2ab: {  	v8 =	vmul.u32 $0x30, v8  }
0x2ac: {  	v7 =	vand.u32 $0x7, v7  }
0x2ad: {  	v7 =	vor.u32 v7, v8  }
0x2ae: {  	v8 =	vperm.xlane v7, v0;
	_ =	sdelay $0x1  }
0x2af: {  	v8 =	vadd.s32 v1, v8;
	_ =	sdelay $0x3  }
0x2b0: {  	s24 =	simm.s32 $0x3400;
	v7 =	vperm.xlane v7, v2  }
0x2b1: {  	[tilespmem:s24], [sflag:$0x1] =	stream.indirect_vreg.gather [hbm4b:s6+s5], $0x80, v8, vm0, $0xb8;
	[tilespmem:$0x18A00] =	vst v63  }
0x2b2: {  	s25 =	simm.s32 $0x3C00;
	v7 =	vadd.s32 v1, v7  }
0x2b3: {  	[tilespmem:s25], [sflag:$0x1] =	stream.indirect_vreg.gather [hbm4b:s8+s5], $0x80, v8, vm0, $0xb8;
	[tilespmem:$0x18A00] =	vst v63  }
0x2b4: {  	s24 =	simm.s32 $0x4400  }
0x2b5: {  	[tilespmem:s24], [sflag:$0x1] =	stream.indirect_vreg.gather [hbm4b:s9+s5], $0x80, v8, vm0, $0xb8;
	[tilespmem:$0x18A00] =	vst v63  }
0x2b6: {  	s25 =	simm.s32 $0x4C00  }
0x2b7: {  	[tilespmem:s25], [sflag:$0x1] =	stream.indirect_vreg.gather [hbm4b:s6+s5], $0x80, v7, vm0, $0xb8;
	[tilespmem:$0x18A00] =	vst v63  }
0x2b8: {  	s24 =	simm.s32 $0x5400  }
0x2b9: {  	[tilespmem:s24], [sflag:$0x1] =	stream.indirect_vreg.gather [hbm4b:s8+s5], $0x80, v7, vm0, $0xb8;
	[tilespmem:$0x18A00] =	vst v63  }
0x2ba: {  	s25 =	simm.s32 $0x5C00  }
0x2bb: {  	[tilespmem:s25], [sflag:$0x1] =	stream.indirect_vreg.gather [hbm4b:s9+s5], $0x80, v7, vm0, $0xb8;
	[tilespmem:$0x18A00] =	vst v63  }
0x2bc: {  	v7 =	vld [tilespmem:s22+$0x120];
	_ =	sdelay $0x4  }
0x2bd: {  	v8 =	vshrl.u32 v7, $0x3  }
0x2be: {  	v8 =	vmul.u32 $0x30, v8  }
0x2bf: {  	v7 =	vand.u32 $0x7, v7  }
0x2c0: {  	v7 =	vor.u32 v7, v8  }
0x2c1: {  	v8 =	vperm.xlane v7, v0;
	_ =	sdelay $0x1  }
0x2c2: {  	v8 =	vadd.s32 v1, v8;
	_ =	sdelay $0x3  }
0x2c3: {  	s24 =	simm.s32 $0x6400;
	v7 =	vperm.xlane v7, v2  }
0x2c4: {  	[tilespmem:s24], [sflag:$0x1] =	stream.indirect_vreg.gather [hbm4b:s6+s5], $0x80, v8, vm0, $0xb8;
	[tilespmem:$0x18A00] =	vst v63  }
0x2c5: {  	s25 =	simm.s32 $0x6C00;
	v7 =	vadd.s32 v1, v7  }
0x2c6: {  	[tilespmem:s25], [sflag:$0x1] =	stream.indirect_vreg.gather [hbm4b:s8+s5], $0x80, v8, vm0, $0xb8;
	[tilespmem:$0x18A00] =	vst v63  }
0x2c7: {  	s24 =	simm.s32 $0x7400  }
0x2c8: {  	[tilespmem:s24], [sflag:$0x1] =	stream.indirect_vreg.gather [hbm4b:s9+s5], $0x80, v8, vm0, $0xb8;
	[tilespmem:$0x18A00] =	vst v63  }
0x2c9: {  	s25 =	simm.s32 $0x7C00  }
0x2ca: {  	[tilespmem:s25], [sflag:$0x1] =	stream.indirect_vreg.gather [hbm4b:s6+s5], $0x80, v7, vm0, $0xb8;
	[tilespmem:$0x18A00] =	vst v63  }
0x2cb: {  	s24 =	simm.s32 $0x8400  }
0x2cc: {  	[tilespmem:s24], [sflag:$0x1] =	stream.indirect_vreg.gather [hbm4b:s8+s5], $0x80, v7, vm0, $0xb8;
	[tilespmem:$0x18A00] =	vst v63  }
0x2cd: {  	s25 =	simm.s32 $0x8C00  }
0x2ce: {  	[tilespmem:s25], [sflag:$0x1] =	stream.indirect_vreg.gather [hbm4b:s9+s5], $0x80, v7, vm0, $0xb8;
	[tilespmem:$0x18A00] =	vst v63  }
0x2cf: {  	v7 =	vld [tilespmem:s22+$0x130];
	_ =	sdelay $0x4  }
0x2d0: {  	v8 =	vshrl.u32 v7, $0x3  }
0x2d1: {  	v8 =	vmul.u32 $0x30, v8  }
0x2d2: {  	v7 =	vand.u32 $0x7, v7  }
0x2d3: {  	v7 =	vor.u32 v7, v8  }
0x2d4: {  	v8 =	vperm.xlane v7, v0;
	_ =	sdelay $0x1  }
0x2d5: {  	v8 =	vadd.s32 v1, v8;
	_ =	sdelay $0x3  }
0x2d6: {  	s23 =	simm.s32 $0x9400;
	v7 =	vperm.xlane v7, v2  }
0x2d7: {  	[tilespmem:s23], [sflag:$0x1] =	stream.indirect_vreg.gather [hbm4b:s6+s5], $0x80, v8, vm0, $0xb8;
	[tilespmem:$0x18A00] =	vst v63  }
0x2d8: {  	s24 =	simm.s32 $0x9C00;
	v7 =	vadd.s32 v1, v7  }
0x2d9: {  	[tilespmem:s24], [sflag:$0x1] =	stream.indirect_vreg.gather [hbm4b:s8+s5], $0x80, v8, vm0, $0xb8;
	[tilespmem:$0x18A00] =	vst v63  }
0x2da: {  	s25 =	simm.s32 $0xA400  }
0x2db: {  	[tilespmem:s25], [sflag:$0x1] =	stream.indirect_vreg.gather [hbm4b:s9+s5], $0x80, v8, vm0, $0xb8;
	[tilespmem:$0x18A00] =	vst v63  }
0x2dc: {  	s23 =	simm.s32 $0xAC00  }
0x2dd: {  	[tilespmem:s23], [sflag:$0x1] =	stream.indirect_vreg.gather [hbm4b:s6+s5], $0x80, v7, vm0, $0xb8;
	[tilespmem:$0x18A00] =	vst v63  }
0x2de: {  	s24 =	simm.s32 $0xB400  }
0x2df: {  	[tilespmem:s24], [sflag:$0x1] =	stream.indirect_vreg.gather [hbm4b:s8+s5], $0x80, v7, vm0, $0xb8;
	[tilespmem:$0x18A00] =	vst v63  }
0x2e0: {  	s25 =	simm.s32 $0xBC00  }
0x2e1: {  	[tilespmem:s25], [sflag:$0x1] =	stream.indirect_vreg.gather [hbm4b:s9+s5], $0x80, v7, vm0, $0xb8;
	[tilespmem:$0x18A00] =	vst v63  }
.LBB2_6:
0x2e2: {  	s22 =	simm.s32 $0x0;
	s23 =	simm.s32 $0x0  }
.LBB2_7:
0x2e3: {  	s24 =	sshrl.u32 s23, $0x3  }
0x2e4: {  	s24 =	smul.u32 $0x6000, s24;
	_ =	sdelay $0x1  }
0x2e5: {  	s25 =	sand.u32 $0x380, s22;
	s24 =	sshra.s32 s24, $0x2  }
0x2e6: {  	s24 =	sor.u32 s25, s24  }
0x2e7: {  	v24 =	vld [tilespmem:s24+$0xC400]  }
0x2e8: {  	v23 =	vld [tilespmem:s24+$0xC410]  }
0x2e9: {  	v22 =	vld [tilespmem:s24+$0xC420]  }
0x2ea: {  	v21 =	vld [tilespmem:s24+$0xC430]  }
0x2eb: {  	v20 =	vld [tilespmem:s24+$0xC440]  }
0x2ec: {  	v19 =	vld [tilespmem:s24+$0xC450]  }
0x2ed: {  	v18 =	vld [tilespmem:s24+$0xC460]  }
0x2ee: {  	v17 =	vld [tilespmem:s24+$0xC470];
	v7 =	vadd.f32 $0.0e+00, v24;
	v8 =	vmul.f32 v24, v24  }
0x2ef: {  	v16 =	vld [tilespmem:s24+$0xC800];
	v9 =	vadd.f32 $0.0e+00, v23;
	v10 =	vmul.f32 v23, v23;
	v11 =	vadd.f32 $0.0e+00, v22  }
0x2f0: {  	v15 =	vld [tilespmem:s24+$0xC810];
	v25 =	vmul.f32 v22, v22;
	v26 =	vadd.f32 $0.0e+00, v21;
	v12 =	vmul.f32 v20, v20  }
0x2f1: {  	v14 =	vld [tilespmem:s24+$0xC820];
	v27 =	vmul.f32 v21, v21;
	v28 =	vmul.f32 v19, v19;
	v7 =	vadd.f32 v20, v7  }
0x2f2: {  	v13 =	vld [tilespmem:s24+$0xC830];
	v29 =	vmul.f32 v18, v18;
	v8 =	vadd.f32 v12, v8;
	v9 =	vadd.f32 v19, v9  }
0x2f3: {  	v46 =	vmul.f32 v17, v17;
	v28 =	vadd.f32 v28, v10;
	v30 =	vadd.f32 v18, v11;
	v12 =	vld [tilespmem:s24+$0xC840]  }
0x2f4: {  	v47 =	vmul.f32 v16, v16;
	v25 =	vadd.f32 v29, v25;
	v26 =	vadd.f32 v17, v26;
	v11 =	vld [tilespmem:s24+$0xC850]  }
0x2f5: {  	v31 =	vmul.f32 v15, v15;
	v27 =	vadd.f32 v46, v27;
	v10 =	vld [tilespmem:s24+$0xC860];
	v7 =	vadd.f32 v16, v7  }
0x2f6: {  	v33 =	vld [tilespmem:s24+$0xCC00];
	v32 =	vmul.f32 v14, v14;
	v8 =	vadd.f32 v47, v8;
	v48 =	vadd.f32 v15, v9  }
0x2f7: {  	v34 =	vld [tilespmem:s24+$0xCC10];
	v49 =	vmul.f32 v13, v13;
	v28 =	vadd.f32 v31, v28;
	v30 =	vadd.f32 v14, v30  }
0x2f8: {  	v9 =	vld [tilespmem:s24+$0xC870];
	v25 =	vadd.f32 v32, v25;
	v26 =	vadd.f32 v13, v26  }
0x2f9: {  	v35 =	vld [tilespmem:s24+$0xCC20];
	v27 =	vadd.f32 v49, v27;
	v50 =	vmul.f32 v12, v12;
	v7 =	vadd.f32 v12, v7  }
0x2fa: {  	v36 =	vld [tilespmem:s24+$0xCC30];
	v51 =	vmul.f32 v11, v11;
	v29 =	vadd.f32 v11, v48;
	v52 =	vmul.f32 v10, v10  }
0x2fb: {  	v37 =	vld [tilespmem:s24+$0xCC40];
	v54 =	vmul.f32 v33, v33;
	v30 =	vadd.f32 v10, v30;
	v8 =	vadd.f32 v50, v8  }
0x2fc: {  	v38 =	vld [tilespmem:s24+$0xCC50];
	v55 =	vmul.f32 v34, v34;
	v28 =	vadd.f32 v51, v28;
	v25 =	vadd.f32 v52, v25  }
0x2fd: {  	v56 =	vld [tilespmem:s24+$0xCC60];
	v53 =	vmul.f32 v9, v9;
	v26 =	vadd.f32 v9, v26;
	v7 =	vadd.f32 v33, v7  }
0x2fe: {  	v58 =	vld [tilespmem:s24+$0xCC70];
	v57 =	vmul.f32 v35, v35;
	v29 =	vadd.f32 v34, v29;
	v30 =	vadd.f32 v35, v30  }
0x2ff: {  	v60 =	vld [tilespmem:s24+$0xD000];
	v59 =	vmul.f32 v36, v36;
	v27 =	vadd.f32 v53, v27;
	v8 =	vadd.f32 v54, v8  }
0x300: {  	v62 =	vld [tilespmem:s24+$0xD010];
	v61 =	vmul.f32 v37, v37;
	v28 =	vadd.f32 v55, v28;
	v25 =	vadd.f32 v57, v25  }
0x301: {  	v40 =	vld [tilespmem:s24+$0xD020];
	v63 =	vmul.f32 v38, v38;
	v26 =	vadd.f32 v36, v26;
	v7 =	vadd.f32 v37, v7  }
0x302: {  	v42 =	vld [tilespmem:s24+$0xD030];
	v41 =	vmul.f32 v56, v56;
	v29 =	vadd.f32 v38, v29;
	v30 =	vadd.f32 v56, v30  }
0x303: {  	v44 =	vld [tilespmem:s24+$0xD040];
	v43 =	vmul.f32 v58, v58;
	v27 =	vadd.f32 v59, v27;
	v8 =	vadd.f32 v61, v8  }
0x304: {  	v45 =	vmul.f32 v60, v60;
	v46 =	vld [tilespmem:s24+$0xD050];
	v28 =	vadd.f32 v63, v28;
	v25 =	vadd.f32 v41, v25  }
0x305: {  	v47 =	vmul.f32 v62, v62;
	v48 =	vld [tilespmem:s24+$0xD060];
	v26 =	vadd.f32 v58, v26;
	v7 =	vadd.f32 v60, v7  }
0x306: {  	v49 =	vmul.f32 v40, v40;
	v50 =	vld [tilespmem:s24+$0xD070];
	v29 =	vadd.f32 v62, v29;
	v30 =	vadd.f32 v40, v30  }
0x307: {  	v51 =	vmul.f32 v42, v42;
	v52 =	vld [tilespmem:s24+$0xD400];
	v27 =	vadd.f32 v43, v27;
	v8 =	vadd.f32 v45, v8  }
0x308: {  	v53 =	vmul.f32 v44, v44;
	v54 =	vld [tilespmem:s24+$0xD410];
	v28 =	vadd.f32 v47, v28;
	v25 =	vadd.f32 v49, v25  }
0x309: {  	v55 =	vmul.f32 v46, v46;
	v56 =	vld [tilespmem:s24+$0xD420];
	v26 =	vadd.f32 v42, v26;
	v7 =	vadd.f32 v44, v7  }
0x30a: {  	v57 =	vmul.f32 v48, v48;
	v58 =	vld [tilespmem:s24+$0xD430];
	v29 =	vadd.f32 v46, v29;
	v30 =	vadd.f32 v48, v30  }
0x30b: {  	v60 =	vld [tilespmem:s24+$0xD440];
	v59 =	vmul.f32 v50, v50;
	v27 =	vadd.f32 v51, v27;
	v8 =	vadd.f32 v53, v8  }
0x30c: {  	v62 =	vld [tilespmem:s24+$0xD450];
	v61 =	vmul.f32 v52, v52;
	v28 =	vadd.f32 v55, v28;
	v25 =	vadd.f32 v57, v25  }
0x30d: {  	v40 =	vld [tilespmem:s24+$0xD460];
	v63 =	vmul.f32 v54, v54;
	v26 =	vadd.f32 v50, v26;
	v7 =	vadd.f32 v52, v7  }
0x30e: {  	v42 =	vld [tilespmem:s24+$0xD470];
	v41 =	vmul.f32 v56, v56;
	v29 =	vadd.f32 v54, v29;
	v30 =	vadd.f32 v56, v30  }
0x30f: {  	v44 =	vld [tilespmem:s24+$0xD800];
	v43 =	vmul.f32 v58, v58;
	v27 =	vadd.f32 v59, v27;
	v8 =	vadd.f32 v61, v8  }
0x310: {  	v46 =	vld [tilespmem:s24+$0xD810];
	v45 =	vmul.f32 v60, v60;
	v28 =	vadd.f32 v63, v28;
	v25 =	vadd.f32 v41, v25  }
0x311: {  	v48 =	vld [tilespmem:s24+$0xD820];
	v47 =	vmul.f32 v62, v62;
	v26 =	vadd.f32 v58, v26;
	v7 =	vadd.f32 v60, v7  }
0x312: {  	v50 =	vld [tilespmem:s24+$0xD830];
	v49 =	vmul.f32 v40, v40;
	v29 =	vadd.f32 v62, v29;
	v30 =	vadd.f32 v40, v30  }
0x313: {  	v52 =	vld [tilespmem:s24+$0xD840];
	v51 =	vmul.f32 v42, v42;
	v27 =	vadd.f32 v43, v27;
	v8 =	vadd.f32 v45, v8  }
0x314: {  	v54 =	vld [tilespmem:s24+$0xD850];
	v53 =	vmul.f32 v44, v44;
	v28 =	vadd.f32 v47, v28;
	v25 =	vadd.f32 v49, v25  }
0x315: {  	v56 =	vld [tilespmem:s24+$0xD860];
	v55 =	vmul.f32 v46, v46;
	v26 =	vadd.f32 v42, v26;
	v7 =	vadd.f32 v44, v7  }
0x316: {  	v57 =	vmul.f32 v48, v48;
	v29 =	vadd.f32 v46, v29;
	v30 =	vadd.f32 v48, v30  }
0x317: {  	v58 =	vld [tilespmem:s24+$0xD870];
	v27 =	vadd.f32 v51, v27;
	v8 =	vadd.f32 v53, v8  }
0x318: {  	v59 =	vmul.f32 v50, v50;
	v28 =	vadd.f32 v55, v28;
	v25 =	vadd.f32 v57, v25  }
0x319: {  	v60 =	vmul.f32 v52, v52;
	v26 =	vadd.f32 v50, v26;
	v7 =	vadd.f32 v52, v7  }
0x31a: {  	v61 =	vmul.f32 v54, v54;
	v29 =	vadd.f32 v54, v29;
	v30 =	vadd.f32 v56, v30  }
0x31b: {  	v62 =	vmul.f32 v56, v56;
	v27 =	vadd.f32 v59, v27;
	v8 =	vadd.f32 v60, v8  }
0x31c: {  	v63 =	vmul.f32 v58, v58;
	v26 =	vadd.f32 v58, v26;
	v28 =	vadd.f32 v61, v28  }
0x31d: {  	v7 =	vadd.f32 v29, v7;
	v25 =	vadd.f32 v62, v25  }
0x31e: {  	v26 =	vadd.f32 v26, v30;
	v27 =	vadd.f32 v63, v27  }
0x31f: {  	v8 =	vadd.f32 v28, v8  }
0x320: {  	v7 =	vadd.f32 v26, v7;
	v25 =	vadd.f32 v27, v25;
	_ =	sdelay $0x1  }
0x321: {  	v8 =	vadd.f32 v25, v8;
	v31 =	vperm.xlane v7, v3;
	_ =	sdelay $0x1  }
0x322: {  	v7 =	vadd.f32 v7, v31;
	v32 =	vperm.xlane v8, v3;
	_ =	sdelay $0x1  }
0x323: {  	v33 =	vperm.xlane v7, v4;
	v8 =	vadd.f32 v32, v8;
	_ =	sdelay $0x1  }
0x324: {  	v7 =	vadd.f32 v7, v33;
	v25 =	vperm.xlane v8, v4;
	_ =	sdelay $0x1  }
0x325: {  	v26 =	vperm.xlane v7, v5;
	v8 =	vadd.f32 v25, v8;
	_ =	sdelay $0x1  }
0x326: {  	v7 =	vadd.f32 v7, v26;
	v25 =	vperm.xlane v8, v5;
	_ =	sdelay $0x1  }
0x327: {  	v26 =	vperm.xlane v7, v6;
	v8 =	vadd.f32 v25, v8;
	_ =	sdelay $0x1  }
0x328: {  	v7 =	vadd.f32 v7, v26;
	v25 =	vperm.xlane v8, v6;
	_ =	sdelay $0x1  }
0x329: {  	v26 =	vmul.f32 $1.302083370e-03, v7;
	v7 =	vadd.f32 v25, v8;
	_ =	sdelay $0x1  }
0x32a: {  	v7 =	vmul.f32 $1.302083370e-03, v7;
	v8 =	vmul.f32 v26, v26;
	_ =	sdelay $0x1  }
0x32b: {  	v7 =	vsub.f32 v7, v8;
	_ =	sdelay $0x1  }
0x32c: {  	v7 =	vmax.f32 v7, $0.0e+00  }
0x32d: {  	v7 =	vadd.f32 $9.999999960e-13, v7;
	_ =	sdelay $0x1  }
0x32e: {  	v8 =	vshra.s32 v7, $0x1;
	v7 =	vmul.f32 $5.000000000e-01, v7  }
0x32f: {  	v8 =	vsub.s32 $0x5F3759DF, v8  }
0x330: {  	v34 =	vmul.f32 v8, v7;
	_ =	sdelay $0x1  }
0x331: {  	v25 =	vmul.f32 v8, v34;
	_ =	sdelay $0x1  }
0x332: {  	v25 =	vsub.f32 $1.500000000e+00, v25;
	_ =	sdelay $0x1  }
0x333: {  	v8 =	vmul.f32 v8, v25;
	_ =	sdelay $0x1  }
0x334: {  	v25 =	vmul.f32 v8, v7;
	_ =	sdelay $0x1  }
0x335: {  	v25 =	vmul.f32 v25, v8;
	_ =	sdelay $0x1  }
0x336: {  	v25 =	vsub.f32 $1.500000000e+00, v25;
	_ =	sdelay $0x1  }
0x337: {  	v8 =	vmul.f32 v25, v8;
	_ =	sdelay $0x1  }
0x338: {  	v7 =	vmul.f32 v8, v7;
	_ =	sdelay $0x1  }
0x339: {  	v7 =	vmul.f32 v7, v8;
	_ =	sdelay $0x1  }
0x33a: {  	v7 =	vsub.f32 $1.500000000e+00, v7;
	_ =	sdelay $0x1  }
0x33b: {  	v7 =	vmul.f32 v7, v8  }
0x33c: {  	v35 =	vld [tilespmem:$0x18400]  }
0x33d: {  	v8 =	vmul.f32 v7, v26;
	v24 =	vmul.f32 v7, v24  }
0x33e: {  	v36 =	vld [tilespmem:$0x18700]  }
0x33f: {  	v24 =	vsub.f32 v24, v8;
	_ =	sdelay $0x1  }
0x340: {  	v24 =	vmul.f32 v24, v35;
	_ =	sdelay $0x1  }
0x341: {  	v24 =	vadd.f32 v24, v36;
	_ =	sdelay $0x1  }
0x342: {  	[tilespmem:s24+$0xC400] =	vst v24  }
0x343: {  	v24 =	vld [tilespmem:$0x18410]  }
0x344: {  	v23 =	vmul.f32 v7, v23  }
0x345: {  	v37 =	vld [tilespmem:$0x18710]  }
0x346: {  	v23 =	vsub.f32 v23, v8;
	_ =	sdelay $0x1  }
0x347: {  	v23 =	vmul.f32 v23, v24;
	_ =	sdelay $0x1  }
0x348: {  	v23 =	vadd.f32 v23, v37;
	_ =	sdelay $0x1  }
0x349: {  	[tilespmem:s24+$0xC410] =	vst v23  }
0x34a: {  	v23 =	vld [tilespmem:$0x18420]  }
0x34b: {  	v22 =	vmul.f32 v7, v22  }
0x34c: {  	v38 =	vld [tilespmem:$0x18720]  }
0x34d: {  	v22 =	vsub.f32 v22, v8;
	_ =	sdelay $0x1  }
0x34e: {  	v22 =	vmul.f32 v22, v23;
	_ =	sdelay $0x1  }
0x34f: {  	v22 =	vadd.f32 v22, v38;
	_ =	sdelay $0x1  }
0x350: {  	[tilespmem:s24+$0xC420] =	vst v22  }
0x351: {  	v22 =	vld [tilespmem:$0x18430]  }
0x352: {  	v21 =	vmul.f32 v7, v21  }
0x353: {  	v39 =	vld [tilespmem:$0x18730]  }
0x354: {  	v21 =	vsub.f32 v21, v8;
	_ =	sdelay $0x1  }
0x355: {  	v21 =	vmul.f32 v21, v22;
	_ =	sdelay $0x1  }
0x356: {  	v21 =	vadd.f32 v21, v39;
	_ =	sdelay $0x1  }
0x357: {  	[tilespmem:s24+$0xC430] =	vst v21  }
0x358: {  	v21 =	vld [tilespmem:$0x18440]  }
0x359: {  	v20 =	vmul.f32 v7, v20  }
0x35a: {  	v40 =	vld [tilespmem:$0x18740]  }
0x35b: {  	v20 =	vsub.f32 v20, v8;
	_ =	sdelay $0x1  }
0x35c: {  	v20 =	vmul.f32 v20, v21;
	_ =	sdelay $0x1  }
0x35d: {  	v20 =	vadd.f32 v20, v40;
	_ =	sdelay $0x1  }
0x35e: {  	[tilespmem:s24+$0xC440] =	vst v20  }
0x35f: {  	v20 =	vld [tilespmem:$0x18450]  }
0x360: {  	v19 =	vmul.f32 v7, v19  }
0x361: {  	v41 =	vld [tilespmem:$0x18750]  }
0x362: {  	v19 =	vsub.f32 v19, v8;
	_ =	sdelay $0x1  }
0x363: {  	v19 =	vmul.f32 v19, v20;
	_ =	sdelay $0x1  }
0x364: {  	v19 =	vadd.f32 v19, v41;
	_ =	sdelay $0x1  }
0x365: {  	[tilespmem:s24+$0xC450] =	vst v19  }
0x366: {  	v19 =	vld [tilespmem:$0x18460]  }
0x367: {  	v18 =	vmul.f32 v7, v18  }
0x368: {  	v42 =	vld [tilespmem:$0x18760]  }
0x369: {  	v18 =	vsub.f32 v18, v8;
	_ =	sdelay $0x1  }
0x36a: {  	v18 =	vmul.f32 v18, v19;
	_ =	sdelay $0x1  }
0x36b: {  	v18 =	vadd.f32 v18, v42;
	_ =	sdelay $0x1  }
0x36c: {  	[tilespmem:s24+$0xC460] =	vst v18  }
0x36d: {  	v18 =	vld [tilespmem:$0x18470]  }
0x36e: {  	v17 =	vmul.f32 v7, v17  }
0x36f: {  	v43 =	vld [tilespmem:$0x18770]  }
0x370: {  	v17 =	vsub.f32 v17, v8;
	_ =	sdelay $0x1  }
0x371: {  	v17 =	vmul.f32 v17, v18;
	_ =	sdelay $0x1  }
0x372: {  	v17 =	vadd.f32 v17, v43;
	_ =	sdelay $0x1  }
0x373: {  	[tilespmem:s24+$0xC470] =	vst v17  }
0x374: {  	v17 =	vld [tilespmem:$0x18480]  }
0x375: {  	v16 =	vmul.f32 v7, v16  }
0x376: {  	v44 =	vld [tilespmem:$0x18780]  }
0x377: {  	v16 =	vsub.f32 v16, v8;
	_ =	sdelay $0x1  }
0x378: {  	v16 =	vmul.f32 v17, v16;
	_ =	sdelay $0x1  }
0x379: {  	v16 =	vadd.f32 v44, v16;
	_ =	sdelay $0x1  }
0x37a: {  	[tilespmem:s24+$0xC800] =	vst v16  }
0x37b: {  	v16 =	vld [tilespmem:$0x18490]  }
0x37c: {  	v15 =	vmul.f32 v7, v15  }
0x37d: {  	v45 =	vld [tilespmem:$0x18790]  }
0x37e: {  	v15 =	vsub.f32 v15, v8;
	_ =	sdelay $0x1  }
0x37f: {  	v15 =	vmul.f32 v16, v15;
	_ =	sdelay $0x1  }
0x380: {  	v15 =	vadd.f32 v45, v15;
	_ =	sdelay $0x1  }
0x381: {  	[tilespmem:s24+$0xC810] =	vst v15  }
0x382: {  	v15 =	vld [tilespmem:$0x184A0]  }
0x383: {  	v14 =	vmul.f32 v7, v14  }
0x384: {  	v46 =	vld [tilespmem:$0x187A0]  }
0x385: {  	v14 =	vsub.f32 v14, v8;
	_ =	sdelay $0x1  }
0x386: {  	v14 =	vmul.f32 v15, v14;
	_ =	sdelay $0x1  }
0x387: {  	v14 =	vadd.f32 v46, v14;
	_ =	sdelay $0x1  }
0x388: {  	[tilespmem:s24+$0xC820] =	vst v14  }
0x389: {  	v14 =	vld [tilespmem:$0x184B0]  }
0x38a: {  	v13 =	vmul.f32 v7, v13  }
0x38b: {  	v47 =	vld [tilespmem:$0x187B0]  }
0x38c: {  	v13 =	vsub.f32 v13, v8;
	_ =	sdelay $0x1  }
0x38d: {  	v13 =	vmul.f32 v14, v13;
	_ =	sdelay $0x1  }
0x38e: {  	v13 =	vadd.f32 v47, v13;
	_ =	sdelay $0x1  }
0x38f: {  	[tilespmem:s24+$0xC830] =	vst v13  }
0x390: {  	v13 =	vld [tilespmem:$0x184C0]  }
0x391: {  	v12 =	vmul.f32 v7, v12  }
0x392: {  	v48 =	vld [tilespmem:$0x187C0]  }
0x393: {  	v12 =	vsub.f32 v12, v8;
	_ =	sdelay $0x1  }
0x394: {  	v12 =	vmul.f32 v13, v12;
	_ =	sdelay $0x1  }
0x395: {  	v12 =	vadd.f32 v48, v12;
	_ =	sdelay $0x1  }
0x396: {  	[tilespmem:s24+$0xC840] =	vst v12  }
0x397: {  	v12 =	vld [tilespmem:$0x184D0]  }
0x398: {  	v11 =	vmul.f32 v7, v11  }
0x399: {  	v49 =	vld [tilespmem:$0x187D0]  }
0x39a: {  	v11 =	vsub.f32 v11, v8;
	_ =	sdelay $0x1  }
0x39b: {  	v11 =	vmul.f32 v12, v11;
	_ =	sdelay $0x1  }
0x39c: {  	v11 =	vadd.f32 v49, v11;
	_ =	sdelay $0x1  }
0x39d: {  	[tilespmem:s24+$0xC850] =	vst v11  }
0x39e: {  	v11 =	vld [tilespmem:$0x184E0]  }
0x39f: {  	v10 =	vmul.f32 v7, v10  }
0x3a0: {  	v50 =	vld [tilespmem:$0x187E0]  }
0x3a1: {  	v10 =	vsub.f32 v10, v8;
	_ =	sdelay $0x1  }
0x3a2: {  	v10 =	vmul.f32 v11, v10;
	_ =	sdelay $0x1  }
0x3a3: {  	v10 =	vadd.f32 v50, v10;
	_ =	sdelay $0x1  }
0x3a4: {  	[tilespmem:s24+$0xC860] =	vst v10  }
0x3a5: {  	v10 =	vld [tilespmem:$0x184F0]  }
0x3a6: {  	v9 =	vmul.f32 v7, v9  }
0x3a7: {  	v51 =	vld [tilespmem:$0x187F0]  }
0x3a8: {  	v9 =	vsub.f32 v9, v8;
	_ =	sdelay $0x1  }
0x3a9: {  	v9 =	vmul.f32 v10, v9  }
0x3aa: {  	v52 =	vld [tilespmem:s24+$0xCC00]  }
0x3ab: {  	v9 =	vadd.f32 v51, v9;
	_ =	sdelay $0x1  }
0x3ac: {  	[tilespmem:s24+$0xC870] =	vst v9  }
0x3ad: {  	v9 =	vld [tilespmem:$0x18500]  }
0x3ae: {  	v10 =	vmul.f32 v52, v7  }
0x3af: {  	v53 =	vld [tilespmem:$0x18800]  }
0x3b0: {  	v10 =	vsub.f32 v10, v8;
	_ =	sdelay $0x1  }
0x3b1: {  	v9 =	vmul.f32 v10, v9  }
0x3b2: {  	v54 =	vld [tilespmem:s24+$0xCC10]  }
0x3b3: {  	v9 =	vadd.f32 v9, v53;
	_ =	sdelay $0x1  }
0x3b4: {  	[tilespmem:s24+$0xCC00] =	vst v9  }
0x3b5: {  	v9 =	vld [tilespmem:$0x18510]  }
0x3b6: {  	v10 =	vmul.f32 v54, v7  }
0x3b7: {  	v55 =	vld [tilespmem:$0x18810]  }
0x3b8: {  	v10 =	vsub.f32 v10, v8;
	_ =	sdelay $0x1  }
0x3b9: {  	v9 =	vmul.f32 v10, v9  }
0x3ba: {  	v56 =	vld [tilespmem:s24+$0xCC20]  }
0x3bb: {  	v9 =	vadd.f32 v9, v55;
	_ =	sdelay $0x1  }
0x3bc: {  	[tilespmem:s24+$0xCC10] =	vst v9  }
0x3bd: {  	v9 =	vld [tilespmem:$0x18520]  }
0x3be: {  	v10 =	vmul.f32 v56, v7  }
0x3bf: {  	v57 =	vld [tilespmem:$0x18820]  }
0x3c0: {  	v10 =	vsub.f32 v10, v8;
	_ =	sdelay $0x1  }
0x3c1: {  	v9 =	vmul.f32 v10, v9  }
0x3c2: {  	v58 =	vld [tilespmem:s24+$0xCC30]  }
0x3c3: {  	v9 =	vadd.f32 v9, v57;
	_ =	sdelay $0x1  }
0x3c4: {  	[tilespmem:s24+$0xCC20] =	vst v9  }
0x3c5: {  	v9 =	vld [tilespmem:$0x18530]  }
0x3c6: {  	v10 =	vmul.f32 v58, v7  }
0x3c7: {  	v59 =	vld [tilespmem:$0x18830]  }
0x3c8: {  	v10 =	vsub.f32 v10, v8;
	_ =	sdelay $0x1  }
0x3c9: {  	v9 =	vmul.f32 v10, v9  }
0x3ca: {  	v60 =	vld [tilespmem:s24+$0xCC40]  }
0x3cb: {  	v9 =	vadd.f32 v9, v59;
	_ =	sdelay $0x1  }
0x3cc: {  	[tilespmem:s24+$0xCC30] =	vst v9  }
0x3cd: {  	v9 =	vld [tilespmem:$0x18540]  }
0x3ce: {  	v10 =	vmul.f32 v60, v7  }
0x3cf: {  	v61 =	vld [tilespmem:$0x18840]  }
0x3d0: {  	v10 =	vsub.f32 v10, v8;
	_ =	sdelay $0x1  }
0x3d1: {  	v9 =	vmul.f32 v10, v9  }
0x3d2: {  	v62 =	vld [tilespmem:s24+$0xCC50]  }
0x3d3: {  	v9 =	vadd.f32 v9, v61;
	_ =	sdelay $0x1  }
0x3d4: {  	[tilespmem:s24+$0xCC40] =	vst v9  }
0x3d5: {  	v9 =	vld [tilespmem:$0x18550]  }
0x3d6: {  	v10 =	vmul.f32 v62, v7  }
0x3d7: {  	v63 =	vld [tilespmem:$0x18850]  }
0x3d8: {  	v10 =	vsub.f32 v10, v8;
	_ =	sdelay $0x1  }
0x3d9: {  	v9 =	vmul.f32 v10, v9  }
0x3da: {  	v12 =	vld [tilespmem:s24+$0xCC60]  }
0x3db: {  	v9 =	vadd.f32 v9, v63;
	_ =	sdelay $0x1  }
0x3dc: {  	[tilespmem:s24+$0xCC50] =	vst v9  }
0x3dd: {  	v9 =	vld [tilespmem:$0x18560]  }
0x3de: {  	v10 =	vmul.f32 v12, v7  }
0x3df: {  	v13 =	vld [tilespmem:$0x18860]  }
0x3e0: {  	v10 =	vsub.f32 v10, v8;
	_ =	sdelay $0x1  }
0x3e1: {  	v9 =	vmul.f32 v10, v9  }
0x3e2: {  	v14 =	vld [tilespmem:s24+$0xCC70]  }
0x3e3: {  	v9 =	vadd.f32 v9, v13;
	_ =	sdelay $0x1  }
0x3e4: {  	[tilespmem:s24+$0xCC60] =	vst v9  }
0x3e5: {  	v9 =	vld [tilespmem:$0x18570]  }
0x3e6: {  	v10 =	vmul.f32 v14, v7  }
0x3e7: {  	v15 =	vld [tilespmem:$0x18870]  }
0x3e8: {  	v10 =	vsub.f32 v10, v8;
	_ =	sdelay $0x1  }
0x3e9: {  	v9 =	vmul.f32 v10, v9  }
0x3ea: {  	v16 =	vld [tilespmem:s24+$0xD000]  }
0x3eb: {  	v9 =	vadd.f32 v9, v15;
	_ =	sdelay $0x1  }
0x3ec: {  	[tilespmem:s24+$0xCC70] =	vst v9  }
0x3ed: {  	v9 =	vld [tilespmem:$0x18580]  }
0x3ee: {  	v10 =	vmul.f32 v16, v7  }
0x3ef: {  	v17 =	vld [tilespmem:$0x18880]  }
0x3f0: {  	v10 =	vsub.f32 v10, v8;
	_ =	sdelay $0x1  }
0x3f1: {  	v9 =	vmul.f32 v10, v9  }
0x3f2: {  	v18 =	vld [tilespmem:s24+$0xD010]  }
0x3f3: {  	v9 =	vadd.f32 v9, v17;
	_ =	sdelay $0x1  }
0x3f4: {  	[tilespmem:s24+$0xD000] =	vst v9  }
0x3f5: {  	v9 =	vld [tilespmem:$0x18590]  }
0x3f6: {  	v10 =	vmul.f32 v18, v7  }
0x3f7: {  	v19 =	vld [tilespmem:$0x18890]  }
0x3f8: {  	v10 =	vsub.f32 v10, v8;
	_ =	sdelay $0x1  }
0x3f9: {  	v9 =	vmul.f32 v10, v9  }
0x3fa: {  	v20 =	vld [tilespmem:s24+$0xD020]  }
0x3fb: {  	v9 =	vadd.f32 v9, v19;
	_ =	sdelay $0x1  }
0x3fc: {  	[tilespmem:s24+$0xD010] =	vst v9  }
0x3fd: {  	v9 =	vld [tilespmem:$0x185A0]  }
0x3fe: {  	v10 =	vmul.f32 v20, v7  }
0x3ff: {  	v21 =	vld [tilespmem:$0x188A0]  }
0x400: {  	v10 =	vsub.f32 v10, v8;
	_ =	sdelay $0x1  }
0x401: {  	v9 =	vmul.f32 v10, v9  }
0x402: {  	v22 =	vld [tilespmem:s24+$0xD030]  }
0x403: {  	v9 =	vadd.f32 v9, v21;
	_ =	sdelay $0x1  }
0x404: {  	[tilespmem:s24+$0xD020] =	vst v9  }
0x405: {  	v9 =	vld [tilespmem:$0x185B0]  }
0x406: {  	v10 =	vmul.f32 v22, v7  }
0x407: {  	v23 =	vld [tilespmem:$0x188B0]  }
0x408: {  	v10 =	vsub.f32 v10, v8;
	_ =	sdelay $0x1  }
0x409: {  	v9 =	vmul.f32 v10, v9  }
0x40a: {  	v24 =	vld [tilespmem:s24+$0xD040]  }
0x40b: {  	v9 =	vadd.f32 v9, v23;
	_ =	sdelay $0x1  }
0x40c: {  	[tilespmem:s24+$0xD030] =	vst v9  }
0x40d: {  	v9 =	vld [tilespmem:$0x185C0]  }
0x40e: {  	v10 =	vmul.f32 v24, v7  }
0x40f: {  	v25 =	vld [tilespmem:$0x188C0]  }
0x410: {  	v10 =	vsub.f32 v10, v8;
	_ =	sdelay $0x1  }
0x411: {  	v9 =	vmul.f32 v10, v9  }
0x412: {  	v26 =	vld [tilespmem:s24+$0xD050]  }
0x413: {  	v9 =	vadd.f32 v9, v25;
	_ =	sdelay $0x1  }
0x414: {  	[tilespmem:s24+$0xD040] =	vst v9  }
0x415: {  	v9 =	vld [tilespmem:$0x185D0]  }
0x416: {  	v10 =	vmul.f32 v26, v7  }
0x417: {  	v27 =	vld [tilespmem:$0x188D0]  }
0x418: {  	v10 =	vsub.f32 v10, v8;
	_ =	sdelay $0x1  }
0x419: {  	v9 =	vmul.f32 v10, v9  }
0x41a: {  	v28 =	vld [tilespmem:s24+$0xD060]  }
0x41b: {  	v9 =	vadd.f32 v9, v27;
	_ =	sdelay $0x1  }
0x41c: {  	[tilespmem:s24+$0xD050] =	vst v9  }
0x41d: {  	v9 =	vld [tilespmem:$0x185E0]  }
0x41e: {  	v10 =	vmul.f32 v28, v7  }
0x41f: {  	v29 =	vld [tilespmem:$0x188E0]  }
0x420: {  	v10 =	vsub.f32 v10, v8;
	_ =	sdelay $0x1  }
0x421: {  	v9 =	vmul.f32 v10, v9  }
0x422: {  	v30 =	vld [tilespmem:s24+$0xD070]  }
0x423: {  	v9 =	vadd.f32 v9, v29;
	_ =	sdelay $0x1  }
0x424: {  	[tilespmem:s24+$0xD060] =	vst v9  }
0x425: {  	v9 =	vld [tilespmem:$0x185F0]  }
0x426: {  	v10 =	vmul.f32 v30, v7  }
0x427: {  	v31 =	vld [tilespmem:$0x188F0]  }
0x428: {  	v10 =	vsub.f32 v10, v8;
	_ =	sdelay $0x1  }
0x429: {  	v9 =	vmul.f32 v10, v9  }
0x42a: {  	v32 =	vld [tilespmem:s24+$0xD400]  }
0x42b: {  	v9 =	vadd.f32 v9, v31;
	_ =	sdelay $0x1  }
0x42c: {  	[tilespmem:s24+$0xD070] =	vst v9  }
0x42d: {  	v9 =	vld [tilespmem:$0x18600]  }
0x42e: {  	v10 =	vmul.f32 v32, v7  }
0x42f: {  	v33 =	vld [tilespmem:$0x18900]  }
0x430: {  	v10 =	vsub.f32 v10, v8;
	_ =	sdelay $0x1  }
0x431: {  	v9 =	vmul.f32 v10, v9  }
0x432: {  	v34 =	vld [tilespmem:s24+$0xD410]  }
0x433: {  	v9 =	vadd.f32 v9, v33;
	_ =	sdelay $0x1  }
0x434: {  	[tilespmem:s24+$0xD400] =	vst v9  }
0x435: {  	v9 =	vld [tilespmem:$0x18610]  }
0x436: {  	v10 =	vmul.f32 v34, v7  }
0x437: {  	v35 =	vld [tilespmem:$0x18910]  }
0x438: {  	v10 =	vsub.f32 v10, v8;
	_ =	sdelay $0x1  }
0x439: {  	v9 =	vmul.f32 v10, v9  }
0x43a: {  	v36 =	vld [tilespmem:s24+$0xD420]  }
0x43b: {  	v9 =	vadd.f32 v9, v35;
	_ =	sdelay $0x1  }
0x43c: {  	[tilespmem:s24+$0xD410] =	vst v9  }
0x43d: {  	v9 =	vld [tilespmem:$0x18620]  }
0x43e: {  	v10 =	vmul.f32 v36, v7  }
0x43f: {  	v37 =	vld [tilespmem:$0x18920]  }
0x440: {  	v10 =	vsub.f32 v10, v8;
	_ =	sdelay $0x1  }
0x441: {  	v9 =	vmul.f32 v10, v9  }
0x442: {  	v38 =	vld [tilespmem:s24+$0xD430]  }
0x443: {  	v9 =	vadd.f32 v9, v37;
	_ =	sdelay $0x1  }
0x444: {  	[tilespmem:s24+$0xD420] =	vst v9  }
0x445: {  	v9 =	vld [tilespmem:$0x18630]  }
0x446: {  	v10 =	vmul.f32 v38, v7  }
0x447: {  	v39 =	vld [tilespmem:$0x18930]  }
0x448: {  	v10 =	vsub.f32 v10, v8;
	_ =	sdelay $0x1  }
0x449: {  	v9 =	vmul.f32 v10, v9  }
0x44a: {  	v40 =	vld [tilespmem:s24+$0xD440]  }
0x44b: {  	v9 =	vadd.f32 v9, v39;
	_ =	sdelay $0x1  }
0x44c: {  	[tilespmem:s24+$0xD430] =	vst v9  }
0x44d: {  	v9 =	vld [tilespmem:$0x18640]  }
0x44e: {  	v10 =	vmul.f32 v40, v7  }
0x44f: {  	v41 =	vld [tilespmem:$0x18940]  }
0x450: {  	v10 =	vsub.f32 v10, v8;
	_ =	sdelay $0x1  }
0x451: {  	v9 =	vmul.f32 v10, v9  }
0x452: {  	v42 =	vld [tilespmem:s24+$0xD450]  }
0x453: {  	v9 =	vadd.f32 v9, v41;
	_ =	sdelay $0x1  }
0x454: {  	[tilespmem:s24+$0xD440] =	vst v9  }
0x455: {  	v9 =	vld [tilespmem:$0x18650]  }
0x456: {  	v10 =	vmul.f32 v42, v7  }
0x457: {  	v43 =	vld [tilespmem:$0x18950]  }
0x458: {  	v10 =	vsub.f32 v10, v8;
	_ =	sdelay $0x1  }
0x459: {  	v9 =	vmul.f32 v10, v9  }
0x45a: {  	v44 =	vld [tilespmem:s24+$0xD460]  }
0x45b: {  	v9 =	vadd.f32 v9, v43;
	_ =	sdelay $0x1  }
0x45c: {  	[tilespmem:s24+$0xD450] =	vst v9  }
0x45d: {  	v9 =	vld [tilespmem:$0x18660]  }
0x45e: {  	v10 =	vmul.f32 v44, v7  }
0x45f: {  	v45 =	vld [tilespmem:$0x18960]  }
0x460: {  	v10 =	vsub.f32 v10, v8;
	_ =	sdelay $0x1  }
0x461: {  	v9 =	vmul.f32 v10, v9  }
0x462: {  	v46 =	vld [tilespmem:s24+$0xD470]  }
0x463: {  	v9 =	vadd.f32 v9, v45;
	_ =	sdelay $0x1  }
0x464: {  	[tilespmem:s24+$0xD460] =	vst v9  }
0x465: {  	v9 =	vld [tilespmem:$0x18670]  }
0x466: {  	v10 =	vmul.f32 v46, v7  }
0x467: {  	v47 =	vld [tilespmem:$0x18970]  }
0x468: {  	v10 =	vsub.f32 v10, v8;
	_ =	sdelay $0x1  }
0x469: {  	v9 =	vmul.f32 v10, v9  }
0x46a: {  	v48 =	vld [tilespmem:s24+$0xD800]  }
0x46b: {  	v9 =	vadd.f32 v9, v47;
	_ =	sdelay $0x1  }
0x46c: {  	[tilespmem:s24+$0xD470] =	vst v9  }
0x46d: {  	v9 =	vld [tilespmem:$0x18680]  }
0x46e: {  	v10 =	vmul.f32 v48, v7  }
0x46f: {  	v49 =	vld [tilespmem:$0x18980]  }
0x470: {  	v10 =	vsub.f32 v10, v8;
	_ =	sdelay $0x1  }
0x471: {  	v9 =	vmul.f32 v10, v9  }
0x472: {  	v50 =	vld [tilespmem:s24+$0xD810]  }
0x473: {  	v9 =	vadd.f32 v9, v49;
	_ =	sdelay $0x1  }
0x474: {  	[tilespmem:s24+$0xD800] =	vst v9  }
0x475: {  	v9 =	vld [tilespmem:$0x18690]  }
0x476: {  	v10 =	vmul.f32 v50, v7  }
0x477: {  	v51 =	vld [tilespmem:$0x18990]  }
0x478: {  	v10 =	vsub.f32 v10, v8;
	_ =	sdelay $0x1  }
0x479: {  	v9 =	vmul.f32 v10, v9  }
0x47a: {  	v52 =	vld [tilespmem:s24+$0xD820]  }
0x47b: {  	v9 =	vadd.f32 v9, v51;
	_ =	sdelay $0x1  }
0x47c: {  	[tilespmem:s24+$0xD810] =	vst v9  }
0x47d: {  	v9 =	vld [tilespmem:$0x186A0]  }
0x47e: {  	v10 =	vmul.f32 v52, v7  }
0x47f: {  	v53 =	vld [tilespmem:$0x189A0]  }
0x480: {  	v10 =	vsub.f32 v10, v8;
	_ =	sdelay $0x1  }
0x481: {  	v9 =	vmul.f32 v10, v9  }
0x482: {  	v54 =	vld [tilespmem:s24+$0xD830]  }
0x483: {  	v9 =	vadd.f32 v9, v53;
	_ =	sdelay $0x1  }
0x484: {  	[tilespmem:s24+$0xD820] =	vst v9  }
0x485: {  	v9 =	vld [tilespmem:$0x186B0]  }
0x486: {  	v10 =	vmul.f32 v54, v7  }
0x487: {  	v55 =	vld [tilespmem:$0x189B0]  }
0x488: {  	v10 =	vsub.f32 v10, v8;
	_ =	sdelay $0x1  }
0x489: {  	v9 =	vmul.f32 v10, v9  }
0x48a: {  	v56 =	vld [tilespmem:s24+$0xD840]  }
0x48b: {  	v9 =	vadd.f32 v9, v55;
	_ =	sdelay $0x1  }
0x48c: {  	[tilespmem:s24+$0xD830] =	vst v9  }
0x48d: {  	v9 =	vld [tilespmem:$0x186C0]  }
0x48e: {  	v10 =	vmul.f32 v56, v7  }
0x48f: {  	v57 =	vld [tilespmem:$0x189C0]  }
0x490: {  	v10 =	vsub.f32 v10, v8;
	_ =	sdelay $0x1  }
0x491: {  	v9 =	vmul.f32 v10, v9  }
0x492: {  	v58 =	vld [tilespmem:s24+$0xD850]  }
0x493: {  	v9 =	vadd.f32 v9, v57;
	_ =	sdelay $0x1  }
0x494: {  	[tilespmem:s24+$0xD840] =	vst v9  }
0x495: {  	v9 =	vld [tilespmem:$0x186D0]  }
0x496: {  	v10 =	vmul.f32 v58, v7  }
0x497: {  	v59 =	vld [tilespmem:$0x189D0]  }
0x498: {  	v10 =	vsub.f32 v10, v8;
	_ =	sdelay $0x1  }
0x499: {  	v9 =	vmul.f32 v10, v9  }
0x49a: {  	v60 =	vld [tilespmem:s24+$0xD860]  }
0x49b: {  	v9 =	vadd.f32 v9, v59;
	_ =	sdelay $0x1  }
0x49c: {  	[tilespmem:s24+$0xD850] =	vst v9  }
0x49d: {  	v9 =	vld [tilespmem:$0x186E0]  }
0x49e: {  	v10 =	vmul.f32 v60, v7  }
0x49f: {  	v61 =	vld [tilespmem:$0x189E0]  }
0x4a0: {  	v10 =	vsub.f32 v10, v8;
	_ =	sdelay $0x1  }
0x4a1: {  	v9 =	vmul.f32 v10, v9  }
0x4a2: {  	v62 =	vld [tilespmem:s24+$0xD870]  }
0x4a3: {  	v9 =	vadd.f32 v9, v61;
	_ =	sdelay $0x1  }
0x4a4: {  	[tilespmem:s24+$0xD860] =	vst v9  }
0x4a5: {  	v9 =	vld [tilespmem:$0x186F0]  }
0x4a6: {  	v7 =	vmul.f32 v62, v7  }
0x4a7: {  	v63 =	vld [tilespmem:$0x189F0]  }
0x4a8: {  	v7 =	vsub.f32 v7, v8  }
0x4a9: {  	p0 =	sne.s32 s23, $0x3F  }
.Ltmp2:
0x4aa: {  	v7 =	vmul.f32 v7, v9;
	(pc) =	sbr.rel @p0 .LBB2_7-.Ltmp2, $3  }
0x4ab: {  	_ = 	snop  }
0x4ac: {  	v7 =	vadd.f32 v7, v63;
	_ =	sdelay $0x1  }
0x4ad: {  	s22 =	sadd.s32 $0x80, s22;
	s23 =	sadd.s32 $0x1, s23;
	[tilespmem:s24+$0xD870] =	vst v7  }
0x4ae: {  	s20 =	sadd.s32 $0x1, s20  }
0x4af: {  	s21 =	smul.u32 $0xC000, s21;
	p0 =	sne.s32 s20, $0x4  }
.Ltmp3:
0x4b0: {  	_ = 	snop;
	(pc) =	sbr.rel @p0 .LBB2_2-.Ltmp3, $4  }
0x4b1: {  	s21 =	sadd.s32 s10, s21  }
0x4b2: {  	s21 =	sshrl.u32 s21, $0x3  }
0x4b3: {  	s21 =	sadd.s32 s4, s21  }
0x4b4: {  	[hbm4b:s21+s5] =	stream.linear.scatter [tilespmem:s16], [sflag:$0x4], $0xC000, $0x38;
	[tilespmem:$0x18A00] =	vst v63  }
0x4b5: {  	s21 =	simm.s32 $0x4  }
0x4b6: {  	_ =	swait.ge [sflag:s21], $0xC000  }
0x4b7: {  	s22 =	rddreg [dreg:$0x7]  }
0x4b8: {  	s20 =	rddreg [dreg:$0x6];
	s22 =	sadd.s32 $0x1, s22  }
0x4b9: {  	p0 =	sne.s32 s22, s20  }
.Ltmp4:
0x4ba: {  	_ = 	snop;
	(pc) =	sbr.rel @p0 .LBB2_1-.Ltmp4, $3  }
0x4bb: {  	_ =	sdelay $0x1  }
0x4bc: {  	[sflag:s21] =	ssyncset.done $0x0  }
0x4bd: {  	[sflag:s21] =	ssyncadd.s32 $0xFFFF4000  }
0x4be: {  	_ =	sfence.sel $0x180000  }
0x4bf: {  	[bflag:$0x0] =	sbarrier.arrive $0xFFFF  }
0x4c0: {  	_ =	strace $0x90000047  }
0x4c1: {  	s0 =	stileid.u32;
	[bflag:$0x2] =	sbarrier.arrive $0xFFFF  }
0x4c2: {  	p0 =	sne.s32 s0, $0x0;
	s0 =	rddreg [dreg:$0x4]  }
0x4c3: {  	s0 =	sadd.s32 @!p0 $0x100000, s0  }
0x4c4: {  	[sflag:s0] =	ssyncadd.tile.s32 @!p0 $0x1;
	_ =	shalt  }
.Lfunc_end2:
_tile_overlayer_lowered:
.L_overlay_start_2:
0x4c5: {  	(tag) =	ssettag $0x2  }
0x4c6: {  	s0 =	rddreg [dreg:$0x0];
	s2 =	stileid.u32  }
0x4c7: {  	s1 =	rddreg [dreg:$0x1];
	p0 =	sne.s32 s2, $0x0  }
0x4c8: {  	s3 =	rddreg [dreg:$0x2];
	[bflag:$0x3] =	sbarrier.arrive $0xFFFF;
	s2 =	simm.s32 @!p0 $0x1C05  }
0x4c9: {  	[timem:s3], [sflag:s2] =	dma.local @!p0 [hbm:s0], s1  }
0x4ca: {  	s0 =	simm.s32 @!p0 $0x5  }
0x4cb: {  	_ =	swait.ge @!p0 [sflag:s0], s1  }
0x4cc: {  	s1 =	ssub.s32 @!p0 $0x0, s1;
	[sflag:s0] =	ssyncset.done @!p0 $0x0  }
0x4cd: {  	[sflag:s0] =	ssyncadd.s32 @!p0 s1  }
0x4ce: {  	[bflag:$0x3] =	sbarrier.arrive $0xFFFF  }
0x4cf: {  	_ =	shalt  }

</sc_bundles>
